<compile_context>
chip_gen: v7x
topology: tpu7x:2x2x1
jax: 0.10.2.dev20260603
libtpu: 0.0.44.dev20260713+nightly
codegen_flags: <defaults>
</compile_context>

<pallas_src>
import functools

import jax
import jax.numpy as jnp
import numpy as np
from jax import lax
from jax.experimental import pallas as pl
from jax.experimental.pallas import tpu as pltpu
from jax.experimental.pallas import tpu_sc as plsc

N_PTS = 131072
N_LEVELS = 16
F_PER_LEVEL = 8
NFEAT = N_LEVELS * F_PER_LEVEL
LOG2_T = 16
TABLE_SIZE = 1 << LOG2_T
BASE_RES = 32
PRIME2_I32 = np.int32(2654435761 - (1 << 32))

NC, NS, LANES = 2, 16, 16
NW = NC * NS
PTS_PER_W = N_PTS // NW
G = 128
N_GROUPS = PTS_PER_W // G
SG = G // LANES

COMBOS = ((0, 1), (0, 2), (0, 3), (1, 2), (1, 3), (2, 3))


def _take16(v, idx):
    dnums = lax.GatherDimensionNumbers(
        offset_dims=(), collapsed_slice_dims=(0,), start_index_map=(0,))
    return lax.gather(v, idx[:, None], dnums, slice_sizes=(1,),
                      mode=lax.GatherScatterMode.PROMISE_IN_BOUNDS)


def _floor_parts(pos):
    pi0 = pos.astype(jnp.int32)
    pif = pi0.astype(jnp.float32)
    neg = pos < pif
    pi = jnp.where(neg, pi0 - 1, pi0)
    pf = jnp.where(neg, pif - 1.0, pif)
    return pi, pos - pf


def _sc_body(coords, tbl, out,
             cbuf, ibuf0, ibuf1, wbuf0, wbuf1, gbuf0, gbuf1, obuf,
             sem0, sem1):
    wid = lax.axis_index("s") * NC + lax.axis_index("c")
    iota = lax.iota(jnp.int32, LANES)

    def hash_stage(l, ibuf, wbuf):
        scale = ((jnp.int32(BASE_RES) << l) - 1).astype(jnp.float32)
        lvl_off = l << LOG2_T

        def body(s, c3):
            off = pl.multiple_of(s * LANES, LANES)
            for p6, (ca, cb2) in enumerate(COMBOS):
                xa = cbuf[ca, pl.ds(off, LANES)]
                xb = cbuf[cb2, pl.ds(off, LANES)]
                posx = xa * scale + 0.5
                posy = xb * scale + 0.5
                pix, wx = _floor_parts(posx)
                piy, wy = _floor_parts(posy)
                a0 = pix
                a1 = pix + 1
                b0 = piy * PRIME2_I32
                b1 = b0 + PRIME2_I32
                p_off = lvl_off + p6 * (N_LEVELS * TABLE_SIZE)
                for c, h in enumerate((a0 ^ b0, a1 ^ b0, a0 ^ b1, a1 ^ b1)):
                    idx = (h & jnp.int32(TABLE_SIZE - 1)) + p_off
                    ibuf[pl.ds((p6 * 4 + c) * G + off, LANES)] = idx
                wbuf[p6 * 2, pl.ds(off, LANES)] = wx
                wbuf[p6 * 2 + 1, pl.ds(off, LANES)] = wy
            return c3

        lax.fori_loop(0, SG, body, 0)

    def copies(ibuf, gbuf, sem):
        return [pltpu.make_async_copy(tbl.at[ibuf], gbuf, sem)]

    def fire(ibuf, gbuf, sem):
        for cp in copies(ibuf, gbuf, sem):
            cp.start()

    def drain(ibuf, gbuf, sem):
        for cp in copies(ibuf, gbuf, sem):
            cp.wait()

    fpat = iota & 7
    upat = lax.shift_right_logical(iota, 3)

    def mac_stage(l, wbuf, gbuf):
        def body(s, c3):
            soff = pl.multiple_of(s * LANES, LANES)
            acc = [None] * (LANES // 2)
            for p6 in range(6):
                wx = wbuf[p6 * 2, pl.ds(soff, LANES)]
                wy = wbuf[p6 * 2 + 1, pl.ds(soff, LANES)]
                prow = soff + upat + p6 * 4 * G
                for q in range(LANES // 2):
                    widx = upat + 2 * q
                    wxe = _take16(wx, widx)
                    wye = _take16(wy, widx)
                    rq = prow + 2 * q
                    r00 = plsc.load_gather(gbuf, [rq, fpat])
                    r10 = plsc.load_gather(gbuf, [rq + G, fpat])
                    r01 = plsc.load_gather(gbuf, [rq + 2 * G, fpat])
                    r11 = plsc.load_gather(gbuf, [rq + 3 * G, fpat])
                    r0 = r00 + wxe * (r10 - r00)
                    r1 = r01 + wxe * (r11 - r01)
                    v = r0 + wye * (r1 - r0)
                    acc[q] = v if p6 == 0 else acc[q] * v
            for q in range(LANES // 2):
                plsc.store_scatter(
                    obuf, [soff + 2 * q + upat, fpat + l * F_PER_LEVEL],
                    acc[q])
            return c3

        lax.fori_loop(0, SG, body, 0)

    def group_body(g, carry):
        base = wid * PTS_PER_W + g * G
        base = pl.multiple_of(base, G)
        pltpu.sync_copy(coords.at[:, pl.ds(base, G)], cbuf)

        hash_stage(0, ibuf0, wbuf0)
        fire(ibuf0, gbuf0, sem0)

        def it_body(it, carry2):
            la = 2 * it
            hash_stage(la + 1, ibuf1, wbuf1)
            fire(ibuf1, gbuf1, sem1)
            drain(ibuf0, gbuf0, sem0)
            mac_stage(la, wbuf0, gbuf0)

            @pl.when(it < N_LEVELS // 2 - 1)
            def _():
                hash_stage(la + 2, ibuf0, wbuf0)
                fire(ibuf0, gbuf0, sem0)

            drain(ibuf1, gbuf1, sem1)
            mac_stage(la + 1, wbuf1, gbuf1)
            return carry2

        lax.fori_loop(0, N_LEVELS // 2, it_body, 0)
        pltpu.sync_copy(obuf, out.at[pl.ds(base, G)])
        return carry

    lax.fori_loop(0, N_GROUPS, group_body, 0)


TPW = 8192 // NW
KP = 16


def _detile_body(v0, v1, v2, v3, v4, v5, out,
                 vbuf0, vbuf1, obuf0, obuf1, isem0, isem1, osem0, osem1):
    wid = lax.axis_index("s") * NC + lax.axis_index("c")
    iota = lax.iota(jnp.int32, LANES)
    fpat = iota & 7
    jpat = lax.shift_right_logical(iota, 3)
    vbufs, obufs = (vbuf0, vbuf1), (obuf0, obuf1)
    isems, osems = (isem0, isem1), (osem0, osem1)
    tables = (v0, v1, v2, v3, v4, v5)
    NCH = TPW // KP

    skew = jpat + 2 * fpat

    def transpose(b):
        def panel_body(k, c2):
            kb = pl.multiple_of(k * 128, 128)
            kv = jnp.full((LANES,), k, jnp.int32)
            def win_body(w, c3):
                wj = pl.multiple_of(w * 16, 16)
                for j0 in range(0, 16, 2):
                    jv = wj + ((skew + j0) & 15)
                    x = plsc.load_gather(vbufs[b], [kv, fpat, jv])
                    plsc.store_scatter(obufs[b], [kb + jv, fpat], x)
                return c3
            lax.fori_loop(0, 8, win_body, 0)
            return c2
        lax.fori_loop(0, KP, panel_body, 0)

    for ti, v in enumerate(tables):
        def in_cp(c, b, v=v):
            t0 = pl.multiple_of(wid * TPW + c * KP, KP)
            return pltpu.make_async_copy(v.at[pl.ds(t0, KP)], vbufs[b],
                                         isems[b])

        def out_cp(c, b, ti=ti):
            t0 = pl.multiple_of(wid * TPW + c * KP, KP)
            dst = out.at[pl.ds(ti * (N_LEVELS * TABLE_SIZE) + t0 * 128,
                               KP * 128)]
            return pltpu.make_async_copy(obufs[b], dst, osems[b])

        in_cp(0, 0).start()

        def dbody(it, carry, in_cp=in_cp, out_cp=out_cp):
            ca = 2 * it
            in_cp(ca + 1, 1).start()
            in_cp(ca, 0).wait()

            @pl.when(it > 0)
            def _():
                out_cp(ca - 2, 0).wait()

            transpose(0)
            out_cp(ca, 0).start()

            @pl.when(it < NCH // 2 - 1)
            def _():
                in_cp(ca + 2, 0).start()

            in_cp(ca + 1, 1).wait()

            @pl.when(it > 0)
            def _():
                out_cp(ca - 1, 1).wait()

            transpose(1)
            out_cp(ca + 1, 1).start()
            return carry

        lax.fori_loop(0, NCH // 2, dbody, 0)
        out_cp(NCH - 2, 0).wait()
        out_cp(NCH - 1, 1).wait()


@jax.jit
def _detile(v0, v1, v2, v3, v4, v5):
    mesh = plsc.VectorSubcoreMesh(core_axis_name="c", subcore_axis_name="s")
    fn = functools.partial(
        pl.kernel,
        mesh=mesh,
        out_type=jax.ShapeDtypeStruct((6 * N_LEVELS * TABLE_SIZE, F_PER_LEVEL),
                                      jnp.float32),
        scratch_types=[
            pltpu.VMEM((KP, F_PER_LEVEL, 128), jnp.float32),
            pltpu.VMEM((KP, F_PER_LEVEL, 128), jnp.float32),
            pltpu.VMEM((KP * 128, F_PER_LEVEL), jnp.float32),
            pltpu.VMEM((KP * 128, F_PER_LEVEL), jnp.float32),
            pltpu.SemaphoreType.DMA,
            pltpu.SemaphoreType.DMA,
            pltpu.SemaphoreType.DMA,
            pltpu.SemaphoreType.DMA,
        ],
        compiler_params=pltpu.CompilerParams(
            use_tc_tiling_on_sc=False, needs_layout_passes=False),
    )(_detile_body)
    return fn(v0, v1, v2, v3, v4, v5)


@jax.jit
def _encode(coords, tbl):
    mesh = plsc.VectorSubcoreMesh(core_axis_name="c", subcore_axis_name="s")
    fn = functools.partial(
        pl.kernel,
        mesh=mesh,
        out_type=jax.ShapeDtypeStruct((N_PTS, NFEAT), jnp.float32),
        scratch_types=[
            pltpu.VMEM((4, G), jnp.float32),
            pltpu.VMEM((24 * G,), jnp.int32),
            pltpu.VMEM((24 * G,), jnp.int32),
            pltpu.VMEM((12, G), jnp.float32),
            pltpu.VMEM((12, G), jnp.float32),
            pltpu.VMEM((24 * G, F_PER_LEVEL), jnp.float32),
            pltpu.VMEM((24 * G, F_PER_LEVEL), jnp.float32),
            pltpu.VMEM((G, NFEAT), jnp.float32),
            pltpu.SemaphoreType.DMA,
            pltpu.SemaphoreType.DMA,
        ],
        compiler_params=pltpu.CompilerParams(
            use_tc_tiling_on_sc=False, needs_layout_passes=False),
    )(_sc_body)
    return fn(coords, tbl)


def kernel(pts, timestamps, aabb, table0, table1, table2, table3, table4, table5):
    pts_n = (pts - aabb[0]) * (2.0 / (aabb[1] - aabb[0])) - 1.0
    p4 = jnp.concatenate([pts_n, timestamps], axis=-1)
    coords = p4.T
    views = [t.T.reshape(8, 8192, 128).transpose(1, 0, 2)
             for t in (table0, table1, table2, table3, table4, table5)]
    tbl = _detile(*views)
    return _encode(coords, tbl)

# --- scband reference (transcript-rebuilt; emitter-appended) ---
"""Pipeline reference for scband-hash-hex-plane-field-62929860821702 (READ-ONLY COPY).

The authoritative reference and input builder live on the scoring server;
editing this copy changes nothing except your own understanding.
"""

import jax, jax.numpy as jnp
import numpy as np
import itertools

N_PTS = 131072
N_LEVELS = 16
F_PER_LEVEL = 8
LOG2_T = 16  # reduced from tcnn's 22 for CPU-exec feasibility; structure/math identical
TABLE_SIZE = 1 << LOG2_T
BASE_RES = 32
PER_LEVEL_SCALE = 2.0
BOUNDS = 1.6
PRIME2 = 2654435761


def setup_inputs(seed: int = 0):
    key = jax.random.key(seed)
    ks = jax.random.split(key, 8)
    pts = jax.random.uniform(ks[0], (N_PTS, 3), dtype=jnp.float32) * (2.0 * BOUNDS) - BOUNDS
    timestamps = jax.random.uniform(ks[1], (N_PTS, 1), dtype=jnp.float32)
    aabb = jnp.array([[BOUNDS, BOUNDS, BOUNDS], [-BOUNDS, -BOUNDS, -BOUNDS]], dtype=jnp.float32)
    inp = {"pts": pts, "timestamps": timestamps, "aabb": aabb}
    for i in range(6):
        tbl = (jax.random.uniform(ks[2 + i], (N_LEVELS * TABLE_SIZE, F_PER_LEVEL), dtype=jnp.float32) * 2.0 - 1.0) * 1e-4
        inp[f"table{i}"] = tbl
    return inp


def _grid_encode(x2, table):
    # x2: [N,2] normalized coords; table: [N_LEVELS*TABLE_SIZE, F_PER_LEVEL]
    n = x2.shape[0]
    outs = []
    for l in range(N_LEVELS):
        scale = BASE_RES * (PER_LEVEL_SCALE ** l) - 1.0
        pos = x2 * scale + 0.5
        pos_f = jnp.floor(pos)
        w = pos - pos_f
        pi = pos_f.astype(jnp.int32)
        feat = jnp.zeros((n, F_PER_LEVEL), dtype=jnp.float32)
        for dx in (0, 1):
            for dy in (0, 1):
                cx = (pi[:, 0] + dx).astype(jnp.uint32)
                cy = (pi[:, 1] + dy).astype(jnp.uint32)
                h = (cx * jnp.uint32(1)) ^ (cy * jnp.uint32(PRIME2))
                idx = (h % jnp.uint32(TABLE_SIZE)).astype(jnp.int32) + l * TABLE_SIZE
                wx = w[:, 0] if dx == 1 else 1.0 - w[:, 0]
                wy = w[:, 1] if dy == 1 else 1.0 - w[:, 1]
                feat = feat + jnp.take(table, idx, axis=0) * (wx * wy)[:, None]
        outs.append(feat)
    return jnp.concatenate(outs, axis=-1)  # [N, 128]


def reference(pts, timestamps, aabb, table0, table1, table2, table3, table4, table5):
    tables = [table0, table1, table2, table3, table4, table5]
    # normalize_aabb (K-Planes convention): map into [-1, 1]
    pts_n = (pts - aabb[0]) * (2.0 / (aabb[1] - aabb[0])) - 1.0
    p = jnp.concatenate([pts_n, timestamps], axis=-1)
    p = p.reshape(-1, p.shape[-1])
    coord_combs = list(itertools.combinations(range(p.shape[-1]), 2))
    feats = jnp.ones((p.shape[0], N_LEVELS * F_PER_LEVEL), dtype=jnp.float32)
    for combo, table in zip(coord_combs, tables):
        x2 = p[:, jnp.array(combo)]
        feats = feats * _grid_encode(x2, table)
    return feats

if __name__ == "__main__":
    import jax
    _d = setup_inputs()
    print(jax.jit(kernel)(*tuple(_d.values())))

</pallas_src>

<mosaic_0001>
#map = affine_map<(d0, d1) -> (0, 0, 0)>
#map1 = affine_map<(d0, d1) -> (0, 0)>
module attributes {stable_mosaic.version = 14 : i64} {
  func.func @_detile_body(%arg0: i32, %arg1: i32, %arg2: memref<8192x8x128xf32, #tpu.memory_space<hbm>>, %arg3: memref<8192x8x128xf32, #tpu.memory_space<hbm>>, %arg4: memref<8192x8x128xf32, #tpu.memory_space<hbm>>, %arg5: memref<8192x8x128xf32, #tpu.memory_space<hbm>>, %arg6: memref<8192x8x128xf32, #tpu.memory_space<hbm>>, %arg7: memref<8192x8x128xf32, #tpu.memory_space<hbm>>, %arg8: memref<6291456x8xf32, #tpu.memory_space<hbm>>, %arg9: memref<16x8x128xf32, #tpu.memory_space<vmem>>, %arg10: memref<16x8x128xf32, #tpu.memory_space<vmem>>, %arg11: memref<2048x8xf32, #tpu.memory_space<vmem>>, %arg12: memref<2048x8xf32, #tpu.memory_space<vmem>>, %arg13: memref<!tpu.dma_semaphore, #tpu.memory_space<semaphore_mem>>, %arg14: memref<!tpu.dma_semaphore, #tpu.memory_space<semaphore_mem>>, %arg15: memref<!tpu.dma_semaphore, #tpu.memory_space<semaphore_mem>>, %arg16: memref<!tpu.dma_semaphore, #tpu.memory_space<semaphore_mem>>) attributes {dimension_semantics = [#tpu.dimension_semantics<core_parallel>, #tpu.dimension_semantics<subcore_parallel>], iteration_bounds = array<i64: 2, 16>, scalar_prefetch = 0 : i64, scratch_operands = 8 : i64, tpu.core_type = #tpu.core_type<sc_vector_subcore>, window_params = [{transform_indices = #map}, {transform_indices = #map}, {transform_indices = #map}, {transform_indices = #map}, {transform_indices = #map}, {transform_indices = #map}, {transform_indices = #map1}]} {
    %mul3A = arith.constant 2 : i32
    %mul3A_0 = arith.muli %arg1, %mul3A : i32
    %add3A = arith.addi %mul3A_0, %arg0 : i32
    %iota3A = tpu.iota {dimensions = array<i32: 0>} : vector<16xi32>
    %and3A = arith.constant 7 : i32
    %and3A_1 = vector.broadcast %and3A : i32 to vector<16xi32>
    %and3A_2 = arith.andi %iota3A, %and3A_1 : vector<16xi32>
    %shift_right_logical3A = arith.constant 3 : i32
    %shift_right_logical3A_3 = vector.broadcast %shift_right_logical3A : i32 to vector<16xi32>
    %shift_right_logical3A_4 = arith.shrui %iota3A, %shift_right_logical3A_3 : vector<16xi32>
    %mul3A_5 = arith.constant 2 : i32
    %mul3A_6 = vector.broadcast %mul3A_5 : i32 to vector<16xi32>
    %mul3A_7 = arith.muli %mul3A_6, %and3A_2 : vector<16xi32>
    %add3A_8 = arith.addi %shift_right_logical3A_4, %mul3A_7 : vector<16xi32>
    %mul3A_9 = arith.constant 256 : i32
    %mul3A_10 = arith.muli %add3A, %mul3A_9 : i32
    %add3A_11 = arith.constant 0 : i32
    %add3A_12 = arith.addi %mul3A_10, %add3A_11 : i32
    %multiple_of3A = tpu.assume_multiple %add3A_12, 16 : i32
    %dma_start3A = arith.constant 0 : i32
    %dma_start3A_13 = arith.constant 0 : i32
    %dma_start3A_14 = tpu.memref_slice %arg2[%multiple_of3A, %dma_start3A, %dma_start3A_13] : memref<8192x8x128xf32, #tpu.memory_space<hbm>> -> memref<16x8x128xf32, #tpu.memory_space<hbm>>
    %dma_start3A_15 = arith.constant 0 : i32
    %dma_start3A_16 = arith.constant 0 : i32
    %dma_start3A_17 = tpu.memref_slice %arg2[%multiple_of3A, %dma_start3A_15, %dma_start3A_16] : memref<8192x8x128xf32, #tpu.memory_space<hbm>> -> memref<16x8x128xf32, #tpu.memory_space<hbm>>
    tpu.enqueue_dma source(%dma_start3A_17 : memref<16x8x128xf32, #tpu.memory_space<hbm>>) target(%arg9 : memref<16x8x128xf32, #tpu.memory_space<vmem>>) target_semaphore(%arg13 : memref<!tpu.dma_semaphore, #tpu.memory_space<semaphore_mem>>)
    %scan3A = arith.constant 0 : i32
    %scan3A_18 = arith.constant 0 : i32
    %scan3A_19 = arith.constant 8 : i32
    %scan3A_20 = arith.addi %scan3A_18, %scan3A_19 : i32
    %scan3A_21 = arith.constant 1 : i32
    scf.for %scan3A_263 = %scan3A_18 to %scan3A_20 step %scan3A_21  : i32 {
      %mul3A_264 = arith.constant 2 : i32
      %mul3A_265 = arith.muli %mul3A_264, %scan3A_263 : i32
      %add3A_266 = arith.constant 1 : i32
      %add3A_267 = arith.addi %mul3A_265, %add3A_266 : i32
      %mul3A_268 = arith.constant 256 : i32
      %mul3A_269 = arith.muli %add3A, %mul3A_268 : i32
      %mul3A_270 = arith.constant 16 : i32
      %mul3A_271 = arith.muli %add3A_267, %mul3A_270 : i32
      %add3A_272 = arith.addi %mul3A_269, %mul3A_271 : i32
      %multiple_of3A_273 = tpu.assume_multiple %add3A_272, 16 : i32
      %dma_start3A_274 = arith.constant 0 : i32
      %dma_start3A_275 = arith.constant 0 : i32
      %dma_start3A_276 = tpu.memref_slice %arg2[%multiple_of3A_273, %dma_start3A_274, %dma_start3A_275] : memref<8192x8x128xf32, #tpu.memory_space<hbm>> -> memref<16x8x128xf32, #tpu.memory_space<hbm>>
      %dma_start3A_277 = arith.constant 0 : i32
      %dma_start3A_278 = arith.constant 0 : i32
      %dma_start3A_279 = tpu.memref_slice %arg2[%multiple_of3A_273, %dma_start3A_277, %dma_start3A_278] : memref<8192x8x128xf32, #tpu.memory_space<hbm>> -> memref<16x8x128xf32, #tpu.memory_space<hbm>>
      tpu.enqueue_dma source(%dma_start3A_279 : memref<16x8x128xf32, #tpu.memory_space<hbm>>) target(%arg10 : memref<16x8x128xf32, #tpu.memory_space<vmem>>) target_semaphore(%arg14 : memref<!tpu.dma_semaphore, #tpu.memory_space<semaphore_mem>>)
      %mul3A_280 = arith.constant 256 : i32
      %mul3A_281 = arith.muli %add3A, %mul3A_280 : i32
      %mul3A_282 = arith.constant 16 : i32
      %mul3A_283 = arith.muli %mul3A_265, %mul3A_282 : i32
      %add3A_284 = arith.addi %mul3A_281, %mul3A_283 : i32
      %multiple_of3A_285 = tpu.assume_multiple %add3A_284, 16 : i32
      %dma_wait3A_286 = arith.constant 0 : i32
      %dma_wait3A_287 = arith.constant 0 : i32
      %dma_wait3A_288 = tpu.memref_slice %arg2[%multiple_of3A_285, %dma_wait3A_286, %dma_wait3A_287] : memref<8192x8x128xf32, #tpu.memory_space<hbm>> -> memref<16x8x128xf32, #tpu.memory_space<hbm>>
      %dma_wait3A_289 = arith.constant 0 : i32
      %dma_wait3A_290 = arith.constant 0 : i32
      %dma_wait3A_291 = tpu.memref_slice %arg2[%multiple_of3A_285, %dma_wait3A_289, %dma_wait3A_290] : memref<8192x8x128xf32, #tpu.memory_space<hbm>> -> memref<16x8x128xf32, #tpu.memory_space<hbm>>
      tpu.wait_dma2 semaphore(%arg13 : memref<!tpu.dma_semaphore, #tpu.memory_space<semaphore_mem>>) src(%dma_wait3A_291 : memref<16x8x128xf32, #tpu.memory_space<hbm>>) dst(%arg9 : memref<16x8x128xf32, #tpu.memory_space<vmem>>)
      %gt3A = arith.constant 0 : i32
      %gt3A_292 = arith.cmpi sgt, %scan3A_263, %gt3A : i32
      %convert_element_type3A = arith.extui %gt3A_292 : i1 to i32
      %cond3A = arith.constant 0 : i32
      %cond3A_293 = arith.cmpi ne, %convert_element_type3A, %cond3A : i32
      scf.if %cond3A_293 {
        %sub3A = arith.constant 2 : i32
        %sub3A_359 = arith.subi %mul3A_265, %sub3A : i32
        %mul3A_360 = arith.constant 256 : i32
        %mul3A_361 = arith.muli %add3A, %mul3A_360 : i32
        %mul3A_362 = arith.constant 16 : i32
        %mul3A_363 = arith.muli %sub3A_359, %mul3A_362 : i32
        %add3A_364 = arith.addi %mul3A_361, %mul3A_363 : i32
        %multiple_of3A_365 = tpu.assume_multiple %add3A_364, 16 : i32
        %mul3A_366 = arith.constant 128 : i32
        %mul3A_367 = arith.muli %multiple_of3A_365, %mul3A_366 : i32
        %add3A_368 = arith.constant 0 : i32
        %add3A_369 = arith.addi %add3A_368, %mul3A_367 : i32
        %dma_wait3A_370 = arith.constant 0 : i32
        %dma_wait3A_371 = tpu.memref_slice %arg8[%add3A_369, %dma_wait3A_370] : memref<6291456x8xf32, #tpu.memory_space<hbm>> -> memref<2048x8xf32, #tpu.memory_space<hbm>>
        %dma_wait3A_372 = arith.constant 0 : i32
        %dma_wait3A_373 = tpu.memref_slice %arg8[%add3A_369, %dma_wait3A_372] : memref<6291456x8xf32, #tpu.memory_space<hbm>> -> memref<2048x8xf32, #tpu.memory_space<hbm>>
        tpu.wait_dma2 semaphore(%arg15 : memref<!tpu.dma_semaphore, #tpu.memory_space<semaphore_mem>>) src(%arg11 : memref<2048x8xf32, #tpu.memory_space<vmem>>) dst(%dma_wait3A_373 : memref<2048x8xf32, #tpu.memory_space<hbm>>)
      } else {
      }
      %scan3A_294 = arith.constant 0 : i32
      %scan3A_295 = arith.constant 0 : i32
      %scan3A_296 = arith.constant 16 : i32
      %scan3A_297 = arith.addi %scan3A_295, %scan3A_296 : i32
      %scan3A_298 = arith.constant 1 : i32
      scf.for %scan3A_359 = %scan3A_295 to %scan3A_297 step %scan3A_298  : i32 {
        %mul3A_360 = arith.constant 128 : i32
        %mul3A_361 = arith.muli %scan3A_359, %mul3A_360 : i32
        %multiple_of3A_362 = tpu.assume_multiple %mul3A_361, 128 : i32
        %broadcast_in_dim3A = vector.broadcast %scan3A_359 : i32 to vector<16xi32>
        %scan3A_363 = arith.constant 0 : i32
        %scan3A_364 = arith.constant 0 : i32
        %scan3A_365 = arith.constant 8 : i32
        %scan3A_366 = arith.addi %scan3A_364, %scan3A_365 : i32
        %scan3A_367 = arith.constant 1 : i32
        scf.for %scan3A_369 = %scan3A_364 to %scan3A_366 step %scan3A_367  : i32 {
          %mul3A_370 = arith.constant 16 : i32
          %mul3A_371 = arith.muli %scan3A_369, %mul3A_370 : i32
          %multiple_of3A_372 = tpu.assume_multiple %mul3A_371, 16 : i32
          %add3A_373 = arith.constant 0 : i32
          %add3A_374 = vector.broadcast %add3A_373 : i32 to vector<16xi32>
          %add3A_375 = arith.addi %add3A_8, %add3A_374 : vector<16xi32>
          %and3A_376 = arith.constant 15 : i32
          %and3A_377 = vector.broadcast %and3A_376 : i32 to vector<16xi32>
          %and3A_378 = arith.andi %add3A_375, %and3A_377 : vector<16xi32>
          %add3A_379 = vector.broadcast %multiple_of3A_372 : i32 to vector<16xi32>
          %add3A_380 = arith.addi %add3A_379, %and3A_378 : vector<16xi32>
          %gather3A = tpu.vector_load_idx %arg9[%broadcast_in_dim3A, %and3A_2, %add3A_380] : memref<16x8x128xf32, #tpu.memory_space<vmem>>[vector<16xi32>, vector<16xi32>, vector<16xi32>], vector<16xf32>,
          %add3A_381 = vector.broadcast %multiple_of3A_362 : i32 to vector<16xi32>
          %add3A_382 = arith.addi %add3A_381, %add3A_380 : vector<16xi32>
          tpu.vector_store_idx %arg11[%add3A_382, %and3A_2], %gather3A : memref<2048x8xf32, #tpu.memory_space<vmem>>[vector<16xi32>, vector<16xi32>], vector<16xf32>,
          %add3A_383 = arith.constant 2 : i32
          %add3A_384 = vector.broadcast %add3A_383 : i32 to vector<16xi32>
          %add3A_385 = arith.addi %add3A_8, %add3A_384 : vector<16xi32>
          %and3A_386 = arith.constant 15 : i32
          %and3A_387 = vector.broadcast %and3A_386 : i32 to vector<16xi32>
          %and3A_388 = arith.andi %add3A_385, %and3A_387 : vector<16xi32>
          %add3A_389 = vector.broadcast %multiple_of3A_372 : i32 to vector<16xi32>
          %add3A_390 = arith.addi %add3A_389, %and3A_388 : vector<16xi32>
          %gather3A_391 = tpu.vector_load_idx %arg9[%broadcast_in_dim3A, %and3A_2, %add3A_390] : memref<16x8x128xf32, #tpu.memory_space<vmem>>[vector<16xi32>, vector<16xi32>, vector<16xi32>], vector<16xf32>,
          %add3A_392 = vector.broadcast %multiple_of3A_362 : i32 to vector<16xi32>
          %add3A_393 = arith.addi %add3A_392, %add3A_390 : vector<16xi32>
          tpu.vector_store_idx %arg11[%add3A_393, %and3A_2], %gather3A_391 : memref<2048x8xf32, #tpu.memory_space<vmem>>[vector<16xi32>, vector<16xi32>], vector<16xf32>,
          %add3A_394 = arith.constant 4 : i32
          %add3A_395 = vector.broadcast %add3A_394 : i32 to vector<16xi32>
          %add3A_396 = arith.addi %add3A_8, %add3A_395 : vector<16xi32>
          %and3A_397 = arith.constant 15 : i32
          %and3A_398 = vector.broadcast %and3A_397 : i32 to vector<16xi32>
          %and3A_399 = arith.andi %add3A_396, %and3A_398 : vector<16xi32>
          %add3A_400 = vector.broadcast %multiple_of3A_372 : i32 to vector<16xi32>
          %add3A_401 = arith.addi %add3A_400, %and3A_399 : vector<16xi32>
          %gather3A_402 = tpu.vector_load_idx %arg9[%broadcast_in_dim3A, %and3A_2, %add3A_401] : memref<16x8x128xf32, #tpu.memory_space<vmem>>[vector<16xi32>, vector<16xi32>, vector<16xi32>], vector<16xf32>,
          %add3A_403 = vector.broadcast %multiple_of3A_362 : i32 to vector<16xi32>
          %add3A_404 = arith.addi %add3A_403, %add3A_401 : vector<16xi32>
          tpu.vector_store_idx %arg11[%add3A_404, %and3A_2], %gather3A_402 : memref<2048x8xf32, #tpu.memory_space<vmem>>[vector<16xi32>, vector<16xi32>], vector<16xf32>,
          %add3A_405 = arith.constant 6 : i32
          %add3A_406 = vector.broadcast %add3A_405 : i32 to vector<16xi32>
          %add3A_407 = arith.addi %add3A_8, %add3A_406 : vector<16xi32>
          %and3A_408 = arith.constant 15 : i32
          %and3A_409 = vector.broadcast %and3A_408 : i32 to vector<16xi32>
          %and3A_410 = arith.andi %add3A_407, %and3A_409 : vector<16xi32>
          %add3A_411 = vector.broadcast %multiple_of3A_372 : i32 to vector<16xi32>
          %add3A_412 = arith.addi %add3A_411, %and3A_410 : vector<16xi32>
          %gather3A_413 = tpu.vector_load_idx %arg9[%broadcast_in_dim3A, %and3A_2, %add3A_412] : memref<16x8x128xf32, #tpu.memory_space<vmem>>[vector<16xi32>, vector<16xi32>, vector<16xi32>], vector<16xf32>,
          %add3A_414 = vector.broadcast %multiple_of3A_362 : i32 to vector<16xi32>
          %add3A_415 = arith.addi %add3A_414, %add3A_412 : vector<16xi32>
          tpu.vector_store_idx %arg11[%add3A_415, %and3A_2], %gather3A_413 : memref<2048x8xf32, #tpu.memory_space<vmem>>[vector<16xi32>, vector<16xi32>], vector<16xf32>,
          %add3A_416 = arith.constant 8 : i32
          %add3A_417 = vector.broadcast %add3A_416 : i32 to vector<16xi32>
          %add3A_418 = arith.addi %add3A_8, %add3A_417 : vector<16xi32>
          %and3A_419 = arith.constant 15 : i32
          %and3A_420 = vector.broadcast %and3A_419 : i32 to vector<16xi32>
          %and3A_421 = arith.andi %add3A_418, %and3A_420 : vector<16xi32>
          %add3A_422 = vector.broadcast %multiple_of3A_372 : i32 to vector<16xi32>
          %add3A_423 = arith.addi %add3A_422, %and3A_421 : vector<16xi32>
          %gather3A_424 = tpu.vector_load_idx %arg9[%broadcast_in_dim3A, %and3A_2, %add3A_423] : memref<16x8x128xf32, #tpu.memory_space<vmem>>[vector<16xi32>, vector<16xi32>, vector<16xi32>], vector<16xf32>,
          %add3A_425 = vector.broadcast %multiple_of3A_362 : i32 to vector<16xi32>
          %add3A_426 = arith.addi %add3A_425, %add3A_423 : vector<16xi32>
          tpu.vector_store_idx %arg11[%add3A_426, %and3A_2], %gather3A_424 : memref<2048x8xf32, #tpu.memory_space<vmem>>[vector<16xi32>, vector<16xi32>], vector<16xf32>,
          %add3A_427 = arith.constant 10 : i32
          %add3A_428 = vector.broadcast %add3A_427 : i32 to vector<16xi32>
          %add3A_429 = arith.addi %add3A_8, %add3A_428 : vector<16xi32>
          %and3A_430 = arith.constant 15 : i32
          %and3A_431 = vector.broadcast %and3A_430 : i32 to vector<16xi32>
          %and3A_432 = arith.andi %add3A_429, %and3A_431 : vector<16xi32>
          %add3A_433 = vector.broadcast %multiple_of3A_372 : i32 to vector<16xi32>
          %add3A_434 = arith.addi %add3A_433, %and3A_432 : vector<16xi32>
          %gather3A_435 = tpu.vector_load_idx %arg9[%broadcast_in_dim3A, %and3A_2, %add3A_434] : memref<16x8x128xf32, #tpu.memory_space<vmem>>[vector<16xi32>, vector<16xi32>, vector<16xi32>], vector<16xf32>,
          %add3A_436 = vector.broadcast %multiple_of3A_362 : i32 to vector<16xi32>
          %add3A_437 = arith.addi %add3A_436, %add3A_434 : vector<16xi32>
          tpu.vector_store_idx %arg11[%add3A_437, %and3A_2], %gather3A_435 : memref<2048x8xf32, #tpu.memory_space<vmem>>[vector<16xi32>, vector<16xi32>], vector<16xf32>,
          %add3A_438 = arith.constant 12 : i32
          %add3A_439 = vector.broadcast %add3A_438 : i32 to vector<16xi32>
          %add3A_440 = arith.addi %add3A_8, %add3A_439 : vector<16xi32>
          %and3A_441 = arith.constant 15 : i32
          %and3A_442 = vector.broadcast %and3A_441 : i32 to vector<16xi32>
          %and3A_443 = arith.andi %add3A_440, %and3A_442 : vector<16xi32>
          %add3A_444 = vector.broadcast %multiple_of3A_372 : i32 to vector<16xi32>
          %add3A_445 = arith.addi %add3A_444, %and3A_443 : vector<16xi32>
          %gather3A_446 = tpu.vector_load_idx %arg9[%broadcast_in_dim3A, %and3A_2, %add3A_445] : memref<16x8x128xf32, #tpu.memory_space<vmem>>[vector<16xi32>, vector<16xi32>, vector<16xi32>], vector<16xf32>,
          %add3A_447 = vector.broadcast %multiple_of3A_362 : i32 to vector<16xi32>
          %add3A_448 = arith.addi %add3A_447, %add3A_445 : vector<16xi32>
          tpu.vector_store_idx %arg11[%add3A_448, %and3A_2], %gather3A_446 : memref<2048x8xf32, #tpu.memory_space<vmem>>[vector<16xi32>, vector<16xi32>], vector<16xf32>,
          %add3A_449 = arith.constant 14 : i32
          %add3A_450 = vector.broadcast %add3A_449 : i32 to vector<16xi32>
          %add3A_451 = arith.addi %add3A_8, %add3A_450 : vector<16xi32>
          %and3A_452 = arith.constant 15 : i32
          %and3A_453 = vector.broadcast %and3A_452 : i32 to vector<16xi32>
          %and3A_454 = arith.andi %add3A_451, %and3A_453 : vector<16xi32>
          %add3A_455 = vector.broadcast %multiple_of3A_372 : i32 to vector<16xi32>
          %add3A_456 = arith.addi %add3A_455, %and3A_454 : vector<16xi32>
          %gather3A_457 = tpu.vector_load_idx %arg9[%broadcast_in_dim3A, %and3A_2, %add3A_456] : memref<16x8x128xf32, #tpu.memory_space<vmem>>[vector<16xi32>, vector<16xi32>, vector<16xi32>], vector<16xf32>,
          %add3A_458 = vector.broadcast %multiple_of3A_362 : i32 to vector<16xi32>
          %add3A_459 = arith.addi %add3A_458, %add3A_456 : vector<16xi32>
          tpu.vector_store_idx %arg11[%add3A_459, %and3A_2], %gather3A_457 : memref<2048x8xf32, #tpu.memory_space<vmem>>[vector<16xi32>, vector<16xi32>], vector<16xf32>,
        }
        %scan3A_368 = arith.constant 8 : i32
      }
      %scan3A_299 = arith.constant 16 : i32
      %mul3A_300 = arith.constant 256 : i32
      %mul3A_301 = arith.muli %add3A, %mul3A_300 : i32
      %mul3A_302 = arith.constant 16 : i32
      %mul3A_303 = arith.muli %mul3A_265, %mul3A_302 : i32
      %add3A_304 = arith.addi %mul3A_301, %mul3A_303 : i32
      %multiple_of3A_305 = tpu.assume_multiple %add3A_304, 16 : i32
      %mul3A_306 = arith.constant 128 : i32
      %mul3A_307 = arith.muli %multiple_of3A_305, %mul3A_306 : i32
      %add3A_308 = arith.constant 0 : i32
      %add3A_309 = arith.addi %add3A_308, %mul3A_307 : i32
      %dma_start3A_310 = arith.constant 0 : i32
      %dma_start3A_311 = tpu.memref_slice %arg8[%add3A_309, %dma_start3A_310] : memref<6291456x8xf32, #tpu.memory_space<hbm>> -> memref<2048x8xf32, #tpu.memory_space<hbm>>
      %dma_start3A_312 = arith.constant 0 : i32
      %dma_start3A_313 = tpu.memref_slice %arg8[%add3A_309, %dma_start3A_312] : memref<6291456x8xf32, #tpu.memory_space<hbm>> -> memref<2048x8xf32, #tpu.memory_space<hbm>>
      tpu.enqueue_dma source(%arg11 : memref<2048x8xf32, #tpu.memory_space<vmem>>) target(%dma_start3A_313 : memref<2048x8xf32, #tpu.memory_space<hbm>>) target_semaphore(%arg15 : memref<!tpu.dma_semaphore, #tpu.memory_space<semaphore_mem>>)
      %lt3A = arith.constant 7 : i32
      %lt3A_314 = arith.cmpi slt, %scan3A_263, %lt3A : i32
      %convert_element_type3A_315 = arith.extui %lt3A_314 : i1 to i32
      %cond3A_316 = arith.constant 0 : i32
      %cond3A_317 = arith.cmpi ne, %convert_element_type3A_315, %cond3A_316 : i32
      scf.if %cond3A_317 {
        %add3A_359 = arith.constant 2 : i32
        %add3A_360 = arith.addi %mul3A_265, %add3A_359 : i32
        %mul3A_361 = arith.constant 256 : i32
        %mul3A_362 = arith.muli %add3A, %mul3A_361 : i32
        %mul3A_363 = arith.constant 16 : i32
        %mul3A_364 = arith.muli %add3A_360, %mul3A_363 : i32
        %add3A_365 = arith.addi %mul3A_362, %mul3A_364 : i32
        %multiple_of3A_366 = tpu.assume_multiple %add3A_365, 16 : i32
        %dma_start3A_367 = arith.constant 0 : i32
        %dma_start3A_368 = arith.constant 0 : i32
        %dma_start3A_369 = tpu.memref_slice %arg2[%multiple_of3A_366, %dma_start3A_367, %dma_start3A_368] : memref<8192x8x128xf32, #tpu.memory_space<hbm>> -> memref<16x8x128xf32, #tpu.memory_space<hbm>>
        %dma_start3A_370 = arith.constant 0 : i32
        %dma_start3A_371 = arith.constant 0 : i32
        %dma_start3A_372 = tpu.memref_slice %arg2[%multiple_of3A_366, %dma_start3A_370, %dma_start3A_371] : memref<8192x8x128xf32, #tpu.memory_space<hbm>> -> memref<16x8x128xf32, #tpu.memory_space<hbm>>
        tpu.enqueue_dma source(%dma_start3A_372 : memref<16x8x128xf32, #tpu.memory_space<hbm>>) target(%arg9 : memref<16x8x128xf32, #tpu.memory_space<vmem>>) target_semaphore(%arg13 : memref<!tpu.dma_semaphore, #tpu.memory_space<semaphore_mem>>)
      } else {
      }
      %add3A_318 = arith.constant 1 : i32
      %add3A_319 = arith.addi %mul3A_265, %add3A_318 : i32
      %mul3A_320 = arith.constant 256 : i32
      %mul3A_321 = arith.muli %add3A, %mul3A_320 : i32
      %mul3A_322 = arith.constant 16 : i32
      %mul3A_323 = arith.muli %add3A_319, %mul3A_322 : i32
      %add3A_324 = arith.addi %mul3A_321, %mul3A_323 : i32
      %multiple_of3A_325 = tpu.assume_multiple %add3A_324, 16 : i32
      %dma_wait3A_326 = arith.constant 0 : i32
      %dma_wait3A_327 = arith.constant 0 : i32
      %dma_wait3A_328 = tpu.memref_slice %arg2[%multiple_of3A_325, %dma_wait3A_326, %dma_wait3A_327] : memref<8192x8x128xf32, #tpu.memory_space<hbm>> -> memref<16x8x128xf32, #tpu.memory_space<hbm>>
      %dma_wait3A_329 = arith.constant 0 : i32
      %dma_wait3A_330 = arith.constant 0 : i32
      %dma_wait3A_331 = tpu.memref_slice %arg2[%multiple_of3A_325, %dma_wait3A_329, %dma_wait3A_330] : memref<8192x8x128xf32, #tpu.memory_space<hbm>> -> memref<16x8x128xf32, #tpu.memory_space<hbm>>
      tpu.wait_dma2 semaphore(%arg14 : memref<!tpu.dma_semaphore, #tpu.memory_space<semaphore_mem>>) src(%dma_wait3A_331 : memref<16x8x128xf32, #tpu.memory_space<hbm>>) dst(%arg10 : memref<16x8x128xf32, #tpu.memory_space<vmem>>)
      %gt3A_332 = arith.constant 0 : i32
      %gt3A_333 = arith.cmpi sgt, %scan3A_263, %gt3A_332 : i32
      %convert_element_type3A_334 = arith.extui %gt3A_333 : i1 to i32
      %cond3A_335 = arith.constant 0 : i32
      %cond3A_336 = arith.cmpi ne, %convert_element_type3A_334, %cond3A_335 : i32
      scf.if %cond3A_336 {
        %sub3A = arith.constant 1 : i32
        %sub3A_359 = arith.subi %mul3A_265, %sub3A : i32
        %mul3A_360 = arith.constant 256 : i32
        %mul3A_361 = arith.muli %add3A, %mul3A_360 : i32
        %mul3A_362 = arith.constant 16 : i32
        %mul3A_363 = arith.muli %sub3A_359, %mul3A_362 : i32
        %add3A_364 = arith.addi %mul3A_361, %mul3A_363 : i32
        %multiple_of3A_365 = tpu.assume_multiple %add3A_364, 16 : i32
        %mul3A_366 = arith.constant 128 : i32
        %mul3A_367 = arith.muli %multiple_of3A_365, %mul3A_366 : i32
        %add3A_368 = arith.constant 0 : i32
        %add3A_369 = arith.addi %add3A_368, %mul3A_367 : i32
        %dma_wait3A_370 = arith.constant 0 : i32
        %dma_wait3A_371 = tpu.memref_slice %arg8[%add3A_369, %dma_wait3A_370] : memref<6291456x8xf32, #tpu.memory_space<hbm>> -> memref<2048x8xf32, #tpu.memory_space<hbm>>
        %dma_wait3A_372 = arith.constant 0 : i32
        %dma_wait3A_373 = tpu.memref_slice %arg8[%add3A_369, %dma_wait3A_372] : memref<6291456x8xf32, #tpu.memory_space<hbm>> -> memref<2048x8xf32, #tpu.memory_space<hbm>>
        tpu.wait_dma2 semaphore(%arg16 : memref<!tpu.dma_semaphore, #tpu.memory_space<semaphore_mem>>) src(%arg12 : memref<2048x8xf32, #tpu.memory_space<vmem>>) dst(%dma_wait3A_373 : memref<2048x8xf32, #tpu.memory_space<hbm>>)
      } else {
      }
      %scan3A_337 = arith.constant 0 : i32
      %scan3A_338 = arith.constant 0 : i32
      %scan3A_339 = arith.constant 16 : i32
      %scan3A_340 = arith.addi %scan3A_338, %scan3A_339 : i32
      %scan3A_341 = arith.constant 1 : i32
      scf.for %scan3A_359 = %scan3A_338 to %scan3A_340 step %scan3A_341  : i32 {
        %mul3A_360 = arith.constant 128 : i32
        %mul3A_361 = arith.muli %scan3A_359, %mul3A_360 : i32
        %multiple_of3A_362 = tpu.assume_multiple %mul3A_361, 128 : i32
        %broadcast_in_dim3A = vector.broadcast %scan3A_359 : i32 to vector<16xi32>
        %scan3A_363 = arith.constant 0 : i32
        %scan3A_364 = arith.constant 0 : i32
        %scan3A_365 = arith.constant 8 : i32
        %scan3A_366 = arith.addi %scan3A_364, %scan3A_365 : i32
        %scan3A_367 = arith.constant 1 : i32
        scf.for %scan3A_369 = %scan3A_364 to %scan3A_366 step %scan3A_367  : i32 {
          %mul3A_370 = arith.constant 16 : i32
          %mul3A_371 = arith.muli %scan3A_369, %mul3A_370 : i32
          %multiple_of3A_372 = tpu.assume_multiple %mul3A_371, 16 : i32
          %add3A_373 = arith.constant 0 : i32
          %add3A_374 = vector.broadcast %add3A_373 : i32 to vector<16xi32>
          %add3A_375 = arith.addi %add3A_8, %add3A_374 : vector<16xi32>
          %and3A_376 = arith.constant 15 : i32
          %and3A_377 = vector.broadcast %and3A_376 : i32 to vector<16xi32>
          %and3A_378 = arith.andi %add3A_375, %and3A_377 : vector<16xi32>
          %add3A_379 = vector.broadcast %multiple_of3A_372 : i32 to vector<16xi32>
          %add3A_380 = arith.addi %add3A_379, %and3A_378 : vector<16xi32>
          %gather3A = tpu.vector_load_idx %arg10[%broadcast_in_dim3A, %and3A_2, %add3A_380] : memref<16x8x128xf32, #tpu.memory_space<vmem>>[vector<16xi32>, vector<16xi32>, vector<16xi32>], vector<16xf32>,
          %add3A_381 = vector.broadcast %multiple_of3A_362 : i32 to vector<16xi32>
          %add3A_382 = arith.addi %add3A_381, %add3A_380 : vector<16xi32>
          tpu.vector_store_idx %arg12[%add3A_382, %and3A_2], %gather3A : memref<2048x8xf32, #tpu.memory_space<vmem>>[vector<16xi32>, vector<16xi32>], vector<16xf32>,
          %add3A_383 = arith.constant 2 : i32
          %add3A_384 = vector.broadcast %add3A_383 : i32 to vector<16xi32>
          %add3A_385 = arith.addi %add3A_8, %add3A_384 : vector<16xi32>
          %and3A_386 = arith.constant 15 : i32
          %and3A_387 = vector.broadcast %and3A_386 : i32 to vector<16xi32>
          %and3A_388 = arith.andi %add3A_385, %and3A_387 : vector<16xi32>
          %add3A_389 = vector.broadcast %multiple_of3A_372 : i32 to vector<16xi32>
          %add3A_390 = arith.addi %add3A_389, %and3A_388 : vector<16xi32>
          %gather3A_391 = tpu.vector_load_idx %arg10[%broadcast_in_dim3A, %and3A_2, %add3A_390] : memref<16x8x128xf32, #tpu.memory_space<vmem>>[vector<16xi32>, vector<16xi32>, vector<16xi32>], vector<16xf32>,
          %add3A_392 = vector.broadcast %multiple_of3A_362 : i32 to vector<16xi32>
          %add3A_393 = arith.addi %add3A_392, %add3A_390 : vector<16xi32>
          tpu.vector_store_idx %arg12[%add3A_393, %and3A_2], %gather3A_391 : memref<2048x8xf32, #tpu.memory_space<vmem>>[vector<16xi32>, vector<16xi32>], vector<16xf32>,
          %add3A_394 = arith.constant 4 : i32
          %add3A_395 = vector.broadcast %add3A_394 : i32 to vector<16xi32>
          %add3A_396 = arith.addi %add3A_8, %add3A_395 : vector<16xi32>
          %and3A_397 = arith.constant 15 : i32
          %and3A_398 = vector.broadcast %and3A_397 : i32 to vector<16xi32>
          %and3A_399 = arith.andi %add3A_396, %and3A_398 : vector<16xi32>
          %add3A_400 = vector.broadcast %multiple_of3A_372 : i32 to vector<16xi32>
          %add3A_401 = arith.addi %add3A_400, %and3A_399 : vector<16xi32>
          %gather3A_402 = tpu.vector_load_idx %arg10[%broadcast_in_dim3A, %and3A_2, %add3A_401] : memref<16x8x128xf32, #tpu.memory_space<vmem>>[vector<16xi32>, vector<16xi32>, vector<16xi32>], vector<16xf32>,
          %add3A_403 = vector.broadcast %multiple_of3A_362 : i32 to vector<16xi32>
          %add3A_404 = arith.addi %add3A_403, %add3A_401 : vector<16xi32>
          tpu.vector_store_idx %arg12[%add3A_404, %and3A_2], %gather3A_402 : memref<2048x8xf32, #tpu.memory_space<vmem>>[vector<16xi32>, vector<16xi32>], vector<16xf32>,
          %add3A_405 = arith.constant 6 : i32
          %add3A_406 = vector.broadcast %add3A_405 : i32 to vector<16xi32>
          %add3A_407 = arith.addi %add3A_8, %add3A_406 : vector<16xi32>
          %and3A_408 = arith.constant 15 : i32
          %and3A_409 = vector.broadcast %and3A_408 : i32 to vector<16xi32>
          %and3A_410 = arith.andi %add3A_407, %and3A_409 : vector<16xi32>
          %add3A_411 = vector.broadcast %multiple_of3A_372 : i32 to vector<16xi32>
          %add3A_412 = arith.addi %add3A_411, %and3A_410 : vector<16xi32>
          %gather3A_413 = tpu.vector_load_idx %arg10[%broadcast_in_dim3A, %and3A_2, %add3A_412] : memref<16x8x128xf32, #tpu.memory_space<vmem>>[vector<16xi32>, vector<16xi32>, vector<16xi32>], vector<16xf32>,
          %add3A_414 = vector.broadcast %multiple_of3A_362 : i32 to vector<16xi32>
          %add3A_415 = arith.addi %add3A_414, %add3A_412 : vector<16xi32>
          tpu.vector_store_idx %arg12[%add3A_415, %and3A_2], %gather3A_413 : memref<2048x8xf32, #tpu.memory_space<vmem>>[vector<16xi32>, vector<16xi32>], vector<16xf32>,
          %add3A_416 = arith.constant 8 : i32
          %add3A_417 = vector.broadcast %add3A_416 : i32 to vector<16xi32>
          %add3A_418 = arith.addi %add3A_8, %add3A_417 : vector<16xi32>
          %and3A_419 = arith.constant 15 : i32
          %and3A_420 = vector.broadcast %and3A_419 : i32 to vector<16xi32>
          %and3A_421 = arith.andi %add3A_418, %and3A_420 : vector<16xi32>
          %add3A_422 = vector.broadcast %multiple_of3A_372 : i32 to vector<16xi32>
          %add3A_423 = arith.addi %add3A_422, %and3A_421 : vector<16xi32>
          %gather3A_424 = tpu.vector_load_idx %arg10[%broadcast_in_dim3A, %and3A_2, %add3A_423] : memref<16x8x128xf32, #tpu.memory_space<vmem>>[vector<16xi32>, vector<16xi32>, vector<16xi32>], vector<16xf32>,
          %add3A_425 = vector.broadcast %multiple_of3A_362 : i32 to vector<16xi32>
          %add3A_426 = arith.addi %add3A_425, %add3A_423 : vector<16xi32>
          tpu.vector_store_idx %arg12[%add3A_426, %and3A_2], %gather3A_424 : memref<2048x8xf32, #tpu.memory_space<vmem>>[vector<16xi32>, vector<16xi32>], vector<16xf32>,
          %add3A_427 = arith.constant 10 : i32
          %add3A_428 = vector.broadcast %add3A_427 : i32 to vector<16xi32>
          %add3A_429 = arith.addi %add3A_8, %add3A_428 : vector<16xi32>
          %and3A_430 = arith.constant 15 : i32
          %and3A_431 = vector.broadcast %and3A_430 : i32 to vector<16xi32>
          %and3A_432 = arith.andi %add3A_429, %and3A_431 : vector<16xi32>
          %add3A_433 = vector.broadcast %multiple_of3A_372 : i32 to vector<16xi32>
          %add3A_434 = arith.addi %add3A_433, %and3A_432 : vector<16xi32>
          %gather3A_435 = tpu.vector_load_idx %arg10[%broadcast_in_dim3A, %and3A_2, %add3A_434] : memref<16x8x128xf32, #tpu.memory_space<vmem>>[vector<16xi32>, vector<16xi32>, vector<16xi32>], vector<16xf32>,
          %add3A_436 = vector.broadcast %multiple_of3A_362 : i32 to vector<16xi32>
          %add3A_437 = arith.addi %add3A_436, %add3A_434 : vector<16xi32>
          tpu.vector_store_idx %arg12[%add3A_437, %and3A_2], %gather3A_435 : memref<2048x8xf32, #tpu.memory_space<vmem>>[vector<16xi32>, vector<16xi32>], vector<16xf32>,
          %add3A_438 = arith.constant 12 : i32
          %add3A_439 = vector.broadcast %add3A_438 : i32 to vector<16xi32>
          %add3A_440 = arith.addi %add3A_8, %add3A_439 : vector<16xi32>
          %and3A_441 = arith.constant 15 : i32
          %and3A_442 = vector.broadcast %and3A_441 : i32 to vector<16xi32>
          %and3A_443 = arith.andi %add3A_440, %and3A_442 : vector<16xi32>
          %add3A_444 = vector.broadcast %multiple_of3A_372 : i32 to vector<16xi32>
          %add3A_445 = arith.addi %add3A_444, %and3A_443 : vector<16xi32>
          %gather3A_446 = tpu.vector_load_idx %arg10[%broadcast_in_dim3A, %and3A_2, %add3A_445] : memref<16x8x128xf32, #tpu.memory_space<vmem>>[vector<16xi32>, vector<16xi32>, vector<16xi32>], vector<16xf32>,
          %add3A_447 = vector.broadcast %multiple_of3A_362 : i32 to vector<16xi32>
          %add3A_448 = arith.addi %add3A_447, %add3A_445 : vector<16xi32>
          tpu.vector_store_idx %arg12[%add3A_448, %and3A_2], %gather3A_446 : memref<2048x8xf32, #tpu.memory_space<vmem>>[vector<16xi32>, vector<16xi32>], vector<16xf32>,
          %add3A_449 = arith.constant 14 : i32
          %add3A_450 = vector.broadcast %add3A_449 : i32 to vector<16xi32>
          %add3A_451 = arith.addi %add3A_8, %add3A_450 : vector<16xi32>
          %and3A_452 = arith.constant 15 : i32
          %and3A_453 = vector.broadcast %and3A_452 : i32 to vector<16xi32>
          %and3A_454 = arith.andi %add3A_451, %and3A_453 : vector<16xi32>
          %add3A_455 = vector.broadcast %multiple_of3A_372 : i32 to vector<16xi32>
          %add3A_456 = arith.addi %add3A_455, %and3A_454 : vector<16xi32>
          %gather3A_457 = tpu.vector_load_idx %arg10[%broadcast_in_dim3A, %and3A_2, %add3A_456] : memref<16x8x128xf32, #tpu.memory_space<vmem>>[vector<16xi32>, vector<16xi32>, vector<16xi32>], vector<16xf32>,
          %add3A_458 = vector.broadcast %multiple_of3A_362 : i32 to vector<16xi32>
          %add3A_459 = arith.addi %add3A_458, %add3A_456 : vector<16xi32>
          tpu.vector_store_idx %arg12[%add3A_459, %and3A_2], %gather3A_457 : memref<2048x8xf32, #tpu.memory_space<vmem>>[vector<16xi32>, vector<16xi32>], vector<16xf32>,
        }
        %scan3A_368 = arith.constant 8 : i32
      }
      %scan3A_342 = arith.constant 16 : i32
      %add3A_343 = arith.constant 1 : i32
      %add3A_344 = arith.addi %mul3A_265, %add3A_343 : i32
      %mul3A_345 = arith.constant 256 : i32
      %mul3A_346 = arith.muli %add3A, %mul3A_345 : i32
      %mul3A_347 = arith.constant 16 : i32
      %mul3A_348 = arith.muli %add3A_344, %mul3A_347 : i32
      %add3A_349 = arith.addi %mul3A_346, %mul3A_348 : i32
      %multiple_of3A_350 = tpu.assume_multiple %add3A_349, 16 : i32
      %mul3A_351 = arith.constant 128 : i32
      %mul3A_352 = arith.muli %multiple_of3A_350, %mul3A_351 : i32
      %add3A_353 = arith.constant 0 : i32
      %add3A_354 = arith.addi %add3A_353, %mul3A_352 : i32
      %dma_start3A_355 = arith.constant 0 : i32
      %dma_start3A_356 = tpu.memref_slice %arg8[%add3A_354, %dma_start3A_355] : memref<6291456x8xf32, #tpu.memory_space<hbm>> -> memref<2048x8xf32, #tpu.memory_space<hbm>>
      %dma_start3A_357 = arith.constant 0 : i32
      %dma_start3A_358 = tpu.memref_slice %arg8[%add3A_354, %dma_start3A_357] : memref<6291456x8xf32, #tpu.memory_space<hbm>> -> memref<2048x8xf32, #tpu.memory_space<hbm>>
      tpu.enqueue_dma source(%arg12 : memref<2048x8xf32, #tpu.memory_space<vmem>>) target(%dma_start3A_358 : memref<2048x8xf32, #tpu.memory_space<hbm>>) target_semaphore(%arg16 : memref<!tpu.dma_semaphore, #tpu.memory_space<semaphore_mem>>)
    }
    %scan3A_22 = arith.constant 8 : i32
    %mul3A_23 = arith.constant 256 : i32
    %mul3A_24 = arith.muli %add3A, %mul3A_23 : i32
    %add3A_25 = arith.constant 224 : i32
    %add3A_26 = arith.addi %mul3A_24, %add3A_25 : i32
    %multiple_of3A_27 = tpu.assume_multiple %add3A_26, 16 : i32
    %mul3A_28 = arith.constant 128 : i32
    %mul3A_29 = arith.muli %multiple_of3A_27, %mul3A_28 : i32
    %add3A_30 = arith.constant 0 : i32
    %add3A_31 = arith.addi %add3A_30, %mul3A_29 : i32
    %dma_wait3A = arith.constant 0 : i32
    %dma_wait3A_32 = tpu.memref_slice %arg8[%add3A_31, %dma_wait3A] : memref<6291456x8xf32, #tpu.memory_space<hbm>> -> memref<2048x8xf32, #tpu.memory_space<hbm>>
    %dma_wait3A_33 = arith.constant 0 : i32
    %dma_wait3A_34 = tpu.memref_slice %arg8[%add3A_31, %dma_wait3A_33] : memref<6291456x8xf32, #tpu.memory_space<hbm>> -> memref<2048x8xf32, #tpu.memory_space<hbm>>
    tpu.wait_dma2 semaphore(%arg15 : memref<!tpu.dma_semaphore, #tpu.memory_space<semaphore_mem>>) src(%arg11 : memref<2048x8xf32, #tpu.memory_space<vmem>>) dst(%dma_wait3A_34 : memref<2048x8xf32, #tpu.memory_space<hbm>>)
    %mul3A_35 = arith.constant 256 : i32
    %mul3A_36 = arith.muli %add3A, %mul3A_35 : i32
    %add3A_37 = arith.constant 240 : i32
    %add3A_38 = arith.addi %mul3A_36, %add3A_37 : i32
    %multiple_of3A_39 = tpu.assume_multiple %add3A_38, 16 : i32
    %mul3A_40 = arith.constant 128 : i32
    %mul3A_41 = arith.muli %multiple_of3A_39, %mul3A_40 : i32
    %add3A_42 = arith.constant 0 : i32
    %add3A_43 = arith.addi %add3A_42, %mul3A_41 : i32
    %dma_wait3A_44 = arith.constant 0 : i32
    %dma_wait3A_45 = tpu.memref_slice %arg8[%add3A_43, %dma_wait3A_44] : memref<6291456x8xf32, #tpu.memory_space<hbm>> -> memref<2048x8xf32, #tpu.memory_space<hbm>>
    %dma_wait3A_46 = arith.constant 0 : i32
    %dma_wait3A_47 = tpu.memref_slice %arg8[%add3A_43, %dma_wait3A_46] : memref<6291456x8xf32, #tpu.memory_space<hbm>> -> memref<2048x8xf32, #tpu.memory_space<hbm>>
    tpu.wait_dma2 semaphore(%arg16 : memref<!tpu.dma_semaphore, #tpu.memory_space<semaphore_mem>>) src(%arg12 : memref<2048x8xf32, #tpu.memory_space<vmem>>) dst(%dma_wait3A_47 : memref<2048x8xf32, #tpu.memory_space<hbm>>)
    %mul3A_48 = arith.constant 256 : i32
    %mul3A_49 = arith.muli %add3A, %mul3A_48 : i32
    %add3A_50 = arith.constant 0 : i32
    %add3A_51 = arith.addi %mul3A_49, %add3A_50 : i32
    %multiple_of3A_52 = tpu.assume_multiple %add3A_51, 16 : i32
    %dma_start3A_53 = arith.constant 0 : i32
    %dma_start3A_54 = arith.constant 0 : i32
    %dma_start3A_55 = tpu.memref_slice %arg3[%multiple_of3A_52, %dma_start3A_53, %dma_start3A_54] : memref<8192x8x128xf32, #tpu.memory_space<hbm>> -> memref<16x8x128xf32, #tpu.memory_space<hbm>>
    %dma_start3A_56 = arith.constant 0 : i32
    %dma_start3A_57 = arith.constant 0 : i32
    %dma_start3A_58 = tpu.memref_slice %arg3[%multiple_of3A_52, %dma_start3A_56, %dma_start3A_57] : memref<8192x8x128xf32, #tpu.memory_space<hbm>> -> memref<16x8x128xf32, #tpu.memory_space<hbm>>
    tpu.enqueue_dma source(%dma_start3A_58 : memref<16x8x128xf32, #tpu.memory_space<hbm>>) target(%arg9 : memref<16x8x128xf32, #tpu.memory_space<vmem>>) target_semaphore(%arg13 : memref<!tpu.dma_semaphore, #tpu.memory_space<semaphore_mem>>)
    %scan3A_59 = arith.constant 0 : i32
    %scan3A_60 = arith.constant 0 : i32
    %scan3A_61 = arith.constant 8 : i32
    %scan3A_62 = arith.addi %scan3A_60, %scan3A_61 : i32
    %scan3A_63 = arith.constant 1 : i32
    scf.for %scan3A_263 = %scan3A_60 to %scan3A_62 step %scan3A_63  : i32 {
      %mul3A_264 = arith.constant 2 : i32
      %mul3A_265 = arith.muli %mul3A_264, %scan3A_263 : i32
      %add3A_266 = arith.constant 1 : i32
      %add3A_267 = arith.addi %mul3A_265, %add3A_266 : i32
      %mul3A_268 = arith.constant 256 : i32
      %mul3A_269 = arith.muli %add3A, %mul3A_268 : i32
      %mul3A_270 = arith.constant 16 : i32
      %mul3A_271 = arith.muli %add3A_267, %mul3A_270 : i32
      %add3A_272 = arith.addi %mul3A_269, %mul3A_271 : i32
      %multiple_of3A_273 = tpu.assume_multiple %add3A_272, 16 : i32
      %dma_start3A_274 = arith.constant 0 : i32
      %dma_start3A_275 = arith.constant 0 : i32
      %dma_start3A_276 = tpu.memref_slice %arg3[%multiple_of3A_273, %dma_start3A_274, %dma_start3A_275] : memref<8192x8x128xf32, #tpu.memory_space<hbm>> -> memref<16x8x128xf32, #tpu.memory_space<hbm>>
      %dma_start3A_277 = arith.constant 0 : i32
      %dma_start3A_278 = arith.constant 0 : i32
      %dma_start3A_279 = tpu.memref_slice %arg3[%multiple_of3A_273, %dma_start3A_277, %dma_start3A_278] : memref<8192x8x128xf32, #tpu.memory_space<hbm>> -> memref<16x8x128xf32, #tpu.memory_space<hbm>>
      tpu.enqueue_dma source(%dma_start3A_279 : memref<16x8x128xf32, #tpu.memory_space<hbm>>) target(%arg10 : memref<16x8x128xf32, #tpu.memory_space<vmem>>) target_semaphore(%arg14 : memref<!tpu.dma_semaphore, #tpu.memory_space<semaphore_mem>>)
      %mul3A_280 = arith.constant 256 : i32
      %mul3A_281 = arith.muli %add3A, %mul3A_280 : i32
      %mul3A_282 = arith.constant 16 : i32
      %mul3A_283 = arith.muli %mul3A_265, %mul3A_282 : i32
      %add3A_284 = arith.addi %mul3A_281, %mul3A_283 : i32
      %multiple_of3A_285 = tpu.assume_multiple %add3A_284, 16 : i32
      %dma_wait3A_286 = arith.constant 0 : i32
      %dma_wait3A_287 = arith.constant 0 : i32
      %dma_wait3A_288 = tpu.memref_slice %arg3[%multiple_of3A_285, %dma_wait3A_286, %dma_wait3A_287] : memref<8192x8x128xf32, #tpu.memory_space<hbm>> -> memref<16x8x128xf32, #tpu.memory_space<hbm>>
      %dma_wait3A_289 = arith.constant 0 : i32
      %dma_wait3A_290 = arith.constant 0 : i32
      %dma_wait3A_291 = tpu.memref_slice %arg3[%multiple_of3A_285, %dma_wait3A_289, %dma_wait3A_290] : memref<8192x8x128xf32, #tpu.memory_space<hbm>> -> memref<16x8x128xf32, #tpu.memory_space<hbm>>
      tpu.wait_dma2 semaphore(%arg13 : memref<!tpu.dma_semaphore, #tpu.memory_space<semaphore_mem>>) src(%dma_wait3A_291 : memref<16x8x128xf32, #tpu.memory_space<hbm>>) dst(%arg9 : memref<16x8x128xf32, #tpu.memory_space<vmem>>)
      %gt3A = arith.constant 0 : i32
      %gt3A_292 = arith.cmpi sgt, %scan3A_263, %gt3A : i32
      %convert_element_type3A = arith.extui %gt3A_292 : i1 to i32
      %cond3A = arith.constant 0 : i32
      %cond3A_293 = arith.cmpi ne, %convert_element_type3A, %cond3A : i32
      scf.if %cond3A_293 {
        %sub3A = arith.constant 2 : i32
        %sub3A_359 = arith.subi %mul3A_265, %sub3A : i32
        %mul3A_360 = arith.constant 256 : i32
        %mul3A_361 = arith.muli %add3A, %mul3A_360 : i32
        %mul3A_362 = arith.constant 16 : i32
        %mul3A_363 = arith.muli %sub3A_359, %mul3A_362 : i32
        %add3A_364 = arith.addi %mul3A_361, %mul3A_363 : i32
        %multiple_of3A_365 = tpu.assume_multiple %add3A_364, 16 : i32
        %mul3A_366 = arith.constant 128 : i32
        %mul3A_367 = arith.muli %multiple_of3A_365, %mul3A_366 : i32
        %add3A_368 = arith.constant 1048576 : i32
        %add3A_369 = arith.addi %add3A_368, %mul3A_367 : i32
        %dma_wait3A_370 = arith.constant 0 : i32
        %dma_wait3A_371 = tpu.memref_slice %arg8[%add3A_369, %dma_wait3A_370] : memref<6291456x8xf32, #tpu.memory_space<hbm>> -> memref<2048x8xf32, #tpu.memory_space<hbm>>
        %dma_wait3A_372 = arith.constant 0 : i32
        %dma_wait3A_373 = tpu.memref_slice %arg8[%add3A_369, %dma_wait3A_372] : memref<6291456x8xf32, #tpu.memory_space<hbm>> -> memref<2048x8xf32, #tpu.memory_space<hbm>>
        tpu.wait_dma2 semaphore(%arg15 : memref<!tpu.dma_semaphore, #tpu.memory_space<semaphore_mem>>) src(%arg11 : memref<2048x8xf32, #tpu.memory_space<vmem>>) dst(%dma_wait3A_373 : memref<2048x8xf32, #tpu.memory_space<hbm>>)
      } else {
      }
      %scan3A_294 = arith.constant 0 : i32
      %scan3A_295 = arith.constant 0 : i32
      %scan3A_296 = arith.constant 16 : i32
      %scan3A_297 = arith.addi %scan3A_295, %scan3A_296 : i32
      %scan3A_298 = arith.constant 1 : i32
      scf.for %scan3A_359 = %scan3A_295 to %scan3A_297 step %scan3A_298  : i32 {
        %mul3A_360 = arith.constant 128 : i32
        %mul3A_361 = arith.muli %scan3A_359, %mul3A_360 : i32
        %multiple_of3A_362 = tpu.assume_multiple %mul3A_361, 128 : i32
        %broadcast_in_dim3A = vector.broadcast %scan3A_359 : i32 to vector<16xi32>
        %scan3A_363 = arith.constant 0 : i32
        %scan3A_364 = arith.constant 0 : i32
        %scan3A_365 = arith.constant 8 : i32
        %scan3A_366 = arith.addi %scan3A_364, %scan3A_365 : i32
        %scan3A_367 = arith.constant 1 : i32
        scf.for %scan3A_369 = %scan3A_364 to %scan3A_366 step %scan3A_367  : i32 {
          %mul3A_370 = arith.constant 16 : i32
          %mul3A_371 = arith.muli %scan3A_369, %mul3A_370 : i32
          %multiple_of3A_372 = tpu.assume_multiple %mul3A_371, 16 : i32
          %add3A_373 = arith.constant 0 : i32
          %add3A_374 = vector.broadcast %add3A_373 : i32 to vector<16xi32>
          %add3A_375 = arith.addi %add3A_8, %add3A_374 : vector<16xi32>
          %and3A_376 = arith.constant 15 : i32
          %and3A_377 = vector.broadcast %and3A_376 : i32 to vector<16xi32>
          %and3A_378 = arith.andi %add3A_375, %and3A_377 : vector<16xi32>
          %add3A_379 = vector.broadcast %multiple_of3A_372 : i32 to vector<16xi32>
          %add3A_380 = arith.addi %add3A_379, %and3A_378 : vector<16xi32>
          %gather3A = tpu.vector_load_idx %arg9[%broadcast_in_dim3A, %and3A_2, %add3A_380] : memref<16x8x128xf32, #tpu.memory_space<vmem>>[vector<16xi32>, vector<16xi32>, vector<16xi32>], vector<16xf32>,
          %add3A_381 = vector.broadcast %multiple_of3A_362 : i32 to vector<16xi32>
          %add3A_382 = arith.addi %add3A_381, %add3A_380 : vector<16xi32>
          tpu.vector_store_idx %arg11[%add3A_382, %and3A_2], %gather3A : memref<2048x8xf32, #tpu.memory_space<vmem>>[vector<16xi32>, vector<16xi32>], vector<16xf32>,
          %add3A_383 = arith.constant 2 : i32
          %add3A_384 = vector.broadcast %add3A_383 : i32 to vector<16xi32>
          %add3A_385 = arith.addi %add3A_8, %add3A_384 : vector<16xi32>
          %and3A_386 = arith.constant 15 : i32
          %and3A_387 = vector.broadcast %and3A_386 : i32 to vector<16xi32>
          %and3A_388 = arith.andi %add3A_385, %and3A_387 : vector<16xi32>
          %add3A_389 = vector.broadcast %multiple_of3A_372 : i32 to vector<16xi32>
          %add3A_390 = arith.addi %add3A_389, %and3A_388 : vector<16xi32>
          %gather3A_391 = tpu.vector_load_idx %arg9[%broadcast_in_dim3A, %and3A_2, %add3A_390] : memref<16x8x128xf32, #tpu.memory_space<vmem>>[vector<16xi32>, vector<16xi32>, vector<16xi32>], vector<16xf32>,
          %add3A_392 = vector.broadcast %multiple_of3A_362 : i32 to vector<16xi32>
          %add3A_393 = arith.addi %add3A_392, %add3A_390 : vector<16xi32>
          tpu.vector_store_idx %arg11[%add3A_393, %and3A_2], %gather3A_391 : memref<2048x8xf32, #tpu.memory_space<vmem>>[vector<16xi32>, vector<16xi32>], vector<16xf32>,
          %add3A_394 = arith.constant 4 : i32
          %add3A_395 = vector.broadcast %add3A_394 : i32 to vector<16xi32>
          %add3A_396 = arith.addi %add3A_8, %add3A_395 : vector<16xi32>
          %and3A_397 = arith.constant 15 : i32
          %and3A_398 = vector.broadcast %and3A_397 : i32 to vector<16xi32>
          %and3A_399 = arith.andi %add3A_396, %and3A_398 : vector<16xi32>
          %add3A_400 = vector.broadcast %multiple_of3A_372 : i32 to vector<16xi32>
          %add3A_401 = arith.addi %add3A_400, %and3A_399 : vector<16xi32>
          %gather3A_402 = tpu.vector_load_idx %arg9[%broadcast_in_dim3A, %and3A_2, %add3A_401] : memref<16x8x128xf32, #tpu.memory_space<vmem>>[vector<16xi32>, vector<16xi32>, vector<16xi32>], vector<16xf32>,
          %add3A_403 = vector.broadcast %multiple_of3A_362 : i32 to vector<16xi32>
          %add3A_404 = arith.addi %add3A_403, %add3A_401 : vector<16xi32>
          tpu.vector_store_idx %arg11[%add3A_404, %and3A_2], %gather3A_402 : memref<2048x8xf32, #tpu.memory_space<vmem>>[vector<16xi32>, vector<16xi32>], vector<16xf32>,
          %add3A_405 = arith.constant 6 : i32
          %add3A_406 = vector.broadcast %add3A_405 : i32 to vector<16xi32>
          %add3A_407 = arith.addi %add3A_8, %add3A_406 : vector<16xi32>
          %and3A_408 = arith.constant 15 : i32
          %and3A_409 = vector.broadcast %and3A_408 : i32 to vector<16xi32>
          %and3A_410 = arith.andi %add3A_407, %and3A_409 : vector<16xi32>
          %add3A_411 = vector.broadcast %multiple_of3A_372 : i32 to vector<16xi32>
          %add3A_412 = arith.addi %add3A_411, %and3A_410 : vector<16xi32>
          %gather3A_413 = tpu.vector_load_idx %arg9[%broadcast_in_dim3A, %and3A_2, %add3A_412] : memref<16x8x128xf32, #tpu.memory_space<vmem>>[vector<16xi32>, vector<16xi32>, vector<16xi32>], vector<16xf32>,
          %add3A_414 = vector.broadcast %multiple_of3A_362 : i32 to vector<16xi32>
          %add3A_415 = arith.addi %add3A_414, %add3A_412 : vector<16xi32>
          tpu.vector_store_idx %arg11[%add3A_415, %and3A_2], %gather3A_413 : memref<2048x8xf32, #tpu.memory_space<vmem>>[vector<16xi32>, vector<16xi32>], vector<16xf32>,
          %add3A_416 = arith.constant 8 : i32
          %add3A_417 = vector.broadcast %add3A_416 : i32 to vector<16xi32>
          %add3A_418 = arith.addi %add3A_8, %add3A_417 : vector<16xi32>
          %and3A_419 = arith.constant 15 : i32
          %and3A_420 = vector.broadcast %and3A_419 : i32 to vector<16xi32>
          %and3A_421 = arith.andi %add3A_418, %and3A_420 : vector<16xi32>
          %add3A_422 = vector.broadcast %multiple_of3A_372 : i32 to vector<16xi32>
          %add3A_423 = arith.addi %add3A_422, %and3A_421 : vector<16xi32>
          %gather3A_424 = tpu.vector_load_idx %arg9[%broadcast_in_dim3A, %and3A_2, %add3A_423] : memref<16x8x128xf32, #tpu.memory_space<vmem>>[vector<16xi32>, vector<16xi32>, vector<16xi32>], vector<16xf32>,
          %add3A_425 = vector.broadcast %multiple_of3A_362 : i32 to vector<16xi32>
          %add3A_426 = arith.addi %add3A_425, %add3A_423 : vector<16xi32>
          tpu.vector_store_idx %arg11[%add3A_426, %and3A_2], %gather3A_424 : memref<2048x8xf32, #tpu.memory_space<vmem>>[vector<16xi32>, vector<16xi32>], vector<16xf32>,
          %add3A_427 = arith.constant 10 : i32
          %add3A_428 = vector.broadcast %add3A_427 : i32 to vector<16xi32>
          %add3A_429 = arith.addi %add3A_8, %add3A_428 : vector<16xi32>
          %and3A_430 = arith.constant 15 : i32
          %and3A_431 = vector.broadcast %and3A_430 : i32 to vector<16xi32>
          %and3A_432 = arith.andi %add3A_429, %and3A_431 : vector<16xi32>
          %add3A_433 = vector.broadcast %multiple_of3A_372 : i32 to vector<16xi32>
          %add3A_434 = arith.addi %add3A_433, %and3A_432 : vector<16xi32>
          %gather3A_435 = tpu.vector_load_idx %arg9[%broadcast_in_dim3A, %and3A_2, %add3A_434] : memref<16x8x128xf32, #tpu.memory_space<vmem>>[vector<16xi32>, vector<16xi32>, vector<16xi32>], vector<16xf32>,
          %add3A_436 = vector.broadcast %multiple_of3A_362 : i32 to vector<16xi32>
          %add3A_437 = arith.addi %add3A_436, %add3A_434 : vector<16xi32>
          tpu.vector_store_idx %arg11[%add3A_437, %and3A_2], %gather3A_435 : memref<2048x8xf32, #tpu.memory_space<vmem>>[vector<16xi32>, vector<16xi32>], vector<16xf32>,
          %add3A_438 = arith.constant 12 : i32
          %add3A_439 = vector.broadcast %add3A_438 : i32 to vector<16xi32>
          %add3A_440 = arith.addi %add3A_8, %add3A_439 : vector<16xi32>
          %and3A_441 = arith.constant 15 : i32
          %and3A_442 = vector.broadcast %and3A_441 : i32 to vector<16xi32>
          %and3A_443 = arith.andi %add3A_440, %and3A_442 : vector<16xi32>
          %add3A_444 = vector.broadcast %multiple_of3A_372 : i32 to vector<16xi32>
          %add3A_445 = arith.addi %add3A_444, %and3A_443 : vector<16xi32>
          %gather3A_446 = tpu.vector_load_idx %arg9[%broadcast_in_dim3A, %and3A_2, %add3A_445] : memref<16x8x128xf32, #tpu.memory_space<vmem>>[vector<16xi32>, vector<16xi32>, vector<16xi32>], vector<16xf32>,
          %add3A_447 = vector.broadcast %multiple_of3A_362 : i32 to vector<16xi32>
          %add3A_448 = arith.addi %add3A_447, %add3A_445 : vector<16xi32>
          tpu.vector_store_idx %arg11[%add3A_448, %and3A_2], %gather3A_446 : memref<2048x8xf32, #tpu.memory_space<vmem>>[vector<16xi32>, vector<16xi32>], vector<16xf32>,
          %add3A_449 = arith.constant 14 : i32
          %add3A_450 = vector.broadcast %add3A_449 : i32 to vector<16xi32>
          %add3A_451 = arith.addi %add3A_8, %add3A_450 : vector<16xi32>
          %and3A_452 = arith.constant 15 : i32
          %and3A_453 = vector.broadcast %and3A_452 : i32 to vector<16xi32>
          %and3A_454 = arith.andi %add3A_451, %and3A_453 : vector<16xi32>
          %add3A_455 = vector.broadcast %multiple_of3A_372 : i32 to vector<16xi32>
          %add3A_456 = arith.addi %add3A_455, %and3A_454 : vector<16xi32>
          %gather3A_457 = tpu.vector_load_idx %arg9[%broadcast_in_dim3A, %and3A_2, %add3A_456] : memref<16x8x128xf32, #tpu.memory_space<vmem>>[vector<16xi32>, vector<16xi32>, vector<16xi32>], vector<16xf32>,
          %add3A_458 = vector.broadcast %multiple_of3A_362 : i32 to vector<16xi32>
          %add3A_459 = arith.addi %add3A_458, %add3A_456 : vector<16xi32>
          tpu.vector_store_idx %arg11[%add3A_459, %and3A_2], %gather3A_457 : memref<2048x8xf32, #tpu.memory_space<vmem>>[vector<16xi32>, vector<16xi32>], vector<16xf32>,
        }
        %scan3A_368 = arith.constant 8 : i32
      }
      %scan3A_299 = arith.constant 16 : i32
      %mul3A_300 = arith.constant 256 : i32
      %mul3A_301 = arith.muli %add3A, %mul3A_300 : i32
      %mul3A_302 = arith.constant 16 : i32
      %mul3A_303 = arith.muli %mul3A_265, %mul3A_302 : i32
      %add3A_304 = arith.addi %mul3A_301, %mul3A_303 : i32
      %multiple_of3A_305 = tpu.assume_multiple %add3A_304, 16 : i32
      %mul3A_306 = arith.constant 128 : i32
      %mul3A_307 = arith.muli %multiple_of3A_305, %mul3A_306 : i32
      %add3A_308 = arith.constant 1048576 : i32
      %add3A_309 = arith.addi %add3A_308, %mul3A_307 : i32
      %dma_start3A_310 = arith.constant 0 : i32
      %dma_start3A_311 = tpu.memref_slice %arg8[%add3A_309, %dma_start3A_310] : memref<6291456x8xf32, #tpu.memory_space<hbm>> -> memref<2048x8xf32, #tpu.memory_space<hbm>>
      %dma_start3A_312 = arith.constant 0 : i32
      %dma_start3A_313 = tpu.memref_slice %arg8[%add3A_309, %dma_start3A_312] : memref<6291456x8xf32, #tpu.memory_space<hbm>> -> memref<2048x8xf32, #tpu.memory_space<hbm>>
      tpu.enqueue_dma source(%arg11 : memref<2048x8xf32, #tpu.memory_space<vmem>>) target(%dma_start3A_313 : memref<2048x8xf32, #tpu.memory_space<hbm>>) target_semaphore(%arg15 : memref<!tpu.dma_semaphore, #tpu.memory_space<semaphore_mem>>)
      %lt3A = arith.constant 7 : i32
      %lt3A_314 = arith.cmpi slt, %scan3A_263, %lt3A : i32
      %convert_element_type3A_315 = arith.extui %lt3A_314 : i1 to i32
      %cond3A_316 = arith.constant 0 : i32
      %cond3A_317 = arith.cmpi ne, %convert_element_type3A_315, %cond3A_316 : i32
      scf.if %cond3A_317 {
        %add3A_359 = arith.constant 2 : i32
        %add3A_360 = arith.addi %mul3A_265, %add3A_359 : i32
        %mul3A_361 = arith.constant 256 : i32
        %mul3A_362 = arith.muli %add3A, %mul3A_361 : i32
        %mul3A_363 = arith.constant 16 : i32
        %mul3A_364 = arith.muli %add3A_360, %mul3A_363 : i32
        %add3A_365 = arith.addi %mul3A_362, %mul3A_364 : i32
        %multiple_of3A_366 = tpu.assume_multiple %add3A_365, 16 : i32
        %dma_start3A_367 = arith.constant 0 : i32
        %dma_start3A_368 = arith.constant 0 : i32
        %dma_start3A_369 = tpu.memref_slice %arg3[%multiple_of3A_366, %dma_start3A_367, %dma_start3A_368] : memref<8192x8x128xf32, #tpu.memory_space<hbm>> -> memref<16x8x128xf32, #tpu.memory_space<hbm>>
        %dma_start3A_370 = arith.constant 0 : i32
        %dma_start3A_371 = arith.constant 0 : i32
        %dma_start3A_372 = tpu.memref_slice %arg3[%multiple_of3A_366, %dma_start3A_370, %dma_start3A_371] : memref<8192x8x128xf32, #tpu.memory_space<hbm>> -> memref<16x8x128xf32, #tpu.memory_space<hbm>>
        tpu.enqueue_dma source(%dma_start3A_372 : memref<16x8x128xf32, #tpu.memory_space<hbm>>) target(%arg9 : memref<16x8x128xf32, #tpu.memory_space<vmem>>) target_semaphore(%arg13 : memref<!tpu.dma_semaphore, #tpu.memory_space<semaphore_mem>>)
      } else {
      }
      %add3A_318 = arith.constant 1 : i32
      %add3A_319 = arith.addi %mul3A_265, %add3A_318 : i32
      %mul3A_320 = arith.constant 256 : i32
      %mul3A_321 = arith.muli %add3A, %mul3A_320 : i32
      %mul3A_322 = arith.constant 16 : i32
      %mul3A_323 = arith.muli %add3A_319, %mul3A_322 : i32
      %add3A_324 = arith.addi %mul3A_321, %mul3A_323 : i32
      %multiple_of3A_325 = tpu.assume_multiple %add3A_324, 16 : i32
      %dma_wait3A_326 = arith.constant 0 : i32
      %dma_wait3A_327 = arith.constant 0 : i32
      %dma_wait3A_328 = tpu.memref_slice %arg3[%multiple_of3A_325, %dma_wait3A_326, %dma_wait3A_327] : memref<8192x8x128xf32, #tpu.memory_space<hbm>> -> memref<16x8x128xf32, #tpu.memory_space<hbm>>
      %dma_wait3A_329 = arith.constant 0 : i32
      %dma_wait3A_330 = arith.constant 0 : i32
      %dma_wait3A_331 = tpu.memref_slice %arg3[%multiple_of3A_325, %dma_wait3A_329, %dma_wait3A_330] : memref<8192x8x128xf32, #tpu.memory_space<hbm>> -> memref<16x8x128xf32, #tpu.memory_space<hbm>>
      tpu.wait_dma2 semaphore(%arg14 : memref<!tpu.dma_semaphore, #tpu.memory_space<semaphore_mem>>) src(%dma_wait3A_331 : memref<16x8x128xf32, #tpu.memory_space<hbm>>) dst(%arg10 : memref<16x8x128xf32, #tpu.memory_space<vmem>>)
      %gt3A_332 = arith.constant 0 : i32
      %gt3A_333 = arith.cmpi sgt, %scan3A_263, %gt3A_332 : i32
      %convert_element_type3A_334 = arith.extui %gt3A_333 : i1 to i32
      %cond3A_335 = arith.constant 0 : i32
      %cond3A_336 = arith.cmpi ne, %convert_element_type3A_334, %cond3A_335 : i32
      scf.if %cond3A_336 {
        %sub3A = arith.constant 1 : i32
        %sub3A_359 = arith.subi %mul3A_265, %sub3A : i32
        %mul3A_360 = arith.constant 256 : i32
        %mul3A_361 = arith.muli %add3A, %mul3A_360 : i32
        %mul3A_362 = arith.constant 16 : i32
        %mul3A_363 = arith.muli %sub3A_359, %mul3A_362 : i32
        %add3A_364 = arith.addi %mul3A_361, %mul3A_363 : i32
        %multiple_of3A_365 = tpu.assume_multiple %add3A_364, 16 : i32
        %mul3A_366 = arith.constant 128 : i32
        %mul3A_367 = arith.muli %multiple_of3A_365, %mul3A_366 : i32
        %add3A_368 = arith.constant 1048576 : i32
        %add3A_369 = arith.addi %add3A_368, %mul3A_367 : i32
        %dma_wait3A_370 = arith.constant 0 : i32
        %dma_wait3A_371 = tpu.memref_slice %arg8[%add3A_369, %dma_wait3A_370] : memref<6291456x8xf32, #tpu.memory_space<hbm>> -> memref<2048x8xf32, #tpu.memory_space<hbm>>
        %dma_wait3A_372 = arith.constant 0 : i32
        %dma_wait3A_373 = tpu.memref_slice %arg8[%add3A_369, %dma_wait3A_372] : memref<6291456x8xf32, #tpu.memory_space<hbm>> -> memref<2048x8xf32, #tpu.memory_space<hbm>>
        tpu.wait_dma2 semaphore(%arg16 : memref<!tpu.dma_semaphore, #tpu.memory_space<semaphore_mem>>) src(%arg12 : memref<2048x8xf32, #tpu.memory_space<vmem>>) dst(%dma_wait3A_373 : memref<2048x8xf32, #tpu.memory_space<hbm>>)
      } else {
      }
      %scan3A_337 = arith.constant 0 : i32
      %scan3A_338 = arith.constant 0 : i32
      %scan3A_339 = arith.constant 16 : i32
      %scan3A_340 = arith.addi %scan3A_338, %scan3A_339 : i32
      %scan3A_341 = arith.constant 1 : i32
      scf.for %scan3A_359 = %scan3A_338 to %scan3A_340 step %scan3A_341  : i32 {
        %mul3A_360 = arith.constant 128 : i32
        %mul3A_361 = arith.muli %scan3A_359, %mul3A_360 : i32
        %multiple_of3A_362 = tpu.assume_multiple %mul3A_361, 128 : i32
        %broadcast_in_dim3A = vector.broadcast %scan3A_359 : i32 to vector<16xi32>
        %scan3A_363 = arith.constant 0 : i32
        %scan3A_364 = arith.constant 0 : i32
        %scan3A_365 = arith.constant 8 : i32
        %scan3A_366 = arith.addi %scan3A_364, %scan3A_365 : i32
        %scan3A_367 = arith.constant 1 : i32
        scf.for %scan3A_369 = %scan3A_364 to %scan3A_366 step %scan3A_367  : i32 {
          %mul3A_370 = arith.constant 16 : i32
          %mul3A_371 = arith.muli %scan3A_369, %mul3A_370 : i32
          %multiple_of3A_372 = tpu.assume_multiple %mul3A_371, 16 : i32
          %add3A_373 = arith.constant 0 : i32
          %add3A_374 = vector.broadcast %add3A_373 : i32 to vector<16xi32>
          %add3A_375 = arith.addi %add3A_8, %add3A_374 : vector<16xi32>
          %and3A_376 = arith.constant 15 : i32
          %and3A_377 = vector.broadcast %and3A_376 : i32 to vector<16xi32>
          %and3A_378 = arith.andi %add3A_375, %and3A_377 : vector<16xi32>
          %add3A_379 = vector.broadcast %multiple_of3A_372 : i32 to vector<16xi32>
          %add3A_380 = arith.addi %add3A_379, %and3A_378 : vector<16xi32>
          %gather3A = tpu.vector_load_idx %arg10[%broadcast_in_dim3A, %and3A_2, %add3A_380] : memref<16x8x128xf32, #tpu.memory_space<vmem>>[vector<16xi32>, vector<16xi32>, vector<16xi32>], vector<16xf32>,
          %add3A_381 = vector.broadcast %multiple_of3A_362 : i32 to vector<16xi32>
          %add3A_382 = arith.addi %add3A_381, %add3A_380 : vector<16xi32>
          tpu.vector_store_idx %arg12[%add3A_382, %and3A_2], %gather3A : memref<2048x8xf32, #tpu.memory_space<vmem>>[vector<16xi32>, vector<16xi32>], vector<16xf32>,
          %add3A_383 = arith.constant 2 : i32
          %add3A_384 = vector.broadcast %add3A_383 : i32 to vector<16xi32>
          %add3A_385 = arith.addi %add3A_8, %add3A_384 : vector<16xi32>
          %and3A_386 = arith.constant 15 : i32
          %and3A_387 = vector.broadcast %and3A_386 : i32 to vector<16xi32>
          %and3A_388 = arith.andi %add3A_385, %and3A_387 : vector<16xi32>
          %add3A_389 = vector.broadcast %multiple_of3A_372 : i32 to vector<16xi32>
          %add3A_390 = arith.addi %add3A_389, %and3A_388 : vector<16xi32>
          %gather3A_391 = tpu.vector_load_idx %arg10[%broadcast_in_dim3A, %and3A_2, %add3A_390] : memref<16x8x128xf32, #tpu.memory_space<vmem>>[vector<16xi32>, vector<16xi32>, vector<16xi32>], vector<16xf32>,
          %add3A_392 = vector.broadcast %multiple_of3A_362 : i32 to vector<16xi32>
          %add3A_393 = arith.addi %add3A_392, %add3A_390 : vector<16xi32>
          tpu.vector_store_idx %arg12[%add3A_393, %and3A_2], %gather3A_391 : memref<2048x8xf32, #tpu.memory_space<vmem>>[vector<16xi32>, vector<16xi32>], vector<16xf32>,
          %add3A_394 = arith.constant 4 : i32
          %add3A_395 = vector.broadcast %add3A_394 : i32 to vector<16xi32>
          %add3A_396 = arith.addi %add3A_8, %add3A_395 : vector<16xi32>
          %and3A_397 = arith.constant 15 : i32
          %and3A_398 = vector.broadcast %and3A_397 : i32 to vector<16xi32>
          %and3A_399 = arith.andi %add3A_396, %and3A_398 : vector<16xi32>
          %add3A_400 = vector.broadcast %multiple_of3A_372 : i32 to vector<16xi32>
          %add3A_401 = arith.addi %add3A_400, %and3A_399 : vector<16xi32>
          %gather3A_402 = tpu.vector_load_idx %arg10[%broadcast_in_dim3A, %and3A_2, %add3A_401] : memref<16x8x128xf32, #tpu.memory_space<vmem>>[vector<16xi32>, vector<16xi32>, vector<16xi32>], vector<16xf32>,
          %add3A_403 = vector.broadcast %multiple_of3A_362 : i32 to vector<16xi32>
          %add3A_404 = arith.addi %add3A_403, %add3A_401 : vector<16xi32>
          tpu.vector_store_idx %arg12[%add3A_404, %and3A_2], %gather3A_402 : memref<2048x8xf32, #tpu.memory_space<vmem>>[vector<16xi32>, vector<16xi32>], vector<16xf32>,
          %add3A_405 = arith.constant 6 : i32
          %add3A_406 = vector.broadcast %add3A_405 : i32 to vector<16xi32>
          %add3A_407 = arith.addi %add3A_8, %add3A_406 : vector<16xi32>
          %and3A_408 = arith.constant 15 : i32
          %and3A_409 = vector.broadcast %and3A_408 : i32 to vector<16xi32>
          %and3A_410 = arith.andi %add3A_407, %and3A_409 : vector<16xi32>
          %add3A_411 = vector.broadcast %multiple_of3A_372 : i32 to vector<16xi32>
          %add3A_412 = arith.addi %add3A_411, %and3A_410 : vector<16xi32>
          %gather3A_413 = tpu.vector_load_idx %arg10[%broadcast_in_dim3A, %and3A_2, %add3A_412] : memref<16x8x128xf32, #tpu.memory_space<vmem>>[vector<16xi32>, vector<16xi32>, vector<16xi32>], vector<16xf32>,
          %add3A_414 = vector.broadcast %multiple_of3A_362 : i32 to vector<16xi32>
          %add3A_415 = arith.addi %add3A_414, %add3A_412 : vector<16xi32>
          tpu.vector_store_idx %arg12[%add3A_415, %and3A_2], %gather3A_413 : memref<2048x8xf32, #tpu.memory_space<vmem>>[vector<16xi32>, vector<16xi32>], vector<16xf32>,
          %add3A_416 = arith.constant 8 : i32
          %add3A_417 = vector.broadcast %add3A_416 : i32 to vector<16xi32>
          %add3A_418 = arith.addi %add3A_8, %add3A_417 : vector<16xi32>
          %and3A_419 = arith.constant 15 : i32
          %and3A_420 = vector.broadcast %and3A_419 : i32 to vector<16xi32>
          %and3A_421 = arith.andi %add3A_418, %and3A_420 : vector<16xi32>
          %add3A_422 = vector.broadcast %multiple_of3A_372 : i32 to vector<16xi32>
          %add3A_423 = arith.addi %add3A_422, %and3A_421 : vector<16xi32>
          %gather3A_424 = tpu.vector_load_idx %arg10[%broadcast_in_dim3A, %and3A_2, %add3A_423] : memref<16x8x128xf32, #tpu.memory_space<vmem>>[vector<16xi32>, vector<16xi32>, vector<16xi32>], vector<16xf32>,
          %add3A_425 = vector.broadcast %multiple_of3A_362 : i32 to vector<16xi32>
          %add3A_426 = arith.addi %add3A_425, %add3A_423 : vector<16xi32>
          tpu.vector_store_idx %arg12[%add3A_426, %and3A_2], %gather3A_424 : memref<2048x8xf32, #tpu.memory_space<vmem>>[vector<16xi32>, vector<16xi32>], vector<16xf32>,
          %add3A_427 = arith.constant 10 : i32
          %add3A_428 = vector.broadcast %add3A_427 : i32 to vector<16xi32>
          %add3A_429 = arith.addi %add3A_8, %add3A_428 : vector<16xi32>
          %and3A_430 = arith.constant 15 : i32
          %and3A_431 = vector.broadcast %and3A_430 : i32 to vector<16xi32>
          %and3A_432 = arith.andi %add3A_429, %and3A_431 : vector<16xi32>
          %add3A_433 = vector.broadcast %multiple_of3A_372 : i32 to vector<16xi32>
          %add3A_434 = arith.addi %add3A_433, %and3A_432 : vector<16xi32>
          %gather3A_435 = tpu.vector_load_idx %arg10[%broadcast_in_dim3A, %and3A_2, %add3A_434] : memref<16x8x128xf32, #tpu.memory_space<vmem>>[vector<16xi32>, vector<16xi32>, vector<16xi32>], vector<16xf32>,
          %add3A_436 = vector.broadcast %multiple_of3A_362 : i32 to vector<16xi32>
          %add3A_437 = arith.addi %add3A_436, %add3A_434 : vector<16xi32>
          tpu.vector_store_idx %arg12[%add3A_437, %and3A_2], %gather3A_435 : memref<2048x8xf32, #tpu.memory_space<vmem>>[vector<16xi32>, vector<16xi32>], vector<16xf32>,
          %add3A_438 = arith.constant 12 : i32
          %add3A_439 = vector.broadcast %add3A_438 : i32 to vector<16xi32>
          %add3A_440 = arith.addi %add3A_8, %add3A_439 : vector<16xi32>
          %and3A_441 = arith.constant 15 : i32
          %and3A_442 = vector.broadcast %and3A_441 : i32 to vector<16xi32>
          %and3A_443 = arith.andi %add3A_440, %and3A_442 : vector<16xi32>
          %add3A_444 = vector.broadcast %multiple_of3A_372 : i32 to vector<16xi32>
          %add3A_445 = arith.addi %add3A_444, %and3A_443 : vector<16xi32>
          %gather3A_446 = tpu.vector_load_idx %arg10[%broadcast_in_dim3A, %and3A_2, %add3A_445] : memref<16x8x128xf32, #tpu.memory_space<vmem>>[vector<16xi32>, vector<16xi32>, vector<16xi32>], vector<16xf32>,
          %add3A_447 = vector.broadcast %multiple_of3A_362 : i32 to vector<16xi32>
          %add3A_448 = arith.addi %add3A_447, %add3A_445 : vector<16xi32>
          tpu.vector_store_idx %arg12[%add3A_448, %and3A_2], %gather3A_446 : memref<2048x8xf32, #tpu.memory_space<vmem>>[vector<16xi32>, vector<16xi32>], vector<16xf32>,
          %add3A_449 = arith.constant 14 : i32
          %add3A_450 = vector.broadcast %add3A_449 : i32 to vector<16xi32>
          %add3A_451 = arith.addi %add3A_8, %add3A_450 : vector<16xi32>
          %and3A_452 = arith.constant 15 : i32
          %and3A_453 = vector.broadcast %and3A_452 : i32 to vector<16xi32>
          %and3A_454 = arith.andi %add3A_451, %and3A_453 : vector<16xi32>
          %add3A_455 = vector.broadcast %multiple_of3A_372 : i32 to vector<16xi32>
          %add3A_456 = arith.addi %add3A_455, %and3A_454 : vector<16xi32>
          %gather3A_457 = tpu.vector_load_idx %arg10[%broadcast_in_dim3A, %and3A_2, %add3A_456] : memref<16x8x128xf32, #tpu.memory_space<vmem>>[vector<16xi32>, vector<16xi32>, vector<16xi32>], vector<16xf32>,
          %add3A_458 = vector.broadcast %multiple_of3A_362 : i32 to vector<16xi32>
          %add3A_459 = arith.addi %add3A_458, %add3A_456 : vector<16xi32>
          tpu.vector_store_idx %arg12[%add3A_459, %and3A_2], %gather3A_457 : memref<2048x8xf32, #tpu.memory_space<vmem>>[vector<16xi32>, vector<16xi32>], vector<16xf32>,
        }
        %scan3A_368 = arith.constant 8 : i32
      }
      %scan3A_342 = arith.constant 16 : i32
      %add3A_343 = arith.constant 1 : i32
      %add3A_344 = arith.addi %mul3A_265, %add3A_343 : i32
      %mul3A_345 = arith.constant 256 : i32
      %mul3A_346 = arith.muli %add3A, %mul3A_345 : i32
      %mul3A_347 = arith.constant 16 : i32
      %mul3A_348 = arith.muli %add3A_344, %mul3A_347 : i32
      %add3A_349 = arith.addi %mul3A_346, %mul3A_348 : i32
      %multiple_of3A_350 = tpu.assume_multiple %add3A_349, 16 : i32
      %mul3A_351 = arith.constant 128 : i32
      %mul3A_352 = arith.muli %multiple_of3A_350, %mul3A_351 : i32
      %add3A_353 = arith.constant 1048576 : i32
      %add3A_354 = arith.addi %add3A_353, %mul3A_352 : i32
      %dma_start3A_355 = arith.constant 0 : i32
      %dma_start3A_356 = tpu.memref_slice %arg8[%add3A_354, %dma_start3A_355] : memref<6291456x8xf32, #tpu.memory_space<hbm>> -> memref<2048x8xf32, #tpu.memory_space<hbm>>
      %dma_start3A_357 = arith.constant 0 : i32
      %dma_start3A_358 = tpu.memref_slice %arg8[%add3A_354, %dma_start3A_357] : memref<6291456x8xf32, #tpu.memory_space<hbm>> -> memref<2048x8xf32, #tpu.memory_space<hbm>>
      tpu.enqueue_dma source(%arg12 : memref<2048x8xf32, #tpu.memory_space<vmem>>) target(%dma_start3A_358 : memref<2048x8xf32, #tpu.memory_space<hbm>>) target_semaphore(%arg16 : memref<!tpu.dma_semaphore, #tpu.memory_space<semaphore_mem>>)
    }
    %scan3A_64 = arith.constant 8 : i32
    %mul3A_65 = arith.constant 256 : i32
    %mul3A_66 = arith.muli %add3A, %mul3A_65 : i32
    %add3A_67 = arith.constant 224 : i32
    %add3A_68 = arith.addi %mul3A_66, %add3A_67 : i32
    %multiple_of3A_69 = tpu.assume_multiple %add3A_68, 16 : i32
    %mul3A_70 = arith.constant 128 : i32
    %mul3A_71 = arith.muli %multiple_of3A_69, %mul3A_70 : i32
    %add3A_72 = arith.constant 1048576 : i32
    %add3A_73 = arith.addi %add3A_72, %mul3A_71 : i32
    %dma_wait3A_74 = arith.constant 0 : i32
    %dma_wait3A_75 = tpu.memref_slice %arg8[%add3A_73, %dma_wait3A_74] : memref<6291456x8xf32, #tpu.memory_space<hbm>> -> memref<2048x8xf32, #tpu.memory_space<hbm>>
    %dma_wait3A_76 = arith.constant 0 : i32
    %dma_wait3A_77 = tpu.memref_slice %arg8[%add3A_73, %dma_wait3A_76] : memref<6291456x8xf32, #tpu.memory_space<hbm>> -> memref<2048x8xf32, #tpu.memory_space<hbm>>
    tpu.wait_dma2 semaphore(%arg15 : memref<!tpu.dma_semaphore, #tpu.memory_space<semaphore_mem>>) src(%arg11 : memref<2048x8xf32, #tpu.memory_space<vmem>>) dst(%dma_wait3A_77 : memref<2048x8xf32, #tpu.memory_space<hbm>>)
    %mul3A_78 = arith.constant 256 : i32
    %mul3A_79 = arith.muli %add3A, %mul3A_78 : i32
    %add3A_80 = arith.constant 240 : i32
    %add3A_81 = arith.addi %mul3A_79, %add3A_80 : i32
    %multiple_of3A_82 = tpu.assume_multiple %add3A_81, 16 : i32
    %mul3A_83 = arith.constant 128 : i32
    %mul3A_84 = arith.muli %multiple_of3A_82, %mul3A_83 : i32
    %add3A_85 = arith.constant 1048576 : i32
    %add3A_86 = arith.addi %add3A_85, %mul3A_84 : i32
    %dma_wait3A_87 = arith.constant 0 : i32
    %dma_wait3A_88 = tpu.memref_slice %arg8[%add3A_86, %dma_wait3A_87] : memref<6291456x8xf32, #tpu.memory_space<hbm>> -> memref<2048x8xf32, #tpu.memory_space<hbm>>
    %dma_wait3A_89 = arith.constant 0 : i32
    %dma_wait3A_90 = tpu.memref_slice %arg8[%add3A_86, %dma_wait3A_89] : memref<6291456x8xf32, #tpu.memory_space<hbm>> -> memref<2048x8xf32, #tpu.memory_space<hbm>>
    tpu.wait_dma2 semaphore(%arg16 : memref<!tpu.dma_semaphore, #tpu.memory_space<semaphore_mem>>) src(%arg12 : memref<2048x8xf32, #tpu.memory_space<vmem>>) dst(%dma_wait3A_90 : memref<2048x8xf32, #tpu.memory_space<hbm>>)
    %mul3A_91 = arith.constant 256 : i32
    %mul3A_92 = arith.muli %add3A, %mul3A_91 : i32
    %add3A_93 = arith.constant 0 : i32
    %add3A_94 = arith.addi %mul3A_92, %add3A_93 : i32
    %multiple_of3A_95 = tpu.assume_multiple %add3A_94, 16 : i32
    %dma_start3A_96 = arith.constant 0 : i32
    %dma_start3A_97 = arith.constant 0 : i32
    %dma_start3A_98 = tpu.memref_slice %arg4[%multiple_of3A_95, %dma_start3A_96, %dma_start3A_97] : memref<8192x8x128xf32, #tpu.memory_space<hbm>> -> memref<16x8x128xf32, #tpu.memory_space<hbm>>
    %dma_start3A_99 = arith.constant 0 : i32
    %dma_start3A_100 = arith.constant 0 : i32
    %dma_start3A_101 = tpu.memref_slice %arg4[%multiple_of3A_95, %dma_start3A_99, %dma_start3A_100] : memref<8192x8x128xf32, #tpu.memory_space<hbm>> -> memref<16x8x128xf32, #tpu.memory_space<hbm>>
    tpu.enqueue_dma source(%dma_start3A_101 : memref<16x8x128xf32, #tpu.memory_space<hbm>>) target(%arg9 : memref<16x8x128xf32, #tpu.memory_space<vmem>>) target_semaphore(%arg13 : memref<!tpu.dma_semaphore, #tpu.memory_space<semaphore_mem>>)
    %scan3A_102 = arith.constant 0 : i32
    %scan3A_103 = arith.constant 0 : i32
    %scan3A_104 = arith.constant 8 : i32
    %scan3A_105 = arith.addi %scan3A_103, %scan3A_104 : i32
    %scan3A_106 = arith.constant 1 : i32
    scf.for %scan3A_263 = %scan3A_103 to %scan3A_105 step %scan3A_106  : i32 {
      %mul3A_264 = arith.constant 2 : i32
      %mul3A_265 = arith.muli %mul3A_264, %scan3A_263 : i32
      %add3A_266 = arith.constant 1 : i32
      %add3A_267 = arith.addi %mul3A_265, %add3A_266 : i32
      %mul3A_268 = arith.constant 256 : i32
      %mul3A_269 = arith.muli %add3A, %mul3A_268 : i32
      %mul3A_270 = arith.constant 16 : i32
      %mul3A_271 = arith.muli %add3A_267, %mul3A_270 : i32
      %add3A_272 = arith.addi %mul3A_269, %mul3A_271 : i32
      %multiple_of3A_273 = tpu.assume_multiple %add3A_272, 16 : i32
      %dma_start3A_274 = arith.constant 0 : i32
      %dma_start3A_275 = arith.constant 0 : i32
      %dma_start3A_276 = tpu.memref_slice %arg4[%multiple_of3A_273, %dma_start3A_274, %dma_start3A_275] : memref<8192x8x128xf32, #tpu.memory_space<hbm>> -> memref<16x8x128xf32, #tpu.memory_space<hbm>>
      %dma_start3A_277 = arith.constant 0 : i32
      %dma_start3A_278 = arith.constant 0 : i32
      %dma_start3A_279 = tpu.memref_slice %arg4[%multiple_of3A_273, %dma_start3A_277, %dma_start3A_278] : memref<8192x8x128xf32, #tpu.memory_space<hbm>> -> memref<16x8x128xf32, #tpu.memory_space<hbm>>
      tpu.enqueue_dma source(%dma_start3A_279 : memref<16x8x128xf32, #tpu.memory_space<hbm>>) target(%arg10 : memref<16x8x128xf32, #tpu.memory_space<vmem>>) target_semaphore(%arg14 : memref<!tpu.dma_semaphore, #tpu.memory_space<semaphore_mem>>)
      %mul3A_280 = arith.constant 256 : i32
      %mul3A_281 = arith.muli %add3A, %mul3A_280 : i32
      %mul3A_282 = arith.constant 16 : i32
      %mul3A_283 = arith.muli %mul3A_265, %mul3A_282 : i32
      %add3A_284 = arith.addi %mul3A_281, %mul3A_283 : i32
      %multiple_of3A_285 = tpu.assume_multiple %add3A_284, 16 : i32
      %dma_wait3A_286 = arith.constant 0 : i32
      %dma_wait3A_287 = arith.constant 0 : i32
      %dma_wait3A_288 = tpu.memref_slice %arg4[%multiple_of3A_285, %dma_wait3A_286, %dma_wait3A_287] : memref<8192x8x128xf32, #tpu.memory_space<hbm>> -> memref<16x8x128xf32, #tpu.memory_space<hbm>>
      %dma_wait3A_289 = arith.constant 0 : i32
      %dma_wait3A_290 = arith.constant 0 : i32
      %dma_wait3A_291 = tpu.memref_slice %arg4[%multiple_of3A_285, %dma_wait3A_289, %dma_wait3A_290] : memref<8192x8x128xf32, #tpu.memory_space<hbm>> -> memref<16x8x128xf32, #tpu.memory_space<hbm>>
      tpu.wait_dma2 semaphore(%arg13 : memref<!tpu.dma_semaphore, #tpu.memory_space<semaphore_mem>>) src(%dma_wait3A_291 : memref<16x8x128xf32, #tpu.memory_space<hbm>>) dst(%arg9 : memref<16x8x128xf32, #tpu.memory_space<vmem>>)
      %gt3A = arith.constant 0 : i32
      %gt3A_292 = arith.cmpi sgt, %scan3A_263, %gt3A : i32
      %convert_element_type3A = arith.extui %gt3A_292 : i1 to i32
      %cond3A = arith.constant 0 : i32
      %cond3A_293 = arith.cmpi ne, %convert_element_type3A, %cond3A : i32
      scf.if %cond3A_293 {
        %sub3A = arith.constant 2 : i32
        %sub3A_359 = arith.subi %mul3A_265, %sub3A : i32
        %mul3A_360 = arith.constant 256 : i32
        %mul3A_361 = arith.muli %add3A, %mul3A_360 : i32
        %mul3A_362 = arith.constant 16 : i32
        %mul3A_363 = arith.muli %sub3A_359, %mul3A_362 : i32
        %add3A_364 = arith.addi %mul3A_361, %mul3A_363 : i32
        %multiple_of3A_365 = tpu.assume_multiple %add3A_364, 16 : i32
        %mul3A_366 = arith.constant 128 : i32
        %mul3A_367 = arith.muli %multiple_of3A_365, %mul3A_366 : i32
        %add3A_368 = arith.constant 2097152 : i32
        %add3A_369 = arith.addi %add3A_368, %mul3A_367 : i32
        %dma_wait3A_370 = arith.constant 0 : i32
        %dma_wait3A_371 = tpu.memref_slice %arg8[%add3A_369, %dma_wait3A_370] : memref<6291456x8xf32, #tpu.memory_space<hbm>> -> memref<2048x8xf32, #tpu.memory_space<hbm>>
        %dma_wait3A_372 = arith.constant 0 : i32
        %dma_wait3A_373 = tpu.memref_slice %arg8[%add3A_369, %dma_wait3A_372] : memref<6291456x8xf32, #tpu.memory_space<hbm>> -> memref<2048x8xf32, #tpu.memory_space<hbm>>
        tpu.wait_dma2 semaphore(%arg15 : memref<!tpu.dma_semaphore, #tpu.memory_space<semaphore_mem>>) src(%arg11 : memref<2048x8xf32, #tpu.memory_space<vmem>>) dst(%dma_wait3A_373 : memref<2048x8xf32, #tpu.memory_space<hbm>>)
      } else {
      }
      %scan3A_294 = arith.constant 0 : i32
      %scan3A_295 = arith.constant 0 : i32
      %scan3A_296 = arith.constant 16 : i32
      %scan3A_297 = arith.addi %scan3A_295, %scan3A_296 : i32
      %scan3A_298 = arith.constant 1 : i32
      scf.for %scan3A_359 = %scan3A_295 to %scan3A_297 step %scan3A_298  : i32 {
        %mul3A_360 = arith.constant 128 : i32
        %mul3A_361 = arith.muli %scan3A_359, %mul3A_360 : i32
        %multiple_of3A_362 = tpu.assume_multiple %mul3A_361, 128 : i32
        %broadcast_in_dim3A = vector.broadcast %scan3A_359 : i32 to vector<16xi32>
        %scan3A_363 = arith.constant 0 : i32
        %scan3A_364 = arith.constant 0 : i32
        %scan3A_365 = arith.constant 8 : i32
        %scan3A_366 = arith.addi %scan3A_364, %scan3A_365 : i32
        %scan3A_367 = arith.constant 1 : i32
        scf.for %scan3A_369 = %scan3A_364 to %scan3A_366 step %scan3A_367  : i32 {
          %mul3A_370 = arith.constant 16 : i32
          %mul3A_371 = arith.muli %scan3A_369, %mul3A_370 : i32
          %multiple_of3A_372 = tpu.assume_multiple %mul3A_371, 16 : i32
          %add3A_373 = arith.constant 0 : i32
          %add3A_374 = vector.broadcast %add3A_373 : i32 to vector<16xi32>
          %add3A_375 = arith.addi %add3A_8, %add3A_374 : vector<16xi32>
          %and3A_376 = arith.constant 15 : i32
          %and3A_377 = vector.broadcast %and3A_376 : i32 to vector<16xi32>
          %and3A_378 = arith.andi %add3A_375, %and3A_377 : vector<16xi32>
          %add3A_379 = vector.broadcast %multiple_of3A_372 : i32 to vector<16xi32>
          %add3A_380 = arith.addi %add3A_379, %and3A_378 : vector<16xi32>
          %gather3A = tpu.vector_load_idx %arg9[%broadcast_in_dim3A, %and3A_2, %add3A_380] : memref<16x8x128xf32, #tpu.memory_space<vmem>>[vector<16xi32>, vector<16xi32>, vector<16xi32>], vector<16xf32>,
          %add3A_381 = vector.broadcast %multiple_of3A_362 : i32 to vector<16xi32>
          %add3A_382 = arith.addi %add3A_381, %add3A_380 : vector<16xi32>
          tpu.vector_store_idx %arg11[%add3A_382, %and3A_2], %gather3A : memref<2048x8xf32, #tpu.memory_space<vmem>>[vector<16xi32>, vector<16xi32>], vector<16xf32>,
          %add3A_383 = arith.constant 2 : i32
          %add3A_384 = vector.broadcast %add3A_383 : i32 to vector<16xi32>
          %add3A_385 = arith.addi %add3A_8, %add3A_384 : vector<16xi32>
          %and3A_386 = arith.constant 15 : i32
          %and3A_387 = vector.broadcast %and3A_386 : i32 to vector<16xi32>
          %and3A_388 = arith.andi %add3A_385, %and3A_387 : vector<16xi32>
          %add3A_389 = vector.broadcast %multiple_of3A_372 : i32 to vector<16xi32>
          %add3A_390 = arith.addi %add3A_389, %and3A_388 : vector<16xi32>
          %gather3A_391 = tpu.vector_load_idx %arg9[%broadcast_in_dim3A, %and3A_2, %add3A_390] : memref<16x8x128xf32, #tpu.memory_space<vmem>>[vector<16xi32>, vector<16xi32>, vector<16xi32>], vector<16xf32>,
          %add3A_392 = vector.broadcast %multiple_of3A_362 : i32 to vector<16xi32>
          %add3A_393 = arith.addi %add3A_392, %add3A_390 : vector<16xi32>
          tpu.vector_store_idx %arg11[%add3A_393, %and3A_2], %gather3A_391 : memref<2048x8xf32, #tpu.memory_space<vmem>>[vector<16xi32>, vector<16xi32>], vector<16xf32>,
          %add3A_394 = arith.constant 4 : i32
          %add3A_395 = vector.broadcast %add3A_394 : i32 to vector<16xi32>
          %add3A_396 = arith.addi %add3A_8, %add3A_395 : vector<16xi32>
          %and3A_397 = arith.constant 15 : i32
          %and3A_398 = vector.broadcast %and3A_397 : i32 to vector<16xi32>
          %and3A_399 = arith.andi %add3A_396, %and3A_398 : vector<16xi32>
          %add3A_400 = vector.broadcast %multiple_of3A_372 : i32 to vector<16xi32>
          %add3A_401 = arith.addi %add3A_400, %and3A_399 : vector<16xi32>
          %gather3A_402 = tpu.vector_load_idx %arg9[%broadcast_in_dim3A, %and3A_2, %add3A_401] : memref<16x8x128xf32, #tpu.memory_space<vmem>>[vector<16xi32>, vector<16xi32>, vector<16xi32>], vector<16xf32>,
          %add3A_403 = vector.broadcast %multiple_of3A_362 : i32 to vector<16xi32>
          %add3A_404 = arith.addi %add3A_403, %add3A_401 : vector<16xi32>
          tpu.vector_store_idx %arg11[%add3A_404, %and3A_2], %gather3A_402 : memref<2048x8xf32, #tpu.memory_space<vmem>>[vector<16xi32>, vector<16xi32>], vector<16xf32>,
          %add3A_405 = arith.constant 6 : i32
          %add3A_406 = vector.broadcast %add3A_405 : i32 to vector<16xi32>
          %add3A_407 = arith.addi %add3A_8, %add3A_406 : vector<16xi32>
          %and3A_408 = arith.constant 15 : i32
          %and3A_409 = vector.broadcast %and3A_408 : i32 to vector<16xi32>
          %and3A_410 = arith.andi %add3A_407, %and3A_409 : vector<16xi32>
          %add3A_411 = vector.broadcast %multiple_of3A_372 : i32 to vector<16xi32>
          %add3A_412 = arith.addi %add3A_411, %and3A_410 : vector<16xi32>
          %gather3A_413 = tpu.vector_load_idx %arg9[%broadcast_in_dim3A, %and3A_2, %add3A_412] : memref<16x8x128xf32, #tpu.memory_space<vmem>>[vector<16xi32>, vector<16xi32>, vector<16xi32>], vector<16xf32>,
          %add3A_414 = vector.broadcast %multiple_of3A_362 : i32 to vector<16xi32>
          %add3A_415 = arith.addi %add3A_414, %add3A_412 : vector<16xi32>
          tpu.vector_store_idx %arg11[%add3A_415, %and3A_2], %gather3A_413 : memref<2048x8xf32, #tpu.memory_space<vmem>>[vector<16xi32>, vector<16xi32>], vector<16xf32>,
          %add3A_416 = arith.constant 8 : i32
          %add3A_417 = vector.broadcast %add3A_416 : i32 to vector<16xi32>
          %add3A_418 = arith.addi %add3A_8, %add3A_417 : vector<16xi32>
          %and3A_419 = arith.constant 15 : i32
          %and3A_420 = vector.broadcast %and3A_419 : i32 to vector<16xi32>
          %and3A_421 = arith.andi %add3A_418, %and3A_420 : vector<16xi32>
          %add3A_422 = vector.broadcast %multiple_of3A_372 : i32 to vector<16xi32>
          %add3A_423 = arith.addi %add3A_422, %and3A_421 : vector<16xi32>
          %gather3A_424 = tpu.vector_load_idx %arg9[%broadcast_in_dim3A, %and3A_2, %add3A_423] : memref<16x8x128xf32, #tpu.memory_space<vmem>>[vector<16xi32>, vector<16xi32>, vector<16xi32>], vector<16xf32>,
          %add3A_425 = vector.broadcast %multiple_of3A_362 : i32 to vector<16xi32>
          %add3A_426 = arith.addi %add3A_425, %add3A_423 : vector<16xi32>
          tpu.vector_store_idx %arg11[%add3A_426, %and3A_2], %gather3A_424 : memref<2048x8xf32, #tpu.memory_space<vmem>>[vector<16xi32>, vector<16xi32>], vector<16xf32>,
          %add3A_427 = arith.constant 10 : i32
          %add3A_428 = vector.broadcast %add3A_427 : i32 to vector<16xi32>
          %add3A_429 = arith.addi %add3A_8, %add3A_428 : vector<16xi32>
          %and3A_430 = arith.constant 15 : i32
          %and3A_431 = vector.broadcast %and3A_430 : i32 to vector<16xi32>
          %and3A_432 = arith.andi %add3A_429, %and3A_431 : vector<16xi32>
          %add3A_433 = vector.broadcast %multiple_of3A_372 : i32 to vector<16xi32>
          %add3A_434 = arith.addi %add3A_433, %and3A_432 : vector<16xi32>
          %gather3A_435 = tpu.vector_load_idx %arg9[%broadcast_in_dim3A, %and3A_2, %add3A_434] : memref<16x8x128xf32, #tpu.memory_space<vmem>>[vector<16xi32>, vector<16xi32>, vector<16xi32>], vector<16xf32>,
          %add3A_436 = vector.broadcast %multiple_of3A_362 : i32 to vector<16xi32>
          %add3A_437 = arith.addi %add3A_436, %add3A_434 : vector<16xi32>
          tpu.vector_store_idx %arg11[%add3A_437, %and3A_2], %gather3A_435 : memref<2048x8xf32, #tpu.memory_space<vmem>>[vector<16xi32>, vector<16xi32>], vector<16xf32>,
          %add3A_438 = arith.constant 12 : i32
          %add3A_439 = vector.broadcast %add3A_438 : i32 to vector<16xi32>
          %add3A_440 = arith.addi %add3A_8, %add3A_439 : vector<16xi32>
          %and3A_441 = arith.constant 15 : i32
          %and3A_442 = vector.broadcast %and3A_441 : i32 to vector<16xi32>
          %and3A_443 = arith.andi %add3A_440, %and3A_442 : vector<16xi32>
          %add3A_444 = vector.broadcast %multiple_of3A_372 : i32 to vector<16xi32>
          %add3A_445 = arith.addi %add3A_444, %and3A_443 : vector<16xi32>
          %gather3A_446 = tpu.vector_load_idx %arg9[%broadcast_in_dim3A, %and3A_2, %add3A_445] : memref<16x8x128xf32, #tpu.memory_space<vmem>>[vector<16xi32>, vector<16xi32>, vector<16xi32>], vector<16xf32>,
          %add3A_447 = vector.broadcast %multiple_of3A_362 : i32 to vector<16xi32>
          %add3A_448 = arith.addi %add3A_447, %add3A_445 : vector<16xi32>
          tpu.vector_store_idx %arg11[%add3A_448, %and3A_2], %gather3A_446 : memref<2048x8xf32, #tpu.memory_space<vmem>>[vector<16xi32>, vector<16xi32>], vector<16xf32>,
          %add3A_449 = arith.constant 14 : i32
          %add3A_450 = vector.broadcast %add3A_449 : i32 to vector<16xi32>
          %add3A_451 = arith.addi %add3A_8, %add3A_450 : vector<16xi32>
          %and3A_452 = arith.constant 15 : i32
          %and3A_453 = vector.broadcast %and3A_452 : i32 to vector<16xi32>
          %and3A_454 = arith.andi %add3A_451, %and3A_453 : vector<16xi32>
          %add3A_455 = vector.broadcast %multiple_of3A_372 : i32 to vector<16xi32>
          %add3A_456 = arith.addi %add3A_455, %and3A_454 : vector<16xi32>
          %gather3A_457 = tpu.vector_load_idx %arg9[%broadcast_in_dim3A, %and3A_2, %add3A_456] : memref<16x8x128xf32, #tpu.memory_space<vmem>>[vector<16xi32>, vector<16xi32>, vector<16xi32>], vector<16xf32>,
          %add3A_458 = vector.broadcast %multiple_of3A_362 : i32 to vector<16xi32>
          %add3A_459 = arith.addi %add3A_458, %add3A_456 : vector<16xi32>
          tpu.vector_store_idx %arg11[%add3A_459, %and3A_2], %gather3A_457 : memref<2048x8xf32, #tpu.memory_space<vmem>>[vector<16xi32>, vector<16xi32>], vector<16xf32>,
        }
        %scan3A_368 = arith.constant 8 : i32
      }
      %scan3A_299 = arith.constant 16 : i32
      %mul3A_300 = arith.constant 256 : i32
      %mul3A_301 = arith.muli %add3A, %mul3A_300 : i32
      %mul3A_302 = arith.constant 16 : i32
      %mul3A_303 = arith.muli %mul3A_265, %mul3A_302 : i32
      %add3A_304 = arith.addi %mul3A_301, %mul3A_303 : i32
      %multiple_of3A_305 = tpu.assume_multiple %add3A_304, 16 : i32
      %mul3A_306 = arith.constant 128 : i32
      %mul3A_307 = arith.muli %multiple_of3A_305, %mul3A_306 : i32
      %add3A_308 = arith.constant 2097152 : i32
      %add3A_309 = arith.addi %add3A_308, %mul3A_307 : i32
      %dma_start3A_310 = arith.constant 0 : i32
      %dma_start3A_311 = tpu.memref_slice %arg8[%add3A_309, %dma_start3A_310] : memref<6291456x8xf32, #tpu.memory_space<hbm>> -> memref<2048x8xf32, #tpu.memory_space<hbm>>
      %dma_start3A_312 = arith.constant 0 : i32
      %dma_start3A_313 = tpu.memref_slice %arg8[%add3A_309, %dma_start3A_312] : memref<6291456x8xf32, #tpu.memory_space<hbm>> -> memref<2048x8xf32, #tpu.memory_space<hbm>>
      tpu.enqueue_dma source(%arg11 : memref<2048x8xf32, #tpu.memory_space<vmem>>) target(%dma_start3A_313 : memref<2048x8xf32, #tpu.memory_space<hbm>>) target_semaphore(%arg15 : memref<!tpu.dma_semaphore, #tpu.memory_space<semaphore_mem>>)
      %lt3A = arith.constant 7 : i32
      %lt3A_314 = arith.cmpi slt, %scan3A_263, %lt3A : i32
      %convert_element_type3A_315 = arith.extui %lt3A_314 : i1 to i32
      %cond3A_316 = arith.constant 0 : i32
      %cond3A_317 = arith.cmpi ne, %convert_element_type3A_315, %cond3A_316 : i32
      scf.if %cond3A_317 {
        %add3A_359 = arith.constant 2 : i32
        %add3A_360 = arith.addi %mul3A_265, %add3A_359 : i32
        %mul3A_361 = arith.constant 256 : i32
        %mul3A_362 = arith.muli %add3A, %mul3A_361 : i32
        %mul3A_363 = arith.constant 16 : i32
        %mul3A_364 = arith.muli %add3A_360, %mul3A_363 : i32
        %add3A_365 = arith.addi %mul3A_362, %mul3A_364 : i32
        %multiple_of3A_366 = tpu.assume_multiple %add3A_365, 16 : i32
        %dma_start3A_367 = arith.constant 0 : i32
        %dma_start3A_368 = arith.constant 0 : i32
        %dma_start3A_369 = tpu.memref_slice %arg4[%multiple_of3A_366, %dma_start3A_367, %dma_start3A_368] : memref<8192x8x128xf32, #tpu.memory_space<hbm>> -> memref<16x8x128xf32, #tpu.memory_space<hbm>>
        %dma_start3A_370 = arith.constant 0 : i32
        %dma_start3A_371 = arith.constant 0 : i32
        %dma_start3A_372 = tpu.memref_slice %arg4[%multiple_of3A_366, %dma_start3A_370, %dma_start3A_371] : memref<8192x8x128xf32, #tpu.memory_space<hbm>> -> memref<16x8x128xf32, #tpu.memory_space<hbm>>
        tpu.enqueue_dma source(%dma_start3A_372 : memref<16x8x128xf32, #tpu.memory_space<hbm>>) target(%arg9 : memref<16x8x128xf32, #tpu.memory_space<vmem>>) target_semaphore(%arg13 : memref<!tpu.dma_semaphore, #tpu.memory_space<semaphore_mem>>)
      } else {
      }
      %add3A_318 = arith.constant 1 : i32
      %add3A_319 = arith.addi %mul3A_265, %add3A_318 : i32
      %mul3A_320 = arith.constant 256 : i32
      %mul3A_321 = arith.muli %add3A, %mul3A_320 : i32
      %mul3A_322 = arith.constant 16 : i32
      %mul3A_323 = arith.muli %add3A_319, %mul3A_322 : i32
      %add3A_324 = arith.addi %mul3A_321, %mul3A_323 : i32
      %multiple_of3A_325 = tpu.assume_multiple %add3A_324, 16 : i32
      %dma_wait3A_326 = arith.constant 0 : i32
      %dma_wait3A_327 = arith.constant 0 : i32
      %dma_wait3A_328 = tpu.memref_slice %arg4[%multiple_of3A_325, %dma_wait3A_326, %dma_wait3A_327] : memref<8192x8x128xf32, #tpu.memory_space<hbm>> -> memref<16x8x128xf32, #tpu.memory_space<hbm>>
      %dma_wait3A_329 = arith.constant 0 : i32
      %dma_wait3A_330 = arith.constant 0 : i32
      %dma_wait3A_331 = tpu.memref_slice %arg4[%multiple_of3A_325, %dma_wait3A_329, %dma_wait3A_330] : memref<8192x8x128xf32, #tpu.memory_space<hbm>> -> memref<16x8x128xf32, #tpu.memory_space<hbm>>
      tpu.wait_dma2 semaphore(%arg14 : memref<!tpu.dma_semaphore, #tpu.memory_space<semaphore_mem>>) src(%dma_wait3A_331 : memref<16x8x128xf32, #tpu.memory_space<hbm>>) dst(%arg10 : memref<16x8x128xf32, #tpu.memory_space<vmem>>)
      %gt3A_332 = arith.constant 0 : i32
      %gt3A_333 = arith.cmpi sgt, %scan3A_263, %gt3A_332 : i32
      %convert_element_type3A_334 = arith.extui %gt3A_333 : i1 to i32
      %cond3A_335 = arith.constant 0 : i32
      %cond3A_336 = arith.cmpi ne, %convert_element_type3A_334, %cond3A_335 : i32
      scf.if %cond3A_336 {
        %sub3A = arith.constant 1 : i32
        %sub3A_359 = arith.subi %mul3A_265, %sub3A : i32
        %mul3A_360 = arith.constant 256 : i32
        %mul3A_361 = arith.muli %add3A, %mul3A_360 : i32
        %mul3A_362 = arith.constant 16 : i32
        %mul3A_363 = arith.muli %sub3A_359, %mul3A_362 : i32
        %add3A_364 = arith.addi %mul3A_361, %mul3A_363 : i32
        %multiple_of3A_365 = tpu.assume_multiple %add3A_364, 16 : i32
        %mul3A_366 = arith.constant 128 : i32
        %mul3A_367 = arith.muli %multiple_of3A_365, %mul3A_366 : i32
        %add3A_368 = arith.constant 2097152 : i32
        %add3A_369 = arith.addi %add3A_368, %mul3A_367 : i32
        %dma_wait3A_370 = arith.constant 0 : i32
        %dma_wait3A_371 = tpu.memref_slice %arg8[%add3A_369, %dma_wait3A_370] : memref<6291456x8xf32, #tpu.memory_space<hbm>> -> memref<2048x8xf32, #tpu.memory_space<hbm>>
        %dma_wait3A_372 = arith.constant 0 : i32
        %dma_wait3A_373 = tpu.memref_slice %arg8[%add3A_369, %dma_wait3A_372] : memref<6291456x8xf32, #tpu.memory_space<hbm>> -> memref<2048x8xf32, #tpu.memory_space<hbm>>
        tpu.wait_dma2 semaphore(%arg16 : memref<!tpu.dma_semaphore, #tpu.memory_space<semaphore_mem>>) src(%arg12 : memref<2048x8xf32, #tpu.memory_space<vmem>>) dst(%dma_wait3A_373 : memref<2048x8xf32, #tpu.memory_space<hbm>>)
      } else {
      }
      %scan3A_337 = arith.constant 0 : i32
      %scan3A_338 = arith.constant 0 : i32
      %scan3A_339 = arith.constant 16 : i32
      %scan3A_340 = arith.addi %scan3A_338, %scan3A_339 : i32
      %scan3A_341 = arith.constant 1 : i32
      scf.for %scan3A_359 = %scan3A_338 to %scan3A_340 step %scan3A_341  : i32 {
        %mul3A_360 = arith.constant 128 : i32
        %mul3A_361 = arith.muli %scan3A_359, %mul3A_360 : i32
        %multiple_of3A_362 = tpu.assume_multiple %mul3A_361, 128 : i32
        %broadcast_in_dim3A = vector.broadcast %scan3A_359 : i32 to vector<16xi32>
        %scan3A_363 = arith.constant 0 : i32
        %scan3A_364 = arith.constant 0 : i32
        %scan3A_365 = arith.constant 8 : i32
        %scan3A_366 = arith.addi %scan3A_364, %scan3A_365 : i32
        %scan3A_367 = arith.constant 1 : i32
        scf.for %scan3A_369 = %scan3A_364 to %scan3A_366 step %scan3A_367  : i32 {
          %mul3A_370 = arith.constant 16 : i32
          %mul3A_371 = arith.muli %scan3A_369, %mul3A_370 : i32
          %multiple_of3A_372 = tpu.assume_multiple %mul3A_371, 16 : i32
          %add3A_373 = arith.constant 0 : i32
          %add3A_374 = vector.broadcast %add3A_373 : i32 to vector<16xi32>
          %add3A_375 = arith.addi %add3A_8, %add3A_374 : vector<16xi32>
          %and3A_376 = arith.constant 15 : i32
          %and3A_377 = vector.broadcast %and3A_376 : i32 to vector<16xi32>
          %and3A_378 = arith.andi %add3A_375, %and3A_377 : vector<16xi32>
          %add3A_379 = vector.broadcast %multiple_of3A_372 : i32 to vector<16xi32>
          %add3A_380 = arith.addi %add3A_379, %and3A_378 : vector<16xi32>
          %gather3A = tpu.vector_load_idx %arg10[%broadcast_in_dim3A, %and3A_2, %add3A_380] : memref<16x8x128xf32, #tpu.memory_space<vmem>>[vector<16xi32>, vector<16xi32>, vector<16xi32>], vector<16xf32>,
          %add3A_381 = vector.broadcast %multiple_of3A_362 : i32 to vector<16xi32>
          %add3A_382 = arith.addi %add3A_381, %add3A_380 : vector<16xi32>
          tpu.vector_store_idx %arg12[%add3A_382, %and3A_2], %gather3A : memref<2048x8xf32, #tpu.memory_space<vmem>>[vector<16xi32>, vector<16xi32>], vector<16xf32>,
          %add3A_383 = arith.constant 2 : i32
          %add3A_384 = vector.broadcast %add3A_383 : i32 to vector<16xi32>
          %add3A_385 = arith.addi %add3A_8, %add3A_384 : vector<16xi32>
          %and3A_386 = arith.constant 15 : i32
          %and3A_387 = vector.broadcast %and3A_386 : i32 to vector<16xi32>
          %and3A_388 = arith.andi %add3A_385, %and3A_387 : vector<16xi32>
          %add3A_389 = vector.broadcast %multiple_of3A_372 : i32 to vector<16xi32>
          %add3A_390 = arith.addi %add3A_389, %and3A_388 : vector<16xi32>
          %gather3A_391 = tpu.vector_load_idx %arg10[%broadcast_in_dim3A, %and3A_2, %add3A_390] : memref<16x8x128xf32, #tpu.memory_space<vmem>>[vector<16xi32>, vector<16xi32>, vector<16xi32>], vector<16xf32>,
          %add3A_392 = vector.broadcast %multiple_of3A_362 : i32 to vector<16xi32>
          %add3A_393 = arith.addi %add3A_392, %add3A_390 : vector<16xi32>
          tpu.vector_store_idx %arg12[%add3A_393, %and3A_2], %gather3A_391 : memref<2048x8xf32, #tpu.memory_space<vmem>>[vector<16xi32>, vector<16xi32>], vector<16xf32>,
          %add3A_394 = arith.constant 4 : i32
          %add3A_395 = vector.broadcast %add3A_394 : i32 to vector<16xi32>
          %add3A_396 = arith.addi %add3A_8, %add3A_395 : vector<16xi32>
          %and3A_397 = arith.constant 15 : i32
          %and3A_398 = vector.broadcast %and3A_397 : i32 to vector<16xi32>
          %and3A_399 = arith.andi %add3A_396, %and3A_398 : vector<16xi32>
          %add3A_400 = vector.broadcast %multiple_of3A_372 : i32 to vector<16xi32>
          %add3A_401 = arith.addi %add3A_400, %and3A_399 : vector<16xi32>
          %gather3A_402 = tpu.vector_load_idx %arg10[%broadcast_in_dim3A, %and3A_2, %add3A_401] : memref<16x8x128xf32, #tpu.memory_space<vmem>>[vector<16xi32>, vector<16xi32>, vector<16xi32>], vector<16xf32>,
          %add3A_403 = vector.broadcast %multiple_of3A_362 : i32 to vector<16xi32>
          %add3A_404 = arith.addi %add3A_403, %add3A_401 : vector<16xi32>
          tpu.vector_store_idx %arg12[%add3A_404, %and3A_2], %gather3A_402 : memref<2048x8xf32, #tpu.memory_space<vmem>>[vector<16xi32>, vector<16xi32>], vector<16xf32>,
          %add3A_405 = arith.constant 6 : i32
          %add3A_406 = vector.broadcast %add3A_405 : i32 to vector<16xi32>
          %add3A_407 = arith.addi %add3A_8, %add3A_406 : vector<16xi32>
          %and3A_408 = arith.constant 15 : i32
          %and3A_409 = vector.broadcast %and3A_408 : i32 to vector<16xi32>
          %and3A_410 = arith.andi %add3A_407, %and3A_409 : vector<16xi32>
          %add3A_411 = vector.broadcast %multiple_of3A_372 : i32 to vector<16xi32>
          %add3A_412 = arith.addi %add3A_411, %and3A_410 : vector<16xi32>
          %gather3A_413 = tpu.vector_load_idx %arg10[%broadcast_in_dim3A, %and3A_2, %add3A_412] : memref<16x8x128xf32, #tpu.memory_space<vmem>>[vector<16xi32>, vector<16xi32>, vector<16xi32>], vector<16xf32>,
          %add3A_414 = vector.broadcast %multiple_of3A_362 : i32 to vector<16xi32>
          %add3A_415 = arith.addi %add3A_414, %add3A_412 : vector<16xi32>
          tpu.vector_store_idx %arg12[%add3A_415, %and3A_2], %gather3A_413 : memref<2048x8xf32, #tpu.memory_space<vmem>>[vector<16xi32>, vector<16xi32>], vector<16xf32>,
          %add3A_416 = arith.constant 8 : i32
          %add3A_417 = vector.broadcast %add3A_416 : i32 to vector<16xi32>
          %add3A_418 = arith.addi %add3A_8, %add3A_417 : vector<16xi32>
          %and3A_419 = arith.constant 15 : i32
          %and3A_420 = vector.broadcast %and3A_419 : i32 to vector<16xi32>
          %and3A_421 = arith.andi %add3A_418, %and3A_420 : vector<16xi32>
          %add3A_422 = vector.broadcast %multiple_of3A_372 : i32 to vector<16xi32>
          %add3A_423 = arith.addi %add3A_422, %and3A_421 : vector<16xi32>
          %gather3A_424 = tpu.vector_load_idx %arg10[%broadcast_in_dim3A, %and3A_2, %add3A_423] : memref<16x8x128xf32, #tpu.memory_space<vmem>>[vector<16xi32>, vector<16xi32>, vector<16xi32>], vector<16xf32>,
          %add3A_425 = vector.broadcast %multiple_of3A_362 : i32 to vector<16xi32>
          %add3A_426 = arith.addi %add3A_425, %add3A_423 : vector<16xi32>
          tpu.vector_store_idx %arg12[%add3A_426, %and3A_2], %gather3A_424 : memref<2048x8xf32, #tpu.memory_space<vmem>>[vector<16xi32>, vector<16xi32>], vector<16xf32>,
          %add3A_427 = arith.constant 10 : i32
          %add3A_428 = vector.broadcast %add3A_427 : i32 to vector<16xi32>
          %add3A_429 = arith.addi %add3A_8, %add3A_428 : vector<16xi32>
          %and3A_430 = arith.constant 15 : i32
          %and3A_431 = vector.broadcast %and3A_430 : i32 to vector<16xi32>
          %and3A_432 = arith.andi %add3A_429, %and3A_431 : vector<16xi32>
          %add3A_433 = vector.broadcast %multiple_of3A_372 : i32 to vector<16xi32>
          %add3A_434 = arith.addi %add3A_433, %and3A_432 : vector<16xi32>
          %gather3A_435 = tpu.vector_load_idx %arg10[%broadcast_in_dim3A, %and3A_2, %add3A_434] : memref<16x8x128xf32, #tpu.memory_space<vmem>>[vector<16xi32>, vector<16xi32>, vector<16xi32>], vector<16xf32>,
          %add3A_436 = vector.broadcast %multiple_of3A_362 : i32 to vector<16xi32>
          %add3A_437 = arith.addi %add3A_436, %add3A_434 : vector<16xi32>
          tpu.vector_store_idx %arg12[%add3A_437, %and3A_2], %gather3A_435 : memref<2048x8xf32, #tpu.memory_space<vmem>>[vector<16xi32>, vector<16xi32>], vector<16xf32>,
          %add3A_438 = arith.constant 12 : i32
          %add3A_439 = vector.broadcast %add3A_438 : i32 to vector<16xi32>
          %add3A_440 = arith.addi %add3A_8, %add3A_439 : vector<16xi32>
          %and3A_441 = arith.constant 15 : i32
          %and3A_442 = vector.broadcast %and3A_441 : i32 to vector<16xi32>
          %and3A_443 = arith.andi %add3A_440, %and3A_442 : vector<16xi32>
          %add3A_444 = vector.broadcast %multiple_of3A_372 : i32 to vector<16xi32>
          %add3A_445 = arith.addi %add3A_444, %and3A_443 : vector<16xi32>
          %gather3A_446 = tpu.vector_load_idx %arg10[%broadcast_in_dim3A, %and3A_2, %add3A_445] : memref<16x8x128xf32, #tpu.memory_space<vmem>>[vector<16xi32>, vector<16xi32>, vector<16xi32>], vector<16xf32>,
          %add3A_447 = vector.broadcast %multiple_of3A_362 : i32 to vector<16xi32>
          %add3A_448 = arith.addi %add3A_447, %add3A_445 : vector<16xi32>
          tpu.vector_store_idx %arg12[%add3A_448, %and3A_2], %gather3A_446 : memref<2048x8xf32, #tpu.memory_space<vmem>>[vector<16xi32>, vector<16xi32>], vector<16xf32>,
          %add3A_449 = arith.constant 14 : i32
          %add3A_450 = vector.broadcast %add3A_449 : i32 to vector<16xi32>
          %add3A_451 = arith.addi %add3A_8, %add3A_450 : vector<16xi32>
          %and3A_452 = arith.constant 15 : i32
          %and3A_453 = vector.broadcast %and3A_452 : i32 to vector<16xi32>
          %and3A_454 = arith.andi %add3A_451, %and3A_453 : vector<16xi32>
          %add3A_455 = vector.broadcast %multiple_of3A_372 : i32 to vector<16xi32>
          %add3A_456 = arith.addi %add3A_455, %and3A_454 : vector<16xi32>
          %gather3A_457 = tpu.vector_load_idx %arg10[%broadcast_in_dim3A, %and3A_2, %add3A_456] : memref<16x8x128xf32, #tpu.memory_space<vmem>>[vector<16xi32>, vector<16xi32>, vector<16xi32>], vector<16xf32>,
          %add3A_458 = vector.broadcast %multiple_of3A_362 : i32 to vector<16xi32>
          %add3A_459 = arith.addi %add3A_458, %add3A_456 : vector<16xi32>
          tpu.vector_store_idx %arg12[%add3A_459, %and3A_2], %gather3A_457 : memref<2048x8xf32, #tpu.memory_space<vmem>>[vector<16xi32>, vector<16xi32>], vector<16xf32>,
        }
        %scan3A_368 = arith.constant 8 : i32
      }
      %scan3A_342 = arith.constant 16 : i32
      %add3A_343 = arith.constant 1 : i32
      %add3A_344 = arith.addi %mul3A_265, %add3A_343 : i32
      %mul3A_345 = arith.constant 256 : i32
      %mul3A_346 = arith.muli %add3A, %mul3A_345 : i32
      %mul3A_347 = arith.constant 16 : i32
      %mul3A_348 = arith.muli %add3A_344, %mul3A_347 : i32
      %add3A_349 = arith.addi %mul3A_346, %mul3A_348 : i32
      %multiple_of3A_350 = tpu.assume_multiple %add3A_349, 16 : i32
      %mul3A_351 = arith.constant 128 : i32
      %mul3A_352 = arith.muli %multiple_of3A_350, %mul3A_351 : i32
      %add3A_353 = arith.constant 2097152 : i32
      %add3A_354 = arith.addi %add3A_353, %mul3A_352 : i32
      %dma_start3A_355 = arith.constant 0 : i32
      %dma_start3A_356 = tpu.memref_slice %arg8[%add3A_354, %dma_start3A_355] : memref<6291456x8xf32, #tpu.memory_space<hbm>> -> memref<2048x8xf32, #tpu.memory_space<hbm>>
      %dma_start3A_357 = arith.constant 0 : i32
      %dma_start3A_358 = tpu.memref_slice %arg8[%add3A_354, %dma_start3A_357] : memref<6291456x8xf32, #tpu.memory_space<hbm>> -> memref<2048x8xf32, #tpu.memory_space<hbm>>
      tpu.enqueue_dma source(%arg12 : memref<2048x8xf32, #tpu.memory_space<vmem>>) target(%dma_start3A_358 : memref<2048x8xf32, #tpu.memory_space<hbm>>) target_semaphore(%arg16 : memref<!tpu.dma_semaphore, #tpu.memory_space<semaphore_mem>>)
    }
    %scan3A_107 = arith.constant 8 : i32
    %mul3A_108 = arith.constant 256 : i32
    %mul3A_109 = arith.muli %add3A, %mul3A_108 : i32
    %add3A_110 = arith.constant 224 : i32
    %add3A_111 = arith.addi %mul3A_109, %add3A_110 : i32
    %multiple_of3A_112 = tpu.assume_multiple %add3A_111, 16 : i32
    %mul3A_113 = arith.constant 128 : i32
    %mul3A_114 = arith.muli %multiple_of3A_112, %mul3A_113 : i32
    %add3A_115 = arith.constant 2097152 : i32
    %add3A_116 = arith.addi %add3A_115, %mul3A_114 : i32
    %dma_wait3A_117 = arith.constant 0 : i32
    %dma_wait3A_118 = tpu.memref_slice %arg8[%add3A_116, %dma_wait3A_117] : memref<6291456x8xf32, #tpu.memory_space<hbm>> -> memref<2048x8xf32, #tpu.memory_space<hbm>>
    %dma_wait3A_119 = arith.constant 0 : i32
    %dma_wait3A_120 = tpu.memref_slice %arg8[%add3A_116, %dma_wait3A_119] : memref<6291456x8xf32, #tpu.memory_space<hbm>> -> memref<2048x8xf32, #tpu.memory_space<hbm>>
    tpu.wait_dma2 semaphore(%arg15 : memref<!tpu.dma_semaphore, #tpu.memory_space<semaphore_mem>>) src(%arg11 : memref<2048x8xf32, #tpu.memory_space<vmem>>) dst(%dma_wait3A_120 : memref<2048x8xf32, #tpu.memory_space<hbm>>)
    %mul3A_121 = arith.constant 256 : i32
    %mul3A_122 = arith.muli %add3A, %mul3A_121 : i32
    %add3A_123 = arith.constant 240 : i32
    %add3A_124 = arith.addi %mul3A_122, %add3A_123 : i32
    %multiple_of3A_125 = tpu.assume_multiple %add3A_124, 16 : i32
    %mul3A_126 = arith.constant 128 : i32
    %mul3A_127 = arith.muli %multiple_of3A_125, %mul3A_126 : i32
    %add3A_128 = arith.constant 2097152 : i32
    %add3A_129 = arith.addi %add3A_128, %mul3A_127 : i32
    %dma_wait3A_130 = arith.constant 0 : i32
    %dma_wait3A_131 = tpu.memref_slice %arg8[%add3A_129, %dma_wait3A_130] : memref<6291456x8xf32, #tpu.memory_space<hbm>> -> memref<2048x8xf32, #tpu.memory_space<hbm>>
    %dma_wait3A_132 = arith.constant 0 : i32
    %dma_wait3A_133 = tpu.memref_slice %arg8[%add3A_129, %dma_wait3A_132] : memref<6291456x8xf32, #tpu.memory_space<hbm>> -> memref<2048x8xf32, #tpu.memory_space<hbm>>
    tpu.wait_dma2 semaphore(%arg16 : memref<!tpu.dma_semaphore, #tpu.memory_space<semaphore_mem>>) src(%arg12 : memref<2048x8xf32, #tpu.memory_space<vmem>>) dst(%dma_wait3A_133 : memref<2048x8xf32, #tpu.memory_space<hbm>>)
    %mul3A_134 = arith.constant 256 : i32
    %mul3A_135 = arith.muli %add3A, %mul3A_134 : i32
    %add3A_136 = arith.constant 0 : i32
    %add3A_137 = arith.addi %mul3A_135, %add3A_136 : i32
    %multiple_of3A_138 = tpu.assume_multiple %add3A_137, 16 : i32
    %dma_start3A_139 = arith.constant 0 : i32
    %dma_start3A_140 = arith.constant 0 : i32
    %dma_start3A_141 = tpu.memref_slice %arg5[%multiple_of3A_138, %dma_start3A_139, %dma_start3A_140] : memref<8192x8x128xf32, #tpu.memory_space<hbm>> -> memref<16x8x128xf32, #tpu.memory_space<hbm>>
    %dma_start3A_142 = arith.constant 0 : i32
    %dma_start3A_143 = arith.constant 0 : i32
    %dma_start3A_144 = tpu.memref_slice %arg5[%multiple_of3A_138, %dma_start3A_142, %dma_start3A_143] : memref<8192x8x128xf32, #tpu.memory_space<hbm>> -> memref<16x8x128xf32, #tpu.memory_space<hbm>>
    tpu.enqueue_dma source(%dma_start3A_144 : memref<16x8x128xf32, #tpu.memory_space<hbm>>) target(%arg9 : memref<16x8x128xf32, #tpu.memory_space<vmem>>) target_semaphore(%arg13 : memref<!tpu.dma_semaphore, #tpu.memory_space<semaphore_mem>>)
    %scan3A_145 = arith.constant 0 : i32
    %scan3A_146 = arith.constant 0 : i32
    %scan3A_147 = arith.constant 8 : i32
    %scan3A_148 = arith.addi %scan3A_146, %scan3A_147 : i32
    %scan3A_149 = arith.constant 1 : i32
    scf.for %scan3A_263 = %scan3A_146 to %scan3A_148 step %scan3A_149  : i32 {
      %mul3A_264 = arith.constant 2 : i32
      %mul3A_265 = arith.muli %mul3A_264, %scan3A_263 : i32
      %add3A_266 = arith.constant 1 : i32
      %add3A_267 = arith.addi %mul3A_265, %add3A_266 : i32
      %mul3A_268 = arith.constant 256 : i32
      %mul3A_269 = arith.muli %add3A, %mul3A_268 : i32
      %mul3A_270 = arith.constant 16 : i32
      %mul3A_271 = arith.muli %add3A_267, %mul3A_270 : i32
      %add3A_272 = arith.addi %mul3A_269, %mul3A_271 : i32
      %multiple_of3A_273 = tpu.assume_multiple %add3A_272, 16 : i32
      %dma_start3A_274 = arith.constant 0 : i32
      %dma_start3A_275 = arith.constant 0 : i32
      %dma_start3A_276 = tpu.memref_slice %arg5[%multiple_of3A_273, %dma_start3A_274, %dma_start3A_275] : memref<8192x8x128xf32, #tpu.memory_space<hbm>> -> memref<16x8x128xf32, #tpu.memory_space<hbm>>
      %dma_start3A_277 = arith.constant 0 : i32
      %dma_start3A_278 = arith.constant 0 : i32
      %dma_start3A_279 = tpu.memref_slice %arg5[%multiple_of3A_273, %dma_start3A_277, %dma_start3A_278] : memref<8192x8x128xf32, #tpu.memory_space<hbm>> -> memref<16x8x128xf32, #tpu.memory_space<hbm>>
      tpu.enqueue_dma source(%dma_start3A_279 : memref<16x8x128xf32, #tpu.memory_space<hbm>>) target(%arg10 : memref<16x8x128xf32, #tpu.memory_space<vmem>>) target_semaphore(%arg14 : memref<!tpu.dma_semaphore, #tpu.memory_space<semaphore_mem>>)
      %mul3A_280 = arith.constant 256 : i32
      %mul3A_281 = arith.muli %add3A, %mul3A_280 : i32
      %mul3A_282 = arith.constant 16 : i32
      %mul3A_283 = arith.muli %mul3A_265, %mul3A_282 : i32
      %add3A_284 = arith.addi %mul3A_281, %mul3A_283 : i32
      %multiple_of3A_285 = tpu.assume_multiple %add3A_284, 16 : i32
      %dma_wait3A_286 = arith.constant 0 : i32
      %dma_wait3A_287 = arith.constant 0 : i32
      %dma_wait3A_288 = tpu.memref_slice %arg5[%multiple_of3A_285, %dma_wait3A_286, %dma_wait3A_287] : memref<8192x8x128xf32, #tpu.memory_space<hbm>> -> memref<16x8x128xf32, #tpu.memory_space<hbm>>
      %dma_wait3A_289 = arith.constant 0 : i32
      %dma_wait3A_290 = arith.constant 0 : i32
      %dma_wait3A_291 = tpu.memref_slice %arg5[%multiple_of3A_285, %dma_wait3A_289, %dma_wait3A_290] : memref<8192x8x128xf32, #tpu.memory_space<hbm>> -> memref<16x8x128xf32, #tpu.memory_space<hbm>>
      tpu.wait_dma2 semaphore(%arg13 : memref<!tpu.dma_semaphore, #tpu.memory_space<semaphore_mem>>) src(%dma_wait3A_291 : memref<16x8x128xf32, #tpu.memory_space<hbm>>) dst(%arg9 : memref<16x8x128xf32, #tpu.memory_space<vmem>>)
      %gt3A = arith.constant 0 : i32
      %gt3A_292 = arith.cmpi sgt, %scan3A_263, %gt3A : i32
      %convert_element_type3A = arith.extui %gt3A_292 : i1 to i32
      %cond3A = arith.constant 0 : i32
      %cond3A_293 = arith.cmpi ne, %convert_element_type3A, %cond3A : i32
      scf.if %cond3A_293 {
        %sub3A = arith.constant 2 : i32
        %sub3A_359 = arith.subi %mul3A_265, %sub3A : i32
        %mul3A_360 = arith.constant 256 : i32
        %mul3A_361 = arith.muli %add3A, %mul3A_360 : i32
        %mul3A_362 = arith.constant 16 : i32
        %mul3A_363 = arith.muli %sub3A_359, %mul3A_362 : i32
        %add3A_364 = arith.addi %mul3A_361, %mul3A_363 : i32
        %multiple_of3A_365 = tpu.assume_multiple %add3A_364, 16 : i32
        %mul3A_366 = arith.constant 128 : i32
        %mul3A_367 = arith.muli %multiple_of3A_365, %mul3A_366 : i32
        %add3A_368 = arith.constant 3145728 : i32
        %add3A_369 = arith.addi %add3A_368, %mul3A_367 : i32
        %dma_wait3A_370 = arith.constant 0 : i32
        %dma_wait3A_371 = tpu.memref_slice %arg8[%add3A_369, %dma_wait3A_370] : memref<6291456x8xf32, #tpu.memory_space<hbm>> -> memref<2048x8xf32, #tpu.memory_space<hbm>>
        %dma_wait3A_372 = arith.constant 0 : i32
        %dma_wait3A_373 = tpu.memref_slice %arg8[%add3A_369, %dma_wait3A_372] : memref<6291456x8xf32, #tpu.memory_space<hbm>> -> memref<2048x8xf32, #tpu.memory_space<hbm>>
        tpu.wait_dma2 semaphore(%arg15 : memref<!tpu.dma_semaphore, #tpu.memory_space<semaphore_mem>>) src(%arg11 : memref<2048x8xf32, #tpu.memory_space<vmem>>) dst(%dma_wait3A_373 : memref<2048x8xf32, #tpu.memory_space<hbm>>)
      } else {
      }
      %scan3A_294 = arith.constant 0 : i32
      %scan3A_295 = arith.constant 0 : i32
      %scan3A_296 = arith.constant 16 : i32
      %scan3A_297 = arith.addi %scan3A_295, %scan3A_296 : i32
      %scan3A_298 = arith.constant 1 : i32
      scf.for %scan3A_359 = %scan3A_295 to %scan3A_297 step %scan3A_298  : i32 {
        %mul3A_360 = arith.constant 128 : i32
        %mul3A_361 = arith.muli %scan3A_359, %mul3A_360 : i32
        %multiple_of3A_362 = tpu.assume_multiple %mul3A_361, 128 : i32
        %broadcast_in_dim3A = vector.broadcast %scan3A_359 : i32 to vector<16xi32>
        %scan3A_363 = arith.constant 0 : i32
        %scan3A_364 = arith.constant 0 : i32
        %scan3A_365 = arith.constant 8 : i32
        %scan3A_366 = arith.addi %scan3A_364, %scan3A_365 : i32
        %scan3A_367 = arith.constant 1 : i32
        scf.for %scan3A_369 = %scan3A_364 to %scan3A_366 step %scan3A_367  : i32 {
          %mul3A_370 = arith.constant 16 : i32
          %mul3A_371 = arith.muli %scan3A_369, %mul3A_370 : i32
          %multiple_of3A_372 = tpu.assume_multiple %mul3A_371, 16 : i32
          %add3A_373 = arith.constant 0 : i32
          %add3A_374 = vector.broadcast %add3A_373 : i32 to vector<16xi32>
          %add3A_375 = arith.addi %add3A_8, %add3A_374 : vector<16xi32>
          %and3A_376 = arith.constant 15 : i32
          %and3A_377 = vector.broadcast %and3A_376 : i32 to vector<16xi32>
          %and3A_378 = arith.andi %add3A_375, %and3A_377 : vector<16xi32>
          %add3A_379 = vector.broadcast %multiple_of3A_372 : i32 to vector<16xi32>
          %add3A_380 = arith.addi %add3A_379, %and3A_378 : vector<16xi32>
          %gather3A = tpu.vector_load_idx %arg9[%broadcast_in_dim3A, %and3A_2, %add3A_380] : memref<16x8x128xf32, #tpu.memory_space<vmem>>[vector<16xi32>, vector<16xi32>, vector<16xi32>], vector<16xf32>,
          %add3A_381 = vector.broadcast %multiple_of3A_362 : i32 to vector<16xi32>
          %add3A_382 = arith.addi %add3A_381, %add3A_380 : vector<16xi32>
          tpu.vector_store_idx %arg11[%add3A_382, %and3A_2], %gather3A : memref<2048x8xf32, #tpu.memory_space<vmem>>[vector<16xi32>, vector<16xi32>], vector<16xf32>,
          %add3A_383 = arith.constant 2 : i32
          %add3A_384 = vector.broadcast %add3A_383 : i32 to vector<16xi32>
          %add3A_385 = arith.addi %add3A_8, %add3A_384 : vector<16xi32>
          %and3A_386 = arith.constant 15 : i32
          %and3A_387 = vector.broadcast %and3A_386 : i32 to vector<16xi32>
          %and3A_388 = arith.andi %add3A_385, %and3A_387 : vector<16xi32>
          %add3A_389 = vector.broadcast %multiple_of3A_372 : i32 to vector<16xi32>
          %add3A_390 = arith.addi %add3A_389, %and3A_388 : vector<16xi32>
          %gather3A_391 = tpu.vector_load_idx %arg9[%broadcast_in_dim3A, %and3A_2, %add3A_390] : memref<16x8x128xf32, #tpu.memory_space<vmem>>[vector<16xi32>, vector<16xi32>, vector<16xi32>], vector<16xf32>,
          %add3A_392 = vector.broadcast %multiple_of3A_362 : i32 to vector<16xi32>
          %add3A_393 = arith.addi %add3A_392, %add3A_390 : vector<16xi32>
          tpu.vector_store_idx %arg11[%add3A_393, %and3A_2], %gather3A_391 : memref<2048x8xf32, #tpu.memory_space<vmem>>[vector<16xi32>, vector<16xi32>], vector<16xf32>,
          %add3A_394 = arith.constant 4 : i32
          %add3A_395 = vector.broadcast %add3A_394 : i32 to vector<16xi32>
          %add3A_396 = arith.addi %add3A_8, %add3A_395 : vector<16xi32>
          %and3A_397 = arith.constant 15 : i32
          %and3A_398 = vector.broadcast %and3A_397 : i32 to vector<16xi32>
          %and3A_399 = arith.andi %add3A_396, %and3A_398 : vector<16xi32>
          %add3A_400 = vector.broadcast %multiple_of3A_372 : i32 to vector<16xi32>
          %add3A_401 = arith.addi %add3A_400, %and3A_399 : vector<16xi32>
          %gather3A_402 = tpu.vector_load_idx %arg9[%broadcast_in_dim3A, %and3A_2, %add3A_401] : memref<16x8x128xf32, #tpu.memory_space<vmem>>[vector<16xi32>, vector<16xi32>, vector<16xi32>], vector<16xf32>,
          %add3A_403 = vector.broadcast %multiple_of3A_362 : i32 to vector<16xi32>
          %add3A_404 = arith.addi %add3A_403, %add3A_401 : vector<16xi32>
          tpu.vector_store_idx %arg11[%add3A_404, %and3A_2], %gather3A_402 : memref<2048x8xf32, #tpu.memory_space<vmem>>[vector<16xi32>, vector<16xi32>], vector<16xf32>,
          %add3A_405 = arith.constant 6 : i32
          %add3A_406 = vector.broadcast %add3A_405 : i32 to vector<16xi32>
          %add3A_407 = arith.addi %add3A_8, %add3A_406 : vector<16xi32>
          %and3A_408 = arith.constant 15 : i32
          %and3A_409 = vector.broadcast %and3A_408 : i32 to vector<16xi32>
          %and3A_410 = arith.andi %add3A_407, %and3A_409 : vector<16xi32>
          %add3A_411 = vector.broadcast %multiple_of3A_372 : i32 to vector<16xi32>
          %add3A_412 = arith.addi %add3A_411, %and3A_410 : vector<16xi32>
          %gather3A_413 = tpu.vector_load_idx %arg9[%broadcast_in_dim3A, %and3A_2, %add3A_412] : memref<16x8x128xf32, #tpu.memory_space<vmem>>[vector<16xi32>, vector<16xi32>, vector<16xi32>], vector<16xf32>,
          %add3A_414 = vector.broadcast %multiple_of3A_362 : i32 to vector<16xi32>
          %add3A_415 = arith.addi %add3A_414, %add3A_412 : vector<16xi32>
          tpu.vector_store_idx %arg11[%add3A_415, %and3A_2], %gather3A_413 : memref<2048x8xf32, #tpu.memory_space<vmem>>[vector<16xi32>, vector<16xi32>], vector<16xf32>,
          %add3A_416 = arith.constant 8 : i32
          %add3A_417 = vector.broadcast %add3A_416 : i32 to vector<16xi32>
          %add3A_418 = arith.addi %add3A_8, %add3A_417 : vector<16xi32>
          %and3A_419 = arith.constant 15 : i32
          %and3A_420 = vector.broadcast %and3A_419 : i32 to vector<16xi32>
          %and3A_421 = arith.andi %add3A_418, %and3A_420 : vector<16xi32>
          %add3A_422 = vector.broadcast %multiple_of3A_372 : i32 to vector<16xi32>
          %add3A_423 = arith.addi %add3A_422, %and3A_421 : vector<16xi32>
          %gather3A_424 = tpu.vector_load_idx %arg9[%broadcast_in_dim3A, %and3A_2, %add3A_423] : memref<16x8x128xf32, #tpu.memory_space<vmem>>[vector<16xi32>, vector<16xi32>, vector<16xi32>], vector<16xf32>,
          %add3A_425 = vector.broadcast %multiple_of3A_362 : i32 to vector<16xi32>
          %add3A_426 = arith.addi %add3A_425, %add3A_423 : vector<16xi32>
          tpu.vector_store_idx %arg11[%add3A_426, %and3A_2], %gather3A_424 : memref<2048x8xf32, #tpu.memory_space<vmem>>[vector<16xi32>, vector<16xi32>], vector<16xf32>,
          %add3A_427 = arith.constant 10 : i32
          %add3A_428 = vector.broadcast %add3A_427 : i32 to vector<16xi32>
          %add3A_429 = arith.addi %add3A_8, %add3A_428 : vector<16xi32>
          %and3A_430 = arith.constant 15 : i32
          %and3A_431 = vector.broadcast %and3A_430 : i32 to vector<16xi32>
          %and3A_432 = arith.andi %add3A_429, %and3A_431 : vector<16xi32>
          %add3A_433 = vector.broadcast %multiple_of3A_372 : i32 to vector<16xi32>
          %add3A_434 = arith.addi %add3A_433, %and3A_432 : vector<16xi32>
          %gather3A_435 = tpu.vector_load_idx %arg9[%broadcast_in_dim3A, %and3A_2, %add3A_434] : memref<16x8x128xf32, #tpu.memory_space<vmem>>[vector<16xi32>, vector<16xi32>, vector<16xi32>], vector<16xf32>,
          %add3A_436 = vector.broadcast %multiple_of3A_362 : i32 to vector<16xi32>
          %add3A_437 = arith.addi %add3A_436, %add3A_434 : vector<16xi32>
          tpu.vector_store_idx %arg11[%add3A_437, %and3A_2], %gather3A_435 : memref<2048x8xf32, #tpu.memory_space<vmem>>[vector<16xi32>, vector<16xi32>], vector<16xf32>,
          %add3A_438 = arith.constant 12 : i32
          %add3A_439 = vector.broadcast %add3A_438 : i32 to vector<16xi32>
          %add3A_440 = arith.addi %add3A_8, %add3A_439 : vector<16xi32>
          %and3A_441 = arith.constant 15 : i32
          %and3A_442 = vector.broadcast %and3A_441 : i32 to vector<16xi32>
          %and3A_443 = arith.andi %add3A_440, %and3A_442 : vector<16xi32>
          %add3A_444 = vector.broadcast %multiple_of3A_372 : i32 to vector<16xi32>
          %add3A_445 = arith.addi %add3A_444, %and3A_443 : vector<16xi32>
          %gather3A_446 = tpu.vector_load_idx %arg9[%broadcast_in_dim3A, %and3A_2, %add3A_445] : memref<16x8x128xf32, #tpu.memory_space<vmem>>[vector<16xi32>, vector<16xi32>, vector<16xi32>], vector<16xf32>,
          %add3A_447 = vector.broadcast %multiple_of3A_362 : i32 to vector<16xi32>
          %add3A_448 = arith.addi %add3A_447, %add3A_445 : vector<16xi32>
          tpu.vector_store_idx %arg11[%add3A_448, %and3A_2], %gather3A_446 : memref<2048x8xf32, #tpu.memory_space<vmem>>[vector<16xi32>, vector<16xi32>], vector<16xf32>,
          %add3A_449 = arith.constant 14 : i32
          %add3A_450 = vector.broadcast %add3A_449 : i32 to vector<16xi32>
          %add3A_451 = arith.addi %add3A_8, %add3A_450 : vector<16xi32>
          %and3A_452 = arith.constant 15 : i32
          %and3A_453 = vector.broadcast %and3A_452 : i32 to vector<16xi32>
          %and3A_454 = arith.andi %add3A_451, %and3A_453 : vector<16xi32>
          %add3A_455 = vector.broadcast %multiple_of3A_372 : i32 to vector<16xi32>
          %add3A_456 = arith.addi %add3A_455, %and3A_454 : vector<16xi32>
          %gather3A_457 = tpu.vector_load_idx %arg9[%broadcast_in_dim3A, %and3A_2, %add3A_456] : memref<16x8x128xf32, #tpu.memory_space<vmem>>[vector<16xi32>, vector<16xi32>, vector<16xi32>], vector<16xf32>,
          %add3A_458 = vector.broadcast %multiple_of3A_362 : i32 to vector<16xi32>
          %add3A_459 = arith.addi %add3A_458, %add3A_456 : vector<16xi32>
          tpu.vector_store_idx %arg11[%add3A_459, %and3A_2], %gather3A_457 : memref<2048x8xf32, #tpu.memory_space<vmem>>[vector<16xi32>, vector<16xi32>], vector<16xf32>,
        }
        %scan3A_368 = arith.constant 8 : i32
      }
      %scan3A_299 = arith.constant 16 : i32
      %mul3A_300 = arith.constant 256 : i32
      %mul3A_301 = arith.muli %add3A, %mul3A_300 : i32
      %mul3A_302 = arith.constant 16 : i32
      %mul3A_303 = arith.muli %mul3A_265, %mul3A_302 : i32
      %add3A_304 = arith.addi %mul3A_301, %mul3A_303 : i32
      %multiple_of3A_305 = tpu.assume_multiple %add3A_304, 16 : i32
      %mul3A_306 = arith.constant 128 : i32
      %mul3A_307 = arith.muli %multiple_of3A_305, %mul3A_306 : i32
      %add3A_308 = arith.constant 3145728 : i32
      %add3A_309 = arith.addi %add3A_308, %mul3A_307 : i32
      %dma_start3A_310 = arith.constant 0 : i32
      %dma_start3A_311 = tpu.memref_slice %arg8[%add3A_309, %dma_start3A_310] : memref<6291456x8xf32, #tpu.memory_space<hbm>> -> memref<2048x8xf32, #tpu.memory_space<hbm>>
      %dma_start3A_312 = arith.constant 0 : i32
      %dma_start3A_313 = tpu.memref_slice %arg8[%add3A_309, %dma_start3A_312] : memref<6291456x8xf32, #tpu.memory_space<hbm>> -> memref<2048x8xf32, #tpu.memory_space<hbm>>
      tpu.enqueue_dma source(%arg11 : memref<2048x8xf32, #tpu.memory_space<vmem>>) target(%dma_start3A_313 : memref<2048x8xf32, #tpu.memory_space<hbm>>) target_semaphore(%arg15 : memref<!tpu.dma_semaphore, #tpu.memory_space<semaphore_mem>>)
      %lt3A = arith.constant 7 : i32
      %lt3A_314 = arith.cmpi slt, %scan3A_263, %lt3A : i32
      %convert_element_type3A_315 = arith.extui %lt3A_314 : i1 to i32
      %cond3A_316 = arith.constant 0 : i32
      %cond3A_317 = arith.cmpi ne, %convert_element_type3A_315, %cond3A_316 : i32
      scf.if %cond3A_317 {
        %add3A_359 = arith.constant 2 : i32
        %add3A_360 = arith.addi %mul3A_265, %add3A_359 : i32
        %mul3A_361 = arith.constant 256 : i32
        %mul3A_362 = arith.muli %add3A, %mul3A_361 : i32
        %mul3A_363 = arith.constant 16 : i32
        %mul3A_364 = arith.muli %add3A_360, %mul3A_363 : i32
        %add3A_365 = arith.addi %mul3A_362, %mul3A_364 : i32
        %multiple_of3A_366 = tpu.assume_multiple %add3A_365, 16 : i32
        %dma_start3A_367 = arith.constant 0 : i32
        %dma_start3A_368 = arith.constant 0 : i32
        %dma_start3A_369 = tpu.memref_slice %arg5[%multiple_of3A_366, %dma_start3A_367, %dma_start3A_368] : memref<8192x8x128xf32, #tpu.memory_space<hbm>> -> memref<16x8x128xf32, #tpu.memory_space<hbm>>
        %dma_start3A_370 = arith.constant 0 : i32
        %dma_start3A_371 = arith.constant 0 : i32
        %dma_start3A_372 = tpu.memref_slice %arg5[%multiple_of3A_366, %dma_start3A_370, %dma_start3A_371] : memref<8192x8x128xf32, #tpu.memory_space<hbm>> -> memref<16x8x128xf32, #tpu.memory_space<hbm>>
        tpu.enqueue_dma source(%dma_start3A_372 : memref<16x8x128xf32, #tpu.memory_space<hbm>>) target(%arg9 : memref<16x8x128xf32, #tpu.memory_space<vmem>>) target_semaphore(%arg13 : memref<!tpu.dma_semaphore, #tpu.memory_space<semaphore_mem>>)
      } else {
      }
      %add3A_318 = arith.constant 1 : i32
      %add3A_319 = arith.addi %mul3A_265, %add3A_318 : i32
      %mul3A_320 = arith.constant 256 : i32
      %mul3A_321 = arith.muli %add3A, %mul3A_320 : i32
      %mul3A_322 = arith.constant 16 : i32
      %mul3A_323 = arith.muli %add3A_319, %mul3A_322 : i32
      %add3A_324 = arith.addi %mul3A_321, %mul3A_323 : i32
      %multiple_of3A_325 = tpu.assume_multiple %add3A_324, 16 : i32
      %dma_wait3A_326 = arith.constant 0 : i32
      %dma_wait3A_327 = arith.constant 0 : i32
      %dma_wait3A_328 = tpu.memref_slice %arg5[%multiple_of3A_325, %dma_wait3A_326, %dma_wait3A_327] : memref<8192x8x128xf32, #tpu.memory_space<hbm>> -> memref<16x8x128xf32, #tpu.memory_space<hbm>>
      %dma_wait3A_329 = arith.constant 0 : i32
      %dma_wait3A_330 = arith.constant 0 : i32
      %dma_wait3A_331 = tpu.memref_slice %arg5[%multiple_of3A_325, %dma_wait3A_329, %dma_wait3A_330] : memref<8192x8x128xf32, #tpu.memory_space<hbm>> -> memref<16x8x128xf32, #tpu.memory_space<hbm>>
      tpu.wait_dma2 semaphore(%arg14 : memref<!tpu.dma_semaphore, #tpu.memory_space<semaphore_mem>>) src(%dma_wait3A_331 : memref<16x8x128xf32, #tpu.memory_space<hbm>>) dst(%arg10 : memref<16x8x128xf32, #tpu.memory_space<vmem>>)
      %gt3A_332 = arith.constant 0 : i32
      %gt3A_333 = arith.cmpi sgt, %scan3A_263, %gt3A_332 : i32
      %convert_element_type3A_334 = arith.extui %gt3A_333 : i1 to i32
      %cond3A_335 = arith.constant 0 : i32
      %cond3A_336 = arith.cmpi ne, %convert_element_type3A_334, %cond3A_335 : i32
      scf.if %cond3A_336 {
        %sub3A = arith.constant 1 : i32
        %sub3A_359 = arith.subi %mul3A_265, %sub3A : i32
        %mul3A_360 = arith.constant 256 : i32
        %mul3A_361 = arith.muli %add3A, %mul3A_360 : i32
        %mul3A_362 = arith.constant 16 : i32
        %mul3A_363 = arith.muli %sub3A_359, %mul3A_362 : i32
        %add3A_364 = arith.addi %mul3A_361, %mul3A_363 : i32
        %multiple_of3A_365 = tpu.assume_multiple %add3A_364, 16 : i32
        %mul3A_366 = arith.constant 128 : i32
        %mul3A_367 = arith.muli %multiple_of3A_365, %mul3A_366 : i32
        %add3A_368 = arith.constant 3145728 : i32
        %add3A_369 = arith.addi %add3A_368, %mul3A_367 : i32
        %dma_wait3A_370 = arith.constant 0 : i32
        %dma_wait3A_371 = tpu.memref_slice %arg8[%add3A_369, %dma_wait3A_370] : memref<6291456x8xf32, #tpu.memory_space<hbm>> -> memref<2048x8xf32, #tpu.memory_space<hbm>>
        %dma_wait3A_372 = arith.constant 0 : i32
        %dma_wait3A_373 = tpu.memref_slice %arg8[%add3A_369, %dma_wait3A_372] : memref<6291456x8xf32, #tpu.memory_space<hbm>> -> memref<2048x8xf32, #tpu.memory_space<hbm>>
        tpu.wait_dma2 semaphore(%arg16 : memref<!tpu.dma_semaphore, #tpu.memory_space<semaphore_mem>>) src(%arg12 : memref<2048x8xf32, #tpu.memory_space<vmem>>) dst(%dma_wait3A_373 : memref<2048x8xf32, #tpu.memory_space<hbm>>)
      } else {
      }
      %scan3A_337 = arith.constant 0 : i32
      %scan3A_338 = arith.constant 0 : i32
      %scan3A_339 = arith.constant 16 : i32
      %scan3A_340 = arith.addi %scan3A_338, %scan3A_339 : i32
      %scan3A_341 = arith.constant 1 : i32
      scf.for %scan3A_359 = %scan3A_338 to %scan3A_340 step %scan3A_341  : i32 {
        %mul3A_360 = arith.constant 128 : i32
        %mul3A_361 = arith.muli %scan3A_359, %mul3A_360 : i32
        %multiple_of3A_362 = tpu.assume_multiple %mul3A_361, 128 : i32
        %broadcast_in_dim3A = vector.broadcast %scan3A_359 : i32 to vector<16xi32>
        %scan3A_363 = arith.constant 0 : i32
        %scan3A_364 = arith.constant 0 : i32
        %scan3A_365 = arith.constant 8 : i32
        %scan3A_366 = arith.addi %scan3A_364, %scan3A_365 : i32
        %scan3A_367 = arith.constant 1 : i32
        scf.for %scan3A_369 = %scan3A_364 to %scan3A_366 step %scan3A_367  : i32 {
          %mul3A_370 = arith.constant 16 : i32
          %mul3A_371 = arith.muli %scan3A_369, %mul3A_370 : i32
          %multiple_of3A_372 = tpu.assume_multiple %mul3A_371, 16 : i32
          %add3A_373 = arith.constant 0 : i32
          %add3A_374 = vector.broadcast %add3A_373 : i32 to vector<16xi32>
          %add3A_375 = arith.addi %add3A_8, %add3A_374 : vector<16xi32>
          %and3A_376 = arith.constant 15 : i32
          %and3A_377 = vector.broadcast %and3A_376 : i32 to vector<16xi32>
          %and3A_378 = arith.andi %add3A_375, %and3A_377 : vector<16xi32>
          %add3A_379 = vector.broadcast %multiple_of3A_372 : i32 to vector<16xi32>
          %add3A_380 = arith.addi %add3A_379, %and3A_378 : vector<16xi32>
          %gather3A = tpu.vector_load_idx %arg10[%broadcast_in_dim3A, %and3A_2, %add3A_380] : memref<16x8x128xf32, #tpu.memory_space<vmem>>[vector<16xi32>, vector<16xi32>, vector<16xi32>], vector<16xf32>,
          %add3A_381 = vector.broadcast %multiple_of3A_362 : i32 to vector<16xi32>
          %add3A_382 = arith.addi %add3A_381, %add3A_380 : vector<16xi32>
          tpu.vector_store_idx %arg12[%add3A_382, %and3A_2], %gather3A : memref<2048x8xf32, #tpu.memory_space<vmem>>[vector<16xi32>, vector<16xi32>], vector<16xf32>,
          %add3A_383 = arith.constant 2 : i32
          %add3A_384 = vector.broadcast %add3A_383 : i32 to vector<16xi32>
          %add3A_385 = arith.addi %add3A_8, %add3A_384 : vector<16xi32>
          %and3A_386 = arith.constant 15 : i32
          %and3A_387 = vector.broadcast %and3A_386 : i32 to vector<16xi32>
          %and3A_388 = arith.andi %add3A_385, %and3A_387 : vector<16xi32>
          %add3A_389 = vector.broadcast %multiple_of3A_372 : i32 to vector<16xi32>
          %add3A_390 = arith.addi %add3A_389, %and3A_388 : vector<16xi32>
          %gather3A_391 = tpu.vector_load_idx %arg10[%broadcast_in_dim3A, %and3A_2, %add3A_390] : memref<16x8x128xf32, #tpu.memory_space<vmem>>[vector<16xi32>, vector<16xi32>, vector<16xi32>], vector<16xf32>,
          %add3A_392 = vector.broadcast %multiple_of3A_362 : i32 to vector<16xi32>
          %add3A_393 = arith.addi %add3A_392, %add3A_390 : vector<16xi32>
          tpu.vector_store_idx %arg12[%add3A_393, %and3A_2], %gather3A_391 : memref<2048x8xf32, #tpu.memory_space<vmem>>[vector<16xi32>, vector<16xi32>], vector<16xf32>,
          %add3A_394 = arith.constant 4 : i32
          %add3A_395 = vector.broadcast %add3A_394 : i32 to vector<16xi32>
          %add3A_396 = arith.addi %add3A_8, %add3A_395 : vector<16xi32>
          %and3A_397 = arith.constant 15 : i32
          %and3A_398 = vector.broadcast %and3A_397 : i32 to vector<16xi32>
          %and3A_399 = arith.andi %add3A_396, %and3A_398 : vector<16xi32>
          %add3A_400 = vector.broadcast %multiple_of3A_372 : i32 to vector<16xi32>
          %add3A_401 = arith.addi %add3A_400, %and3A_399 : vector<16xi32>
          %gather3A_402 = tpu.vector_load_idx %arg10[%broadcast_in_dim3A, %and3A_2, %add3A_401] : memref<16x8x128xf32, #tpu.memory_space<vmem>>[vector<16xi32>, vector<16xi32>, vector<16xi32>], vector<16xf32>,
          %add3A_403 = vector.broadcast %multiple_of3A_362 : i32 to vector<16xi32>
          %add3A_404 = arith.addi %add3A_403, %add3A_401 : vector<16xi32>
          tpu.vector_store_idx %arg12[%add3A_404, %and3A_2], %gather3A_402 : memref<2048x8xf32, #tpu.memory_space<vmem>>[vector<16xi32>, vector<16xi32>], vector<16xf32>,
          %add3A_405 = arith.constant 6 : i32
          %add3A_406 = vector.broadcast %add3A_405 : i32 to vector<16xi32>
          %add3A_407 = arith.addi %add3A_8, %add3A_406 : vector<16xi32>
          %and3A_408 = arith.constant 15 : i32
          %and3A_409 = vector.broadcast %and3A_408 : i32 to vector<16xi32>
          %and3A_410 = arith.andi %add3A_407, %and3A_409 : vector<16xi32>
          %add3A_411 = vector.broadcast %multiple_of3A_372 : i32 to vector<16xi32>
          %add3A_412 = arith.addi %add3A_411, %and3A_410 : vector<16xi32>
          %gather3A_413 = tpu.vector_load_idx %arg10[%broadcast_in_dim3A, %and3A_2, %add3A_412] : memref<16x8x128xf32, #tpu.memory_space<vmem>>[vector<16xi32>, vector<16xi32>, vector<16xi32>], vector<16xf32>,
          %add3A_414 = vector.broadcast %multiple_of3A_362 : i32 to vector<16xi32>
          %add3A_415 = arith.addi %add3A_414, %add3A_412 : vector<16xi32>
          tpu.vector_store_idx %arg12[%add3A_415, %and3A_2], %gather3A_413 : memref<2048x8xf32, #tpu.memory_space<vmem>>[vector<16xi32>, vector<16xi32>], vector<16xf32>,
          %add3A_416 = arith.constant 8 : i32
          %add3A_417 = vector.broadcast %add3A_416 : i32 to vector<16xi32>
          %add3A_418 = arith.addi %add3A_8, %add3A_417 : vector<16xi32>
          %and3A_419 = arith.constant 15 : i32
          %and3A_420 = vector.broadcast %and3A_419 : i32 to vector<16xi32>
          %and3A_421 = arith.andi %add3A_418, %and3A_420 : vector<16xi32>
          %add3A_422 = vector.broadcast %multiple_of3A_372 : i32 to vector<16xi32>
          %add3A_423 = arith.addi %add3A_422, %and3A_421 : vector<16xi32>
          %gather3A_424 = tpu.vector_load_idx %arg10[%broadcast_in_dim3A, %and3A_2, %add3A_423] : memref<16x8x128xf32, #tpu.memory_space<vmem>>[vector<16xi32>, vector<16xi32>, vector<16xi32>], vector<16xf32>,
          %add3A_425 = vector.broadcast %multiple_of3A_362 : i32 to vector<16xi32>
          %add3A_426 = arith.addi %add3A_425, %add3A_423 : vector<16xi32>
          tpu.vector_store_idx %arg12[%add3A_426, %and3A_2], %gather3A_424 : memref<2048x8xf32, #tpu.memory_space<vmem>>[vector<16xi32>, vector<16xi32>], vector<16xf32>,
          %add3A_427 = arith.constant 10 : i32
          %add3A_428 = vector.broadcast %add3A_427 : i32 to vector<16xi32>
          %add3A_429 = arith.addi %add3A_8, %add3A_428 : vector<16xi32>
          %and3A_430 = arith.constant 15 : i32
          %and3A_431 = vector.broadcast %and3A_430 : i32 to vector<16xi32>
          %and3A_432 = arith.andi %add3A_429, %and3A_431 : vector<16xi32>
          %add3A_433 = vector.broadcast %multiple_of3A_372 : i32 to vector<16xi32>
          %add3A_434 = arith.addi %add3A_433, %and3A_432 : vector<16xi32>
          %gather3A_435 = tpu.vector_load_idx %arg10[%broadcast_in_dim3A, %and3A_2, %add3A_434] : memref<16x8x128xf32, #tpu.memory_space<vmem>>[vector<16xi32>, vector<16xi32>, vector<16xi32>], vector<16xf32>,
          %add3A_436 = vector.broadcast %multiple_of3A_362 : i32 to vector<16xi32>
          %add3A_437 = arith.addi %add3A_436, %add3A_434 : vector<16xi32>
          tpu.vector_store_idx %arg12[%add3A_437, %and3A_2], %gather3A_435 : memref<2048x8xf32, #tpu.memory_space<vmem>>[vector<16xi32>, vector<16xi32>], vector<16xf32>,
          %add3A_438 = arith.constant 12 : i32
          %add3A_439 = vector.broadcast %add3A_438 : i32 to vector<16xi32>
          %add3A_440 = arith.addi %add3A_8, %add3A_439 : vector<16xi32>
          %and3A_441 = arith.constant 15 : i32
          %and3A_442 = vector.broadcast %and3A_441 : i32 to vector<16xi32>
          %and3A_443 = arith.andi %add3A_440, %and3A_442 : vector<16xi32>
          %add3A_444 = vector.broadcast %multiple_of3A_372 : i32 to vector<16xi32>
          %add3A_445 = arith.addi %add3A_444, %and3A_443 : vector<16xi32>
          %gather3A_446 = tpu.vector_load_idx %arg10[%broadcast_in_dim3A, %and3A_2, %add3A_445] : memref<16x8x128xf32, #tpu.memory_space<vmem>>[vector<16xi32>, vector<16xi32>, vector<16xi32>], vector<16xf32>,
          %add3A_447 = vector.broadcast %multiple_of3A_362 : i32 to vector<16xi32>
          %add3A_448 = arith.addi %add3A_447, %add3A_445 : vector<16xi32>
          tpu.vector_store_idx %arg12[%add3A_448, %and3A_2], %gather3A_446 : memref<2048x8xf32, #tpu.memory_space<vmem>>[vector<16xi32>, vector<16xi32>], vector<16xf32>,
          %add3A_449 = arith.constant 14 : i32
          %add3A_450 = vector.broadcast %add3A_449 : i32 to vector<16xi32>
          %add3A_451 = arith.addi %add3A_8, %add3A_450 : vector<16xi32>
          %and3A_452 = arith.constant 15 : i32
          %and3A_453 = vector.broadcast %and3A_452 : i32 to vector<16xi32>
          %and3A_454 = arith.andi %add3A_451, %and3A_453 : vector<16xi32>
          %add3A_455 = vector.broadcast %multiple_of3A_372 : i32 to vector<16xi32>
          %add3A_456 = arith.addi %add3A_455, %and3A_454 : vector<16xi32>
          %gather3A_457 = tpu.vector_load_idx %arg10[%broadcast_in_dim3A, %and3A_2, %add3A_456] : memref<16x8x128xf32, #tpu.memory_space<vmem>>[vector<16xi32>, vector<16xi32>, vector<16xi32>], vector<16xf32>,
          %add3A_458 = vector.broadcast %multiple_of3A_362 : i32 to vector<16xi32>
          %add3A_459 = arith.addi %add3A_458, %add3A_456 : vector<16xi32>
          tpu.vector_store_idx %arg12[%add3A_459, %and3A_2], %gather3A_457 : memref<2048x8xf32, #tpu.memory_space<vmem>>[vector<16xi32>, vector<16xi32>], vector<16xf32>,
        }
        %scan3A_368 = arith.constant 8 : i32
      }
      %scan3A_342 = arith.constant 16 : i32
      %add3A_343 = arith.constant 1 : i32
      %add3A_344 = arith.addi %mul3A_265, %add3A_343 : i32
      %mul3A_345 = arith.constant 256 : i32
      %mul3A_346 = arith.muli %add3A, %mul3A_345 : i32
      %mul3A_347 = arith.constant 16 : i32
      %mul3A_348 = arith.muli %add3A_344, %mul3A_347 : i32
      %add3A_349 = arith.addi %mul3A_346, %mul3A_348 : i32
      %multiple_of3A_350 = tpu.assume_multiple %add3A_349, 16 : i32
      %mul3A_351 = arith.constant 128 : i32
      %mul3A_352 = arith.muli %multiple_of3A_350, %mul3A_351 : i32
      %add3A_353 = arith.constant 3145728 : i32
      %add3A_354 = arith.addi %add3A_353, %mul3A_352 : i32
      %dma_start3A_355 = arith.constant 0 : i32
      %dma_start3A_356 = tpu.memref_slice %arg8[%add3A_354, %dma_start3A_355] : memref<6291456x8xf32, #tpu.memory_space<hbm>> -> memref<2048x8xf32, #tpu.memory_space<hbm>>
      %dma_start3A_357 = arith.constant 0 : i32
      %dma_start3A_358 = tpu.memref_slice %arg8[%add3A_354, %dma_start3A_357] : memref<6291456x8xf32, #tpu.memory_space<hbm>> -> memref<2048x8xf32, #tpu.memory_space<hbm>>
      tpu.enqueue_dma source(%arg12 : memref<2048x8xf32, #tpu.memory_space<vmem>>) target(%dma_start3A_358 : memref<2048x8xf32, #tpu.memory_space<hbm>>) target_semaphore(%arg16 : memref<!tpu.dma_semaphore, #tpu.memory_space<semaphore_mem>>)
    }
    %scan3A_150 = arith.constant 8 : i32
    %mul3A_151 = arith.constant 256 : i32
    %mul3A_152 = arith.muli %add3A, %mul3A_151 : i32
    %add3A_153 = arith.constant 224 : i32
    %add3A_154 = arith.addi %mul3A_152, %add3A_153 : i32
    %multiple_of3A_155 = tpu.assume_multiple %add3A_154, 16 : i32
    %mul3A_156 = arith.constant 128 : i32
    %mul3A_157 = arith.muli %multiple_of3A_155, %mul3A_156 : i32
    %add3A_158 = arith.constant 3145728 : i32
    %add3A_159 = arith.addi %add3A_158, %mul3A_157 : i32
    %dma_wait3A_160 = arith.constant 0 : i32
    %dma_wait3A_161 = tpu.memref_slice %arg8[%add3A_159, %dma_wait3A_160] : memref<6291456x8xf32, #tpu.memory_space<hbm>> -> memref<2048x8xf32, #tpu.memory_space<hbm>>
    %dma_wait3A_162 = arith.constant 0 : i32
    %dma_wait3A_163 = tpu.memref_slice %arg8[%add3A_159, %dma_wait3A_162] : memref<6291456x8xf32, #tpu.memory_space<hbm>> -> memref<2048x8xf32, #tpu.memory_space<hbm>>
    tpu.wait_dma2 semaphore(%arg15 : memref<!tpu.dma_semaphore, #tpu.memory_space<semaphore_mem>>) src(%arg11 : memref<2048x8xf32, #tpu.memory_space<vmem>>) dst(%dma_wait3A_163 : memref<2048x8xf32, #tpu.memory_space<hbm>>)
    %mul3A_164 = arith.constant 256 : i32
    %mul3A_165 = arith.muli %add3A, %mul3A_164 : i32
    %add3A_166 = arith.constant 240 : i32
    %add3A_167 = arith.addi %mul3A_165, %add3A_166 : i32
    %multiple_of3A_168 = tpu.assume_multiple %add3A_167, 16 : i32
    %mul3A_169 = arith.constant 128 : i32
    %mul3A_170 = arith.muli %multiple_of3A_168, %mul3A_169 : i32
    %add3A_171 = arith.constant 3145728 : i32
    %add3A_172 = arith.addi %add3A_171, %mul3A_170 : i32
    %dma_wait3A_173 = arith.constant 0 : i32
    %dma_wait3A_174 = tpu.memref_slice %arg8[%add3A_172, %dma_wait3A_173] : memref<6291456x8xf32, #tpu.memory_space<hbm>> -> memref<2048x8xf32, #tpu.memory_space<hbm>>
    %dma_wait3A_175 = arith.constant 0 : i32
    %dma_wait3A_176 = tpu.memref_slice %arg8[%add3A_172, %dma_wait3A_175] : memref<6291456x8xf32, #tpu.memory_space<hbm>> -> memref<2048x8xf32, #tpu.memory_space<hbm>>
    tpu.wait_dma2 semaphore(%arg16 : memref<!tpu.dma_semaphore, #tpu.memory_space<semaphore_mem>>) src(%arg12 : memref<2048x8xf32, #tpu.memory_space<vmem>>) dst(%dma_wait3A_176 : memref<2048x8xf32, #tpu.memory_space<hbm>>)
    %mul3A_177 = arith.constant 256 : i32
    %mul3A_178 = arith.muli %add3A, %mul3A_177 : i32
    %add3A_179 = arith.constant 0 : i32
    %add3A_180 = arith.addi %mul3A_178, %add3A_179 : i32
    %multiple_of3A_181 = tpu.assume_multiple %add3A_180, 16 : i32
    %dma_start3A_182 = arith.constant 0 : i32
    %dma_start3A_183 = arith.constant 0 : i32
    %dma_start3A_184 = tpu.memref_slice %arg6[%multiple_of3A_181, %dma_start3A_182, %dma_start3A_183] : memref<8192x8x128xf32, #tpu.memory_space<hbm>> -> memref<16x8x128xf32, #tpu.memory_space<hbm>>
    %dma_start3A_185 = arith.constant 0 : i32
    %dma_start3A_186 = arith.constant 0 : i32
    %dma_start3A_187 = tpu.memref_slice %arg6[%multiple_of3A_181, %dma_start3A_185, %dma_start3A_186] : memref<8192x8x128xf32, #tpu.memory_space<hbm>> -> memref<16x8x128xf32, #tpu.memory_space<hbm>>
    tpu.enqueue_dma source(%dma_start3A_187 : memref<16x8x128xf32, #tpu.memory_space<hbm>>) target(%arg9 : memref<16x8x128xf32, #tpu.memory_space<vmem>>) target_semaphore(%arg13 : memref<!tpu.dma_semaphore, #tpu.memory_space<semaphore_mem>>)
    %scan3A_188 = arith.constant 0 : i32
    %scan3A_189 = arith.constant 0 : i32
    %scan3A_190 = arith.constant 8 : i32
    %scan3A_191 = arith.addi %scan3A_189, %scan3A_190 : i32
    %scan3A_192 = arith.constant 1 : i32
    scf.for %scan3A_263 = %scan3A_189 to %scan3A_191 step %scan3A_192  : i32 {
      %mul3A_264 = arith.constant 2 : i32
      %mul3A_265 = arith.muli %mul3A_264, %scan3A_263 : i32
      %add3A_266 = arith.constant 1 : i32
      %add3A_267 = arith.addi %mul3A_265, %add3A_266 : i32
      %mul3A_268 = arith.constant 256 : i32
      %mul3A_269 = arith.muli %add3A, %mul3A_268 : i32
      %mul3A_270 = arith.constant 16 : i32
      %mul3A_271 = arith.muli %add3A_267, %mul3A_270 : i32
      %add3A_272 = arith.addi %mul3A_269, %mul3A_271 : i32
      %multiple_of3A_273 = tpu.assume_multiple %add3A_272, 16 : i32
      %dma_start3A_274 = arith.constant 0 : i32
      %dma_start3A_275 = arith.constant 0 : i32
      %dma_start3A_276 = tpu.memref_slice %arg6[%multiple_of3A_273, %dma_start3A_274, %dma_start3A_275] : memref<8192x8x128xf32, #tpu.memory_space<hbm>> -> memref<16x8x128xf32, #tpu.memory_space<hbm>>
      %dma_start3A_277 = arith.constant 0 : i32
      %dma_start3A_278 = arith.constant 0 : i32
      %dma_start3A_279 = tpu.memref_slice %arg6[%multiple_of3A_273, %dma_start3A_277, %dma_start3A_278] : memref<8192x8x128xf32, #tpu.memory_space<hbm>> -> memref<16x8x128xf32, #tpu.memory_space<hbm>>
      tpu.enqueue_dma source(%dma_start3A_279 : memref<16x8x128xf32, #tpu.memory_space<hbm>>) target(%arg10 : memref<16x8x128xf32, #tpu.memory_space<vmem>>) target_semaphore(%arg14 : memref<!tpu.dma_semaphore, #tpu.memory_space<semaphore_mem>>)
      %mul3A_280 = arith.constant 256 : i32
      %mul3A_281 = arith.muli %add3A, %mul3A_280 : i32
      %mul3A_282 = arith.constant 16 : i32
      %mul3A_283 = arith.muli %mul3A_265, %mul3A_282 : i32
      %add3A_284 = arith.addi %mul3A_281, %mul3A_283 : i32
      %multiple_of3A_285 = tpu.assume_multiple %add3A_284, 16 : i32
      %dma_wait3A_286 = arith.constant 0 : i32
      %dma_wait3A_287 = arith.constant 0 : i32
      %dma_wait3A_288 = tpu.memref_slice %arg6[%multiple_of3A_285, %dma_wait3A_286, %dma_wait3A_287] : memref<8192x8x128xf32, #tpu.memory_space<hbm>> -> memref<16x8x128xf32, #tpu.memory_space<hbm>>
      %dma_wait3A_289 = arith.constant 0 : i32
      %dma_wait3A_290 = arith.constant 0 : i32
      %dma_wait3A_291 = tpu.memref_slice %arg6[%multiple_of3A_285, %dma_wait3A_289, %dma_wait3A_290] : memref<8192x8x128xf32, #tpu.memory_space<hbm>> -> memref<16x8x128xf32, #tpu.memory_space<hbm>>
      tpu.wait_dma2 semaphore(%arg13 : memref<!tpu.dma_semaphore, #tpu.memory_space<semaphore_mem>>) src(%dma_wait3A_291 : memref<16x8x128xf32, #tpu.memory_space<hbm>>) dst(%arg9 : memref<16x8x128xf32, #tpu.memory_space<vmem>>)
      %gt3A = arith.constant 0 : i32
      %gt3A_292 = arith.cmpi sgt, %scan3A_263, %gt3A : i32
      %convert_element_type3A = arith.extui %gt3A_292 : i1 to i32
      %cond3A = arith.constant 0 : i32
      %cond3A_293 = arith.cmpi ne, %convert_element_type3A, %cond3A : i32
      scf.if %cond3A_293 {
        %sub3A = arith.constant 2 : i32
        %sub3A_359 = arith.subi %mul3A_265, %sub3A : i32
        %mul3A_360 = arith.constant 256 : i32
        %mul3A_361 = arith.muli %add3A, %mul3A_360 : i32
        %mul3A_362 = arith.constant 16 : i32
        %mul3A_363 = arith.muli %sub3A_359, %mul3A_362 : i32
        %add3A_364 = arith.addi %mul3A_361, %mul3A_363 : i32
        %multiple_of3A_365 = tpu.assume_multiple %add3A_364, 16 : i32
        %mul3A_366 = arith.constant 128 : i32
        %mul3A_367 = arith.muli %multiple_of3A_365, %mul3A_366 : i32
        %add3A_368 = arith.constant 4194304 : i32
        %add3A_369 = arith.addi %add3A_368, %mul3A_367 : i32
        %dma_wait3A_370 = arith.constant 0 : i32
        %dma_wait3A_371 = tpu.memref_slice %arg8[%add3A_369, %dma_wait3A_370] : memref<6291456x8xf32, #tpu.memory_space<hbm>> -> memref<2048x8xf32, #tpu.memory_space<hbm>>
        %dma_wait3A_372 = arith.constant 0 : i32
        %dma_wait3A_373 = tpu.memref_slice %arg8[%add3A_369, %dma_wait3A_372] : memref<6291456x8xf32, #tpu.memory_space<hbm>> -> memref<2048x8xf32, #tpu.memory_space<hbm>>
        tpu.wait_dma2 semaphore(%arg15 : memref<!tpu.dma_semaphore, #tpu.memory_space<semaphore_mem>>) src(%arg11 : memref<2048x8xf32, #tpu.memory_space<vmem>>) dst(%dma_wait3A_373 : memref<2048x8xf32, #tpu.memory_space<hbm>>)
      } else {
      }
      %scan3A_294 = arith.constant 0 : i32
      %scan3A_295 = arith.constant 0 : i32
      %scan3A_296 = arith.constant 16 : i32
      %scan3A_297 = arith.addi %scan3A_295, %scan3A_296 : i32
      %scan3A_298 = arith.constant 1 : i32
      scf.for %scan3A_359 = %scan3A_295 to %scan3A_297 step %scan3A_298  : i32 {
        %mul3A_360 = arith.constant 128 : i32
        %mul3A_361 = arith.muli %scan3A_359, %mul3A_360 : i32
        %multiple_of3A_362 = tpu.assume_multiple %mul3A_361, 128 : i32
        %broadcast_in_dim3A = vector.broadcast %scan3A_359 : i32 to vector<16xi32>
        %scan3A_363 = arith.constant 0 : i32
        %scan3A_364 = arith.constant 0 : i32
        %scan3A_365 = arith.constant 8 : i32
        %scan3A_366 = arith.addi %scan3A_364, %scan3A_365 : i32
        %scan3A_367 = arith.constant 1 : i32
        scf.for %scan3A_369 = %scan3A_364 to %scan3A_366 step %scan3A_367  : i32 {
          %mul3A_370 = arith.constant 16 : i32
          %mul3A_371 = arith.muli %scan3A_369, %mul3A_370 : i32
          %multiple_of3A_372 = tpu.assume_multiple %mul3A_371, 16 : i32
          %add3A_373 = arith.constant 0 : i32
          %add3A_374 = vector.broadcast %add3A_373 : i32 to vector<16xi32>
          %add3A_375 = arith.addi %add3A_8, %add3A_374 : vector<16xi32>
          %and3A_376 = arith.constant 15 : i32
          %and3A_377 = vector.broadcast %and3A_376 : i32 to vector<16xi32>
          %and3A_378 = arith.andi %add3A_375, %and3A_377 : vector<16xi32>
          %add3A_379 = vector.broadcast %multiple_of3A_372 : i32 to vector<16xi32>
          %add3A_380 = arith.addi %add3A_379, %and3A_378 : vector<16xi32>
          %gather3A = tpu.vector_load_idx %arg9[%broadcast_in_dim3A, %and3A_2, %add3A_380] : memref<16x8x128xf32, #tpu.memory_space<vmem>>[vector<16xi32>, vector<16xi32>, vector<16xi32>], vector<16xf32>,
          %add3A_381 = vector.broadcast %multiple_of3A_362 : i32 to vector<16xi32>
          %add3A_382 = arith.addi %add3A_381, %add3A_380 : vector<16xi32>
          tpu.vector_store_idx %arg11[%add3A_382, %and3A_2], %gather3A : memref<2048x8xf32, #tpu.memory_space<vmem>>[vector<16xi32>, vector<16xi32>], vector<16xf32>,
          %add3A_383 = arith.constant 2 : i32
          %add3A_384 = vector.broadcast %add3A_383 : i32 to vector<16xi32>
          %add3A_385 = arith.addi %add3A_8, %add3A_384 : vector<16xi32>
          %and3A_386 = arith.constant 15 : i32
          %and3A_387 = vector.broadcast %and3A_386 : i32 to vector<16xi32>
          %and3A_388 = arith.andi %add3A_385, %and3A_387 : vector<16xi32>
          %add3A_389 = vector.broadcast %multiple_of3A_372 : i32 to vector<16xi32>
          %add3A_390 = arith.addi %add3A_389, %and3A_388 : vector<16xi32>
          %gather3A_391 = tpu.vector_load_idx %arg9[%broadcast_in_dim3A, %and3A_2, %add3A_390] : memref<16x8x128xf32, #tpu.memory_space<vmem>>[vector<16xi32>, vector<16xi32>, vector<16xi32>], vector<16xf32>,
          %add3A_392 = vector.broadcast %multiple_of3A_362 : i32 to vector<16xi32>
          %add3A_393 = arith.addi %add3A_392, %add3A_390 : vector<16xi32>
          tpu.vector_store_idx %arg11[%add3A_393, %and3A_2], %gather3A_391 : memref<2048x8xf32, #tpu.memory_space<vmem>>[vector<16xi32>, vector<16xi32>], vector<16xf32>,
          %add3A_394 = arith.constant 4 : i32
          %add3A_395 = vector.broadcast %add3A_394 : i32 to vector<16xi32>
          %add3A_396 = arith.addi %add3A_8, %add3A_395 : vector<16xi32>
          %and3A_397 = arith.constant 15 : i32
          %and3A_398 = vector.broadcast %and3A_397 : i32 to vector<16xi32>
          %and3A_399 = arith.andi %add3A_396, %and3A_398 : vector<16xi32>
          %add3A_400 = vector.broadcast %multiple_of3A_372 : i32 to vector<16xi32>
          %add3A_401 = arith.addi %add3A_400, %and3A_399 : vector<16xi32>
          %gather3A_402 = tpu.vector_load_idx %arg9[%broadcast_in_dim3A, %and3A_2, %add3A_401] : memref<16x8x128xf32, #tpu.memory_space<vmem>>[vector<16xi32>, vector<16xi32>, vector<16xi32>], vector<16xf32>,
          %add3A_403 = vector.broadcast %multiple_of3A_362 : i32 to vector<16xi32>
          %add3A_404 = arith.addi %add3A_403, %add3A_401 : vector<16xi32>
          tpu.vector_store_idx %arg11[%add3A_404, %and3A_2], %gather3A_402 : memref<2048x8xf32, #tpu.memory_space<vmem>>[vector<16xi32>, vector<16xi32>], vector<16xf32>,
          %add3A_405 = arith.constant 6 : i32
          %add3A_406 = vector.broadcast %add3A_405 : i32 to vector<16xi32>
          %add3A_407 = arith.addi %add3A_8, %add3A_406 : vector<16xi32>
          %and3A_408 = arith.constant 15 : i32
          %and3A_409 = vector.broadcast %and3A_408 : i32 to vector<16xi32>
          %and3A_410 = arith.andi %add3A_407, %and3A_409 : vector<16xi32>
          %add3A_411 = vector.broadcast %multiple_of3A_372 : i32 to vector<16xi32>
          %add3A_412 = arith.addi %add3A_411, %and3A_410 : vector<16xi32>
          %gather3A_413 = tpu.vector_load_idx %arg9[%broadcast_in_dim3A, %and3A_2, %add3A_412] : memref<16x8x128xf32, #tpu.memory_space<vmem>>[vector<16xi32>, vector<16xi32>, vector<16xi32>], vector<16xf32>,
          %add3A_414 = vector.broadcast %multiple_of3A_362 : i32 to vector<16xi32>
          %add3A_415 = arith.addi %add3A_414, %add3A_412 : vector<16xi32>
          tpu.vector_store_idx %arg11[%add3A_415, %and3A_2], %gather3A_413 : memref<2048x8xf32, #tpu.memory_space<vmem>>[vector<16xi32>, vector<16xi32>], vector<16xf32>,
          %add3A_416 = arith.constant 8 : i32
          %add3A_417 = vector.broadcast %add3A_416 : i32 to vector<16xi32>
          %add3A_418 = arith.addi %add3A_8, %add3A_417 : vector<16xi32>
          %and3A_419 = arith.constant 15 : i32
          %and3A_420 = vector.broadcast %and3A_419 : i32 to vector<16xi32>
          %and3A_421 = arith.andi %add3A_418, %and3A_420 : vector<16xi32>
          %add3A_422 = vector.broadcast %multiple_of3A_372 : i32 to vector<16xi32>
          %add3A_423 = arith.addi %add3A_422, %and3A_421 : vector<16xi32>
          %gather3A_424 = tpu.vector_load_idx %arg9[%broadcast_in_dim3A, %and3A_2, %add3A_423] : memref<16x8x128xf32, #tpu.memory_space<vmem>>[vector<16xi32>, vector<16xi32>, vector<16xi32>], vector<16xf32>,
          %add3A_425 = vector.broadcast %multiple_of3A_362 : i32 to vector<16xi32>
          %add3A_426 = arith.addi %add3A_425, %add3A_423 : vector<16xi32>
          tpu.vector_store_idx %arg11[%add3A_426, %and3A_2], %gather3A_424 : memref<2048x8xf32, #tpu.memory_space<vmem>>[vector<16xi32>, vector<16xi32>], vector<16xf32>,
          %add3A_427 = arith.constant 10 : i32
          %add3A_428 = vector.broadcast %add3A_427 : i32 to vector<16xi32>
          %add3A_429 = arith.addi %add3A_8, %add3A_428 : vector<16xi32>
          %and3A_430 = arith.constant 15 : i32
          %and3A_431 = vector.broadcast %and3A_430 : i32 to vector<16xi32>
          %and3A_432 = arith.andi %add3A_429, %and3A_431 : vector<16xi32>
          %add3A_433 = vector.broadcast %multiple_of3A_372 : i32 to vector<16xi32>
          %add3A_434 = arith.addi %add3A_433, %and3A_432 : vector<16xi32>
          %gather3A_435 = tpu.vector_load_idx %arg9[%broadcast_in_dim3A, %and3A_2, %add3A_434] : memref<16x8x128xf32, #tpu.memory_space<vmem>>[vector<16xi32>, vector<16xi32>, vector<16xi32>], vector<16xf32>,
          %add3A_436 = vector.broadcast %multiple_of3A_362 : i32 to vector<16xi32>
          %add3A_437 = arith.addi %add3A_436, %add3A_434 : vector<16xi32>
          tpu.vector_store_idx %arg11[%add3A_437, %and3A_2], %gather3A_435 : memref<2048x8xf32, #tpu.memory_space<vmem>>[vector<16xi32>, vector<16xi32>], vector<16xf32>,
          %add3A_438 = arith.constant 12 : i32
          %add3A_439 = vector.broadcast %add3A_438 : i32 to vector<16xi32>
          %add3A_440 = arith.addi %add3A_8, %add3A_439 : vector<16xi32>
          %and3A_441 = arith.constant 15 : i32
          %and3A_442 = vector.broadcast %and3A_441 : i32 to vector<16xi32>
          %and3A_443 = arith.andi %add3A_440, %and3A_442 : vector<16xi32>
          %add3A_444 = vector.broadcast %multiple_of3A_372 : i32 to vector<16xi32>
          %add3A_445 = arith.addi %add3A_444, %and3A_443 : vector<16xi32>
          %gather3A_446 = tpu.vector_load_idx %arg9[%broadcast_in_dim3A, %and3A_2, %add3A_445] : memref<16x8x128xf32, #tpu.memory_space<vmem>>[vector<16xi32>, vector<16xi32>, vector<16xi32>], vector<16xf32>,
          %add3A_447 = vector.broadcast %multiple_of3A_362 : i32 to vector<16xi32>
          %add3A_448 = arith.addi %add3A_447, %add3A_445 : vector<16xi32>
          tpu.vector_store_idx %arg11[%add3A_448, %and3A_2], %gather3A_446 : memref<2048x8xf32, #tpu.memory_space<vmem>>[vector<16xi32>, vector<16xi32>], vector<16xf32>,
          %add3A_449 = arith.constant 14 : i32
          %add3A_450 = vector.broadcast %add3A_449 : i32 to vector<16xi32>
          %add3A_451 = arith.addi %add3A_8, %add3A_450 : vector<16xi32>
          %and3A_452 = arith.constant 15 : i32
          %and3A_453 = vector.broadcast %and3A_452 : i32 to vector<16xi32>
          %and3A_454 = arith.andi %add3A_451, %and3A_453 : vector<16xi32>
          %add3A_455 = vector.broadcast %multiple_of3A_372 : i32 to vector<16xi32>
          %add3A_456 = arith.addi %add3A_455, %and3A_454 : vector<16xi32>
          %gather3A_457 = tpu.vector_load_idx %arg9[%broadcast_in_dim3A, %and3A_2, %add3A_456] : memref<16x8x128xf32, #tpu.memory_space<vmem>>[vector<16xi32>, vector<16xi32>, vector<16xi32>], vector<16xf32>,
          %add3A_458 = vector.broadcast %multiple_of3A_362 : i32 to vector<16xi32>
          %add3A_459 = arith.addi %add3A_458, %add3A_456 : vector<16xi32>
          tpu.vector_store_idx %arg11[%add3A_459, %and3A_2], %gather3A_457 : memref<2048x8xf32, #tpu.memory_space<vmem>>[vector<16xi32>, vector<16xi32>], vector<16xf32>,
        }
        %scan3A_368 = arith.constant 8 : i32
      }
      %scan3A_299 = arith.constant 16 : i32
      %mul3A_300 = arith.constant 256 : i32
      %mul3A_301 = arith.muli %add3A, %mul3A_300 : i32
      %mul3A_302 = arith.constant 16 : i32
      %mul3A_303 = arith.muli %mul3A_265, %mul3A_302 : i32
      %add3A_304 = arith.addi %mul3A_301, %mul3A_303 : i32
      %multiple_of3A_305 = tpu.assume_multiple %add3A_304, 16 : i32
      %mul3A_306 = arith.constant 128 : i32
      %mul3A_307 = arith.muli %multiple_of3A_305, %mul3A_306 : i32
      %add3A_308 = arith.constant 4194304 : i32
      %add3A_309 = arith.addi %add3A_308, %mul3A_307 : i32
      %dma_start3A_310 = arith.constant 0 : i32
      %dma_start3A_311 = tpu.memref_slice %arg8[%add3A_309, %dma_start3A_310] : memref<6291456x8xf32, #tpu.memory_space<hbm>> -> memref<2048x8xf32, #tpu.memory_space<hbm>>
      %dma_start3A_312 = arith.constant 0 : i32
      %dma_start3A_313 = tpu.memref_slice %arg8[%add3A_309, %dma_start3A_312] : memref<6291456x8xf32, #tpu.memory_space<hbm>> -> memref<2048x8xf32, #tpu.memory_space<hbm>>
      tpu.enqueue_dma source(%arg11 : memref<2048x8xf32, #tpu.memory_space<vmem>>) target(%dma_start3A_313 : memref<2048x8xf32, #tpu.memory_space<hbm>>) target_semaphore(%arg15 : memref<!tpu.dma_semaphore, #tpu.memory_space<semaphore_mem>>)
      %lt3A = arith.constant 7 : i32
      %lt3A_314 = arith.cmpi slt, %scan3A_263, %lt3A : i32
      %convert_element_type3A_315 = arith.extui %lt3A_314 : i1 to i32
      %cond3A_316 = arith.constant 0 : i32
      %cond3A_317 = arith.cmpi ne, %convert_element_type3A_315, %cond3A_316 : i32
      scf.if %cond3A_317 {
        %add3A_359 = arith.constant 2 : i32
        %add3A_360 = arith.addi %mul3A_265, %add3A_359 : i32
        %mul3A_361 = arith.constant 256 : i32
        %mul3A_362 = arith.muli %add3A, %mul3A_361 : i32
        %mul3A_363 = arith.constant 16 : i32
        %mul3A_364 = arith.muli %add3A_360, %mul3A_363 : i32
        %add3A_365 = arith.addi %mul3A_362, %mul3A_364 : i32
        %multiple_of3A_366 = tpu.assume_multiple %add3A_365, 16 : i32
        %dma_start3A_367 = arith.constant 0 : i32
        %dma_start3A_368 = arith.constant 0 : i32
        %dma_start3A_369 = tpu.memref_slice %arg6[%multiple_of3A_366, %dma_start3A_367, %dma_start3A_368] : memref<8192x8x128xf32, #tpu.memory_space<hbm>> -> memref<16x8x128xf32, #tpu.memory_space<hbm>>
        %dma_start3A_370 = arith.constant 0 : i32
        %dma_start3A_371 = arith.constant 0 : i32
        %dma_start3A_372 = tpu.memref_slice %arg6[%multiple_of3A_366, %dma_start3A_370, %dma_start3A_371] : memref<8192x8x128xf32, #tpu.memory_space<hbm>> -> memref<16x8x128xf32, #tpu.memory_space<hbm>>
        tpu.enqueue_dma source(%dma_start3A_372 : memref<16x8x128xf32, #tpu.memory_space<hbm>>) target(%arg9 : memref<16x8x128xf32, #tpu.memory_space<vmem>>) target_semaphore(%arg13 : memref<!tpu.dma_semaphore, #tpu.memory_space<semaphore_mem>>)
      } else {
      }
      %add3A_318 = arith.constant 1 : i32
      %add3A_319 = arith.addi %mul3A_265, %add3A_318 : i32
      %mul3A_320 = arith.constant 256 : i32
      %mul3A_321 = arith.muli %add3A, %mul3A_320 : i32
      %mul3A_322 = arith.constant 16 : i32
      %mul3A_323 = arith.muli %add3A_319, %mul3A_322 : i32
      %add3A_324 = arith.addi %mul3A_321, %mul3A_323 : i32
      %multiple_of3A_325 = tpu.assume_multiple %add3A_324, 16 : i32
      %dma_wait3A_326 = arith.constant 0 : i32
      %dma_wait3A_327 = arith.constant 0 : i32
      %dma_wait3A_328 = tpu.memref_slice %arg6[%multiple_of3A_325, %dma_wait3A_326, %dma_wait3A_327] : memref<8192x8x128xf32, #tpu.memory_space<hbm>> -> memref<16x8x128xf32, #tpu.memory_space<hbm>>
      %dma_wait3A_329 = arith.constant 0 : i32
      %dma_wait3A_330 = arith.constant 0 : i32
      %dma_wait3A_331 = tpu.memref_slice %arg6[%multiple_of3A_325, %dma_wait3A_329, %dma_wait3A_330] : memref<8192x8x128xf32, #tpu.memory_space<hbm>> -> memref<16x8x128xf32, #tpu.memory_space<hbm>>
      tpu.wait_dma2 semaphore(%arg14 : memref<!tpu.dma_semaphore, #tpu.memory_space<semaphore_mem>>) src(%dma_wait3A_331 : memref<16x8x128xf32, #tpu.memory_space<hbm>>) dst(%arg10 : memref<16x8x128xf32, #tpu.memory_space<vmem>>)
      %gt3A_332 = arith.constant 0 : i32
      %gt3A_333 = arith.cmpi sgt, %scan3A_263, %gt3A_332 : i32
      %convert_element_type3A_334 = arith.extui %gt3A_333 : i1 to i32
      %cond3A_335 = arith.constant 0 : i32
      %cond3A_336 = arith.cmpi ne, %convert_element_type3A_334, %cond3A_335 : i32
      scf.if %cond3A_336 {
        %sub3A = arith.constant 1 : i32
        %sub3A_359 = arith.subi %mul3A_265, %sub3A : i32
        %mul3A_360 = arith.constant 256 : i32
        %mul3A_361 = arith.muli %add3A, %mul3A_360 : i32
        %mul3A_362 = arith.constant 16 : i32
        %mul3A_363 = arith.muli %sub3A_359, %mul3A_362 : i32
        %add3A_364 = arith.addi %mul3A_361, %mul3A_363 : i32
        %multiple_of3A_365 = tpu.assume_multiple %add3A_364, 16 : i32
        %mul3A_366 = arith.constant 128 : i32
        %mul3A_367 = arith.muli %multiple_of3A_365, %mul3A_366 : i32
        %add3A_368 = arith.constant 4194304 : i32
        %add3A_369 = arith.addi %add3A_368, %mul3A_367 : i32
        %dma_wait3A_370 = arith.constant 0 : i32
        %dma_wait3A_371 = tpu.memref_slice %arg8[%add3A_369, %dma_wait3A_370] : memref<6291456x8xf32, #tpu.memory_space<hbm>> -> memref<2048x8xf32, #tpu.memory_space<hbm>>
        %dma_wait3A_372 = arith.constant 0 : i32
        %dma_wait3A_373 = tpu.memref_slice %arg8[%add3A_369, %dma_wait3A_372] : memref<6291456x8xf32, #tpu.memory_space<hbm>> -> memref<2048x8xf32, #tpu.memory_space<hbm>>
        tpu.wait_dma2 semaphore(%arg16 : memref<!tpu.dma_semaphore, #tpu.memory_space<semaphore_mem>>) src(%arg12 : memref<2048x8xf32, #tpu.memory_space<vmem>>) dst(%dma_wait3A_373 : memref<2048x8xf32, #tpu.memory_space<hbm>>)
      } else {
      }
      %scan3A_337 = arith.constant 0 : i32
      %scan3A_338 = arith.constant 0 : i32
      %scan3A_339 = arith.constant 16 : i32
      %scan3A_340 = arith.addi %scan3A_338, %scan3A_339 : i32
      %scan3A_341 = arith.constant 1 : i32
      scf.for %scan3A_359 = %scan3A_338 to %scan3A_340 step %scan3A_341  : i32 {
        %mul3A_360 = arith.constant 128 : i32
        %mul3A_361 = arith.muli %scan3A_359, %mul3A_360 : i32
        %multiple_of3A_362 = tpu.assume_multiple %mul3A_361, 128 : i32
        %broadcast_in_dim3A = vector.broadcast %scan3A_359 : i32 to vector<16xi32>
        %scan3A_363 = arith.constant 0 : i32
        %scan3A_364 = arith.constant 0 : i32
        %scan3A_365 = arith.constant 8 : i32
        %scan3A_366 = arith.addi %scan3A_364, %scan3A_365 : i32
        %scan3A_367 = arith.constant 1 : i32
        scf.for %scan3A_369 = %scan3A_364 to %scan3A_366 step %scan3A_367  : i32 {
          %mul3A_370 = arith.constant 16 : i32
          %mul3A_371 = arith.muli %scan3A_369, %mul3A_370 : i32
          %multiple_of3A_372 = tpu.assume_multiple %mul3A_371, 16 : i32
          %add3A_373 = arith.constant 0 : i32
          %add3A_374 = vector.broadcast %add3A_373 : i32 to vector<16xi32>
          %add3A_375 = arith.addi %add3A_8, %add3A_374 : vector<16xi32>
          %and3A_376 = arith.constant 15 : i32
          %and3A_377 = vector.broadcast %and3A_376 : i32 to vector<16xi32>
          %and3A_378 = arith.andi %add3A_375, %and3A_377 : vector<16xi32>
          %add3A_379 = vector.broadcast %multiple_of3A_372 : i32 to vector<16xi32>
          %add3A_380 = arith.addi %add3A_379, %and3A_378 : vector<16xi32>
          %gather3A = tpu.vector_load_idx %arg10[%broadcast_in_dim3A, %and3A_2, %add3A_380] : memref<16x8x128xf32, #tpu.memory_space<vmem>>[vector<16xi32>, vector<16xi32>, vector<16xi32>], vector<16xf32>,
          %add3A_381 = vector.broadcast %multiple_of3A_362 : i32 to vector<16xi32>
          %add3A_382 = arith.addi %add3A_381, %add3A_380 : vector<16xi32>
          tpu.vector_store_idx %arg12[%add3A_382, %and3A_2], %gather3A : memref<2048x8xf32, #tpu.memory_space<vmem>>[vector<16xi32>, vector<16xi32>], vector<16xf32>,
          %add3A_383 = arith.constant 2 : i32
          %add3A_384 = vector.broadcast %add3A_383 : i32 to vector<16xi32>
          %add3A_385 = arith.addi %add3A_8, %add3A_384 : vector<16xi32>
          %and3A_386 = arith.constant 15 : i32
          %and3A_387 = vector.broadcast %and3A_386 : i32 to vector<16xi32>
          %and3A_388 = arith.andi %add3A_385, %and3A_387 : vector<16xi32>
          %add3A_389 = vector.broadcast %multiple_of3A_372 : i32 to vector<16xi32>
          %add3A_390 = arith.addi %add3A_389, %and3A_388 : vector<16xi32>
          %gather3A_391 = tpu.vector_load_idx %arg10[%broadcast_in_dim3A, %and3A_2, %add3A_390] : memref<16x8x128xf32, #tpu.memory_space<vmem>>[vector<16xi32>, vector<16xi32>, vector<16xi32>], vector<16xf32>,
          %add3A_392 = vector.broadcast %multiple_of3A_362 : i32 to vector<16xi32>
          %add3A_393 = arith.addi %add3A_392, %add3A_390 : vector<16xi32>
          tpu.vector_store_idx %arg12[%add3A_393, %and3A_2], %gather3A_391 : memref<2048x8xf32, #tpu.memory_space<vmem>>[vector<16xi32>, vector<16xi32>], vector<16xf32>,
          %add3A_394 = arith.constant 4 : i32
          %add3A_395 = vector.broadcast %add3A_394 : i32 to vector<16xi32>
          %add3A_396 = arith.addi %add3A_8, %add3A_395 : vector<16xi32>
          %and3A_397 = arith.constant 15 : i32
          %and3A_398 = vector.broadcast %and3A_397 : i32 to vector<16xi32>
          %and3A_399 = arith.andi %add3A_396, %and3A_398 : vector<16xi32>
          %add3A_400 = vector.broadcast %multiple_of3A_372 : i32 to vector<16xi32>
          %add3A_401 = arith.addi %add3A_400, %and3A_399 : vector<16xi32>
          %gather3A_402 = tpu.vector_load_idx %arg10[%broadcast_in_dim3A, %and3A_2, %add3A_401] : memref<16x8x128xf32, #tpu.memory_space<vmem>>[vector<16xi32>, vector<16xi32>, vector<16xi32>], vector<16xf32>,
          %add3A_403 = vector.broadcast %multiple_of3A_362 : i32 to vector<16xi32>
          %add3A_404 = arith.addi %add3A_403, %add3A_401 : vector<16xi32>
          tpu.vector_store_idx %arg12[%add3A_404, %and3A_2], %gather3A_402 : memref<2048x8xf32, #tpu.memory_space<vmem>>[vector<16xi32>, vector<16xi32>], vector<16xf32>,
          %add3A_405 = arith.constant 6 : i32
          %add3A_406 = vector.broadcast %add3A_405 : i32 to vector<16xi32>
          %add3A_407 = arith.addi %add3A_8, %add3A_406 : vector<16xi32>
          %and3A_408 = arith.constant 15 : i32
          %and3A_409 = vector.broadcast %and3A_408 : i32 to vector<16xi32>
          %and3A_410 = arith.andi %add3A_407, %and3A_409 : vector<16xi32>
          %add3A_411 = vector.broadcast %multiple_of3A_372 : i32 to vector<16xi32>
          %add3A_412 = arith.addi %add3A_411, %and3A_410 : vector<16xi32>
          %gather3A_413 = tpu.vector_load_idx %arg10[%broadcast_in_dim3A, %and3A_2, %add3A_412] : memref<16x8x128xf32, #tpu.memory_space<vmem>>[vector<16xi32>, vector<16xi32>, vector<16xi32>], vector<16xf32>,
          %add3A_414 = vector.broadcast %multiple_of3A_362 : i32 to vector<16xi32>
          %add3A_415 = arith.addi %add3A_414, %add3A_412 : vector<16xi32>
          tpu.vector_store_idx %arg12[%add3A_415, %and3A_2], %gather3A_413 : memref<2048x8xf32, #tpu.memory_space<vmem>>[vector<16xi32>, vector<16xi32>], vector<16xf32>,
          %add3A_416 = arith.constant 8 : i32
          %add3A_417 = vector.broadcast %add3A_416 : i32 to vector<16xi32>
          %add3A_418 = arith.addi %add3A_8, %add3A_417 : vector<16xi32>
          %and3A_419 = arith.constant 15 : i32
          %and3A_420 = vector.broadcast %and3A_419 : i32 to vector<16xi32>
          %and3A_421 = arith.andi %add3A_418, %and3A_420 : vector<16xi32>
          %add3A_422 = vector.broadcast %multiple_of3A_372 : i32 to vector<16xi32>
          %add3A_423 = arith.addi %add3A_422, %and3A_421 : vector<16xi32>
          %gather3A_424 = tpu.vector_load_idx %arg10[%broadcast_in_dim3A, %and3A_2, %add3A_423] : memref<16x8x128xf32, #tpu.memory_space<vmem>>[vector<16xi32>, vector<16xi32>, vector<16xi32>], vector<16xf32>,
          %add3A_425 = vector.broadcast %multiple_of3A_362 : i32 to vector<16xi32>
          %add3A_426 = arith.addi %add3A_425, %add3A_423 : vector<16xi32>
          tpu.vector_store_idx %arg12[%add3A_426, %and3A_2], %gather3A_424 : memref<2048x8xf32, #tpu.memory_space<vmem>>[vector<16xi32>, vector<16xi32>], vector<16xf32>,
          %add3A_427 = arith.constant 10 : i32
          %add3A_428 = vector.broadcast %add3A_427 : i32 to vector<16xi32>
          %add3A_429 = arith.addi %add3A_8, %add3A_428 : vector<16xi32>
          %and3A_430 = arith.constant 15 : i32
          %and3A_431 = vector.broadcast %and3A_430 : i32 to vector<16xi32>
          %and3A_432 = arith.andi %add3A_429, %and3A_431 : vector<16xi32>
          %add3A_433 = vector.broadcast %multiple_of3A_372 : i32 to vector<16xi32>
          %add3A_434 = arith.addi %add3A_433, %and3A_432 : vector<16xi32>
          %gather3A_435 = tpu.vector_load_idx %arg10[%broadcast_in_dim3A, %and3A_2, %add3A_434] : memref<16x8x128xf32, #tpu.memory_space<vmem>>[vector<16xi32>, vector<16xi32>, vector<16xi32>], vector<16xf32>,
          %add3A_436 = vector.broadcast %multiple_of3A_362 : i32 to vector<16xi32>
          %add3A_437 = arith.addi %add3A_436, %add3A_434 : vector<16xi32>
          tpu.vector_store_idx %arg12[%add3A_437, %and3A_2], %gather3A_435 : memref<2048x8xf32, #tpu.memory_space<vmem>>[vector<16xi32>, vector<16xi32>], vector<16xf32>,
          %add3A_438 = arith.constant 12 : i32
          %add3A_439 = vector.broadcast %add3A_438 : i32 to vector<16xi32>
          %add3A_440 = arith.addi %add3A_8, %add3A_439 : vector<16xi32>
          %and3A_441 = arith.constant 15 : i32
          %and3A_442 = vector.broadcast %and3A_441 : i32 to vector<16xi32>
          %and3A_443 = arith.andi %add3A_440, %and3A_442 : vector<16xi32>
          %add3A_444 = vector.broadcast %multiple_of3A_372 : i32 to vector<16xi32>
          %add3A_445 = arith.addi %add3A_444, %and3A_443 : vector<16xi32>
          %gather3A_446 = tpu.vector_load_idx %arg10[%broadcast_in_dim3A, %and3A_2, %add3A_445] : memref<16x8x128xf32, #tpu.memory_space<vmem>>[vector<16xi32>, vector<16xi32>, vector<16xi32>], vector<16xf32>,
          %add3A_447 = vector.broadcast %multiple_of3A_362 : i32 to vector<16xi32>
          %add3A_448 = arith.addi %add3A_447, %add3A_445 : vector<16xi32>
          tpu.vector_store_idx %arg12[%add3A_448, %and3A_2], %gather3A_446 : memref<2048x8xf32, #tpu.memory_space<vmem>>[vector<16xi32>, vector<16xi32>], vector<16xf32>,
          %add3A_449 = arith.constant 14 : i32
          %add3A_450 = vector.broadcast %add3A_449 : i32 to vector<16xi32>
          %add3A_451 = arith.addi %add3A_8, %add3A_450 : vector<16xi32>
          %and3A_452 = arith.constant 15 : i32
          %and3A_453 = vector.broadcast %and3A_452 : i32 to vector<16xi32>
          %and3A_454 = arith.andi %add3A_451, %and3A_453 : vector<16xi32>
          %add3A_455 = vector.broadcast %multiple_of3A_372 : i32 to vector<16xi32>
          %add3A_456 = arith.addi %add3A_455, %and3A_454 : vector<16xi32>
          %gather3A_457 = tpu.vector_load_idx %arg10[%broadcast_in_dim3A, %and3A_2, %add3A_456] : memref<16x8x128xf32, #tpu.memory_space<vmem>>[vector<16xi32>, vector<16xi32>, vector<16xi32>], vector<16xf32>,
          %add3A_458 = vector.broadcast %multiple_of3A_362 : i32 to vector<16xi32>
          %add3A_459 = arith.addi %add3A_458, %add3A_456 : vector<16xi32>
          tpu.vector_store_idx %arg12[%add3A_459, %and3A_2], %gather3A_457 : memref<2048x8xf32, #tpu.memory_space<vmem>>[vector<16xi32>, vector<16xi32>], vector<16xf32>,
        }
        %scan3A_368 = arith.constant 8 : i32
      }
      %scan3A_342 = arith.constant 16 : i32
      %add3A_343 = arith.constant 1 : i32
      %add3A_344 = arith.addi %mul3A_265, %add3A_343 : i32
      %mul3A_345 = arith.constant 256 : i32
      %mul3A_346 = arith.muli %add3A, %mul3A_345 : i32
      %mul3A_347 = arith.constant 16 : i32
      %mul3A_348 = arith.muli %add3A_344, %mul3A_347 : i32
      %add3A_349 = arith.addi %mul3A_346, %mul3A_348 : i32
      %multiple_of3A_350 = tpu.assume_multiple %add3A_349, 16 : i32
      %mul3A_351 = arith.constant 128 : i32
      %mul3A_352 = arith.muli %multiple_of3A_350, %mul3A_351 : i32
      %add3A_353 = arith.constant 4194304 : i32
      %add3A_354 = arith.addi %add3A_353, %mul3A_352 : i32
      %dma_start3A_355 = arith.constant 0 : i32
      %dma_start3A_356 = tpu.memref_slice %arg8[%add3A_354, %dma_start3A_355] : memref<6291456x8xf32, #tpu.memory_space<hbm>> -> memref<2048x8xf32, #tpu.memory_space<hbm>>
      %dma_start3A_357 = arith.constant 0 : i32
      %dma_start3A_358 = tpu.memref_slice %arg8[%add3A_354, %dma_start3A_357] : memref<6291456x8xf32, #tpu.memory_space<hbm>> -> memref<2048x8xf32, #tpu.memory_space<hbm>>
      tpu.enqueue_dma source(%arg12 : memref<2048x8xf32, #tpu.memory_space<vmem>>) target(%dma_start3A_358 : memref<2048x8xf32, #tpu.memory_space<hbm>>) target_semaphore(%arg16 : memref<!tpu.dma_semaphore, #tpu.memory_space<semaphore_mem>>)
    }
    %scan3A_193 = arith.constant 8 : i32
    %mul3A_194 = arith.constant 256 : i32
    %mul3A_195 = arith.muli %add3A, %mul3A_194 : i32
    %add3A_196 = arith.constant 224 : i32
    %add3A_197 = arith.addi %mul3A_195, %add3A_196 : i32
    %multiple_of3A_198 = tpu.assume_multiple %add3A_197, 16 : i32
    %mul3A_199 = arith.constant 128 : i32
    %mul3A_200 = arith.muli %multiple_of3A_198, %mul3A_199 : i32
    %add3A_201 = arith.constant 4194304 : i32
    %add3A_202 = arith.addi %add3A_201, %mul3A_200 : i32
    %dma_wait3A_203 = arith.constant 0 : i32
    %dma_wait3A_204 = tpu.memref_slice %arg8[%add3A_202, %dma_wait3A_203] : memref<6291456x8xf32, #tpu.memory_space<hbm>> -> memref<2048x8xf32, #tpu.memory_space<hbm>>
    %dma_wait3A_205 = arith.constant 0 : i32
    %dma_wait3A_206 = tpu.memref_slice %arg8[%add3A_202, %dma_wait3A_205] : memref<6291456x8xf32, #tpu.memory_space<hbm>> -> memref<2048x8xf32, #tpu.memory_space<hbm>>
    tpu.wait_dma2 semaphore(%arg15 : memref<!tpu.dma_semaphore, #tpu.memory_space<semaphore_mem>>) src(%arg11 : memref<2048x8xf32, #tpu.memory_space<vmem>>) dst(%dma_wait3A_206 : memref<2048x8xf32, #tpu.memory_space<hbm>>)
    %mul3A_207 = arith.constant 256 : i32
    %mul3A_208 = arith.muli %add3A, %mul3A_207 : i32
    %add3A_209 = arith.constant 240 : i32
    %add3A_210 = arith.addi %mul3A_208, %add3A_209 : i32
    %multiple_of3A_211 = tpu.assume_multiple %add3A_210, 16 : i32
    %mul3A_212 = arith.constant 128 : i32
    %mul3A_213 = arith.muli %multiple_of3A_211, %mul3A_212 : i32
    %add3A_214 = arith.constant 4194304 : i32
    %add3A_215 = arith.addi %add3A_214, %mul3A_213 : i32
    %dma_wait3A_216 = arith.constant 0 : i32
    %dma_wait3A_217 = tpu.memref_slice %arg8[%add3A_215, %dma_wait3A_216] : memref<6291456x8xf32, #tpu.memory_space<hbm>> -> memref<2048x8xf32, #tpu.memory_space<hbm>>
    %dma_wait3A_218 = arith.constant 0 : i32
    %dma_wait3A_219 = tpu.memref_slice %arg8[%add3A_215, %dma_wait3A_218] : memref<6291456x8xf32, #tpu.memory_space<hbm>> -> memref<2048x8xf32, #tpu.memory_space<hbm>>
    tpu.wait_dma2 semaphore(%arg16 : memref<!tpu.dma_semaphore, #tpu.memory_space<semaphore_mem>>) src(%arg12 : memref<2048x8xf32, #tpu.memory_space<vmem>>) dst(%dma_wait3A_219 : memref<2048x8xf32, #tpu.memory_space<hbm>>)
    %mul3A_220 = arith.constant 256 : i32
    %mul3A_221 = arith.muli %add3A, %mul3A_220 : i32
    %add3A_222 = arith.constant 0 : i32
    %add3A_223 = arith.addi %mul3A_221, %add3A_222 : i32
    %multiple_of3A_224 = tpu.assume_multiple %add3A_223, 16 : i32
    %dma_start3A_225 = arith.constant 0 : i32
    %dma_start3A_226 = arith.constant 0 : i32
    %dma_start3A_227 = tpu.memref_slice %arg7[%multiple_of3A_224, %dma_start3A_225, %dma_start3A_226] : memref<8192x8x128xf32, #tpu.memory_space<hbm>> -> memref<16x8x128xf32, #tpu.memory_space<hbm>>
    %dma_start3A_228 = arith.constant 0 : i32
    %dma_start3A_229 = arith.constant 0 : i32
    %dma_start3A_230 = tpu.memref_slice %arg7[%multiple_of3A_224, %dma_start3A_228, %dma_start3A_229] : memref<8192x8x128xf32, #tpu.memory_space<hbm>> -> memref<16x8x128xf32, #tpu.memory_space<hbm>>
    tpu.enqueue_dma source(%dma_start3A_230 : memref<16x8x128xf32, #tpu.memory_space<hbm>>) target(%arg9 : memref<16x8x128xf32, #tpu.memory_space<vmem>>) target_semaphore(%arg13 : memref<!tpu.dma_semaphore, #tpu.memory_space<semaphore_mem>>)
    %scan3A_231 = arith.constant 0 : i32
    %scan3A_232 = arith.constant 0 : i32
    %scan3A_233 = arith.constant 8 : i32
    %scan3A_234 = arith.addi %scan3A_232, %scan3A_233 : i32
    %scan3A_235 = arith.constant 1 : i32
    scf.for %scan3A_263 = %scan3A_232 to %scan3A_234 step %scan3A_235  : i32 {
      %mul3A_264 = arith.constant 2 : i32
      %mul3A_265 = arith.muli %mul3A_264, %scan3A_263 : i32
      %add3A_266 = arith.constant 1 : i32
      %add3A_267 = arith.addi %mul3A_265, %add3A_266 : i32
      %mul3A_268 = arith.constant 256 : i32
      %mul3A_269 = arith.muli %add3A, %mul3A_268 : i32
      %mul3A_270 = arith.constant 16 : i32
      %mul3A_271 = arith.muli %add3A_267, %mul3A_270 : i32
      %add3A_272 = arith.addi %mul3A_269, %mul3A_271 : i32
      %multiple_of3A_273 = tpu.assume_multiple %add3A_272, 16 : i32
      %dma_start3A_274 = arith.constant 0 : i32
      %dma_start3A_275 = arith.constant 0 : i32
      %dma_start3A_276 = tpu.memref_slice %arg7[%multiple_of3A_273, %dma_start3A_274, %dma_start3A_275] : memref<8192x8x128xf32, #tpu.memory_space<hbm>> -> memref<16x8x128xf32, #tpu.memory_space<hbm>>
      %dma_start3A_277 = arith.constant 0 : i32
      %dma_start3A_278 = arith.constant 0 : i32
      %dma_start3A_279 = tpu.memref_slice %arg7[%multiple_of3A_273, %dma_start3A_277, %dma_start3A_278] : memref<8192x8x128xf32, #tpu.memory_space<hbm>> -> memref<16x8x128xf32, #tpu.memory_space<hbm>>
      tpu.enqueue_dma source(%dma_start3A_279 : memref<16x8x128xf32, #tpu.memory_space<hbm>>) target(%arg10 : memref<16x8x128xf32, #tpu.memory_space<vmem>>) target_semaphore(%arg14 : memref<!tpu.dma_semaphore, #tpu.memory_space<semaphore_mem>>)
      %mul3A_280 = arith.constant 256 : i32
      %mul3A_281 = arith.muli %add3A, %mul3A_280 : i32
      %mul3A_282 = arith.constant 16 : i32
      %mul3A_283 = arith.muli %mul3A_265, %mul3A_282 : i32
      %add3A_284 = arith.addi %mul3A_281, %mul3A_283 : i32
      %multiple_of3A_285 = tpu.assume_multiple %add3A_284, 16 : i32
      %dma_wait3A_286 = arith.constant 0 : i32
      %dma_wait3A_287 = arith.constant 0 : i32
      %dma_wait3A_288 = tpu.memref_slice %arg7[%multiple_of3A_285, %dma_wait3A_286, %dma_wait3A_287] : memref<8192x8x128xf32, #tpu.memory_space<hbm>> -> memref<16x8x128xf32, #tpu.memory_space<hbm>>
      %dma_wait3A_289 = arith.constant 0 : i32
      %dma_wait3A_290 = arith.constant 0 : i32
      %dma_wait3A_291 = tpu.memref_slice %arg7[%multiple_of3A_285, %dma_wait3A_289, %dma_wait3A_290] : memref<8192x8x128xf32, #tpu.memory_space<hbm>> -> memref<16x8x128xf32, #tpu.memory_space<hbm>>
      tpu.wait_dma2 semaphore(%arg13 : memref<!tpu.dma_semaphore, #tpu.memory_space<semaphore_mem>>) src(%dma_wait3A_291 : memref<16x8x128xf32, #tpu.memory_space<hbm>>) dst(%arg9 : memref<16x8x128xf32, #tpu.memory_space<vmem>>)
      %gt3A = arith.constant 0 : i32
      %gt3A_292 = arith.cmpi sgt, %scan3A_263, %gt3A : i32
      %convert_element_type3A = arith.extui %gt3A_292 : i1 to i32
      %cond3A = arith.constant 0 : i32
      %cond3A_293 = arith.cmpi ne, %convert_element_type3A, %cond3A : i32
      scf.if %cond3A_293 {
        %sub3A = arith.constant 2 : i32
        %sub3A_359 = arith.subi %mul3A_265, %sub3A : i32
        %mul3A_360 = arith.constant 256 : i32
        %mul3A_361 = arith.muli %add3A, %mul3A_360 : i32
        %mul3A_362 = arith.constant 16 : i32
        %mul3A_363 = arith.muli %sub3A_359, %mul3A_362 : i32
        %add3A_364 = arith.addi %mul3A_361, %mul3A_363 : i32
        %multiple_of3A_365 = tpu.assume_multiple %add3A_364, 16 : i32
        %mul3A_366 = arith.constant 128 : i32
        %mul3A_367 = arith.muli %multiple_of3A_365, %mul3A_366 : i32
        %add3A_368 = arith.constant 5242880 : i32
        %add3A_369 = arith.addi %add3A_368, %mul3A_367 : i32
        %dma_wait3A_370 = arith.constant 0 : i32
        %dma_wait3A_371 = tpu.memref_slice %arg8[%add3A_369, %dma_wait3A_370] : memref<6291456x8xf32, #tpu.memory_space<hbm>> -> memref<2048x8xf32, #tpu.memory_space<hbm>>
        %dma_wait3A_372 = arith.constant 0 : i32
        %dma_wait3A_373 = tpu.memref_slice %arg8[%add3A_369, %dma_wait3A_372] : memref<6291456x8xf32, #tpu.memory_space<hbm>> -> memref<2048x8xf32, #tpu.memory_space<hbm>>
        tpu.wait_dma2 semaphore(%arg15 : memref<!tpu.dma_semaphore, #tpu.memory_space<semaphore_mem>>) src(%arg11 : memref<2048x8xf32, #tpu.memory_space<vmem>>) dst(%dma_wait3A_373 : memref<2048x8xf32, #tpu.memory_space<hbm>>)
      } else {
      }
      %scan3A_294 = arith.constant 0 : i32
      %scan3A_295 = arith.constant 0 : i32
      %scan3A_296 = arith.constant 16 : i32
      %scan3A_297 = arith.addi %scan3A_295, %scan3A_296 : i32
      %scan3A_298 = arith.constant 1 : i32
      scf.for %scan3A_359 = %scan3A_295 to %scan3A_297 step %scan3A_298  : i32 {
        %mul3A_360 = arith.constant 128 : i32
        %mul3A_361 = arith.muli %scan3A_359, %mul3A_360 : i32
        %multiple_of3A_362 = tpu.assume_multiple %mul3A_361, 128 : i32
        %broadcast_in_dim3A = vector.broadcast %scan3A_359 : i32 to vector<16xi32>
        %scan3A_363 = arith.constant 0 : i32
        %scan3A_364 = arith.constant 0 : i32
        %scan3A_365 = arith.constant 8 : i32
        %scan3A_366 = arith.addi %scan3A_364, %scan3A_365 : i32
        %scan3A_367 = arith.constant 1 : i32
        scf.for %scan3A_369 = %scan3A_364 to %scan3A_366 step %scan3A_367  : i32 {
          %mul3A_370 = arith.constant 16 : i32
          %mul3A_371 = arith.muli %scan3A_369, %mul3A_370 : i32
          %multiple_of3A_372 = tpu.assume_multiple %mul3A_371, 16 : i32
          %add3A_373 = arith.constant 0 : i32
          %add3A_374 = vector.broadcast %add3A_373 : i32 to vector<16xi32>
          %add3A_375 = arith.addi %add3A_8, %add3A_374 : vector<16xi32>
          %and3A_376 = arith.constant 15 : i32
          %and3A_377 = vector.broadcast %and3A_376 : i32 to vector<16xi32>
          %and3A_378 = arith.andi %add3A_375, %and3A_377 : vector<16xi32>
          %add3A_379 = vector.broadcast %multiple_of3A_372 : i32 to vector<16xi32>
          %add3A_380 = arith.addi %add3A_379, %and3A_378 : vector<16xi32>
          %gather3A = tpu.vector_load_idx %arg9[%broadcast_in_dim3A, %and3A_2, %add3A_380] : memref<16x8x128xf32, #tpu.memory_space<vmem>>[vector<16xi32>, vector<16xi32>, vector<16xi32>], vector<16xf32>,
          %add3A_381 = vector.broadcast %multiple_of3A_362 : i32 to vector<16xi32>
          %add3A_382 = arith.addi %add3A_381, %add3A_380 : vector<16xi32>
          tpu.vector_store_idx %arg11[%add3A_382, %and3A_2], %gather3A : memref<2048x8xf32, #tpu.memory_space<vmem>>[vector<16xi32>, vector<16xi32>], vector<16xf32>,
          %add3A_383 = arith.constant 2 : i32
          %add3A_384 = vector.broadcast %add3A_383 : i32 to vector<16xi32>
          %add3A_385 = arith.addi %add3A_8, %add3A_384 : vector<16xi32>
          %and3A_386 = arith.constant 15 : i32
          %and3A_387 = vector.broadcast %and3A_386 : i32 to vector<16xi32>
          %and3A_388 = arith.andi %add3A_385, %and3A_387 : vector<16xi32>
          %add3A_389 = vector.broadcast %multiple_of3A_372 : i32 to vector<16xi32>
          %add3A_390 = arith.addi %add3A_389, %and3A_388 : vector<16xi32>
          %gather3A_391 = tpu.vector_load_idx %arg9[%broadcast_in_dim3A, %and3A_2, %add3A_390] : memref<16x8x128xf32, #tpu.memory_space<vmem>>[vector<16xi32>, vector<16xi32>, vector<16xi32>], vector<16xf32>,
          %add3A_392 = vector.broadcast %multiple_of3A_362 : i32 to vector<16xi32>
          %add3A_393 = arith.addi %add3A_392, %add3A_390 : vector<16xi32>
          tpu.vector_store_idx %arg11[%add3A_393, %and3A_2], %gather3A_391 : memref<2048x8xf32, #tpu.memory_space<vmem>>[vector<16xi32>, vector<16xi32>], vector<16xf32>,
          %add3A_394 = arith.constant 4 : i32
          %add3A_395 = vector.broadcast %add3A_394 : i32 to vector<16xi32>
          %add3A_396 = arith.addi %add3A_8, %add3A_395 : vector<16xi32>
          %and3A_397 = arith.constant 15 : i32
          %and3A_398 = vector.broadcast %and3A_397 : i32 to vector<16xi32>
          %and3A_399 = arith.andi %add3A_396, %and3A_398 : vector<16xi32>
          %add3A_400 = vector.broadcast %multiple_of3A_372 : i32 to vector<16xi32>
          %add3A_401 = arith.addi %add3A_400, %and3A_399 : vector<16xi32>
          %gather3A_402 = tpu.vector_load_idx %arg9[%broadcast_in_dim3A, %and3A_2, %add3A_401] : memref<16x8x128xf32, #tpu.memory_space<vmem>>[vector<16xi32>, vector<16xi32>, vector<16xi32>], vector<16xf32>,
          %add3A_403 = vector.broadcast %multiple_of3A_362 : i32 to vector<16xi32>
          %add3A_404 = arith.addi %add3A_403, %add3A_401 : vector<16xi32>
          tpu.vector_store_idx %arg11[%add3A_404, %and3A_2], %gather3A_402 : memref<2048x8xf32, #tpu.memory_space<vmem>>[vector<16xi32>, vector<16xi32>], vector<16xf32>,
          %add3A_405 = arith.constant 6 : i32
          %add3A_406 = vector.broadcast %add3A_405 : i32 to vector<16xi32>
          %add3A_407 = arith.addi %add3A_8, %add3A_406 : vector<16xi32>
          %and3A_408 = arith.constant 15 : i32
          %and3A_409 = vector.broadcast %and3A_408 : i32 to vector<16xi32>
          %and3A_410 = arith.andi %add3A_407, %and3A_409 : vector<16xi32>
          %add3A_411 = vector.broadcast %multiple_of3A_372 : i32 to vector<16xi32>
          %add3A_412 = arith.addi %add3A_411, %and3A_410 : vector<16xi32>
          %gather3A_413 = tpu.vector_load_idx %arg9[%broadcast_in_dim3A, %and3A_2, %add3A_412] : memref<16x8x128xf32, #tpu.memory_space<vmem>>[vector<16xi32>, vector<16xi32>, vector<16xi32>], vector<16xf32>,
          %add3A_414 = vector.broadcast %multiple_of3A_362 : i32 to vector<16xi32>
          %add3A_415 = arith.addi %add3A_414, %add3A_412 : vector<16xi32>
          tpu.vector_store_idx %arg11[%add3A_415, %and3A_2], %gather3A_413 : memref<2048x8xf32, #tpu.memory_space<vmem>>[vector<16xi32>, vector<16xi32>], vector<16xf32>,
          %add3A_416 = arith.constant 8 : i32
          %add3A_417 = vector.broadcast %add3A_416 : i32 to vector<16xi32>
          %add3A_418 = arith.addi %add3A_8, %add3A_417 : vector<16xi32>
          %and3A_419 = arith.constant 15 : i32
          %and3A_420 = vector.broadcast %and3A_419 : i32 to vector<16xi32>
          %and3A_421 = arith.andi %add3A_418, %and3A_420 : vector<16xi32>
          %add3A_422 = vector.broadcast %multiple_of3A_372 : i32 to vector<16xi32>
          %add3A_423 = arith.addi %add3A_422, %and3A_421 : vector<16xi32>
          %gather3A_424 = tpu.vector_load_idx %arg9[%broadcast_in_dim3A, %and3A_2, %add3A_423] : memref<16x8x128xf32, #tpu.memory_space<vmem>>[vector<16xi32>, vector<16xi32>, vector<16xi32>], vector<16xf32>,
          %add3A_425 = vector.broadcast %multiple_of3A_362 : i32 to vector<16xi32>
          %add3A_426 = arith.addi %add3A_425, %add3A_423 : vector<16xi32>
          tpu.vector_store_idx %arg11[%add3A_426, %and3A_2], %gather3A_424 : memref<2048x8xf32, #tpu.memory_space<vmem>>[vector<16xi32>, vector<16xi32>], vector<16xf32>,
          %add3A_427 = arith.constant 10 : i32
          %add3A_428 = vector.broadcast %add3A_427 : i32 to vector<16xi32>
          %add3A_429 = arith.addi %add3A_8, %add3A_428 : vector<16xi32>
          %and3A_430 = arith.constant 15 : i32
          %and3A_431 = vector.broadcast %and3A_430 : i32 to vector<16xi32>
          %and3A_432 = arith.andi %add3A_429, %and3A_431 : vector<16xi32>
          %add3A_433 = vector.broadcast %multiple_of3A_372 : i32 to vector<16xi32>
          %add3A_434 = arith.addi %add3A_433, %and3A_432 : vector<16xi32>
          %gather3A_435 = tpu.vector_load_idx %arg9[%broadcast_in_dim3A, %and3A_2, %add3A_434] : memref<16x8x128xf32, #tpu.memory_space<vmem>>[vector<16xi32>, vector<16xi32>, vector<16xi32>], vector<16xf32>,
          %add3A_436 = vector.broadcast %multiple_of3A_362 : i32 to vector<16xi32>
          %add3A_437 = arith.addi %add3A_436, %add3A_434 : vector<16xi32>
          tpu.vector_store_idx %arg11[%add3A_437, %and3A_2], %gather3A_435 : memref<2048x8xf32, #tpu.memory_space<vmem>>[vector<16xi32>, vector<16xi32>], vector<16xf32>,
          %add3A_438 = arith.constant 12 : i32
          %add3A_439 = vector.broadcast %add3A_438 : i32 to vector<16xi32>
          %add3A_440 = arith.addi %add3A_8, %add3A_439 : vector<16xi32>
          %and3A_441 = arith.constant 15 : i32
          %and3A_442 = vector.broadcast %and3A_441 : i32 to vector<16xi32>
          %and3A_443 = arith.andi %add3A_440, %and3A_442 : vector<16xi32>
          %add3A_444 = vector.broadcast %multiple_of3A_372 : i32 to vector<16xi32>
          %add3A_445 = arith.addi %add3A_444, %and3A_443 : vector<16xi32>
          %gather3A_446 = tpu.vector_load_idx %arg9[%broadcast_in_dim3A, %and3A_2, %add3A_445] : memref<16x8x128xf32, #tpu.memory_space<vmem>>[vector<16xi32>, vector<16xi32>, vector<16xi32>], vector<16xf32>,
          %add3A_447 = vector.broadcast %multiple_of3A_362 : i32 to vector<16xi32>
          %add3A_448 = arith.addi %add3A_447, %add3A_445 : vector<16xi32>
          tpu.vector_store_idx %arg11[%add3A_448, %and3A_2], %gather3A_446 : memref<2048x8xf32, #tpu.memory_space<vmem>>[vector<16xi32>, vector<16xi32>], vector<16xf32>,
          %add3A_449 = arith.constant 14 : i32
          %add3A_450 = vector.broadcast %add3A_449 : i32 to vector<16xi32>
          %add3A_451 = arith.addi %add3A_8, %add3A_450 : vector<16xi32>
          %and3A_452 = arith.constant 15 : i32
          %and3A_453 = vector.broadcast %and3A_452 : i32 to vector<16xi32>
          %and3A_454 = arith.andi %add3A_451, %and3A_453 : vector<16xi32>
          %add3A_455 = vector.broadcast %multiple_of3A_372 : i32 to vector<16xi32>
          %add3A_456 = arith.addi %add3A_455, %and3A_454 : vector<16xi32>
          %gather3A_457 = tpu.vector_load_idx %arg9[%broadcast_in_dim3A, %and3A_2, %add3A_456] : memref<16x8x128xf32, #tpu.memory_space<vmem>>[vector<16xi32>, vector<16xi32>, vector<16xi32>], vector<16xf32>,
          %add3A_458 = vector.broadcast %multiple_of3A_362 : i32 to vector<16xi32>
          %add3A_459 = arith.addi %add3A_458, %add3A_456 : vector<16xi32>
          tpu.vector_store_idx %arg11[%add3A_459, %and3A_2], %gather3A_457 : memref<2048x8xf32, #tpu.memory_space<vmem>>[vector<16xi32>, vector<16xi32>], vector<16xf32>,
        }
        %scan3A_368 = arith.constant 8 : i32
      }
      %scan3A_299 = arith.constant 16 : i32
      %mul3A_300 = arith.constant 256 : i32
      %mul3A_301 = arith.muli %add3A, %mul3A_300 : i32
      %mul3A_302 = arith.constant 16 : i32
      %mul3A_303 = arith.muli %mul3A_265, %mul3A_302 : i32
      %add3A_304 = arith.addi %mul3A_301, %mul3A_303 : i32
      %multiple_of3A_305 = tpu.assume_multiple %add3A_304, 16 : i32
      %mul3A_306 = arith.constant 128 : i32
      %mul3A_307 = arith.muli %multiple_of3A_305, %mul3A_306 : i32
      %add3A_308 = arith.constant 5242880 : i32
      %add3A_309 = arith.addi %add3A_308, %mul3A_307 : i32
      %dma_start3A_310 = arith.constant 0 : i32
      %dma_start3A_311 = tpu.memref_slice %arg8[%add3A_309, %dma_start3A_310] : memref<6291456x8xf32, #tpu.memory_space<hbm>> -> memref<2048x8xf32, #tpu.memory_space<hbm>>
      %dma_start3A_312 = arith.constant 0 : i32
      %dma_start3A_313 = tpu.memref_slice %arg8[%add3A_309, %dma_start3A_312] : memref<6291456x8xf32, #tpu.memory_space<hbm>> -> memref<2048x8xf32, #tpu.memory_space<hbm>>
      tpu.enqueue_dma source(%arg11 : memref<2048x8xf32, #tpu.memory_space<vmem>>) target(%dma_start3A_313 : memref<2048x8xf32, #tpu.memory_space<hbm>>) target_semaphore(%arg15 : memref<!tpu.dma_semaphore, #tpu.memory_space<semaphore_mem>>)
      %lt3A = arith.constant 7 : i32
      %lt3A_314 = arith.cmpi slt, %scan3A_263, %lt3A : i32
      %convert_element_type3A_315 = arith.extui %lt3A_314 : i1 to i32
      %cond3A_316 = arith.constant 0 : i32
      %cond3A_317 = arith.cmpi ne, %convert_element_type3A_315, %cond3A_316 : i32
      scf.if %cond3A_317 {
        %add3A_359 = arith.constant 2 : i32
        %add3A_360 = arith.addi %mul3A_265, %add3A_359 : i32
        %mul3A_361 = arith.constant 256 : i32
        %mul3A_362 = arith.muli %add3A, %mul3A_361 : i32
        %mul3A_363 = arith.constant 16 : i32
        %mul3A_364 = arith.muli %add3A_360, %mul3A_363 : i32
        %add3A_365 = arith.addi %mul3A_362, %mul3A_364 : i32
        %multiple_of3A_366 = tpu.assume_multiple %add3A_365, 16 : i32
        %dma_start3A_367 = arith.constant 0 : i32
        %dma_start3A_368 = arith.constant 0 : i32
        %dma_start3A_369 = tpu.memref_slice %arg7[%multiple_of3A_366, %dma_start3A_367, %dma_start3A_368] : memref<8192x8x128xf32, #tpu.memory_space<hbm>> -> memref<16x8x128xf32, #tpu.memory_space<hbm>>
        %dma_start3A_370 = arith.constant 0 : i32
        %dma_start3A_371 = arith.constant 0 : i32
        %dma_start3A_372 = tpu.memref_slice %arg7[%multiple_of3A_366, %dma_start3A_370, %dma_start3A_371] : memref<8192x8x128xf32, #tpu.memory_space<hbm>> -> memref<16x8x128xf32, #tpu.memory_space<hbm>>
        tpu.enqueue_dma source(%dma_start3A_372 : memref<16x8x128xf32, #tpu.memory_space<hbm>>) target(%arg9 : memref<16x8x128xf32, #tpu.memory_space<vmem>>) target_semaphore(%arg13 : memref<!tpu.dma_semaphore, #tpu.memory_space<semaphore_mem>>)
      } else {
      }
      %add3A_318 = arith.constant 1 : i32
      %add3A_319 = arith.addi %mul3A_265, %add3A_318 : i32
      %mul3A_320 = arith.constant 256 : i32
      %mul3A_321 = arith.muli %add3A, %mul3A_320 : i32
      %mul3A_322 = arith.constant 16 : i32
      %mul3A_323 = arith.muli %add3A_319, %mul3A_322 : i32
      %add3A_324 = arith.addi %mul3A_321, %mul3A_323 : i32
      %multiple_of3A_325 = tpu.assume_multiple %add3A_324, 16 : i32
      %dma_wait3A_326 = arith.constant 0 : i32
      %dma_wait3A_327 = arith.constant 0 : i32
      %dma_wait3A_328 = tpu.memref_slice %arg7[%multiple_of3A_325, %dma_wait3A_326, %dma_wait3A_327] : memref<8192x8x128xf32, #tpu.memory_space<hbm>> -> memref<16x8x128xf32, #tpu.memory_space<hbm>>
      %dma_wait3A_329 = arith.constant 0 : i32
      %dma_wait3A_330 = arith.constant 0 : i32
      %dma_wait3A_331 = tpu.memref_slice %arg7[%multiple_of3A_325, %dma_wait3A_329, %dma_wait3A_330] : memref<8192x8x128xf32, #tpu.memory_space<hbm>> -> memref<16x8x128xf32, #tpu.memory_space<hbm>>
      tpu.wait_dma2 semaphore(%arg14 : memref<!tpu.dma_semaphore, #tpu.memory_space<semaphore_mem>>) src(%dma_wait3A_331 : memref<16x8x128xf32, #tpu.memory_space<hbm>>) dst(%arg10 : memref<16x8x128xf32, #tpu.memory_space<vmem>>)
      %gt3A_332 = arith.constant 0 : i32
      %gt3A_333 = arith.cmpi sgt, %scan3A_263, %gt3A_332 : i32
      %convert_element_type3A_334 = arith.extui %gt3A_333 : i1 to i32
      %cond3A_335 = arith.constant 0 : i32
      %cond3A_336 = arith.cmpi ne, %convert_element_type3A_334, %cond3A_335 : i32
      scf.if %cond3A_336 {
        %sub3A = arith.constant 1 : i32
        %sub3A_359 = arith.subi %mul3A_265, %sub3A : i32
        %mul3A_360 = arith.constant 256 : i32
        %mul3A_361 = arith.muli %add3A, %mul3A_360 : i32
        %mul3A_362 = arith.constant 16 : i32
        %mul3A_363 = arith.muli %sub3A_359, %mul3A_362 : i32
        %add3A_364 = arith.addi %mul3A_361, %mul3A_363 : i32
        %multiple_of3A_365 = tpu.assume_multiple %add3A_364, 16 : i32
        %mul3A_366 = arith.constant 128 : i32
        %mul3A_367 = arith.muli %multiple_of3A_365, %mul3A_366 : i32
        %add3A_368 = arith.constant 5242880 : i32
        %add3A_369 = arith.addi %add3A_368, %mul3A_367 : i32
        %dma_wait3A_370 = arith.constant 0 : i32
        %dma_wait3A_371 = tpu.memref_slice %arg8[%add3A_369, %dma_wait3A_370] : memref<6291456x8xf32, #tpu.memory_space<hbm>> -> memref<2048x8xf32, #tpu.memory_space<hbm>>
        %dma_wait3A_372 = arith.constant 0 : i32
        %dma_wait3A_373 = tpu.memref_slice %arg8[%add3A_369, %dma_wait3A_372] : memref<6291456x8xf32, #tpu.memory_space<hbm>> -> memref<2048x8xf32, #tpu.memory_space<hbm>>
        tpu.wait_dma2 semaphore(%arg16 : memref<!tpu.dma_semaphore, #tpu.memory_space<semaphore_mem>>) src(%arg12 : memref<2048x8xf32, #tpu.memory_space<vmem>>) dst(%dma_wait3A_373 : memref<2048x8xf32, #tpu.memory_space<hbm>>)
      } else {
      }
      %scan3A_337 = arith.constant 0 : i32
      %scan3A_338 = arith.constant 0 : i32
      %scan3A_339 = arith.constant 16 : i32
      %scan3A_340 = arith.addi %scan3A_338, %scan3A_339 : i32
      %scan3A_341 = arith.constant 1 : i32
      scf.for %scan3A_359 = %scan3A_338 to %scan3A_340 step %scan3A_341  : i32 {
        %mul3A_360 = arith.constant 128 : i32
        %mul3A_361 = arith.muli %scan3A_359, %mul3A_360 : i32
        %multiple_of3A_362 = tpu.assume_multiple %mul3A_361, 128 : i32
        %broadcast_in_dim3A = vector.broadcast %scan3A_359 : i32 to vector<16xi32>
        %scan3A_363 = arith.constant 0 : i32
        %scan3A_364 = arith.constant 0 : i32
        %scan3A_365 = arith.constant 8 : i32
        %scan3A_366 = arith.addi %scan3A_364, %scan3A_365 : i32
        %scan3A_367 = arith.constant 1 : i32
        scf.for %scan3A_369 = %scan3A_364 to %scan3A_366 step %scan3A_367  : i32 {
          %mul3A_370 = arith.constant 16 : i32
          %mul3A_371 = arith.muli %scan3A_369, %mul3A_370 : i32
          %multiple_of3A_372 = tpu.assume_multiple %mul3A_371, 16 : i32
          %add3A_373 = arith.constant 0 : i32
          %add3A_374 = vector.broadcast %add3A_373 : i32 to vector<16xi32>
          %add3A_375 = arith.addi %add3A_8, %add3A_374 : vector<16xi32>
          %and3A_376 = arith.constant 15 : i32
          %and3A_377 = vector.broadcast %and3A_376 : i32 to vector<16xi32>
          %and3A_378 = arith.andi %add3A_375, %and3A_377 : vector<16xi32>
          %add3A_379 = vector.broadcast %multiple_of3A_372 : i32 to vector<16xi32>
          %add3A_380 = arith.addi %add3A_379, %and3A_378 : vector<16xi32>
          %gather3A = tpu.vector_load_idx %arg10[%broadcast_in_dim3A, %and3A_2, %add3A_380] : memref<16x8x128xf32, #tpu.memory_space<vmem>>[vector<16xi32>, vector<16xi32>, vector<16xi32>], vector<16xf32>,
          %add3A_381 = vector.broadcast %multiple_of3A_362 : i32 to vector<16xi32>
          %add3A_382 = arith.addi %add3A_381, %add3A_380 : vector<16xi32>
          tpu.vector_store_idx %arg12[%add3A_382, %and3A_2], %gather3A : memref<2048x8xf32, #tpu.memory_space<vmem>>[vector<16xi32>, vector<16xi32>], vector<16xf32>,
          %add3A_383 = arith.constant 2 : i32
          %add3A_384 = vector.broadcast %add3A_383 : i32 to vector<16xi32>
          %add3A_385 = arith.addi %add3A_8, %add3A_384 : vector<16xi32>
          %and3A_386 = arith.constant 15 : i32
          %and3A_387 = vector.broadcast %and3A_386 : i32 to vector<16xi32>
          %and3A_388 = arith.andi %add3A_385, %and3A_387 : vector<16xi32>
          %add3A_389 = vector.broadcast %multiple_of3A_372 : i32 to vector<16xi32>
          %add3A_390 = arith.addi %add3A_389, %and3A_388 : vector<16xi32>
          %gather3A_391 = tpu.vector_load_idx %arg10[%broadcast_in_dim3A, %and3A_2, %add3A_390] : memref<16x8x128xf32, #tpu.memory_space<vmem>>[vector<16xi32>, vector<16xi32>, vector<16xi32>], vector<16xf32>,
          %add3A_392 = vector.broadcast %multiple_of3A_362 : i32 to vector<16xi32>
          %add3A_393 = arith.addi %add3A_392, %add3A_390 : vector<16xi32>
          tpu.vector_store_idx %arg12[%add3A_393, %and3A_2], %gather3A_391 : memref<2048x8xf32, #tpu.memory_space<vmem>>[vector<16xi32>, vector<16xi32>], vector<16xf32>,
          %add3A_394 = arith.constant 4 : i32
          %add3A_395 = vector.broadcast %add3A_394 : i32 to vector<16xi32>
          %add3A_396 = arith.addi %add3A_8, %add3A_395 : vector<16xi32>
          %and3A_397 = arith.constant 15 : i32
          %and3A_398 = vector.broadcast %and3A_397 : i32 to vector<16xi32>
          %and3A_399 = arith.andi %add3A_396, %and3A_398 : vector<16xi32>
          %add3A_400 = vector.broadcast %multiple_of3A_372 : i32 to vector<16xi32>
          %add3A_401 = arith.addi %add3A_400, %and3A_399 : vector<16xi32>
          %gather3A_402 = tpu.vector_load_idx %arg10[%broadcast_in_dim3A, %and3A_2, %add3A_401] : memref<16x8x128xf32, #tpu.memory_space<vmem>>[vector<16xi32>, vector<16xi32>, vector<16xi32>], vector<16xf32>,
          %add3A_403 = vector.broadcast %multiple_of3A_362 : i32 to vector<16xi32>
          %add3A_404 = arith.addi %add3A_403, %add3A_401 : vector<16xi32>
          tpu.vector_store_idx %arg12[%add3A_404, %and3A_2], %gather3A_402 : memref<2048x8xf32, #tpu.memory_space<vmem>>[vector<16xi32>, vector<16xi32>], vector<16xf32>,
          %add3A_405 = arith.constant 6 : i32
          %add3A_406 = vector.broadcast %add3A_405 : i32 to vector<16xi32>
          %add3A_407 = arith.addi %add3A_8, %add3A_406 : vector<16xi32>
          %and3A_408 = arith.constant 15 : i32
          %and3A_409 = vector.broadcast %and3A_408 : i32 to vector<16xi32>
          %and3A_410 = arith.andi %add3A_407, %and3A_409 : vector<16xi32>
          %add3A_411 = vector.broadcast %multiple_of3A_372 : i32 to vector<16xi32>
          %add3A_412 = arith.addi %add3A_411, %and3A_410 : vector<16xi32>
          %gather3A_413 = tpu.vector_load_idx %arg10[%broadcast_in_dim3A, %and3A_2, %add3A_412] : memref<16x8x128xf32, #tpu.memory_space<vmem>>[vector<16xi32>, vector<16xi32>, vector<16xi32>], vector<16xf32>,
          %add3A_414 = vector.broadcast %multiple_of3A_362 : i32 to vector<16xi32>
          %add3A_415 = arith.addi %add3A_414, %add3A_412 : vector<16xi32>
          tpu.vector_store_idx %arg12[%add3A_415, %and3A_2], %gather3A_413 : memref<2048x8xf32, #tpu.memory_space<vmem>>[vector<16xi32>, vector<16xi32>], vector<16xf32>,
          %add3A_416 = arith.constant 8 : i32
          %add3A_417 = vector.broadcast %add3A_416 : i32 to vector<16xi32>
          %add3A_418 = arith.addi %add3A_8, %add3A_417 : vector<16xi32>
          %and3A_419 = arith.constant 15 : i32
          %and3A_420 = vector.broadcast %and3A_419 : i32 to vector<16xi32>
          %and3A_421 = arith.andi %add3A_418, %and3A_420 : vector<16xi32>
          %add3A_422 = vector.broadcast %multiple_of3A_372 : i32 to vector<16xi32>
          %add3A_423 = arith.addi %add3A_422, %and3A_421 : vector<16xi32>
          %gather3A_424 = tpu.vector_load_idx %arg10[%broadcast_in_dim3A, %and3A_2, %add3A_423] : memref<16x8x128xf32, #tpu.memory_space<vmem>>[vector<16xi32>, vector<16xi32>, vector<16xi32>], vector<16xf32>,
          %add3A_425 = vector.broadcast %multiple_of3A_362 : i32 to vector<16xi32>
          %add3A_426 = arith.addi %add3A_425, %add3A_423 : vector<16xi32>
          tpu.vector_store_idx %arg12[%add3A_426, %and3A_2], %gather3A_424 : memref<2048x8xf32, #tpu.memory_space<vmem>>[vector<16xi32>, vector<16xi32>], vector<16xf32>,
          %add3A_427 = arith.constant 10 : i32
          %add3A_428 = vector.broadcast %add3A_427 : i32 to vector<16xi32>
          %add3A_429 = arith.addi %add3A_8, %add3A_428 : vector<16xi32>
          %and3A_430 = arith.constant 15 : i32
          %and3A_431 = vector.broadcast %and3A_430 : i32 to vector<16xi32>
          %and3A_432 = arith.andi %add3A_429, %and3A_431 : vector<16xi32>
          %add3A_433 = vector.broadcast %multiple_of3A_372 : i32 to vector<16xi32>
          %add3A_434 = arith.addi %add3A_433, %and3A_432 : vector<16xi32>
          %gather3A_435 = tpu.vector_load_idx %arg10[%broadcast_in_dim3A, %and3A_2, %add3A_434] : memref<16x8x128xf32, #tpu.memory_space<vmem>>[vector<16xi32>, vector<16xi32>, vector<16xi32>], vector<16xf32>,
          %add3A_436 = vector.broadcast %multiple_of3A_362 : i32 to vector<16xi32>
          %add3A_437 = arith.addi %add3A_436, %add3A_434 : vector<16xi32>
          tpu.vector_store_idx %arg12[%add3A_437, %and3A_2], %gather3A_435 : memref<2048x8xf32, #tpu.memory_space<vmem>>[vector<16xi32>, vector<16xi32>], vector<16xf32>,
          %add3A_438 = arith.constant 12 : i32
          %add3A_439 = vector.broadcast %add3A_438 : i32 to vector<16xi32>
          %add3A_440 = arith.addi %add3A_8, %add3A_439 : vector<16xi32>
          %and3A_441 = arith.constant 15 : i32
          %and3A_442 = vector.broadcast %and3A_441 : i32 to vector<16xi32>
          %and3A_443 = arith.andi %add3A_440, %and3A_442 : vector<16xi32>
          %add3A_444 = vector.broadcast %multiple_of3A_372 : i32 to vector<16xi32>
          %add3A_445 = arith.addi %add3A_444, %and3A_443 : vector<16xi32>
          %gather3A_446 = tpu.vector_load_idx %arg10[%broadcast_in_dim3A, %and3A_2, %add3A_445] : memref<16x8x128xf32, #tpu.memory_space<vmem>>[vector<16xi32>, vector<16xi32>, vector<16xi32>], vector<16xf32>,
          %add3A_447 = vector.broadcast %multiple_of3A_362 : i32 to vector<16xi32>
          %add3A_448 = arith.addi %add3A_447, %add3A_445 : vector<16xi32>
          tpu.vector_store_idx %arg12[%add3A_448, %and3A_2], %gather3A_446 : memref<2048x8xf32, #tpu.memory_space<vmem>>[vector<16xi32>, vector<16xi32>], vector<16xf32>,
          %add3A_449 = arith.constant 14 : i32
          %add3A_450 = vector.broadcast %add3A_449 : i32 to vector<16xi32>
          %add3A_451 = arith.addi %add3A_8, %add3A_450 : vector<16xi32>
          %and3A_452 = arith.constant 15 : i32
          %and3A_453 = vector.broadcast %and3A_452 : i32 to vector<16xi32>
          %and3A_454 = arith.andi %add3A_451, %and3A_453 : vector<16xi32>
          %add3A_455 = vector.broadcast %multiple_of3A_372 : i32 to vector<16xi32>
          %add3A_456 = arith.addi %add3A_455, %and3A_454 : vector<16xi32>
          %gather3A_457 = tpu.vector_load_idx %arg10[%broadcast_in_dim3A, %and3A_2, %add3A_456] : memref<16x8x128xf32, #tpu.memory_space<vmem>>[vector<16xi32>, vector<16xi32>, vector<16xi32>], vector<16xf32>,
          %add3A_458 = vector.broadcast %multiple_of3A_362 : i32 to vector<16xi32>
          %add3A_459 = arith.addi %add3A_458, %add3A_456 : vector<16xi32>
          tpu.vector_store_idx %arg12[%add3A_459, %and3A_2], %gather3A_457 : memref<2048x8xf32, #tpu.memory_space<vmem>>[vector<16xi32>, vector<16xi32>], vector<16xf32>,
        }
        %scan3A_368 = arith.constant 8 : i32
      }
      %scan3A_342 = arith.constant 16 : i32
      %add3A_343 = arith.constant 1 : i32
      %add3A_344 = arith.addi %mul3A_265, %add3A_343 : i32
      %mul3A_345 = arith.constant 256 : i32
      %mul3A_346 = arith.muli %add3A, %mul3A_345 : i32
      %mul3A_347 = arith.constant 16 : i32
      %mul3A_348 = arith.muli %add3A_344, %mul3A_347 : i32
      %add3A_349 = arith.addi %mul3A_346, %mul3A_348 : i32
      %multiple_of3A_350 = tpu.assume_multiple %add3A_349, 16 : i32
      %mul3A_351 = arith.constant 128 : i32
      %mul3A_352 = arith.muli %multiple_of3A_350, %mul3A_351 : i32
      %add3A_353 = arith.constant 5242880 : i32
      %add3A_354 = arith.addi %add3A_353, %mul3A_352 : i32
      %dma_start3A_355 = arith.constant 0 : i32
      %dma_start3A_356 = tpu.memref_slice %arg8[%add3A_354, %dma_start3A_355] : memref<6291456x8xf32, #tpu.memory_space<hbm>> -> memref<2048x8xf32, #tpu.memory_space<hbm>>
      %dma_start3A_357 = arith.constant 0 : i32
      %dma_start3A_358 = tpu.memref_slice %arg8[%add3A_354, %dma_start3A_357] : memref<6291456x8xf32, #tpu.memory_space<hbm>> -> memref<2048x8xf32, #tpu.memory_space<hbm>>
      tpu.enqueue_dma source(%arg12 : memref<2048x8xf32, #tpu.memory_space<vmem>>) target(%dma_start3A_358 : memref<2048x8xf32, #tpu.memory_space<hbm>>) target_semaphore(%arg16 : memref<!tpu.dma_semaphore, #tpu.memory_space<semaphore_mem>>)
    }
    %scan3A_236 = arith.constant 8 : i32
    %mul3A_237 = arith.constant 256 : i32
    %mul3A_238 = arith.muli %add3A, %mul3A_237 : i32
    %add3A_239 = arith.constant 224 : i32
    %add3A_240 = arith.addi %mul3A_238, %add3A_239 : i32
    %multiple_of3A_241 = tpu.assume_multiple %add3A_240, 16 : i32
    %mul3A_242 = arith.constant 128 : i32
    %mul3A_243 = arith.muli %multiple_of3A_241, %mul3A_242 : i32
    %add3A_244 = arith.constant 5242880 : i32
    %add3A_245 = arith.addi %add3A_244, %mul3A_243 : i32
    %dma_wait3A_246 = arith.constant 0 : i32
    %dma_wait3A_247 = tpu.memref_slice %arg8[%add3A_245, %dma_wait3A_246] : memref<6291456x8xf32, #tpu.memory_space<hbm>> -> memref<2048x8xf32, #tpu.memory_space<hbm>>
    %dma_wait3A_248 = arith.constant 0 : i32
    %dma_wait3A_249 = tpu.memref_slice %arg8[%add3A_245, %dma_wait3A_248] : memref<6291456x8xf32, #tpu.memory_space<hbm>> -> memref<2048x8xf32, #tpu.memory_space<hbm>>
    tpu.wait_dma2 semaphore(%arg15 : memref<!tpu.dma_semaphore, #tpu.memory_space<semaphore_mem>>) src(%arg11 : memref<2048x8xf32, #tpu.memory_space<vmem>>) dst(%dma_wait3A_249 : memref<2048x8xf32, #tpu.memory_space<hbm>>)
    %mul3A_250 = arith.constant 256 : i32
    %mul3A_251 = arith.muli %add3A, %mul3A_250 : i32
    %add3A_252 = arith.constant 240 : i32
    %add3A_253 = arith.addi %mul3A_251, %add3A_252 : i32
    %multiple_of3A_254 = tpu.assume_multiple %add3A_253, 16 : i32
    %mul3A_255 = arith.constant 128 : i32
    %mul3A_256 = arith.muli %multiple_of3A_254, %mul3A_255 : i32
    %add3A_257 = arith.constant 5242880 : i32
    %add3A_258 = arith.addi %add3A_257, %mul3A_256 : i32
    %dma_wait3A_259 = arith.constant 0 : i32
    %dma_wait3A_260 = tpu.memref_slice %arg8[%add3A_258, %dma_wait3A_259] : memref<6291456x8xf32, #tpu.memory_space<hbm>> -> memref<2048x8xf32, #tpu.memory_space<hbm>>
    %dma_wait3A_261 = arith.constant 0 : i32
    %dma_wait3A_262 = tpu.memref_slice %arg8[%add3A_258, %dma_wait3A_261] : memref<6291456x8xf32, #tpu.memory_space<hbm>> -> memref<2048x8xf32, #tpu.memory_space<hbm>>
    tpu.wait_dma2 semaphore(%arg16 : memref<!tpu.dma_semaphore, #tpu.memory_space<semaphore_mem>>) src(%arg12 : memref<2048x8xf32, #tpu.memory_space<vmem>>) dst(%dma_wait3A_262 : memref<2048x8xf32, #tpu.memory_space<hbm>>)
    return
  }
}

</mosaic_0001>

<sc_bundles>
// kernel: _detile.3.cloned.1.call-start
scs
__scs_entry_jumppad:
0x0: {  	(pc) =	sbr.rel $0x88, $3  }
0x1: {  	(tag) =	ssettag $0x0;
	lr =	simm.s32 $0x1  }
0x2: {  	[smem:$0x3F9B] =	sst lr;
	_ =	strace $0xD0000000  }
0x3: {  	_ = 	snop  }
0x4: {  	_ = 	snop  }
0x5: {  	_ = 	snop  }
0x6: {  	_ = 	snop  }
0x7: {  	_ = 	snop  }
__scs_overlays_trampoline_lowered:
0x8: {  	[smem:$0x3FAA] =	sst s0  }
0x9: {  	[smem:$0x3FAB] =	sst s1  }
0xa: {  	[smem:$0x3FAC] =	sst s2  }
0xb: {  	[smem:$0x3FAD] =	sst s3  }
0xc: {  	[smem:$0x3FAE] =	sst s4  }
0xd: {  	[smem:$0x3FAF] =	sst s5  }
0xe: {  	[smem:$0x3FB0] =	sst s6  }
0xf: {  	[smem:$0x3FB1] =	sst s7  }
0x10: {  	[smem:$0x3FB2] =	sst s8  }
0x11: {  	[smem:$0x3FB3] =	sst s9;
	s0 =	simm.s32 @!p0 $0x0  }
0x12: {  	s1 =	sld [smem:$0x3F99];
	s0 =	simm.s32 @p0 $0x1  }
0x13: {  	[smem:$0x3FB4] =	sst s0;
	s0 =	simm.s32 @!p1 $0x0  }
0x14: {  	s2 =	sld [smem:$0x3F98];
	s0 =	simm.s32 @p1 $0x1  }
0x15: {  	[smem:$0x3FB5] =	sst s0;
	s0 =	simm.s32 @!p2 $0x0  }
0x16: {  	s3 =	sld [smem:$0x3FDB];
	s0 =	simm.s32 @p2 $0x1  }
0x17: {  	s4 =	simm.s32 $0x1BF5;
	[smem:$0x3FB7] =	sst s0  }
0x18: {  	s0 =	sld [smem:$0x3F9A];
	_ =	swait.ge [sflag:s4], $0x0  }
0x19: {  	s7 =	sld [smem:$0x3F9B]  }
0x1a: {  	s8 =	sadd.s32 $0xFFFFE003, lr  }
0x1b: {  	s9 =	sadd.s32 $0xFFFFFEF7, lr;
	s5 =	simm.s32 $0xFFFFFFFF;
	p2 =	slt.u32 s8, $0xFFFFF086  }
0x1c: {  	p1 =	slt.u32 s9, $0xF7A;
	s5 =	simm.s32 @!p2 $0x0  }
0x1d: {  	s5 =	simm.s32 @p1 $0x1;
	p0 =	seq.s32 s7, s2  }
0x1e: {  	s7 =	smul.u32 @!p0 $0xF7A, s2;
	p2 =	seq.s32 @!p0 s5, $0x0  }
0x1f: {  	s9 =	smul.u32 $0xF7A, s1;
	s8 =	simm.s32 @!p0 $0x1BF5;
	p2 =	por !p2, p0  }
0x20: {  	[sflag:s8] =	ssyncset.s32 @!p0 $0xFFFFF086;
	s6 =	sadd.s32 @!p0 s3, s7;
	s7 =	simm.s32 @!p0 $0x108  }
0x21: {  	s3 =	sadd.s32 s3, s9;
	s6 =	sadd.s32 @!p0 $0x88, s6;
	s7 =	simm.s32 @p2 $0x1082  }
0x22: {  	[simem:s7], [sflag:s8] =	dma.local @!p0 [hbm:s6], $0xF7A  }
0x23: {  	s9 =	sor.u32 $0xD0000000, s2;
	s6 =	simm.s32 $0x108;
	_ =	swait.ge @!p0 [sflag:s8], $0x0  }
0x24: {  	s3 =	sadd.s32 $0x88, s3;
	s6 =	simm.s32 @!p1 $0x1082;
	[sflag:s4] =	ssyncset.s32 $0xFFFFF086  }
0x25: {  	[simem:s6], [sflag:s4] =	dma.local [hbm:s3], $0xF7A  }
0x26: {  	[smem:$0x3F9B] =	sst s1;
	(tag) =	ssettag s2;
	_ =	strace s9  }
0x27: {  	s1 =	sld [smem:$0x3FAB]  }
0x28: {  	s2 =	sld [smem:$0x3FAC]  }
0x29: {  	s4 =	sld [smem:$0x3FAE]  }
0x2a: {  	p0 =	seq.s32 s5, $0x0;
	s5 =	sld [smem:$0x3FAF]  }
0x2b: {  	s6 =	sld [smem:$0x3FB0]  }
0x2c: {  	s7 =	sld [smem:$0x3FB1]  }
0x2d: {  	s3 =	simm.s32 $0x108;
	s8 =	sld [smem:$0x3FB2]  }
0x2e: {  	s3 =	simm.s32 @!p0 $0x1082;
	s9 =	sld [smem:$0x3FB3]  }
0x2f: {  	lr =	sadd.s32 s0, s3;
	s0 =	sld [smem:$0x3FAA]  }
0x30: {  	s3 =	sld [smem:$0x3FAD]  }
0x31: {  	[smem:$0x3FB6] =	sst s10  }
0x32: {  	s10 =	sld [smem:$0x3FB4];
	_ =	sdelay $0x3  }
0x33: {  	p0 =	seq.s32 s10, $0x1;
	s10 =	sld [smem:$0x3FB6];
	_ =	sdelay $0x3  }
0x34: {  	[smem:$0x3FB6] =	sst s10  }
0x35: {  	s10 =	sld [smem:$0x3FB5];
	_ =	sdelay $0x3  }
0x36: {  	p1 =	seq.s32 s10, $0x1;
	s10 =	sld [smem:$0x3FB6];
	_ =	sdelay $0x3  }
0x37: {  	[smem:$0x3FB6] =	sst s10  }
0x38: {  	s10 =	sld [smem:$0x3FB7]  }
0x39: {  	_ = 	snop;
	(pc) =	sbr.ind lr, $3  }
0x3a: {  	_ = 	snop  }
0x3b: {  	_ = 	snop  }
0x3c: {  	p2 =	seq.s32 s10, $0x1;
	s10 =	sld [smem:$0x3FB6]  }
0x3d: {  	_ =	shalt  }
0x3e: {  	_ =	shalt  }
0x3f: {  	_ =	shalt  }
0x40: {  	_ =	shalt  }
0x41: {  	_ =	shalt  }
0x42: {  	_ =	shalt  }
0x43: {  	_ =	shalt  }
0x44: {  	_ =	shalt  }
0x45: {  	_ =	shalt  }
0x46: {  	_ =	shalt  }
0x47: {  	_ =	shalt  }
0x48: {  	_ =	shalt  }
0x49: {  	_ =	shalt  }
0x4a: {  	_ =	shalt  }
0x4b: {  	_ =	shalt  }
0x4c: {  	_ =	shalt  }
0x4d: {  	_ =	shalt  }
0x4e: {  	_ =	shalt  }
0x4f: {  	_ =	shalt  }
0x50: {  	_ =	shalt  }
0x51: {  	_ =	shalt  }
0x52: {  	_ =	shalt  }
0x53: {  	_ =	shalt  }
0x54: {  	_ =	shalt  }
0x55: {  	_ =	shalt  }
0x56: {  	_ =	shalt  }
0x57: {  	_ =	shalt  }
0x58: {  	_ =	shalt  }
0x59: {  	_ =	shalt  }
0x5a: {  	_ =	shalt  }
0x5b: {  	_ =	shalt  }
0x5c: {  	_ =	shalt  }
0x5d: {  	_ =	shalt  }
0x5e: {  	_ =	shalt  }
0x5f: {  	_ =	shalt  }
0x60: {  	_ =	shalt  }
0x61: {  	_ =	shalt  }
0x62: {  	_ =	shalt  }
0x63: {  	_ =	shalt  }
0x64: {  	_ =	shalt  }
0x65: {  	_ =	shalt  }
0x66: {  	_ =	shalt  }
0x67: {  	_ =	shalt  }
0x68: {  	_ =	shalt  }
0x69: {  	_ =	shalt  }
0x6a: {  	_ =	shalt  }
0x6b: {  	_ =	shalt  }
0x6c: {  	_ =	shalt  }
0x6d: {  	_ =	shalt  }
0x6e: {  	_ =	shalt  }
0x6f: {  	_ =	shalt  }
0x70: {  	_ =	shalt  }
0x71: {  	_ =	shalt  }
0x72: {  	_ =	shalt  }
0x73: {  	_ =	shalt  }
0x74: {  	_ =	shalt  }
0x75: {  	_ =	shalt  }
0x76: {  	_ =	shalt  }
0x77: {  	_ =	shalt  }
0x78: {  	_ =	shalt  }
0x79: {  	_ =	shalt  }
0x7a: {  	_ =	shalt  }
0x7b: {  	_ =	shalt  }
0x7c: {  	_ =	shalt  }
0x7d: {  	_ =	shalt  }
0x7e: {  	_ =	shalt  }
0x7f: {  	_ =	shalt  }
0x80: {  	_ =	shalt  }
0x81: {  	_ =	shalt  }
0x82: {  	_ =	shalt  }
0x83: {  	_ =	shalt  }
0x84: {  	_ =	shalt  }
0x85: {  	_ =	shalt  }
0x86: {  	_ =	shalt  }
0x87: {  	_ =	shalt  }
.Lfunc_end0:
.L_simem_size_0:
called_computation.1_lowered:
.L_overlay_start_0:
0x88: {  	s2 =	sld [smem:$0x3FD9]  }
0x89: {  	s3 =	sld [smem:$0x3FFE];
	_ =	sdelay $0x1  }
0x8a: {  	s1 =	srdreg.scid  }
0x8b: {  	s0 =	sand.u32 $0x1, s1  }
0x8c: {  	s18 =	sshll.u32 s0, $0xA;
	s2 =	sadd.s32 s3, s2  }
0x8d: {  	s2 =	sadd.s32 s2, s18  }
0x8e: {  	[smem:$0x3FC2] =	sst s2  }
0x8f: {  	_ = 	snop  }
0x90: {  	s2 =	sld [smem:$0x3FC9]  }
0x91: {  	s19 =	sld [smem:$0x3FC8]  }
0x92: {  	s4 =	sld [smem:$0x3FC7]  }
0x93: {  	s5 =	sld [smem:$0x3FC6]  }
0x94: {  	s6 =	sld [smem:$0x3FC5]  }
0x95: {  	s7 =	sld [smem:$0x3FC4]  }
0x96: {  	s8 =	sld [smem:$0x3FD0];
	(tm) =	ssettm $0x1  }
0x97: {  	s9 =	sld [smem:$0x3FFB];
	_ =	sdelay $0x3  }
0x98: {  	_ =	strace s9  }
0x99: {  	s9 =	sld [smem:$0x3FFC];
	_ =	sdelay $0x3  }
0x9a: {  	_ =	strace s9  }
0x9b: {  	s9 =	sld [smem:$0x3FFD];
	_ =	sdelay $0x3  }
0x9c: {  	_ =	strace s9  }
0x9d: {  	_ =	strace $0x8FFFFFFF  }
0x9e: {  	s20 =	sld [smem:$0x3FDB];
	_ =	sdelay $0x1  }
0x9f: {  	s10 =	simm.s32 $_scs_section_size  }
0xa0: {  	s11 =	simm.s32 $_size__tile_overlayer_lowered;
	s12 =	simm.s32 $_tile_overlayer_lowered  }
0xa1: {  	s23 =	simm.s32 $0x1BFF;
	s22 =	sshll.u32 s12, $0x1;
	s9 =	sadd.s32 s10, s20  }
0xa2: {  	s13 =	simm.s32 $0x0;
	s21 =	sshll.u32 s11, $0x1;
	s11 =	sadd.s32 s22, s9  }
0xa3: {  	[timem:s13], [sflag:s23] =	dma.local [hbm:s11], s21  }
0xa4: {  	_ =	swait.ge [sflag:s23], s21  }
0xa5: {  	s10 =	ssub.s32 $0x0, s21;
	[sflag:s23] =	ssyncset.done $0x0  }
0xa6: {  	[sflag:s23] =	ssyncadd.s32 s10;
	_ =	sdelay $0x1  }
0xa7: {  	s24 =	simm.s32 $0x1B8B  }
0xa8: {  	_ =	swait.ge [sflag:s24], $0x1  }
0xa9: {  	[sflag:s24] =	ssyncset.done $0x0  }
0xaa: {  	s25 =	simm.s32 $0x1B8E;
	[sflag:s24] =	ssyncadd.s32 $0xFFFFFFFF  }
0xab: {  	s26 =	simm.s32 $execute0_lowered;
	[smem:$0x3FD2] =	sst s25  }
0xac: {  	s10 =	sshll.u32 s26, $0x1;
	_ =	strace $0x80000046;
	[dreg:$0x1] =	wrdreg $0xFFFFFFFF  }
0xad: {  	s28 =	simm.s32 $_size_execute0_lowered;
	s9 =	sadd.s32 s9, s10;
	[dreg:$0x0] =	wrdreg $0x0  }
0xae: {  	s10 =	sshll.u32 s28, $0x1;
	[dreg:$0x2] =	wrdreg s9  }
0xaf: {  	[dreg:$0x3] =	wrdreg s10  }
0xb0: {  	[dreg:$0x4] =	wrdreg $0xC0  }
0xb1: {  	_ =	task [dreg:s13], $0x5FFFF  }
0xb2: {  	[dreg:$0x1] =	wrdreg $0xFFFFFFFF  }
0xb3: {  	[dreg:$0x0] =	wrdreg $0x60  }
0xb4: {  	[dreg:$0x2] =	wrdreg s2  }
0xb5: {  	[dreg:$0x3] =	wrdreg s19  }
0xb6: {  	[dreg:$0x4] =	wrdreg s4  }
0xb7: {  	[dreg:$0x5] =	wrdreg s5  }
0xb8: {  	[dreg:$0x6] =	wrdreg s6  }
0xb9: {  	[dreg:$0x7] =	wrdreg s7  }
0xba: {  	[dreg:$0x8] =	wrdreg s8  }
0xbb: {  	[dreg:$0x9] =	wrdreg $0x9  }
0xbc: {  	_ =	task.clear_ibuf [dreg:s13], $0xAFFFF;
	_ =	strace $0x90000046  }
0xbd: {  	s29 =	simm.s32 $0x9;
	_ =	strace $0x80000048  }
0xbe: {  	_ =	swait.ge [sflag:s29], $0x1  }
0xbf: {  	[sflag:s29] =	ssyncadd.s32 $0xFFFFFFFF  }
0xc0: {  	_ =	strace $0x90000048  }
0xc1: {  	_ =	sfence  }
0xc2: {  	s30 =	sld [smem:$0x0];
	_ =	sdelay $0x2  }
0xc3: {  	s31 =	sshll.u32 s1, $0xD;
	s1 =	sshrl.u32 s1, $0x2  }
0xc4: {  	s3 =	sand.u32 $0x4000, s31;
	s1 =	sadd.s32 s1, s30  }
0xc5: {  	s0 =	sor.u32 s3, s0;
	s1 =	sshll.u32 s1, $0x11  }
0xc6: {  	s0 =	sor.u32 s1, s0  }
0xc7: {  	s0 =	sadd.s32 $0x8F2B, s0  }
0xc8: {  	[sflag:s0] =	ssyncadd.remote.s32 $0x1  }
0xc9: {  	_ =	sfence.sel $0xFFFF  }
0xca: {  	[dreg:$0x0] =	wrdreg $0xFFFFFFFF;
	(pc) =	sbr.abs _section_cstart, $3  }
0xcb: {  	[dreg:$0x1] =	wrdreg $0xFFFFFFFF  }
0xcc: {  	_ =	task.clear_ibuf [dreg:s13], $0x2FFFF;
	_ =	strace $0x9FFFFFFF  }
0xcd: {  	(tm) =	ssettm $0x7FFFFFFF  }
tec
execute0_lowered:
.L_overlay_start_1:
0x0: {  	(tag) =	ssettag $0x1  }
0x1: {  	v0 =	vimm.s32 $0x387  }
0x2: {  	vm14 =	vcmask $0x300;
	vm13 =	vcmask $0x704;
	vm12 =	vcmask $0xB08  }
0x3: {  	vm11 =	vcmask $0xF0C;
	vm10 =	vcmask $0x1310;
	vm9 =	vcmask $0x1714  }
0x4: {  	vm8 =	vcmask $0x1B18;
	vm6 =	vcmask $0x1F1C;
	vm7 =	vcmask $0x2320  }
0x5: {  	vm5 =	vcmask $0x2724;
	vm4 =	vcmask $0x2B28;
	vm3 =	vcmask $0x2F2C  }
0x6: {  	v1 =	vimm.s32 $0x381;
	vm1 =	vcmask $0x3330;
	v2 =	vimm.s32 $0x383  }
0x7: {  	vm0 =	vcmask $0x3734;
	vm2 =	vcmask $0x3B38;
	v3 =	vimm.s32 $0x385  }
0x8: {  	v4 =	vimm.s32 $0xFDB97531;
	v5 =	vimm.s32 $0xECA86420;
	v6 =	vimm.s32 $0x1FDB9753  }
0x9: {  	v7 =	vimm.s32 $0xECA8642;
	v8 =	vimm.s32 $0x31FDB975;
	v9 =	vimm.s32 $0x20ECA864  }
0xa: {  	v10 =	vimm.s32 $0x7531FDB9;
	v11 =	vimm.s32 $0x6420ECA8;
	v12 =	vimm.s32 $0x97531FDB  }
0xb: {  	v13 =	vimm.s32 $0x86420ECA;
	v0 =	vsel vm14, $0x0, v0;
	v1 =	vsel vm14, $0x2, v1  }
0xc: {  	v2 =	vsel vm14, $0x4, v2;
	v3 =	vsel vm14, $0x6, v3;
	v4 =	vunpack.c.l.s4.s8 v4  }
0xd: {  	v5 =	vunpack.c.l.s4.s8 v5;
	v6 =	vunpack.c.l.s4.s8 v6;
	v7 =	vunpack.c.l.s4.s8 v7  }
0xe: {  	v8 =	vunpack.c.l.s4.s8 v8;
	v9 =	vunpack.c.l.s4.s8 v9;
	v10 =	vunpack.c.l.s4.s8 v10  }
0xf: {  	v11 =	vunpack.c.l.s4.s8 v11;
	v12 =	vunpack.c.l.s4.s8 v12;
	v13 =	vunpack.c.l.s4.s8 v13  }
0x10: {  	v0 =	vsel vm13, $0x82, v0;
	v1 =	vsel vm13, $0x84, v1;
	v2 =	vsel vm13, $0x86, v2  }
0x11: {  	v3 =	vsel vm13, $0x80, v3;
	v0 =	vsel vm12, $0x104, v0;
	v1 =	vsel vm12, $0x106, v1  }
0x12: {  	v2 =	vsel vm12, $0x100, v2;
	v3 =	vsel vm12, $0x102, v3;
	v4 =	vunpack.c.0.s8.s32 v4  }
0x13: {  	v5 =	vunpack.c.0.s8.s32 v5;
	v6 =	vunpack.c.0.s8.s32 v6;
	v7 =	vunpack.c.0.s8.s32 v7  }
0x14: {  	v10 =	vunpack.c.0.s8.s32 v10;
	v11 =	vunpack.c.0.s8.s32 v11;
	v0 =	vsel vm11, $0x186, v0  }
0x15: {  	v1 =	vsel vm11, $0x180, v1;
	v2 =	vsel vm11, $0x182, v2;
	v3 =	vsel vm11, $0x184, v3  }
0x16: {  	v0 =	vsel vm10, $0x200, v0;
	v1 =	vsel vm10, $0x202, v1;
	v2 =	vsel vm10, $0x204, v2  }
0x17: {  	v3 =	vsel vm10, $0x206, v3;
	v4 =	vcombine.low v5, v4;
	v6 =	vcombine.low v7, v6  }
0x18: {  	v5 =	vunpack.c.0.s8.s32 v8;
	v7 =	vunpack.c.0.s8.s32 v9;
	v8 =	vimm.s32 $0x531FDB97  }
0x19: {  	v9 =	vimm.s32 $0x420ECA86;
	v0 =	vsel vm9, $0x282, v0;
	v1 =	vsel vm9, $0x284, v1  }
0x1a: {  	v2 =	vsel vm9, $0x286, v2;
	v3 =	vsel vm9, $0x280, v3;
	v8 =	vunpack.c.l.s4.s8 v8  }
0x1b: {  	s2 =	rddreg [dreg:$0x0];
	v9 =	vunpack.c.l.s4.s8 v9;
	v0 =	vsel vm8, $0x304, v0;
	v1 =	vsel vm8, $0x306, v1  }
0x1c: {  	s3 =	rddreg [dreg:$0x1];
	v2 =	vsel vm8, $0x300, v2;
	v3 =	vsel vm8, $0x302, v3;
	v7 =	vcombine.low v7, v5  }
0x1d: {  	s14 =	rddreg [dreg:$0x2];
	v5 =	vunpack.c.0.s8.s32 v12;
	v12 =	vunpack.c.0.s8.s32 v13;
	v13 =	vimm.s32 $0xCA86420E  }
0x1e: {  	s17 =	rddreg [dreg:$0x3];
	v4 =	vand.u32 $0xF, v4;
	v6 =	vand.u32 $0xF, v6;
	v0 =	vsel vm6, $0x386, v0  }
0x1f: {  	s8 =	rddreg [dreg:$0x4];
	v1 =	vsel vm6, $0x380, v1;
	v2 =	vsel vm6, $0x382, v2;
	v3 =	vsel vm6, $0x384, v3  }
0x20: {  	s11 =	rddreg [dreg:$0x5];
	v8 =	vunpack.c.0.s8.s32 v8;
	v9 =	vunpack.c.0.s8.s32 v9;
	v13 =	vunpack.c.l.s4.s8 v13  }
0x21: {  	s20 =	rddreg [dreg:$0x6];
	s0 =	srdreg.scid;
	s9 =	simm.s32 $0x0;
	v0 =	vsel vm7, $0x1, v0;
	v1 =	vsel vm7, $0x3, v1;
	v2 =	vsel vm7, $0x5, v2  }
0x22: {  	s4 =	stileid.u32;
	s31 =	simm.s32 $0x4000;
	s0 =	sand.u32 $0x1, s0;
	v3 =	vsel vm7, $0x7, v3;
	v7 =	vand.u32 $0xF, v7;
	v0 =	vsel vm5, $0x83, v0  }
0x23: {  	s6 =	sshll.u32 s4, $0x9;
	[smem:$0x7FF] =	sst s9;
	s13 =	sadd.s32 $0x100000, s20;
	v1 =	vsel vm5, $0x85, v1;
	v2 =	vsel vm5, $0x87, v2;
	v3 =	vsel vm5, $0x81, v3  }
0x24: {  	s16 =	sadd.s32 $0x200000, s20;
	s4 =	smov.u32 s14;
	s19 =	sadd.s32 $0x300000, s20;
	v8 =	vcombine.low v9, v8;
	v9 =	vcombine.low v11, v10;
	v10 =	vimm.s32 $0xB97531FD  }
0x25: {  	s5 =	smov.u32 s17;
	s22 =	sadd.s32 $0x400000, s20;
	s1 =	ssub.s32 $0x2, s0;
	v11 =	vcombine.low v12, v5;
	v12 =	vimm.s32 $0xDB97531F;
	v13 =	vunpack.c.0.s8.s32 v13  }
0x26: {  	s0 =	sshll.u32 s0, $0x8;
	_ =	strace $0x80000047;
	s7 =	sshrl.u32 s1, $0x1;
	v0 =	vsel vm4, $0x105, v0;
	v1 =	vsel vm4, $0x107, v1;
	v2 =	vsel vm4, $0x101, v2  }
0x27: {  	s10 =	sor.u32 s0, s6;
	s6 =	simm.s32 $0x1;
	s0 =	ssub.s32 s1, s7;
	v3 =	vsel vm4, $0x103, v3;
	v5 =	vunpack.c.l.s4.s8 v10;
	v10 =	vimm.s32 $0xA86420EC  }
0x28: {  	s7 =	sshll.u32 s10, $0x7;
	s30 =	sor.u32 $0x20, s10;
	s1 =	simm.s32 $0x0;
	v12 =	vunpack.c.l.s4.s8 v12;
	v0 =	vsel vm3, $0x187, v0;
	v1 =	vsel vm3, $0x181, v1  }
0x29: {  	s2 =	sadd.s32 s2, s7;
	s12 =	sadd.s32 s20, s7;
	s23 =	sadd.s32 s3, s7;
	v2 =	vsel vm3, $0x183, v2;
	v3 =	vsel vm3, $0x185, v3;
	v10 =	vunpack.c.l.s4.s8 v10  }
0x2a: {  	s15 =	sadd.s32 s7, s13;
	s24 =	sadd.s32 s14, s7;
	s18 =	sadd.s32 s7, s16;
	v8 =	vand.u32 $0xF, v8;
	v9 =	vand.u32 $0xF, v9;
	v0 =	vsel vm1, $0x201, v0  }
0x2b: {  	s25 =	sadd.s32 s17, s7;
	s21 =	sadd.s32 s7, s19;
	[dreg:$0x8] =	wrdreg s2;
	v1 =	vsel vm1, $0x203, v1;
	v2 =	vsel vm1, $0x205, v2;
	v3 =	vsel vm1, $0x207, v3  }
0x2c: {  	s26 =	sadd.s32 s8, s7;
	s3 =	smov.u32 s11;
	[dreg:$0x9] =	wrdreg s23;
	v5 =	vunpack.c.0.s8.s32 v5;
	v12 =	vunpack.c.0.s8.s32 v12;
	v0 =	vsel vm0, $0x283, v0  }
0x2d: {  	s29 =	sadd.s32 s11, s7;
	s0 =	smax.u32 s0, $0x1;
	[dreg:$0xa] =	wrdreg s24;
	v1 =	vsel vm0, $0x285, v1;
	v2 =	vsel vm0, $0x287, v2;
	v10 =	vunpack.c.0.s8.s32 v10  }
0x2e: {  	s11 =	simm.s32 $0x2;
	s14 =	simm.s32 $0x4;
	[dreg:$0xb] =	wrdreg s25;
	v3 =	vsel vm0, $0x281, v3;
	v0 =	vsel vm2, $0x305, v0;
	v1 =	vsel vm2, $0x307, v1  }
0x2f: {  	s17 =	simm.s32 $0xC000;
	s2 =	smov.u32 s8;
	[dreg:$0xc] =	wrdreg s26;
	v2 =	vsel vm2, $0x301, v2;
	v12 =	vcombine.low v13, v12;
	v14 =	vcombine.low v10, v5  }
0x30: {  	s24 =	sadd.s32 s7, s22;
	s25 =	sadd.s32 $0x500000, s20;
	[dreg:$0xd] =	wrdreg s29;
	v3 =	vsel vm2, $0x303, v3;
	v5 =	vlaneseq.u32;
	v10 =	vand.u32 $0xF, v11  }
0x31: {  	[dreg:$0xe] =	wrdreg s0;
	s8 =	simm.s32 $0x8000;
	s28 =	sadd.s32 s7, s25;
	v5 =	vand.u32 $0x7, v5;
	v12 =	vand.u32 $0xF, v12;
	v11 =	vand.u32 $0xF, v14  }
.LBB2_1:
0x32: {  	[dreg:$0xf] =	wrdreg s1  }
0x33: {  	s0 =	rddreg [dreg:$0x8];
	s26 =	simm.s32 $0x0  }
0x34: {  	[tilespmem:s9], [sflag:$0x1] =	stream.linear.gather [hbm4b:s0+s9], $0x4000, $0x38;
	[tilespmem:$0x10000] =	vst v63  }
.LBB2_2:
0x35: {  	s23 =	sshll.u32 s26, $0x5  }
0x36: {  	s0 =	sor.u32 s23, s10  }
0x37: {  	s0 =	sshll.u32 s0, $0x7  }
0x38: {  	s20 =	rddreg [dreg:$0x0];
	s29 =	sor.u32 $0x800, s0  }
0x39: {  	s0 =	sadd.s32 s20, s29  }
0x3a: {  	[tilespmem:s31], [sflag:$0x2] =	stream.linear.gather [hbm4b:s0+s9], $0x4000, $0x38;
	[tilespmem:$0x10000] =	vst v63  }
0x3b: {  	_ =	swait.ge [sflag:s6], $0x4000  }
0x3c: {  	p0 =	seq.s32 s26, $0x0;
	[sflag:s6] =	ssyncset.done $0x0  }
0x3d: {  	s0 =	simm.s32 @!p0 $0x3;
	[sflag:s6] =	ssyncadd.s32 $0xFFFFC000  }
0x3e: {  	_ =	swait.ge @!p0 [sflag:s0], $0x4000  }
0x3f: {  	[sflag:s0] =	ssyncset.done @!p0 $0x0  }
0x40: {  	s7 =	simm.s32 $0x0;
	s20 =	simm.s32 $0x0;
	[sflag:s0] =	ssyncadd.s32 @!p0 $0xFFFFC000  }
.LBB2_3:
0x41: {  	s0 =	sshll.u32 s7, $0xA;
	v15 =	vor.u32 s20, v4  }
0x42: {  	v14 =	vor.u32 s0, v0;
	v13 =	vand.u32 $0x78, v15  }
0x43: {  	v16 =	vor.u32 v13, v14  }
0x44: {  	s1 =	sshll.u32 s7, $0x7  }
0x45: {  	v13 =	vmov s1  }
0x46: {  	v15 =	vadd.s32 v13, v15  }
0x47: {  	v18 =	vor.u32 s20, v6;
	v17 =	vshll.u32 v15, $0x3  }
0x48: {  	v19 =	vand.u32 $0x78, v18;
	v15 =	vor.u32 s0, v1;
	v17 =	vor.u32 v5, v17;
	v16 =	vld.idx.msk [tilespmem:v16+s9+$0x0], $0xffff  }
0x49: {  	v19 =	vor.u32 v19, v15;
	_ =	sdelay $0x2  }
0x4a: {  	v18 =	vadd.s32 v13, v18  }
0x4b: {  	[tilespmem:v17+s8+$0x0] =	vst.idx.msk $0xffff, v16;
	v17 =	vshll.u32 v18, $0x3;
	v18 =	vor.u32 s20, v7  }
0x4c: {  	v16 =	vor.u32 s0, v2;
	v19 =	vld.idx.msk [tilespmem:v19+s9+$0x0], $0xffff;
	v17 =	vor.u32 v5, v17;
	v20 =	vand.u32 $0x78, v18  }
0x4d: {  	v20 =	vor.u32 v20, v16;
	_ =	sdelay $0x2  }
0x4e: {  	v18 =	vadd.s32 v13, v18  }
0x4f: {  	v18 =	vshll.u32 v18, $0x3;
	[tilespmem:v17+s8+$0x0] =	vst.idx.msk $0xffff, v19;
	v19 =	vor.u32 s20, v8  }
0x50: {  	v18 =	vor.u32 v5, v18;
	v17 =	vor.u32 s0, v3;
	v20 =	vld.idx.msk [tilespmem:v20+s9+$0x0], $0xffff;
	v21 =	vand.u32 $0x78, v19  }
0x51: {  	v21 =	vor.u32 v21, v17;
	_ =	sdelay $0x2  }
0x52: {  	v19 =	vadd.s32 v13, v19  }
0x53: {  	[tilespmem:v18+s8+$0x0] =	vst.idx.msk $0xffff, v20;
	v18 =	vshll.u32 v19, $0x3;
	v19 =	vor.u32 s20, v9  }
0x54: {  	v20 =	vld.idx.msk [tilespmem:v21+s9+$0x0], $0xffff;
	v18 =	vor.u32 v5, v18;
	v21 =	vand.u32 $0x78, v19  }
0x55: {  	v21 =	vor.u32 v21, v14;
	_ =	sdelay $0x2  }
0x56: {  	v19 =	vadd.s32 v13, v19  }
0x57: {  	[tilespmem:v18+s8+$0x0] =	vst.idx.msk $0xffff, v20;
	v18 =	vshll.u32 v19, $0x3;
	v19 =	vor.u32 s20, v10  }
0x58: {  	v20 =	vld.idx.msk [tilespmem:v21+s9+$0x0], $0xffff;
	v18 =	vor.u32 v5, v18;
	v21 =	vand.u32 $0x78, v19  }
0x59: {  	v21 =	vor.u32 v21, v15;
	_ =	sdelay $0x2  }
0x5a: {  	v19 =	vadd.s32 v13, v19  }
0x5b: {  	[tilespmem:v18+s8+$0x0] =	vst.idx.msk $0xffff, v20;
	v18 =	vshll.u32 v19, $0x3;
	v19 =	vor.u32 s20, v11  }
0x5c: {  	v20 =	vld.idx.msk [tilespmem:v21+s9+$0x0], $0xffff;
	v18 =	vor.u32 v5, v18;
	v21 =	vand.u32 $0x78, v19  }
0x5d: {  	v21 =	vor.u32 v21, v16;
	_ =	sdelay $0x2  }
0x5e: {  	v19 =	vadd.s32 v13, v19  }
0x5f: {  	[tilespmem:v18+s8+$0x0] =	vst.idx.msk $0xffff, v20;
	v18 =	vshll.u32 v19, $0x3;
	v19 =	vor.u32 s20, v12  }
0x60: {  	v20 =	vld.idx.msk [tilespmem:v21+s9+$0x0], $0xffff;
	v18 =	vor.u32 v5, v18;
	v21 =	vand.u32 $0x78, v19  }
0x61: {  	v21 =	vor.u32 v21, v17;
	_ =	sdelay $0x3  }
0x62: {  	s0 =	simm.s32 $0x10;
	[tilespmem:v18+s8+$0x0] =	vst.idx.msk $0xffff, v20;
	v20 =	vadd.s32 v13, v19  }
0x63: {  	s1 =	simm.s32 $0x20;
	v18 =	vor.u32 s0, v4;
	v19 =	vld.idx.msk [tilespmem:v21+s9+$0x0], $0xffff;
	v20 =	vshll.u32 v20, $0x3  }
.LBB2_4:
0x64: {  	p1 =	sne.s32 s1, $0x70;
	v21 =	vand.u32 $0x78, v18;
	v20 =	vor.u32 v5, v20  }
0x65: {  	v21 =	vor.u32 v21, v14;
	_ =	sdelay $0x3  }
0x66: {  	v18 =	vadd.s32 v13, v18;
	[tilespmem:v20+s8+$0x0] =	vst.idx.msk $0xffff, v19  }
0x67: {  	v18 =	vshll.u32 v18, $0x3;
	v20 =	vor.u32 s0, v6;
	v19 =	vld.idx.msk [tilespmem:v21+s9+$0x0], $0xffff  }
0x68: {  	v18 =	vor.u32 v5, v18;
	v21 =	vand.u32 $0x78, v20  }
0x69: {  	v21 =	vor.u32 v21, v15;
	_ =	sdelay $0x3  }
0x6a: {  	[tilespmem:v18+s8+$0x0] =	vst.idx.msk $0xffff, v19;
	v18 =	vadd.s32 v13, v20  }
0x6b: {  	v20 =	vor.u32 s0, v7;
	v19 =	vld.idx.msk [tilespmem:v21+s9+$0x0], $0xffff;
	v18 =	vshll.u32 v18, $0x3  }
0x6c: {  	v21 =	vand.u32 $0x78, v20;
	v18 =	vor.u32 v5, v18  }
0x6d: {  	v21 =	vor.u32 v21, v16;
	_ =	sdelay $0x3  }
0x6e: {  	[tilespmem:v18+s8+$0x0] =	vst.idx.msk $0xffff, v19;
	v18 =	vadd.s32 v13, v20  }
0x6f: {  	v20 =	vor.u32 s0, v8;
	v19 =	vld.idx.msk [tilespmem:v21+s9+$0x0], $0xffff;
	v18 =	vshll.u32 v18, $0x3  }
0x70: {  	v21 =	vand.u32 $0x78, v20;
	v18 =	vor.u32 v5, v18  }
0x71: {  	v21 =	vor.u32 v21, v17;
	_ =	sdelay $0x3  }
0x72: {  	[tilespmem:v18+s8+$0x0] =	vst.idx.msk $0xffff, v19;
	v18 =	vadd.s32 v13, v20  }
0x73: {  	v20 =	vor.u32 s0, v9;
	v19 =	vld.idx.msk [tilespmem:v21+s9+$0x0], $0xffff;
	v18 =	vshll.u32 v18, $0x3  }
0x74: {  	v21 =	vand.u32 $0x78, v20;
	v18 =	vor.u32 v5, v18  }
0x75: {  	v21 =	vor.u32 v21, v14;
	_ =	sdelay $0x3  }
0x76: {  	[tilespmem:v18+s8+$0x0] =	vst.idx.msk $0xffff, v19;
	v18 =	vadd.s32 v13, v20  }
0x77: {  	v20 =	vor.u32 s0, v10;
	v19 =	vld.idx.msk [tilespmem:v21+s9+$0x0], $0xffff;
	v18 =	vshll.u32 v18, $0x3  }
0x78: {  	v21 =	vand.u32 $0x78, v20;
	v18 =	vor.u32 v5, v18  }
0x79: {  	v21 =	vor.u32 v21, v15;
	_ =	sdelay $0x3  }
0x7a: {  	[tilespmem:v18+s8+$0x0] =	vst.idx.msk $0xffff, v19;
	v18 =	vadd.s32 v13, v20  }
0x7b: {  	v20 =	vor.u32 s0, v11;
	v19 =	vld.idx.msk [tilespmem:v21+s9+$0x0], $0xffff;
	v18 =	vshll.u32 v18, $0x3  }
0x7c: {  	v21 =	vand.u32 $0x78, v20;
	v18 =	vor.u32 v5, v18  }
0x7d: {  	v21 =	vor.u32 v21, v16;
	_ =	sdelay $0x3  }
0x7e: {  	[tilespmem:v18+s8+$0x0] =	vst.idx.msk $0xffff, v19;
	v18 =	vadd.s32 v13, v20  }
0x7f: {  	v20 =	vor.u32 s0, v12;
	s0 =	smov.u32 s1;
	v19 =	vld.idx.msk [tilespmem:v21+s9+$0x0], $0xffff;
	v18 =	vshll.u32 v18, $0x3  }
0x80: {  	v21 =	vand.u32 $0x78, v20;
	v18 =	vor.u32 v5, v18  }
0x81: {  	v21 =	vor.u32 v21, v17  }
.Ltmp0:
0x82: {  	(pc) =	sbr.rel @p1 .LBB2_4-.Ltmp0, $3  }
0x83: {  	_ =	sdelay $0x1  }
0x84: {  	v20 =	vadd.s32 v13, v20;
	[tilespmem:v18+s8+$0x0] =	vst.idx.msk $0xffff, v19  }
0x85: {  	s1 =	sadd.s32 $0x10, s1;
	v20 =	vshll.u32 v20, $0x3;
	v18 =	vor.u32 s0, v4;
	v19 =	vld.idx.msk [tilespmem:v21+s9+$0x0], $0xffff  }
0x86: {  	v21 =	vand.u32 $0x78, v18;
	v20 =	vor.u32 v5, v20  }
0x87: {  	v21 =	vor.u32 v21, v14;
	_ =	sdelay $0x2  }
0x88: {  	v44 =	vadd.s32 v13, v18  }
0x89: {  	v45 =	vor.u32 s0, v6;
	v18 =	vshll.u32 v44, $0x3;
	[tilespmem:v20+s8+$0x0] =	vst.idx.msk $0xffff, v19  }
0x8a: {  	v46 =	vand.u32 $0x78, v45;
	v18 =	vor.u32 v5, v18;
	v20 =	vld.idx.msk [tilespmem:v21+s9+$0x0], $0xffff  }
0x8b: {  	v21 =	vor.u32 v46, v15;
	_ =	sdelay $0x2  }
0x8c: {  	v19 =	vadd.s32 v13, v45  }
0x8d: {  	v48 =	vor.u32 s0, v7;
	v47 =	vshll.u32 v19, $0x3;
	[tilespmem:v18+s8+$0x0] =	vst.idx.msk $0xffff, v20  }
0x8e: {  	v49 =	vand.u32 $0x78, v48;
	v18 =	vor.u32 v5, v47;
	v20 =	vld.idx.msk [tilespmem:v21+s9+$0x0], $0xffff  }
0x8f: {  	v21 =	vor.u32 v49, v16;
	_ =	sdelay $0x2  }
0x90: {  	v19 =	vadd.s32 v13, v48  }
0x91: {  	v51 =	vor.u32 s0, v8;
	v50 =	vshll.u32 v19, $0x3;
	[tilespmem:v18+s8+$0x0] =	vst.idx.msk $0xffff, v20  }
0x92: {  	v52 =	vand.u32 $0x78, v51;
	v18 =	vor.u32 v5, v50;
	v20 =	vld.idx.msk [tilespmem:v21+s9+$0x0], $0xffff  }
0x93: {  	v21 =	vor.u32 v52, v17;
	_ =	sdelay $0x2  }
0x94: {  	v19 =	vadd.s32 v13, v51  }
0x95: {  	v54 =	vor.u32 s0, v9;
	v53 =	vshll.u32 v19, $0x3;
	[tilespmem:v18+s8+$0x0] =	vst.idx.msk $0xffff, v20  }
0x96: {  	v55 =	vand.u32 $0x78, v54;
	v18 =	vor.u32 v5, v53;
	v20 =	vld.idx.msk [tilespmem:v21+s9+$0x0], $0xffff  }
0x97: {  	v14 =	vor.u32 v55, v14;
	_ =	sdelay $0x2  }
0x98: {  	v19 =	vadd.s32 v13, v54  }
0x99: {  	v57 =	vor.u32 s0, v10;
	v56 =	vshll.u32 v19, $0x3;
	[tilespmem:v18+s8+$0x0] =	vst.idx.msk $0xffff, v20  }
0x9a: {  	v58 =	vand.u32 $0x78, v57;
	v18 =	vor.u32 v5, v56;
	v14 =	vld.idx.msk [tilespmem:v14+s9+$0x0], $0xffff  }
0x9b: {  	v15 =	vor.u32 v58, v15;
	_ =	sdelay $0x2  }
0x9c: {  	v19 =	vadd.s32 v13, v57  }
0x9d: {  	v59 =	vor.u32 s0, v11;
	[tilespmem:v18+s8+$0x0] =	vst.idx.msk $0xffff, v14;
	v14 =	vshll.u32 v19, $0x3  }
0x9e: {  	v60 =	vand.u32 $0x78, v59;
	v15 =	vld.idx.msk [tilespmem:v15+s9+$0x0], $0xffff;
	v14 =	vor.u32 v5, v14  }
0x9f: {  	v61 =	vor.u32 v60, v16;
	_ =	sdelay $0x2  }
0xa0: {  	v18 =	vadd.s32 v13, v59  }
0xa1: {  	[tilespmem:v14+s8+$0x0] =	vst.idx.msk $0xffff, v15;
	v14 =	vshll.u32 v18, $0x3;
	v15 =	vor.u32 s0, v12  }
0xa2: {  	v16 =	vld.idx.msk [tilespmem:v61+s9+$0x0], $0xffff;
	v14 =	vor.u32 v5, v14;
	v62 =	vand.u32 $0x78, v15  }
0xa3: {  	v63 =	vor.u32 v62, v17;
	_ =	sdelay $0x2  }
0xa4: {  	v13 =	vadd.s32 v13, v15  }
0xa5: {  	s7 =	sadd.s32 $0x1, s7;
	v13 =	vshll.u32 v13, $0x3;
	[tilespmem:v14+s8+$0x0] =	vst.idx.msk $0xffff, v16  }
0xa6: {  	p1 =	sne.s32 s7, $0x10;
	v13 =	vor.u32 v5, v13;
	v14 =	vld.idx.msk [tilespmem:v63+s9+$0x0], $0xffff  }
.Ltmp1:
0xa7: {  	_ = 	snop;
	(pc) =	sbr.rel @p1 .LBB2_3-.Ltmp1, $2  }
0xa8: {  	_ =	sdelay $0x2  }
0xa9: {  	[tilespmem:v13+s8+$0x0] =	vst.idx.msk $0xffff, v14  }
0xaa: {  	p1 =	sne.s32 s26, $0x7  }
.Ltmp2:
0xab: {  	_ = 	snop;
	(pc) =	sbr.rel @p1 .LBB2_8-.Ltmp2, $4  }
0xac: {  	_ = 	snop  }
0xad: {  	s0 =	sshll.u32 s26, $0xC  }
0xae: {  	s0 =	sadd.s32 s0, s12  }
0xaf: {  	[hbm4b:s0+s9] =	stream.linear.scatter [tilespmem:s8], [sflag:$0x3], $0x4000, $0x38;
	[tilespmem:$0x10000] =	vst v63  }
.Ltmp3:
0xb0: {  	(pc) =	sbr.rel .LBB2_9-.Ltmp3, $4  }
0xb1: {  	_ = 	snop  }
0xb2: {  	_ =	swait.ge [sflag:s11], $0x4000  }
0xb3: {  	[sflag:s11] =	ssyncset.done $0x0  }
0xb4: {  	[sflag:s11] =	ssyncadd.s32 $0xFFFFC000  }
.LBB2_8:
0xb5: {  	s0 =	sadd.s32 s23, s30  }
0xb6: {  	s1 =	rddreg [dreg:$0x0];
	s0 =	sshll.u32 s0, $0x7  }
.Ltmp4:
0xb7: {  	s0 =	sadd.s32 s1, s0;
	(pc) =	sbr.rel @p0 .LBB2_10-.Ltmp4, $4  }
0xb8: {  	[tilespmem:s9], [sflag:$0x1] =	stream.linear.gather [hbm4b:s0+s9], $0x4000, $0x38;
	[tilespmem:$0x10000] =	vst v63  }
0xb9: {  	_ =	swait.ge [sflag:s11], $0x4000  }
0xba: {  	[sflag:s11] =	ssyncset.done $0x0  }
0xbb: {  	[sflag:s11] =	ssyncadd.s32 $0xFFFFC000  }
.LBB2_9:
0xbc: {  	_ =	swait.ge [sflag:s14], $0x4000  }
0xbd: {  	[sflag:s14] =	ssyncset.done $0x0  }
0xbe: {  	[sflag:s14] =	ssyncadd.s32 $0xFFFFC000  }
.LBB2_10:
0xbf: {  	s20 =	simm.s32 $0x0;
	s7 =	simm.s32 $0x0  }
.LBB2_11:
0xc0: {  	s0 =	sshll.u32 s7, $0xA;
	v15 =	vor.u32 s20, v4  }
0xc1: {  	v14 =	vor.u32 s0, v0;
	v13 =	vand.u32 $0x78, v15  }
0xc2: {  	v16 =	vor.u32 v13, v14  }
0xc3: {  	s1 =	sshll.u32 s7, $0x7  }
0xc4: {  	v13 =	vmov s1  }
0xc5: {  	v15 =	vadd.s32 v13, v15  }
0xc6: {  	v18 =	vor.u32 s20, v6;
	v17 =	vshll.u32 v15, $0x3  }
0xc7: {  	v19 =	vand.u32 $0x78, v18;
	v15 =	vor.u32 s0, v1;
	v17 =	vor.u32 v5, v17;
	v16 =	vld.idx.msk [tilespmem:v16+s31+$0x0], $0xffff  }
0xc8: {  	v19 =	vor.u32 v19, v15;
	_ =	sdelay $0x2  }
0xc9: {  	v18 =	vadd.s32 v13, v18  }
0xca: {  	[tilespmem:v17+s17+$0x0] =	vst.idx.msk $0xffff, v16;
	v17 =	vshll.u32 v18, $0x3;
	v18 =	vor.u32 s20, v7  }
0xcb: {  	v16 =	vor.u32 s0, v2;
	v19 =	vld.idx.msk [tilespmem:v19+s31+$0x0], $0xffff;
	v17 =	vor.u32 v5, v17;
	v20 =	vand.u32 $0x78, v18  }
0xcc: {  	v20 =	vor.u32 v20, v16;
	_ =	sdelay $0x2  }
0xcd: {  	v18 =	vadd.s32 v13, v18  }
0xce: {  	v18 =	vshll.u32 v18, $0x3;
	[tilespmem:v17+s17+$0x0] =	vst.idx.msk $0xffff, v19;
	v19 =	vor.u32 s20, v8  }
0xcf: {  	v18 =	vor.u32 v5, v18;
	v17 =	vor.u32 s0, v3;
	v20 =	vld.idx.msk [tilespmem:v20+s31+$0x0], $0xffff;
	v21 =	vand.u32 $0x78, v19  }
0xd0: {  	v21 =	vor.u32 v21, v17;
	_ =	sdelay $0x2  }
0xd1: {  	v19 =	vadd.s32 v13, v19  }
0xd2: {  	[tilespmem:v18+s17+$0x0] =	vst.idx.msk $0xffff, v20;
	v18 =	vshll.u32 v19, $0x3;
	v19 =	vor.u32 s20, v9  }
0xd3: {  	v20 =	vld.idx.msk [tilespmem:v21+s31+$0x0], $0xffff;
	v18 =	vor.u32 v5, v18;
	v21 =	vand.u32 $0x78, v19  }
0xd4: {  	v21 =	vor.u32 v21, v14;
	_ =	sdelay $0x2  }
0xd5: {  	v19 =	vadd.s32 v13, v19  }
0xd6: {  	[tilespmem:v18+s17+$0x0] =	vst.idx.msk $0xffff, v20;
	v18 =	vshll.u32 v19, $0x3;
	v19 =	vor.u32 s20, v10  }
0xd7: {  	v20 =	vld.idx.msk [tilespmem:v21+s31+$0x0], $0xffff;
	v18 =	vor.u32 v5, v18;
	v21 =	vand.u32 $0x78, v19  }
0xd8: {  	v21 =	vor.u32 v21, v15;
	_ =	sdelay $0x2  }
0xd9: {  	v19 =	vadd.s32 v13, v19  }
0xda: {  	[tilespmem:v18+s17+$0x0] =	vst.idx.msk $0xffff, v20;
	v18 =	vshll.u32 v19, $0x3;
	v19 =	vor.u32 s20, v11  }
0xdb: {  	v20 =	vld.idx.msk [tilespmem:v21+s31+$0x0], $0xffff;
	v18 =	vor.u32 v5, v18;
	v21 =	vand.u32 $0x78, v19  }
0xdc: {  	v21 =	vor.u32 v21, v16;
	_ =	sdelay $0x2  }
0xdd: {  	v19 =	vadd.s32 v13, v19  }
0xde: {  	[tilespmem:v18+s17+$0x0] =	vst.idx.msk $0xffff, v20;
	v18 =	vshll.u32 v19, $0x3;
	v19 =	vor.u32 s20, v12  }
0xdf: {  	v20 =	vld.idx.msk [tilespmem:v21+s31+$0x0], $0xffff;
	v18 =	vor.u32 v5, v18;
	v21 =	vand.u32 $0x78, v19  }
0xe0: {  	v21 =	vor.u32 v21, v17;
	_ =	sdelay $0x3  }
0xe1: {  	s0 =	simm.s32 $0x10;
	[tilespmem:v18+s17+$0x0] =	vst.idx.msk $0xffff, v20;
	v20 =	vadd.s32 v13, v19  }
0xe2: {  	s1 =	simm.s32 $0x20;
	v18 =	vor.u32 s0, v4;
	v19 =	vld.idx.msk [tilespmem:v21+s31+$0x0], $0xffff;
	v20 =	vshll.u32 v20, $0x3  }
.LBB2_12:
0xe3: {  	p0 =	sne.s32 s1, $0x70;
	v21 =	vand.u32 $0x78, v18;
	v20 =	vor.u32 v5, v20  }
0xe4: {  	v21 =	vor.u32 v21, v14;
	_ =	sdelay $0x3  }
0xe5: {  	v18 =	vadd.s32 v13, v18;
	[tilespmem:v20+s17+$0x0] =	vst.idx.msk $0xffff, v19  }
0xe6: {  	v18 =	vshll.u32 v18, $0x3;
	v20 =	vor.u32 s0, v6;
	v19 =	vld.idx.msk [tilespmem:v21+s31+$0x0], $0xffff  }
0xe7: {  	v18 =	vor.u32 v5, v18;
	v21 =	vand.u32 $0x78, v20  }
0xe8: {  	v21 =	vor.u32 v21, v15;
	_ =	sdelay $0x3  }
0xe9: {  	[tilespmem:v18+s17+$0x0] =	vst.idx.msk $0xffff, v19;
	v18 =	vadd.s32 v13, v20  }
0xea: {  	v20 =	vor.u32 s0, v7;
	v19 =	vld.idx.msk [tilespmem:v21+s31+$0x0], $0xffff;
	v18 =	vshll.u32 v18, $0x3  }
0xeb: {  	v21 =	vand.u32 $0x78, v20;
	v18 =	vor.u32 v5, v18  }
0xec: {  	v21 =	vor.u32 v21, v16;
	_ =	sdelay $0x3  }
0xed: {  	[tilespmem:v18+s17+$0x0] =	vst.idx.msk $0xffff, v19;
	v18 =	vadd.s32 v13, v20  }
0xee: {  	v20 =	vor.u32 s0, v8;
	v19 =	vld.idx.msk [tilespmem:v21+s31+$0x0], $0xffff;
	v18 =	vshll.u32 v18, $0x3  }
0xef: {  	v21 =	vand.u32 $0x78, v20;
	v18 =	vor.u32 v5, v18  }
0xf0: {  	v21 =	vor.u32 v21, v17;
	_ =	sdelay $0x3  }
0xf1: {  	[tilespmem:v18+s17+$0x0] =	vst.idx.msk $0xffff, v19;
	v18 =	vadd.s32 v13, v20  }
0xf2: {  	v20 =	vor.u32 s0, v9;
	v19 =	vld.idx.msk [tilespmem:v21+s31+$0x0], $0xffff;
	v18 =	vshll.u32 v18, $0x3  }
0xf3: {  	v21 =	vand.u32 $0x78, v20;
	v18 =	vor.u32 v5, v18  }
0xf4: {  	v21 =	vor.u32 v21, v14;
	_ =	sdelay $0x3  }
0xf5: {  	[tilespmem:v18+s17+$0x0] =	vst.idx.msk $0xffff, v19;
	v18 =	vadd.s32 v13, v20  }
0xf6: {  	v20 =	vor.u32 s0, v10;
	v19 =	vld.idx.msk [tilespmem:v21+s31+$0x0], $0xffff;
	v18 =	vshll.u32 v18, $0x3  }
0xf7: {  	v21 =	vand.u32 $0x78, v20;
	v18 =	vor.u32 v5, v18  }
0xf8: {  	v21 =	vor.u32 v21, v15;
	_ =	sdelay $0x3  }
0xf9: {  	[tilespmem:v18+s17+$0x0] =	vst.idx.msk $0xffff, v19;
	v18 =	vadd.s32 v13, v20  }
0xfa: {  	v20 =	vor.u32 s0, v11;
	v19 =	vld.idx.msk [tilespmem:v21+s31+$0x0], $0xffff;
	v18 =	vshll.u32 v18, $0x3  }
0xfb: {  	v21 =	vand.u32 $0x78, v20;
	v18 =	vor.u32 v5, v18  }
0xfc: {  	v21 =	vor.u32 v21, v16;
	_ =	sdelay $0x3  }
0xfd: {  	[tilespmem:v18+s17+$0x0] =	vst.idx.msk $0xffff, v19;
	v18 =	vadd.s32 v13, v20  }
0xfe: {  	v20 =	vor.u32 s0, v12;
	s0 =	smov.u32 s1;
	v19 =	vld.idx.msk [tilespmem:v21+s31+$0x0], $0xffff;
	v18 =	vshll.u32 v18, $0x3  }
0xff: {  	v21 =	vand.u32 $0x78, v20;
	v18 =	vor.u32 v5, v18  }
0x100: {  	v21 =	vor.u32 v21, v17  }
.Ltmp5:
0x101: {  	(pc) =	sbr.rel @p0 .LBB2_12-.Ltmp5, $3  }
0x102: {  	_ =	sdelay $0x1  }
0x103: {  	v20 =	vadd.s32 v13, v20;
	[tilespmem:v18+s17+$0x0] =	vst.idx.msk $0xffff, v19  }
0x104: {  	s1 =	sadd.s32 $0x10, s1;
	v20 =	vshll.u32 v20, $0x3;
	v18 =	vor.u32 s0, v4;
	v19 =	vld.idx.msk [tilespmem:v21+s31+$0x0], $0xffff  }
0x105: {  	v21 =	vand.u32 $0x78, v18;
	v20 =	vor.u32 v5, v20  }
0x106: {  	v21 =	vor.u32 v21, v14;
	_ =	sdelay $0x2  }
0x107: {  	v44 =	vadd.s32 v13, v18  }
0x108: {  	v45 =	vor.u32 s0, v6;
	v18 =	vshll.u32 v44, $0x3;
	[tilespmem:v20+s17+$0x0] =	vst.idx.msk $0xffff, v19  }
0x109: {  	v46 =	vand.u32 $0x78, v45;
	v18 =	vor.u32 v5, v18;
	v20 =	vld.idx.msk [tilespmem:v21+s31+$0x0], $0xffff  }
0x10a: {  	v21 =	vor.u32 v46, v15;
	_ =	sdelay $0x2  }
0x10b: {  	v19 =	vadd.s32 v13, v45  }
0x10c: {  	v48 =	vor.u32 s0, v7;
	v47 =	vshll.u32 v19, $0x3;
	[tilespmem:v18+s17+$0x0] =	vst.idx.msk $0xffff, v20  }
0x10d: {  	v49 =	vand.u32 $0x78, v48;
	v18 =	vor.u32 v5, v47;
	v20 =	vld.idx.msk [tilespmem:v21+s31+$0x0], $0xffff  }
0x10e: {  	v21 =	vor.u32 v49, v16;
	_ =	sdelay $0x2  }
0x10f: {  	v19 =	vadd.s32 v13, v48  }
0x110: {  	v51 =	vor.u32 s0, v8;
	v50 =	vshll.u32 v19, $0x3;
	[tilespmem:v18+s17+$0x0] =	vst.idx.msk $0xffff, v20  }
0x111: {  	v52 =	vand.u32 $0x78, v51;
	v18 =	vor.u32 v5, v50;
	v20 =	vld.idx.msk [tilespmem:v21+s31+$0x0], $0xffff  }
0x112: {  	v21 =	vor.u32 v52, v17;
	_ =	sdelay $0x2  }
0x113: {  	v19 =	vadd.s32 v13, v51  }
0x114: {  	v54 =	vor.u32 s0, v9;
	v53 =	vshll.u32 v19, $0x3;
	[tilespmem:v18+s17+$0x0] =	vst.idx.msk $0xffff, v20  }
0x115: {  	v55 =	vand.u32 $0x78, v54;
	v18 =	vor.u32 v5, v53;
	v20 =	vld.idx.msk [tilespmem:v21+s31+$0x0], $0xffff  }
0x116: {  	v14 =	vor.u32 v55, v14;
	_ =	sdelay $0x2  }
0x117: {  	v19 =	vadd.s32 v13, v54  }
0x118: {  	v57 =	vor.u32 s0, v10;
	v56 =	vshll.u32 v19, $0x3;
	[tilespmem:v18+s17+$0x0] =	vst.idx.msk $0xffff, v20  }
0x119: {  	v58 =	vand.u32 $0x78, v57;
	v18 =	vor.u32 v5, v56;
	v14 =	vld.idx.msk [tilespmem:v14+s31+$0x0], $0xffff  }
0x11a: {  	v15 =	vor.u32 v58, v15;
	_ =	sdelay $0x2  }
0x11b: {  	v19 =	vadd.s32 v13, v57  }
0x11c: {  	v59 =	vor.u32 s0, v11;
	[tilespmem:v18+s17+$0x0] =	vst.idx.msk $0xffff, v14;
	v14 =	vshll.u32 v19, $0x3  }
0x11d: {  	v60 =	vand.u32 $0x78, v59;
	v15 =	vld.idx.msk [tilespmem:v15+s31+$0x0], $0xffff;
	v14 =	vor.u32 v5, v14  }
0x11e: {  	v61 =	vor.u32 v60, v16;
	_ =	sdelay $0x2  }
0x11f: {  	v18 =	vadd.s32 v13, v59  }
0x120: {  	[tilespmem:v14+s17+$0x0] =	vst.idx.msk $0xffff, v15;
	v14 =	vshll.u32 v18, $0x3;
	v15 =	vor.u32 s0, v12  }
0x121: {  	v16 =	vld.idx.msk [tilespmem:v61+s31+$0x0], $0xffff;
	v14 =	vor.u32 v5, v14;
	v62 =	vand.u32 $0x78, v15  }
0x122: {  	v63 =	vor.u32 v62, v17;
	_ =	sdelay $0x2  }
0x123: {  	v13 =	vadd.s32 v13, v15  }
0x124: {  	s7 =	sadd.s32 $0x1, s7;
	v13 =	vshll.u32 v13, $0x3;
	[tilespmem:v14+s17+$0x0] =	vst.idx.msk $0xffff, v16  }
0x125: {  	p0 =	sne.s32 s7, $0x10;
	v13 =	vor.u32 v5, v13;
	v14 =	vld.idx.msk [tilespmem:v63+s31+$0x0], $0xffff  }
.Ltmp6:
0x126: {  	_ = 	snop;
	(pc) =	sbr.rel @p0 .LBB2_11-.Ltmp6, $2  }
0x127: {  	_ =	sdelay $0x2  }
0x128: {  	[tilespmem:v13+s17+$0x0] =	vst.idx.msk $0xffff, v14  }
0x129: {  	s26 =	sadd.s32 $0x1, s26  }
0x12a: {  	p0 =	sne.s32 s26, $0x8  }
.Ltmp7:
0x12b: {  	_ = 	snop;
	(pc) =	sbr.rel @p0 .LBB2_2-.Ltmp7, $4  }
0x12c: {  	_ = 	snop  }
0x12d: {  	s0 =	rddreg [dreg:$0x6]  }
0x12e: {  	s0 =	sadd.s32 s0, s29  }
0x12f: {  	[hbm4b:s0+s9] =	stream.linear.scatter [tilespmem:s17], [sflag:$0x4], $0x4000, $0x38;
	[tilespmem:$0x10000] =	vst v63  }
0x130: {  	s0 =	simm.s32 $0x3  }
0x131: {  	_ =	swait.ge [sflag:s0], $0x4000  }
0x132: {  	[sflag:s0] =	ssyncset.done $0x0  }
0x133: {  	[sflag:s0] =	ssyncadd.s32 $0xFFFFC000  }
0x134: {  	_ =	swait.ge [sflag:s14], $0x4000  }
0x135: {  	[sflag:s14] =	ssyncset.done $0x0  }
0x136: {  	s26 =	simm.s32 $0x0;
	s29 =	rddreg [dreg:$0x9];
	[sflag:s14] =	ssyncadd.s32 $0xFFFFC000  }
0x137: {  	[tilespmem:s26], [sflag:$0x1] =	stream.linear.gather [hbm4b:s29+s26], $0x4000, $0x38;
	[tilespmem:$0x10000] =	vst v63  }
.LBB2_16:
0x138: {  	s23 =	sshll.u32 s26, $0x5  }
0x139: {  	s0 =	sor.u32 s23, s10  }
0x13a: {  	s0 =	sshll.u32 s0, $0x7  }
0x13b: {  	s20 =	rddreg [dreg:$0x1];
	s29 =	sor.u32 $0x800, s0  }
0x13c: {  	s0 =	sadd.s32 s20, s29  }
0x13d: {  	[tilespmem:s31], [sflag:$0x2] =	stream.linear.gather [hbm4b:s0+s9], $0x4000, $0x38;
	[tilespmem:$0x10000] =	vst v63  }
0x13e: {  	_ =	swait.ge [sflag:s6], $0x4000  }
0x13f: {  	p0 =	seq.s32 s26, $0x0;
	[sflag:s6] =	ssyncset.done $0x0  }
0x140: {  	s0 =	simm.s32 @!p0 $0x3;
	[sflag:s6] =	ssyncadd.s32 $0xFFFFC000  }
0x141: {  	_ =	swait.ge @!p0 [sflag:s0], $0x4000  }
0x142: {  	[sflag:s0] =	ssyncset.done @!p0 $0x0  }
0x143: {  	s20 =	simm.s32 $0x0;
	[sflag:s0] =	ssyncadd.s32 @!p0 $0xFFFFC000  }
.LBB2_17:
0x144: {  	s0 =	simm.s32 $0x0  }
0x145: {  	s1 =	sshll.u32 s20, $0xA;
	v15 =	vor.u32 s0, v4  }
0x146: {  	v14 =	vor.u32 s1, v0;
	v13 =	vand.u32 $0x78, v15  }
0x147: {  	v16 =	vor.u32 v13, v14  }
0x148: {  	s7 =	sshll.u32 s20, $0x7  }
0x149: {  	v13 =	vmov s7  }
0x14a: {  	v15 =	vadd.s32 v13, v15  }
0x14b: {  	v18 =	vor.u32 s0, v6;
	v17 =	vshll.u32 v15, $0x3  }
0x14c: {  	v19 =	vand.u32 $0x78, v18;
	v15 =	vor.u32 s1, v1;
	v17 =	vor.u32 v5, v17;
	v16 =	vld.idx.msk [tilespmem:v16+s9+$0x0], $0xffff  }
0x14d: {  	v19 =	vor.u32 v19, v15;
	_ =	sdelay $0x2  }
0x14e: {  	v18 =	vadd.s32 v13, v18  }
0x14f: {  	[tilespmem:v17+s8+$0x0] =	vst.idx.msk $0xffff, v16;
	v17 =	vshll.u32 v18, $0x3;
	v18 =	vor.u32 s0, v7  }
0x150: {  	v16 =	vor.u32 s1, v2;
	v19 =	vld.idx.msk [tilespmem:v19+s9+$0x0], $0xffff;
	v17 =	vor.u32 v5, v17;
	v20 =	vand.u32 $0x78, v18  }
0x151: {  	v20 =	vor.u32 v20, v16;
	_ =	sdelay $0x2  }
0x152: {  	v18 =	vadd.s32 v13, v18  }
0x153: {  	v18 =	vshll.u32 v18, $0x3;
	[tilespmem:v17+s8+$0x0] =	vst.idx.msk $0xffff, v19;
	v19 =	vor.u32 s0, v8  }
0x154: {  	v18 =	vor.u32 v5, v18;
	v17 =	vor.u32 s1, v3;
	v20 =	vld.idx.msk [tilespmem:v20+s9+$0x0], $0xffff;
	v21 =	vand.u32 $0x78, v19  }
0x155: {  	v21 =	vor.u32 v21, v17;
	_ =	sdelay $0x2  }
0x156: {  	v19 =	vadd.s32 v13, v19  }
0x157: {  	[tilespmem:v18+s8+$0x0] =	vst.idx.msk $0xffff, v20;
	v18 =	vshll.u32 v19, $0x3;
	v19 =	vor.u32 s0, v9  }
0x158: {  	v20 =	vld.idx.msk [tilespmem:v21+s9+$0x0], $0xffff;
	v18 =	vor.u32 v5, v18;
	v21 =	vand.u32 $0x78, v19  }
0x159: {  	v21 =	vor.u32 v21, v14;
	_ =	sdelay $0x2  }
0x15a: {  	v19 =	vadd.s32 v13, v19  }
0x15b: {  	[tilespmem:v18+s8+$0x0] =	vst.idx.msk $0xffff, v20;
	v18 =	vshll.u32 v19, $0x3;
	v19 =	vor.u32 s0, v10  }
0x15c: {  	v20 =	vld.idx.msk [tilespmem:v21+s9+$0x0], $0xffff;
	v18 =	vor.u32 v5, v18;
	v21 =	vand.u32 $0x78, v19  }
0x15d: {  	v21 =	vor.u32 v21, v15;
	_ =	sdelay $0x2  }
0x15e: {  	v19 =	vadd.s32 v13, v19  }
0x15f: {  	[tilespmem:v18+s8+$0x0] =	vst.idx.msk $0xffff, v20;
	v18 =	vshll.u32 v19, $0x3;
	v19 =	vor.u32 s0, v11  }
0x160: {  	v20 =	vld.idx.msk [tilespmem:v21+s9+$0x0], $0xffff;
	v18 =	vor.u32 v5, v18;
	v21 =	vand.u32 $0x78, v19  }
0x161: {  	v21 =	vor.u32 v21, v16;
	_ =	sdelay $0x2  }
0x162: {  	v19 =	vadd.s32 v13, v19  }
0x163: {  	[tilespmem:v18+s8+$0x0] =	vst.idx.msk $0xffff, v20;
	v18 =	vshll.u32 v19, $0x3;
	v19 =	vor.u32 s0, v12  }
0x164: {  	v20 =	vld.idx.msk [tilespmem:v21+s9+$0x0], $0xffff;
	v18 =	vor.u32 v5, v18;
	v21 =	vand.u32 $0x78, v19  }
0x165: {  	v21 =	vor.u32 v21, v17;
	_ =	sdelay $0x3  }
0x166: {  	s0 =	simm.s32 $0x10;
	[tilespmem:v18+s8+$0x0] =	vst.idx.msk $0xffff, v20;
	v20 =	vadd.s32 v13, v19  }
0x167: {  	s1 =	simm.s32 $0x20;
	v18 =	vor.u32 s0, v4;
	v19 =	vld.idx.msk [tilespmem:v21+s9+$0x0], $0xffff;
	v20 =	vshll.u32 v20, $0x3  }
.LBB2_18:
0x168: {  	p1 =	sne.s32 s1, $0x70;
	v21 =	vand.u32 $0x78, v18;
	v20 =	vor.u32 v5, v20  }
0x169: {  	v21 =	vor.u32 v21, v14;
	_ =	sdelay $0x3  }
0x16a: {  	v18 =	vadd.s32 v13, v18;
	[tilespmem:v20+s8+$0x0] =	vst.idx.msk $0xffff, v19  }
0x16b: {  	v18 =	vshll.u32 v18, $0x3;
	v20 =	vor.u32 s0, v6;
	v19 =	vld.idx.msk [tilespmem:v21+s9+$0x0], $0xffff  }
0x16c: {  	v18 =	vor.u32 v5, v18;
	v21 =	vand.u32 $0x78, v20  }
0x16d: {  	v21 =	vor.u32 v21, v15;
	_ =	sdelay $0x3  }
0x16e: {  	[tilespmem:v18+s8+$0x0] =	vst.idx.msk $0xffff, v19;
	v18 =	vadd.s32 v13, v20  }
0x16f: {  	v20 =	vor.u32 s0, v7;
	v19 =	vld.idx.msk [tilespmem:v21+s9+$0x0], $0xffff;
	v18 =	vshll.u32 v18, $0x3  }
0x170: {  	v21 =	vand.u32 $0x78, v20;
	v18 =	vor.u32 v5, v18  }
0x171: {  	v21 =	vor.u32 v21, v16;
	_ =	sdelay $0x3  }
0x172: {  	[tilespmem:v18+s8+$0x0] =	vst.idx.msk $0xffff, v19;
	v18 =	vadd.s32 v13, v20  }
0x173: {  	v20 =	vor.u32 s0, v8;
	v19 =	vld.idx.msk [tilespmem:v21+s9+$0x0], $0xffff;
	v18 =	vshll.u32 v18, $0x3  }
0x174: {  	v21 =	vand.u32 $0x78, v20;
	v18 =	vor.u32 v5, v18  }
0x175: {  	v21 =	vor.u32 v21, v17;
	_ =	sdelay $0x3  }
0x176: {  	[tilespmem:v18+s8+$0x0] =	vst.idx.msk $0xffff, v19;
	v18 =	vadd.s32 v13, v20  }
0x177: {  	v20 =	vor.u32 s0, v9;
	v19 =	vld.idx.msk [tilespmem:v21+s9+$0x0], $0xffff;
	v18 =	vshll.u32 v18, $0x3  }
0x178: {  	v21 =	vand.u32 $0x78, v20;
	v18 =	vor.u32 v5, v18  }
0x179: {  	v21 =	vor.u32 v21, v14;
	_ =	sdelay $0x3  }
0x17a: {  	[tilespmem:v18+s8+$0x0] =	vst.idx.msk $0xffff, v19;
	v18 =	vadd.s32 v13, v20  }
0x17b: {  	v20 =	vor.u32 s0, v10;
	v19 =	vld.idx.msk [tilespmem:v21+s9+$0x0], $0xffff;
	v18 =	vshll.u32 v18, $0x3  }
0x17c: {  	v21 =	vand.u32 $0x78, v20;
	v18 =	vor.u32 v5, v18  }
0x17d: {  	v21 =	vor.u32 v21, v15;
	_ =	sdelay $0x3  }
0x17e: {  	[tilespmem:v18+s8+$0x0] =	vst.idx.msk $0xffff, v19;
	v18 =	vadd.s32 v13, v20  }
0x17f: {  	v20 =	vor.u32 s0, v11;
	v19 =	vld.idx.msk [tilespmem:v21+s9+$0x0], $0xffff;
	v18 =	vshll.u32 v18, $0x3  }
0x180: {  	v21 =	vand.u32 $0x78, v20;
	v18 =	vor.u32 v5, v18  }
0x181: {  	v21 =	vor.u32 v21, v16;
	_ =	sdelay $0x3  }
0x182: {  	[tilespmem:v18+s8+$0x0] =	vst.idx.msk $0xffff, v19;
	v18 =	vadd.s32 v13, v20  }
0x183: {  	v20 =	vor.u32 s0, v12;
	s0 =	smov.u32 s1;
	v19 =	vld.idx.msk [tilespmem:v21+s9+$0x0], $0xffff;
	v18 =	vshll.u32 v18, $0x3  }
0x184: {  	v21 =	vand.u32 $0x78, v20;
	v18 =	vor.u32 v5, v18  }
0x185: {  	v21 =	vor.u32 v21, v17  }
.Ltmp8:
0x186: {  	(pc) =	sbr.rel @p1 .LBB2_18-.Ltmp8, $3  }
0x187: {  	_ =	sdelay $0x1  }
0x188: {  	v20 =	vadd.s32 v13, v20;
	[tilespmem:v18+s8+$0x0] =	vst.idx.msk $0xffff, v19  }
0x189: {  	s1 =	sadd.s32 $0x10, s1;
	v20 =	vshll.u32 v20, $0x3;
	v18 =	vor.u32 s0, v4;
	v19 =	vld.idx.msk [tilespmem:v21+s9+$0x0], $0xffff  }
0x18a: {  	v21 =	vand.u32 $0x78, v18;
	v20 =	vor.u32 v5, v20  }
0x18b: {  	v21 =	vor.u32 v21, v14;
	_ =	sdelay $0x2  }
0x18c: {  	v44 =	vadd.s32 v13, v18  }
0x18d: {  	v45 =	vor.u32 s0, v6;
	v18 =	vshll.u32 v44, $0x3;
	[tilespmem:v20+s8+$0x0] =	vst.idx.msk $0xffff, v19  }
0x18e: {  	v46 =	vand.u32 $0x78, v45;
	v18 =	vor.u32 v5, v18;
	v20 =	vld.idx.msk [tilespmem:v21+s9+$0x0], $0xffff  }
0x18f: {  	v21 =	vor.u32 v46, v15;
	_ =	sdelay $0x2  }
0x190: {  	v19 =	vadd.s32 v13, v45  }
0x191: {  	v48 =	vor.u32 s0, v7;
	v47 =	vshll.u32 v19, $0x3;
	[tilespmem:v18+s8+$0x0] =	vst.idx.msk $0xffff, v20  }
0x192: {  	v49 =	vand.u32 $0x78, v48;
	v18 =	vor.u32 v5, v47;
	v20 =	vld.idx.msk [tilespmem:v21+s9+$0x0], $0xffff  }
0x193: {  	v21 =	vor.u32 v49, v16;
	_ =	sdelay $0x2  }
0x194: {  	v19 =	vadd.s32 v13, v48  }
0x195: {  	v51 =	vor.u32 s0, v8;
	v50 =	vshll.u32 v19, $0x3;
	[tilespmem:v18+s8+$0x0] =	vst.idx.msk $0xffff, v20  }
0x196: {  	v52 =	vand.u32 $0x78, v51;
	v18 =	vor.u32 v5, v50;
	v20 =	vld.idx.msk [tilespmem:v21+s9+$0x0], $0xffff  }
0x197: {  	v21 =	vor.u32 v52, v17;
	_ =	sdelay $0x2  }
0x198: {  	v19 =	vadd.s32 v13, v51  }
0x199: {  	v54 =	vor.u32 s0, v9;
	v53 =	vshll.u32 v19, $0x3;
	[tilespmem:v18+s8+$0x0] =	vst.idx.msk $0xffff, v20  }
0x19a: {  	v55 =	vand.u32 $0x78, v54;
	v18 =	vor.u32 v5, v53;
	v20 =	vld.idx.msk [tilespmem:v21+s9+$0x0], $0xffff  }
0x19b: {  	v14 =	vor.u32 v55, v14;
	_ =	sdelay $0x2  }
0x19c: {  	v19 =	vadd.s32 v13, v54  }
0x19d: {  	v57 =	vor.u32 s0, v10;
	v56 =	vshll.u32 v19, $0x3;
	[tilespmem:v18+s8+$0x0] =	vst.idx.msk $0xffff, v20  }
0x19e: {  	v58 =	vand.u32 $0x78, v57;
	v18 =	vor.u32 v5, v56;
	v14 =	vld.idx.msk [tilespmem:v14+s9+$0x0], $0xffff  }
0x19f: {  	v15 =	vor.u32 v58, v15;
	_ =	sdelay $0x2  }
0x1a0: {  	v19 =	vadd.s32 v13, v57  }
0x1a1: {  	v59 =	vor.u32 s0, v11;
	[tilespmem:v18+s8+$0x0] =	vst.idx.msk $0xffff, v14;
	v14 =	vshll.u32 v19, $0x3  }
0x1a2: {  	v60 =	vand.u32 $0x78, v59;
	v15 =	vld.idx.msk [tilespmem:v15+s9+$0x0], $0xffff;
	v14 =	vor.u32 v5, v14  }
0x1a3: {  	v61 =	vor.u32 v60, v16;
	_ =	sdelay $0x2  }
0x1a4: {  	v18 =	vadd.s32 v13, v59  }
0x1a5: {  	[tilespmem:v14+s8+$0x0] =	vst.idx.msk $0xffff, v15;
	v14 =	vshll.u32 v18, $0x3;
	v15 =	vor.u32 s0, v12  }
0x1a6: {  	v16 =	vld.idx.msk [tilespmem:v61+s9+$0x0], $0xffff;
	v14 =	vor.u32 v5, v14;
	v62 =	vand.u32 $0x78, v15  }
0x1a7: {  	v63 =	vor.u32 v62, v17;
	_ =	sdelay $0x2  }
0x1a8: {  	v13 =	vadd.s32 v13, v15  }
0x1a9: {  	s20 =	sadd.s32 $0x1, s20;
	v13 =	vshll.u32 v13, $0x3;
	[tilespmem:v14+s8+$0x0] =	vst.idx.msk $0xffff, v16  }
0x1aa: {  	p1 =	sne.s32 s20, $0x10;
	v13 =	vor.u32 v5, v13;
	v14 =	vld.idx.msk [tilespmem:v63+s9+$0x0], $0xffff  }
.Ltmp9:
0x1ab: {  	_ = 	snop;
	(pc) =	sbr.rel @p1 .LBB2_17-.Ltmp9, $2  }
0x1ac: {  	_ =	sdelay $0x2  }
0x1ad: {  	[tilespmem:v13+s8+$0x0] =	vst.idx.msk $0xffff, v14  }
0x1ae: {  	p1 =	sne.s32 s26, $0x7  }
.Ltmp10:
0x1af: {  	_ = 	snop;
	(pc) =	sbr.rel @p1 .LBB2_22-.Ltmp10, $4  }
0x1b0: {  	_ = 	snop  }
0x1b1: {  	s0 =	sshll.u32 s26, $0xC  }
0x1b2: {  	s0 =	sadd.s32 s0, s15  }
0x1b3: {  	[hbm4b:s0+s9] =	stream.linear.scatter [tilespmem:s8], [sflag:$0x3], $0x4000, $0x38;
	[tilespmem:$0x10000] =	vst v63  }
.Ltmp11:
0x1b4: {  	(pc) =	sbr.rel .LBB2_23-.Ltmp11, $4  }
0x1b5: {  	_ = 	snop  }
0x1b6: {  	_ =	swait.ge [sflag:s11], $0x4000  }
0x1b7: {  	[sflag:s11] =	ssyncset.done $0x0  }
0x1b8: {  	[sflag:s11] =	ssyncadd.s32 $0xFFFFC000  }
.LBB2_22:
0x1b9: {  	s0 =	sadd.s32 s23, s30  }
0x1ba: {  	s1 =	rddreg [dreg:$0x1];
	s0 =	sshll.u32 s0, $0x7  }
.Ltmp12:
0x1bb: {  	s0 =	sadd.s32 s1, s0;
	(pc) =	sbr.rel @p0 .LBB2_24-.Ltmp12, $4  }
0x1bc: {  	[tilespmem:s9], [sflag:$0x1] =	stream.linear.gather [hbm4b:s0+s9], $0x4000, $0x38;
	[tilespmem:$0x10000] =	vst v63  }
0x1bd: {  	_ =	swait.ge [sflag:s11], $0x4000  }
0x1be: {  	[sflag:s11] =	ssyncset.done $0x0  }
0x1bf: {  	[sflag:s11] =	ssyncadd.s32 $0xFFFFC000  }
.LBB2_23:
0x1c0: {  	_ =	swait.ge [sflag:s14], $0x4000  }
0x1c1: {  	[sflag:s14] =	ssyncset.done $0x0  }
0x1c2: {  	[sflag:s14] =	ssyncadd.s32 $0xFFFFC000  }
.LBB2_24:
0x1c3: {  	s20 =	simm.s32 $0x0;
	s7 =	simm.s32 $0x0  }
.LBB2_25:
0x1c4: {  	s0 =	sshll.u32 s7, $0xA;
	v15 =	vor.u32 s20, v4  }
0x1c5: {  	v14 =	vor.u32 s0, v0;
	v13 =	vand.u32 $0x78, v15  }
0x1c6: {  	v16 =	vor.u32 v13, v14  }
0x1c7: {  	s1 =	sshll.u32 s7, $0x7  }
0x1c8: {  	v13 =	vmov s1  }
0x1c9: {  	v15 =	vadd.s32 v13, v15  }
0x1ca: {  	v18 =	vor.u32 s20, v6;
	v17 =	vshll.u32 v15, $0x3  }
0x1cb: {  	v19 =	vand.u32 $0x78, v18;
	v15 =	vor.u32 s0, v1;
	v17 =	vor.u32 v5, v17;
	v16 =	vld.idx.msk [tilespmem:v16+s31+$0x0], $0xffff  }
0x1cc: {  	v19 =	vor.u32 v19, v15;
	_ =	sdelay $0x2  }
0x1cd: {  	v18 =	vadd.s32 v13, v18  }
0x1ce: {  	[tilespmem:v17+s17+$0x0] =	vst.idx.msk $0xffff, v16;
	v17 =	vshll.u32 v18, $0x3;
	v18 =	vor.u32 s20, v7  }
0x1cf: {  	v16 =	vor.u32 s0, v2;
	v19 =	vld.idx.msk [tilespmem:v19+s31+$0x0], $0xffff;
	v17 =	vor.u32 v5, v17;
	v20 =	vand.u32 $0x78, v18  }
0x1d0: {  	v20 =	vor.u32 v20, v16;
	_ =	sdelay $0x2  }
0x1d1: {  	v18 =	vadd.s32 v13, v18  }
0x1d2: {  	v18 =	vshll.u32 v18, $0x3;
	[tilespmem:v17+s17+$0x0] =	vst.idx.msk $0xffff, v19;
	v19 =	vor.u32 s20, v8  }
0x1d3: {  	v18 =	vor.u32 v5, v18;
	v17 =	vor.u32 s0, v3;
	v20 =	vld.idx.msk [tilespmem:v20+s31+$0x0], $0xffff;
	v21 =	vand.u32 $0x78, v19  }
0x1d4: {  	v21 =	vor.u32 v21, v17;
	_ =	sdelay $0x2  }
0x1d5: {  	v19 =	vadd.s32 v13, v19  }
0x1d6: {  	[tilespmem:v18+s17+$0x0] =	vst.idx.msk $0xffff, v20;
	v18 =	vshll.u32 v19, $0x3;
	v19 =	vor.u32 s20, v9  }
0x1d7: {  	v20 =	vld.idx.msk [tilespmem:v21+s31+$0x0], $0xffff;
	v18 =	vor.u32 v5, v18;
	v21 =	vand.u32 $0x78, v19  }
0x1d8: {  	v21 =	vor.u32 v21, v14;
	_ =	sdelay $0x2  }
0x1d9: {  	v19 =	vadd.s32 v13, v19  }
0x1da: {  	[tilespmem:v18+s17+$0x0] =	vst.idx.msk $0xffff, v20;
	v18 =	vshll.u32 v19, $0x3;
	v19 =	vor.u32 s20, v10  }
0x1db: {  	v20 =	vld.idx.msk [tilespmem:v21+s31+$0x0], $0xffff;
	v18 =	vor.u32 v5, v18;
	v21 =	vand.u32 $0x78, v19  }
0x1dc: {  	v21 =	vor.u32 v21, v15;
	_ =	sdelay $0x2  }
0x1dd: {  	v19 =	vadd.s32 v13, v19  }
0x1de: {  	[tilespmem:v18+s17+$0x0] =	vst.idx.msk $0xffff, v20;
	v18 =	vshll.u32 v19, $0x3;
	v19 =	vor.u32 s20, v11  }
0x1df: {  	v20 =	vld.idx.msk [tilespmem:v21+s31+$0x0], $0xffff;
	v18 =	vor.u32 v5, v18;
	v21 =	vand.u32 $0x78, v19  }
0x1e0: {  	v21 =	vor.u32 v21, v16;
	_ =	sdelay $0x2  }
0x1e1: {  	v19 =	vadd.s32 v13, v19  }
0x1e2: {  	[tilespmem:v18+s17+$0x0] =	vst.idx.msk $0xffff, v20;
	v18 =	vshll.u32 v19, $0x3;
	v19 =	vor.u32 s20, v12  }
0x1e3: {  	v20 =	vld.idx.msk [tilespmem:v21+s31+$0x0], $0xffff;
	v18 =	vor.u32 v5, v18;
	v21 =	vand.u32 $0x78, v19  }
0x1e4: {  	v21 =	vor.u32 v21, v17;
	_ =	sdelay $0x3  }
0x1e5: {  	s0 =	simm.s32 $0x10;
	[tilespmem:v18+s17+$0x0] =	vst.idx.msk $0xffff, v20;
	v20 =	vadd.s32 v13, v19  }
0x1e6: {  	s1 =	simm.s32 $0x20;
	v18 =	vor.u32 s0, v4;
	v19 =	vld.idx.msk [tilespmem:v21+s31+$0x0], $0xffff;
	v20 =	vshll.u32 v20, $0x3  }
.LBB2_26:
0x1e7: {  	p0 =	sne.s32 s1, $0x70;
	v21 =	vand.u32 $0x78, v18;
	v20 =	vor.u32 v5, v20  }
0x1e8: {  	v21 =	vor.u32 v21, v14;
	_ =	sdelay $0x3  }
0x1e9: {  	v18 =	vadd.s32 v13, v18;
	[tilespmem:v20+s17+$0x0] =	vst.idx.msk $0xffff, v19  }
0x1ea: {  	v18 =	vshll.u32 v18, $0x3;
	v20 =	vor.u32 s0, v6;
	v19 =	vld.idx.msk [tilespmem:v21+s31+$0x0], $0xffff  }
0x1eb: {  	v18 =	vor.u32 v5, v18;
	v21 =	vand.u32 $0x78, v20  }
0x1ec: {  	v21 =	vor.u32 v21, v15;
	_ =	sdelay $0x3  }
0x1ed: {  	[tilespmem:v18+s17+$0x0] =	vst.idx.msk $0xffff, v19;
	v18 =	vadd.s32 v13, v20  }
0x1ee: {  	v20 =	vor.u32 s0, v7;
	v19 =	vld.idx.msk [tilespmem:v21+s31+$0x0], $0xffff;
	v18 =	vshll.u32 v18, $0x3  }
0x1ef: {  	v21 =	vand.u32 $0x78, v20;
	v18 =	vor.u32 v5, v18  }
0x1f0: {  	v21 =	vor.u32 v21, v16;
	_ =	sdelay $0x3  }
0x1f1: {  	[tilespmem:v18+s17+$0x0] =	vst.idx.msk $0xffff, v19;
	v18 =	vadd.s32 v13, v20  }
0x1f2: {  	v20 =	vor.u32 s0, v8;
	v19 =	vld.idx.msk [tilespmem:v21+s31+$0x0], $0xffff;
	v18 =	vshll.u32 v18, $0x3  }
0x1f3: {  	v21 =	vand.u32 $0x78, v20;
	v18 =	vor.u32 v5, v18  }
0x1f4: {  	v21 =	vor.u32 v21, v17;
	_ =	sdelay $0x3  }
0x1f5: {  	[tilespmem:v18+s17+$0x0] =	vst.idx.msk $0xffff, v19;
	v18 =	vadd.s32 v13, v20  }
0x1f6: {  	v20 =	vor.u32 s0, v9;
	v19 =	vld.idx.msk [tilespmem:v21+s31+$0x0], $0xffff;
	v18 =	vshll.u32 v18, $0x3  }
0x1f7: {  	v21 =	vand.u32 $0x78, v20;
	v18 =	vor.u32 v5, v18  }
0x1f8: {  	v21 =	vor.u32 v21, v14;
	_ =	sdelay $0x3  }
0x1f9: {  	[tilespmem:v18+s17+$0x0] =	vst.idx.msk $0xffff, v19;
	v18 =	vadd.s32 v13, v20  }
0x1fa: {  	v20 =	vor.u32 s0, v10;
	v19 =	vld.idx.msk [tilespmem:v21+s31+$0x0], $0xffff;
	v18 =	vshll.u32 v18, $0x3  }
0x1fb: {  	v21 =	vand.u32 $0x78, v20;
	v18 =	vor.u32 v5, v18  }
0x1fc: {  	v21 =	vor.u32 v21, v15;
	_ =	sdelay $0x3  }
0x1fd: {  	[tilespmem:v18+s17+$0x0] =	vst.idx.msk $0xffff, v19;
	v18 =	vadd.s32 v13, v20  }
0x1fe: {  	v20 =	vor.u32 s0, v11;
	v19 =	vld.idx.msk [tilespmem:v21+s31+$0x0], $0xffff;
	v18 =	vshll.u32 v18, $0x3  }
0x1ff: {  	v21 =	vand.u32 $0x78, v20;
	v18 =	vor.u32 v5, v18  }
0x200: {  	v21 =	vor.u32 v21, v16;
	_ =	sdelay $0x3  }
0x201: {  	[tilespmem:v18+s17+$0x0] =	vst.idx.msk $0xffff, v19;
	v18 =	vadd.s32 v13, v20  }
0x202: {  	v20 =	vor.u32 s0, v12;
	s0 =	smov.u32 s1;
	v19 =	vld.idx.msk [tilespmem:v21+s31+$0x0], $0xffff;
	v18 =	vshll.u32 v18, $0x3  }
0x203: {  	v21 =	vand.u32 $0x78, v20;
	v18 =	vor.u32 v5, v18  }
0x204: {  	v21 =	vor.u32 v21, v17  }
.Ltmp13:
0x205: {  	(pc) =	sbr.rel @p0 .LBB2_26-.Ltmp13, $3  }
0x206: {  	_ =	sdelay $0x1  }
0x207: {  	v20 =	vadd.s32 v13, v20;
	[tilespmem:v18+s17+$0x0] =	vst.idx.msk $0xffff, v19  }
0x208: {  	s1 =	sadd.s32 $0x10, s1;
	v20 =	vshll.u32 v20, $0x3;
	v18 =	vor.u32 s0, v4;
	v19 =	vld.idx.msk [tilespmem:v21+s31+$0x0], $0xffff  }
0x209: {  	v21 =	vand.u32 $0x78, v18;
	v20 =	vor.u32 v5, v20  }
0x20a: {  	v21 =	vor.u32 v21, v14;
	_ =	sdelay $0x2  }
0x20b: {  	v44 =	vadd.s32 v13, v18  }
0x20c: {  	v45 =	vor.u32 s0, v6;
	v18 =	vshll.u32 v44, $0x3;
	[tilespmem:v20+s17+$0x0] =	vst.idx.msk $0xffff, v19  }
0x20d: {  	v46 =	vand.u32 $0x78, v45;
	v18 =	vor.u32 v5, v18;
	v20 =	vld.idx.msk [tilespmem:v21+s31+$0x0], $0xffff  }
0x20e: {  	v21 =	vor.u32 v46, v15;
	_ =	sdelay $0x2  }
0x20f: {  	v19 =	vadd.s32 v13, v45  }
0x210: {  	v48 =	vor.u32 s0, v7;
	v47 =	vshll.u32 v19, $0x3;
	[tilespmem:v18+s17+$0x0] =	vst.idx.msk $0xffff, v20  }
0x211: {  	v49 =	vand.u32 $0x78, v48;
	v18 =	vor.u32 v5, v47;
	v20 =	vld.idx.msk [tilespmem:v21+s31+$0x0], $0xffff  }
0x212: {  	v21 =	vor.u32 v49, v16;
	_ =	sdelay $0x2  }
0x213: {  	v19 =	vadd.s32 v13, v48  }
0x214: {  	v51 =	vor.u32 s0, v8;
	v50 =	vshll.u32 v19, $0x3;
	[tilespmem:v18+s17+$0x0] =	vst.idx.msk $0xffff, v20  }
0x215: {  	v52 =	vand.u32 $0x78, v51;
	v18 =	vor.u32 v5, v50;
	v20 =	vld.idx.msk [tilespmem:v21+s31+$0x0], $0xffff  }
0x216: {  	v21 =	vor.u32 v52, v17;
	_ =	sdelay $0x2  }
0x217: {  	v19 =	vadd.s32 v13, v51  }
0x218: {  	v54 =	vor.u32 s0, v9;
	v53 =	vshll.u32 v19, $0x3;
	[tilespmem:v18+s17+$0x0] =	vst.idx.msk $0xffff, v20  }
0x219: {  	v55 =	vand.u32 $0x78, v54;
	v18 =	vor.u32 v5, v53;
	v20 =	vld.idx.msk [tilespmem:v21+s31+$0x0], $0xffff  }
0x21a: {  	v14 =	vor.u32 v55, v14;
	_ =	sdelay $0x2  }
0x21b: {  	v19 =	vadd.s32 v13, v54  }
0x21c: {  	v57 =	vor.u32 s0, v10;
	v56 =	vshll.u32 v19, $0x3;
	[tilespmem:v18+s17+$0x0] =	vst.idx.msk $0xffff, v20  }
0x21d: {  	v58 =	vand.u32 $0x78, v57;
	v18 =	vor.u32 v5, v56;
	v14 =	vld.idx.msk [tilespmem:v14+s31+$0x0], $0xffff  }
0x21e: {  	v15 =	vor.u32 v58, v15;
	_ =	sdelay $0x2  }
0x21f: {  	v19 =	vadd.s32 v13, v57  }
0x220: {  	v59 =	vor.u32 s0, v11;
	[tilespmem:v18+s17+$0x0] =	vst.idx.msk $0xffff, v14;
	v14 =	vshll.u32 v19, $0x3  }
0x221: {  	v60 =	vand.u32 $0x78, v59;
	v15 =	vld.idx.msk [tilespmem:v15+s31+$0x0], $0xffff;
	v14 =	vor.u32 v5, v14  }
0x222: {  	v61 =	vor.u32 v60, v16;
	_ =	sdelay $0x2  }
0x223: {  	v18 =	vadd.s32 v13, v59  }
0x224: {  	[tilespmem:v14+s17+$0x0] =	vst.idx.msk $0xffff, v15;
	v14 =	vshll.u32 v18, $0x3;
	v15 =	vor.u32 s0, v12  }
0x225: {  	v16 =	vld.idx.msk [tilespmem:v61+s31+$0x0], $0xffff;
	v14 =	vor.u32 v5, v14;
	v62 =	vand.u32 $0x78, v15  }
0x226: {  	v63 =	vor.u32 v62, v17;
	_ =	sdelay $0x2  }
0x227: {  	v13 =	vadd.s32 v13, v15  }
0x228: {  	s7 =	sadd.s32 $0x1, s7;
	v13 =	vshll.u32 v13, $0x3;
	[tilespmem:v14+s17+$0x0] =	vst.idx.msk $0xffff, v16  }
0x229: {  	p0 =	sne.s32 s7, $0x10;
	v13 =	vor.u32 v5, v13;
	v14 =	vld.idx.msk [tilespmem:v63+s31+$0x0], $0xffff  }
.Ltmp14:
0x22a: {  	_ = 	snop;
	(pc) =	sbr.rel @p0 .LBB2_25-.Ltmp14, $2  }
0x22b: {  	_ =	sdelay $0x2  }
0x22c: {  	[tilespmem:v13+s17+$0x0] =	vst.idx.msk $0xffff, v14  }
0x22d: {  	s26 =	sadd.s32 $0x1, s26  }
0x22e: {  	p0 =	sne.s32 s26, $0x8  }
.Ltmp15:
0x22f: {  	_ = 	snop;
	(pc) =	sbr.rel @p0 .LBB2_16-.Ltmp15, $3  }
0x230: {  	_ =	sdelay $0x1  }
0x231: {  	s0 =	sadd.s32 s29, s13  }
0x232: {  	[hbm4b:s0+s9] =	stream.linear.scatter [tilespmem:s17], [sflag:$0x4], $0x4000, $0x38;
	[tilespmem:$0x10000] =	vst v63  }
0x233: {  	s0 =	simm.s32 $0x3  }
0x234: {  	_ =	swait.ge [sflag:s0], $0x4000  }
0x235: {  	[sflag:s0] =	ssyncset.done $0x0  }
0x236: {  	[sflag:s0] =	ssyncadd.s32 $0xFFFFC000  }
0x237: {  	_ =	swait.ge [sflag:s14], $0x4000  }
0x238: {  	[sflag:s14] =	ssyncset.done $0x0  }
0x239: {  	s26 =	simm.s32 $0x0;
	s29 =	rddreg [dreg:$0xa];
	[sflag:s14] =	ssyncadd.s32 $0xFFFFC000  }
0x23a: {  	[tilespmem:s26], [sflag:$0x1] =	stream.linear.gather [hbm4b:s29+s26], $0x4000, $0x38;
	[tilespmem:$0x10000] =	vst v63  }
.LBB2_30:
0x23b: {  	s23 =	sshll.u32 s26, $0x5  }
0x23c: {  	s0 =	sor.u32 s23, s10  }
0x23d: {  	s0 =	sshll.u32 s0, $0x7  }
0x23e: {  	s29 =	sor.u32 $0x800, s0  }
0x23f: {  	s0 =	sadd.s32 s4, s29  }
0x240: {  	[tilespmem:s31], [sflag:$0x2] =	stream.linear.gather [hbm4b:s0+s9], $0x4000, $0x38;
	[tilespmem:$0x10000] =	vst v63  }
0x241: {  	_ =	swait.ge [sflag:s6], $0x4000  }
0x242: {  	p0 =	seq.s32 s26, $0x0;
	[sflag:s6] =	ssyncset.done $0x0  }
0x243: {  	s0 =	simm.s32 @!p0 $0x3;
	[sflag:s6] =	ssyncadd.s32 $0xFFFFC000  }
0x244: {  	_ =	swait.ge @!p0 [sflag:s0], $0x4000  }
0x245: {  	[sflag:s0] =	ssyncset.done @!p0 $0x0  }
0x246: {  	s20 =	simm.s32 $0x0;
	[sflag:s0] =	ssyncadd.s32 @!p0 $0xFFFFC000  }
.LBB2_31:
0x247: {  	s0 =	simm.s32 $0x0  }
0x248: {  	s1 =	sshll.u32 s20, $0xA;
	v15 =	vor.u32 s0, v4  }
0x249: {  	v14 =	vor.u32 s1, v0;
	v13 =	vand.u32 $0x78, v15  }
0x24a: {  	v16 =	vor.u32 v13, v14  }
0x24b: {  	s7 =	sshll.u32 s20, $0x7  }
0x24c: {  	v13 =	vmov s7  }
0x24d: {  	v15 =	vadd.s32 v13, v15  }
0x24e: {  	v18 =	vor.u32 s0, v6;
	v17 =	vshll.u32 v15, $0x3  }
0x24f: {  	v19 =	vand.u32 $0x78, v18;
	v15 =	vor.u32 s1, v1;
	v17 =	vor.u32 v5, v17;
	v16 =	vld.idx.msk [tilespmem:v16+s9+$0x0], $0xffff  }
0x250: {  	v19 =	vor.u32 v19, v15;
	_ =	sdelay $0x2  }
0x251: {  	v18 =	vadd.s32 v13, v18  }
0x252: {  	[tilespmem:v17+s8+$0x0] =	vst.idx.msk $0xffff, v16;
	v17 =	vshll.u32 v18, $0x3;
	v18 =	vor.u32 s0, v7  }
0x253: {  	v16 =	vor.u32 s1, v2;
	v19 =	vld.idx.msk [tilespmem:v19+s9+$0x0], $0xffff;
	v17 =	vor.u32 v5, v17;
	v20 =	vand.u32 $0x78, v18  }
0x254: {  	v20 =	vor.u32 v20, v16;
	_ =	sdelay $0x2  }
0x255: {  	v18 =	vadd.s32 v13, v18  }
0x256: {  	v18 =	vshll.u32 v18, $0x3;
	[tilespmem:v17+s8+$0x0] =	vst.idx.msk $0xffff, v19;
	v19 =	vor.u32 s0, v8  }
0x257: {  	v18 =	vor.u32 v5, v18;
	v17 =	vor.u32 s1, v3;
	v20 =	vld.idx.msk [tilespmem:v20+s9+$0x0], $0xffff;
	v21 =	vand.u32 $0x78, v19  }
0x258: {  	v21 =	vor.u32 v21, v17;
	_ =	sdelay $0x2  }
0x259: {  	v19 =	vadd.s32 v13, v19  }
0x25a: {  	[tilespmem:v18+s8+$0x0] =	vst.idx.msk $0xffff, v20;
	v18 =	vshll.u32 v19, $0x3;
	v19 =	vor.u32 s0, v9  }
0x25b: {  	v20 =	vld.idx.msk [tilespmem:v21+s9+$0x0], $0xffff;
	v18 =	vor.u32 v5, v18;
	v21 =	vand.u32 $0x78, v19  }
0x25c: {  	v21 =	vor.u32 v21, v14;
	_ =	sdelay $0x2  }
0x25d: {  	v19 =	vadd.s32 v13, v19  }
0x25e: {  	[tilespmem:v18+s8+$0x0] =	vst.idx.msk $0xffff, v20;
	v18 =	vshll.u32 v19, $0x3;
	v19 =	vor.u32 s0, v10  }
0x25f: {  	v20 =	vld.idx.msk [tilespmem:v21+s9+$0x0], $0xffff;
	v18 =	vor.u32 v5, v18;
	v21 =	vand.u32 $0x78, v19  }
0x260: {  	v21 =	vor.u32 v21, v15;
	_ =	sdelay $0x2  }
0x261: {  	v19 =	vadd.s32 v13, v19  }
0x262: {  	[tilespmem:v18+s8+$0x0] =	vst.idx.msk $0xffff, v20;
	v18 =	vshll.u32 v19, $0x3;
	v19 =	vor.u32 s0, v11  }
0x263: {  	v20 =	vld.idx.msk [tilespmem:v21+s9+$0x0], $0xffff;
	v18 =	vor.u32 v5, v18;
	v21 =	vand.u32 $0x78, v19  }
0x264: {  	v21 =	vor.u32 v21, v16;
	_ =	sdelay $0x2  }
0x265: {  	v19 =	vadd.s32 v13, v19  }
0x266: {  	[tilespmem:v18+s8+$0x0] =	vst.idx.msk $0xffff, v20;
	v18 =	vshll.u32 v19, $0x3;
	v19 =	vor.u32 s0, v12  }
0x267: {  	v20 =	vld.idx.msk [tilespmem:v21+s9+$0x0], $0xffff;
	v18 =	vor.u32 v5, v18;
	v21 =	vand.u32 $0x78, v19  }
0x268: {  	v21 =	vor.u32 v21, v17;
	_ =	sdelay $0x3  }
0x269: {  	s0 =	simm.s32 $0x10;
	[tilespmem:v18+s8+$0x0] =	vst.idx.msk $0xffff, v20;
	v20 =	vadd.s32 v13, v19  }
0x26a: {  	s1 =	simm.s32 $0x20;
	v18 =	vor.u32 s0, v4;
	v19 =	vld.idx.msk [tilespmem:v21+s9+$0x0], $0xffff;
	v20 =	vshll.u32 v20, $0x3  }
.LBB2_32:
0x26b: {  	p1 =	sne.s32 s1, $0x70;
	v21 =	vand.u32 $0x78, v18;
	v20 =	vor.u32 v5, v20  }
0x26c: {  	v21 =	vor.u32 v21, v14;
	_ =	sdelay $0x3  }
0x26d: {  	v18 =	vadd.s32 v13, v18;
	[tilespmem:v20+s8+$0x0] =	vst.idx.msk $0xffff, v19  }
0x26e: {  	v18 =	vshll.u32 v18, $0x3;
	v20 =	vor.u32 s0, v6;
	v19 =	vld.idx.msk [tilespmem:v21+s9+$0x0], $0xffff  }
0x26f: {  	v18 =	vor.u32 v5, v18;
	v21 =	vand.u32 $0x78, v20  }
0x270: {  	v21 =	vor.u32 v21, v15;
	_ =	sdelay $0x3  }
0x271: {  	[tilespmem:v18+s8+$0x0] =	vst.idx.msk $0xffff, v19;
	v18 =	vadd.s32 v13, v20  }
0x272: {  	v20 =	vor.u32 s0, v7;
	v19 =	vld.idx.msk [tilespmem:v21+s9+$0x0], $0xffff;
	v18 =	vshll.u32 v18, $0x3  }
0x273: {  	v21 =	vand.u32 $0x78, v20;
	v18 =	vor.u32 v5, v18  }
0x274: {  	v21 =	vor.u32 v21, v16;
	_ =	sdelay $0x3  }
0x275: {  	[tilespmem:v18+s8+$0x0] =	vst.idx.msk $0xffff, v19;
	v18 =	vadd.s32 v13, v20  }
0x276: {  	v20 =	vor.u32 s0, v8;
	v19 =	vld.idx.msk [tilespmem:v21+s9+$0x0], $0xffff;
	v18 =	vshll.u32 v18, $0x3  }
0x277: {  	v21 =	vand.u32 $0x78, v20;
	v18 =	vor.u32 v5, v18  }
0x278: {  	v21 =	vor.u32 v21, v17;
	_ =	sdelay $0x3  }
0x279: {  	[tilespmem:v18+s8+$0x0] =	vst.idx.msk $0xffff, v19;
	v18 =	vadd.s32 v13, v20  }
0x27a: {  	v20 =	vor.u32 s0, v9;
	v19 =	vld.idx.msk [tilespmem:v21+s9+$0x0], $0xffff;
	v18 =	vshll.u32 v18, $0x3  }
0x27b: {  	v21 =	vand.u32 $0x78, v20;
	v18 =	vor.u32 v5, v18  }
0x27c: {  	v21 =	vor.u32 v21, v14;
	_ =	sdelay $0x3  }
0x27d: {  	[tilespmem:v18+s8+$0x0] =	vst.idx.msk $0xffff, v19;
	v18 =	vadd.s32 v13, v20  }
0x27e: {  	v20 =	vor.u32 s0, v10;
	v19 =	vld.idx.msk [tilespmem:v21+s9+$0x0], $0xffff;
	v18 =	vshll.u32 v18, $0x3  }
0x27f: {  	v21 =	vand.u32 $0x78, v20;
	v18 =	vor.u32 v5, v18  }
0x280: {  	v21 =	vor.u32 v21, v15;
	_ =	sdelay $0x3  }
0x281: {  	[tilespmem:v18+s8+$0x0] =	vst.idx.msk $0xffff, v19;
	v18 =	vadd.s32 v13, v20  }
0x282: {  	v20 =	vor.u32 s0, v11;
	v19 =	vld.idx.msk [tilespmem:v21+s9+$0x0], $0xffff;
	v18 =	vshll.u32 v18, $0x3  }
0x283: {  	v21 =	vand.u32 $0x78, v20;
	v18 =	vor.u32 v5, v18  }
0x284: {  	v21 =	vor.u32 v21, v16;
	_ =	sdelay $0x3  }
0x285: {  	[tilespmem:v18+s8+$0x0] =	vst.idx.msk $0xffff, v19;
	v18 =	vadd.s32 v13, v20  }
0x286: {  	v20 =	vor.u32 s0, v12;
	s0 =	smov.u32 s1;
	v19 =	vld.idx.msk [tilespmem:v21+s9+$0x0], $0xffff;
	v18 =	vshll.u32 v18, $0x3  }
0x287: {  	v21 =	vand.u32 $0x78, v20;
	v18 =	vor.u32 v5, v18  }
0x288: {  	v21 =	vor.u32 v21, v17  }
.Ltmp16:
0x289: {  	(pc) =	sbr.rel @p1 .LBB2_32-.Ltmp16, $3  }
0x28a: {  	_ =	sdelay $0x1  }
0x28b: {  	v20 =	vadd.s32 v13, v20;
	[tilespmem:v18+s8+$0x0] =	vst.idx.msk $0xffff, v19  }
0x28c: {  	s1 =	sadd.s32 $0x10, s1;
	v20 =	vshll.u32 v20, $0x3;
	v18 =	vor.u32 s0, v4;
	v19 =	vld.idx.msk [tilespmem:v21+s9+$0x0], $0xffff  }
0x28d: {  	v21 =	vand.u32 $0x78, v18;
	v20 =	vor.u32 v5, v20  }
0x28e: {  	v21 =	vor.u32 v21, v14;
	_ =	sdelay $0x2  }
0x28f: {  	v44 =	vadd.s32 v13, v18  }
0x290: {  	v45 =	vor.u32 s0, v6;
	v18 =	vshll.u32 v44, $0x3;
	[tilespmem:v20+s8+$0x0] =	vst.idx.msk $0xffff, v19  }
0x291: {  	v46 =	vand.u32 $0x78, v45;
	v18 =	vor.u32 v5, v18;
	v20 =	vld.idx.msk [tilespmem:v21+s9+$0x0], $0xffff  }
0x292: {  	v21 =	vor.u32 v46, v15;
	_ =	sdelay $0x2  }
0x293: {  	v19 =	vadd.s32 v13, v45  }
0x294: {  	v48 =	vor.u32 s0, v7;
	v47 =	vshll.u32 v19, $0x3;
	[tilespmem:v18+s8+$0x0] =	vst.idx.msk $0xffff, v20  }
0x295: {  	v49 =	vand.u32 $0x78, v48;
	v18 =	vor.u32 v5, v47;
	v20 =	vld.idx.msk [tilespmem:v21+s9+$0x0], $0xffff  }
0x296: {  	v21 =	vor.u32 v49, v16;
	_ =	sdelay $0x2  }
0x297: {  	v19 =	vadd.s32 v13, v48  }
0x298: {  	v51 =	vor.u32 s0, v8;
	v50 =	vshll.u32 v19, $0x3;
	[tilespmem:v18+s8+$0x0] =	vst.idx.msk $0xffff, v20  }
0x299: {  	v52 =	vand.u32 $0x78, v51;
	v18 =	vor.u32 v5, v50;
	v20 =	vld.idx.msk [tilespmem:v21+s9+$0x0], $0xffff  }
0x29a: {  	v21 =	vor.u32 v52, v17;
	_ =	sdelay $0x2  }
0x29b: {  	v19 =	vadd.s32 v13, v51  }
0x29c: {  	v54 =	vor.u32 s0, v9;
	v53 =	vshll.u32 v19, $0x3;
	[tilespmem:v18+s8+$0x0] =	vst.idx.msk $0xffff, v20  }
0x29d: {  	v55 =	vand.u32 $0x78, v54;
	v18 =	vor.u32 v5, v53;
	v20 =	vld.idx.msk [tilespmem:v21+s9+$0x0], $0xffff  }
0x29e: {  	v14 =	vor.u32 v55, v14;
	_ =	sdelay $0x2  }
0x29f: {  	v19 =	vadd.s32 v13, v54  }
0x2a0: {  	v57 =	vor.u32 s0, v10;
	v56 =	vshll.u32 v19, $0x3;
	[tilespmem:v18+s8+$0x0] =	vst.idx.msk $0xffff, v20  }
0x2a1: {  	v58 =	vand.u32 $0x78, v57;
	v18 =	vor.u32 v5, v56;
	v14 =	vld.idx.msk [tilespmem:v14+s9+$0x0], $0xffff  }
0x2a2: {  	v15 =	vor.u32 v58, v15;
	_ =	sdelay $0x2  }
0x2a3: {  	v19 =	vadd.s32 v13, v57  }
0x2a4: {  	v59 =	vor.u32 s0, v11;
	[tilespmem:v18+s8+$0x0] =	vst.idx.msk $0xffff, v14;
	v14 =	vshll.u32 v19, $0x3  }
0x2a5: {  	v60 =	vand.u32 $0x78, v59;
	v15 =	vld.idx.msk [tilespmem:v15+s9+$0x0], $0xffff;
	v14 =	vor.u32 v5, v14  }
0x2a6: {  	v61 =	vor.u32 v60, v16;
	_ =	sdelay $0x2  }
0x2a7: {  	v18 =	vadd.s32 v13, v59  }
0x2a8: {  	[tilespmem:v14+s8+$0x0] =	vst.idx.msk $0xffff, v15;
	v14 =	vshll.u32 v18, $0x3;
	v15 =	vor.u32 s0, v12  }
0x2a9: {  	v16 =	vld.idx.msk [tilespmem:v61+s9+$0x0], $0xffff;
	v14 =	vor.u32 v5, v14;
	v62 =	vand.u32 $0x78, v15  }
0x2aa: {  	v63 =	vor.u32 v62, v17;
	_ =	sdelay $0x2  }
0x2ab: {  	v13 =	vadd.s32 v13, v15  }
0x2ac: {  	s20 =	sadd.s32 $0x1, s20;
	v13 =	vshll.u32 v13, $0x3;
	[tilespmem:v14+s8+$0x0] =	vst.idx.msk $0xffff, v16  }
0x2ad: {  	p1 =	sne.s32 s20, $0x10;
	v13 =	vor.u32 v5, v13;
	v14 =	vld.idx.msk [tilespmem:v63+s9+$0x0], $0xffff  }
.Ltmp17:
0x2ae: {  	_ = 	snop;
	(pc) =	sbr.rel @p1 .LBB2_31-.Ltmp17, $2  }
0x2af: {  	_ =	sdelay $0x2  }
0x2b0: {  	[tilespmem:v13+s8+$0x0] =	vst.idx.msk $0xffff, v14  }
0x2b1: {  	p1 =	sne.s32 s26, $0x7  }
.Ltmp18:
0x2b2: {  	_ = 	snop;
	(pc) =	sbr.rel @p1 .LBB2_36-.Ltmp18, $4  }
0x2b3: {  	_ = 	snop  }
0x2b4: {  	s0 =	sshll.u32 s26, $0xC  }
0x2b5: {  	s0 =	sadd.s32 s0, s18  }
0x2b6: {  	[hbm4b:s0+s9] =	stream.linear.scatter [tilespmem:s8], [sflag:$0x3], $0x4000, $0x38;
	[tilespmem:$0x10000] =	vst v63  }
.Ltmp19:
0x2b7: {  	(pc) =	sbr.rel .LBB2_37-.Ltmp19, $4  }
0x2b8: {  	_ = 	snop  }
0x2b9: {  	_ =	swait.ge [sflag:s11], $0x4000  }
0x2ba: {  	[sflag:s11] =	ssyncset.done $0x0  }
0x2bb: {  	[sflag:s11] =	ssyncadd.s32 $0xFFFFC000  }
.LBB2_36:
0x2bc: {  	s0 =	sadd.s32 s23, s30  }
0x2bd: {  	s0 =	sshll.u32 s0, $0x7  }
.Ltmp20:
0x2be: {  	s0 =	sadd.s32 s4, s0;
	(pc) =	sbr.rel @p0 .LBB2_38-.Ltmp20, $4  }
0x2bf: {  	[tilespmem:s9], [sflag:$0x1] =	stream.linear.gather [hbm4b:s0+s9], $0x4000, $0x38;
	[tilespmem:$0x10000] =	vst v63  }
0x2c0: {  	_ =	swait.ge [sflag:s11], $0x4000  }
0x2c1: {  	[sflag:s11] =	ssyncset.done $0x0  }
0x2c2: {  	[sflag:s11] =	ssyncadd.s32 $0xFFFFC000  }
.LBB2_37:
0x2c3: {  	_ =	swait.ge [sflag:s14], $0x4000  }
0x2c4: {  	[sflag:s14] =	ssyncset.done $0x0  }
0x2c5: {  	[sflag:s14] =	ssyncadd.s32 $0xFFFFC000  }
.LBB2_38:
0x2c6: {  	s20 =	simm.s32 $0x0;
	s7 =	simm.s32 $0x0  }
.LBB2_39:
0x2c7: {  	s0 =	sshll.u32 s7, $0xA;
	v15 =	vor.u32 s20, v4  }
0x2c8: {  	v14 =	vor.u32 s0, v0;
	v13 =	vand.u32 $0x78, v15  }
0x2c9: {  	v16 =	vor.u32 v13, v14  }
0x2ca: {  	s1 =	sshll.u32 s7, $0x7  }
0x2cb: {  	v13 =	vmov s1  }
0x2cc: {  	v15 =	vadd.s32 v13, v15  }
0x2cd: {  	v18 =	vor.u32 s20, v6;
	v17 =	vshll.u32 v15, $0x3  }
0x2ce: {  	v19 =	vand.u32 $0x78, v18;
	v15 =	vor.u32 s0, v1;
	v17 =	vor.u32 v5, v17;
	v16 =	vld.idx.msk [tilespmem:v16+s31+$0x0], $0xffff  }
0x2cf: {  	v19 =	vor.u32 v19, v15;
	_ =	sdelay $0x2  }
0x2d0: {  	v18 =	vadd.s32 v13, v18  }
0x2d1: {  	[tilespmem:v17+s17+$0x0] =	vst.idx.msk $0xffff, v16;
	v17 =	vshll.u32 v18, $0x3;
	v18 =	vor.u32 s20, v7  }
0x2d2: {  	v16 =	vor.u32 s0, v2;
	v19 =	vld.idx.msk [tilespmem:v19+s31+$0x0], $0xffff;
	v17 =	vor.u32 v5, v17;
	v20 =	vand.u32 $0x78, v18  }
0x2d3: {  	v20 =	vor.u32 v20, v16;
	_ =	sdelay $0x2  }
0x2d4: {  	v18 =	vadd.s32 v13, v18  }
0x2d5: {  	v18 =	vshll.u32 v18, $0x3;
	[tilespmem:v17+s17+$0x0] =	vst.idx.msk $0xffff, v19;
	v19 =	vor.u32 s20, v8  }
0x2d6: {  	v18 =	vor.u32 v5, v18;
	v17 =	vor.u32 s0, v3;
	v20 =	vld.idx.msk [tilespmem:v20+s31+$0x0], $0xffff;
	v21 =	vand.u32 $0x78, v19  }
0x2d7: {  	v21 =	vor.u32 v21, v17;
	_ =	sdelay $0x2  }
0x2d8: {  	v19 =	vadd.s32 v13, v19  }
0x2d9: {  	[tilespmem:v18+s17+$0x0] =	vst.idx.msk $0xffff, v20;
	v18 =	vshll.u32 v19, $0x3;
	v19 =	vor.u32 s20, v9  }
0x2da: {  	v20 =	vld.idx.msk [tilespmem:v21+s31+$0x0], $0xffff;
	v18 =	vor.u32 v5, v18;
	v21 =	vand.u32 $0x78, v19  }
0x2db: {  	v21 =	vor.u32 v21, v14;
	_ =	sdelay $0x2  }
0x2dc: {  	v19 =	vadd.s32 v13, v19  }
0x2dd: {  	[tilespmem:v18+s17+$0x0] =	vst.idx.msk $0xffff, v20;
	v18 =	vshll.u32 v19, $0x3;
	v19 =	vor.u32 s20, v10  }
0x2de: {  	v20 =	vld.idx.msk [tilespmem:v21+s31+$0x0], $0xffff;
	v18 =	vor.u32 v5, v18;
	v21 =	vand.u32 $0x78, v19  }
0x2df: {  	v21 =	vor.u32 v21, v15;
	_ =	sdelay $0x2  }
0x2e0: {  	v19 =	vadd.s32 v13, v19  }
0x2e1: {  	[tilespmem:v18+s17+$0x0] =	vst.idx.msk $0xffff, v20;
	v18 =	vshll.u32 v19, $0x3;
	v19 =	vor.u32 s20, v11  }
0x2e2: {  	v20 =	vld.idx.msk [tilespmem:v21+s31+$0x0], $0xffff;
	v18 =	vor.u32 v5, v18;
	v21 =	vand.u32 $0x78, v19  }
0x2e3: {  	v21 =	vor.u32 v21, v16;
	_ =	sdelay $0x2  }
0x2e4: {  	v19 =	vadd.s32 v13, v19  }
0x2e5: {  	[tilespmem:v18+s17+$0x0] =	vst.idx.msk $0xffff, v20;
	v18 =	vshll.u32 v19, $0x3;
	v19 =	vor.u32 s20, v12  }
0x2e6: {  	v20 =	vld.idx.msk [tilespmem:v21+s31+$0x0], $0xffff;
	v18 =	vor.u32 v5, v18;
	v21 =	vand.u32 $0x78, v19  }
0x2e7: {  	v21 =	vor.u32 v21, v17;
	_ =	sdelay $0x3  }
0x2e8: {  	s0 =	simm.s32 $0x10;
	[tilespmem:v18+s17+$0x0] =	vst.idx.msk $0xffff, v20;
	v20 =	vadd.s32 v13, v19  }
0x2e9: {  	s1 =	simm.s32 $0x20;
	v18 =	vor.u32 s0, v4;
	v19 =	vld.idx.msk [tilespmem:v21+s31+$0x0], $0xffff;
	v20 =	vshll.u32 v20, $0x3  }
.LBB2_40:
0x2ea: {  	p0 =	sne.s32 s1, $0x70;
	v21 =	vand.u32 $0x78, v18;
	v20 =	vor.u32 v5, v20  }
0x2eb: {  	v21 =	vor.u32 v21, v14;
	_ =	sdelay $0x3  }
0x2ec: {  	v18 =	vadd.s32 v13, v18;
	[tilespmem:v20+s17+$0x0] =	vst.idx.msk $0xffff, v19  }
0x2ed: {  	v18 =	vshll.u32 v18, $0x3;
	v20 =	vor.u32 s0, v6;
	v19 =	vld.idx.msk [tilespmem:v21+s31+$0x0], $0xffff  }
0x2ee: {  	v18 =	vor.u32 v5, v18;
	v21 =	vand.u32 $0x78, v20  }
0x2ef: {  	v21 =	vor.u32 v21, v15;
	_ =	sdelay $0x3  }
0x2f0: {  	[tilespmem:v18+s17+$0x0] =	vst.idx.msk $0xffff, v19;
	v18 =	vadd.s32 v13, v20  }
0x2f1: {  	v20 =	vor.u32 s0, v7;
	v19 =	vld.idx.msk [tilespmem:v21+s31+$0x0], $0xffff;
	v18 =	vshll.u32 v18, $0x3  }
0x2f2: {  	v21 =	vand.u32 $0x78, v20;
	v18 =	vor.u32 v5, v18  }
0x2f3: {  	v21 =	vor.u32 v21, v16;
	_ =	sdelay $0x3  }
0x2f4: {  	[tilespmem:v18+s17+$0x0] =	vst.idx.msk $0xffff, v19;
	v18 =	vadd.s32 v13, v20  }
0x2f5: {  	v20 =	vor.u32 s0, v8;
	v19 =	vld.idx.msk [tilespmem:v21+s31+$0x0], $0xffff;
	v18 =	vshll.u32 v18, $0x3  }
0x2f6: {  	v21 =	vand.u32 $0x78, v20;
	v18 =	vor.u32 v5, v18  }
0x2f7: {  	v21 =	vor.u32 v21, v17;
	_ =	sdelay $0x3  }
0x2f8: {  	[tilespmem:v18+s17+$0x0] =	vst.idx.msk $0xffff, v19;
	v18 =	vadd.s32 v13, v20  }
0x2f9: {  	v20 =	vor.u32 s0, v9;
	v19 =	vld.idx.msk [tilespmem:v21+s31+$0x0], $0xffff;
	v18 =	vshll.u32 v18, $0x3  }
0x2fa: {  	v21 =	vand.u32 $0x78, v20;
	v18 =	vor.u32 v5, v18  }
0x2fb: {  	v21 =	vor.u32 v21, v14;
	_ =	sdelay $0x3  }
0x2fc: {  	[tilespmem:v18+s17+$0x0] =	vst.idx.msk $0xffff, v19;
	v18 =	vadd.s32 v13, v20  }
0x2fd: {  	v20 =	vor.u32 s0, v10;
	v19 =	vld.idx.msk [tilespmem:v21+s31+$0x0], $0xffff;
	v18 =	vshll.u32 v18, $0x3  }
0x2fe: {  	v21 =	vand.u32 $0x78, v20;
	v18 =	vor.u32 v5, v18  }
0x2ff: {  	v21 =	vor.u32 v21, v15;
	_ =	sdelay $0x3  }
0x300: {  	[tilespmem:v18+s17+$0x0] =	vst.idx.msk $0xffff, v19;
	v18 =	vadd.s32 v13, v20  }
0x301: {  	v20 =	vor.u32 s0, v11;
	v19 =	vld.idx.msk [tilespmem:v21+s31+$0x0], $0xffff;
	v18 =	vshll.u32 v18, $0x3  }
0x302: {  	v21 =	vand.u32 $0x78, v20;
	v18 =	vor.u32 v5, v18  }
0x303: {  	v21 =	vor.u32 v21, v16;
	_ =	sdelay $0x3  }
0x304: {  	[tilespmem:v18+s17+$0x0] =	vst.idx.msk $0xffff, v19;
	v18 =	vadd.s32 v13, v20  }
0x305: {  	v20 =	vor.u32 s0, v12;
	s0 =	smov.u32 s1;
	v19 =	vld.idx.msk [tilespmem:v21+s31+$0x0], $0xffff;
	v18 =	vshll.u32 v18, $0x3  }
0x306: {  	v21 =	vand.u32 $0x78, v20;
	v18 =	vor.u32 v5, v18  }
0x307: {  	v21 =	vor.u32 v21, v17  }
.Ltmp21:
0x308: {  	(pc) =	sbr.rel @p0 .LBB2_40-.Ltmp21, $3  }
0x309: {  	_ =	sdelay $0x1  }
0x30a: {  	v20 =	vadd.s32 v13, v20;
	[tilespmem:v18+s17+$0x0] =	vst.idx.msk $0xffff, v19  }
0x30b: {  	s1 =	sadd.s32 $0x10, s1;
	v20 =	vshll.u32 v20, $0x3;
	v18 =	vor.u32 s0, v4;
	v19 =	vld.idx.msk [tilespmem:v21+s31+$0x0], $0xffff  }
0x30c: {  	v21 =	vand.u32 $0x78, v18;
	v20 =	vor.u32 v5, v20  }
0x30d: {  	v21 =	vor.u32 v21, v14;
	_ =	sdelay $0x2  }
0x30e: {  	v44 =	vadd.s32 v13, v18  }
0x30f: {  	v45 =	vor.u32 s0, v6;
	v18 =	vshll.u32 v44, $0x3;
	[tilespmem:v20+s17+$0x0] =	vst.idx.msk $0xffff, v19  }
0x310: {  	v46 =	vand.u32 $0x78, v45;
	v18 =	vor.u32 v5, v18;
	v20 =	vld.idx.msk [tilespmem:v21+s31+$0x0], $0xffff  }
0x311: {  	v21 =	vor.u32 v46, v15;
	_ =	sdelay $0x2  }
0x312: {  	v19 =	vadd.s32 v13, v45  }
0x313: {  	v48 =	vor.u32 s0, v7;
	v47 =	vshll.u32 v19, $0x3;
	[tilespmem:v18+s17+$0x0] =	vst.idx.msk $0xffff, v20  }
0x314: {  	v49 =	vand.u32 $0x78, v48;
	v18 =	vor.u32 v5, v47;
	v20 =	vld.idx.msk [tilespmem:v21+s31+$0x0], $0xffff  }
0x315: {  	v21 =	vor.u32 v49, v16;
	_ =	sdelay $0x2  }
0x316: {  	v19 =	vadd.s32 v13, v48  }
0x317: {  	v51 =	vor.u32 s0, v8;
	v50 =	vshll.u32 v19, $0x3;
	[tilespmem:v18+s17+$0x0] =	vst.idx.msk $0xffff, v20  }
0x318: {  	v52 =	vand.u32 $0x78, v51;
	v18 =	vor.u32 v5, v50;
	v20 =	vld.idx.msk [tilespmem:v21+s31+$0x0], $0xffff  }
0x319: {  	v21 =	vor.u32 v52, v17;
	_ =	sdelay $0x2  }
0x31a: {  	v19 =	vadd.s32 v13, v51  }
0x31b: {  	v54 =	vor.u32 s0, v9;
	v53 =	vshll.u32 v19, $0x3;
	[tilespmem:v18+s17+$0x0] =	vst.idx.msk $0xffff, v20  }
0x31c: {  	v55 =	vand.u32 $0x78, v54;
	v18 =	vor.u32 v5, v53;
	v20 =	vld.idx.msk [tilespmem:v21+s31+$0x0], $0xffff  }
0x31d: {  	v14 =	vor.u32 v55, v14;
	_ =	sdelay $0x2  }
0x31e: {  	v19 =	vadd.s32 v13, v54  }
0x31f: {  	v57 =	vor.u32 s0, v10;
	v56 =	vshll.u32 v19, $0x3;
	[tilespmem:v18+s17+$0x0] =	vst.idx.msk $0xffff, v20  }
0x320: {  	v58 =	vand.u32 $0x78, v57;
	v18 =	vor.u32 v5, v56;
	v14 =	vld.idx.msk [tilespmem:v14+s31+$0x0], $0xffff  }
0x321: {  	v15 =	vor.u32 v58, v15;
	_ =	sdelay $0x2  }
0x322: {  	v19 =	vadd.s32 v13, v57  }
0x323: {  	v59 =	vor.u32 s0, v11;
	[tilespmem:v18+s17+$0x0] =	vst.idx.msk $0xffff, v14;
	v14 =	vshll.u32 v19, $0x3  }
0x324: {  	v60 =	vand.u32 $0x78, v59;
	v15 =	vld.idx.msk [tilespmem:v15+s31+$0x0], $0xffff;
	v14 =	vor.u32 v5, v14  }
0x325: {  	v61 =	vor.u32 v60, v16;
	_ =	sdelay $0x2  }
0x326: {  	v18 =	vadd.s32 v13, v59  }
0x327: {  	[tilespmem:v14+s17+$0x0] =	vst.idx.msk $0xffff, v15;
	v14 =	vshll.u32 v18, $0x3;
	v15 =	vor.u32 s0, v12  }
0x328: {  	v16 =	vld.idx.msk [tilespmem:v61+s31+$0x0], $0xffff;
	v14 =	vor.u32 v5, v14;
	v62 =	vand.u32 $0x78, v15  }
0x329: {  	v63 =	vor.u32 v62, v17;
	_ =	sdelay $0x2  }
0x32a: {  	v13 =	vadd.s32 v13, v15  }
0x32b: {  	s7 =	sadd.s32 $0x1, s7;
	v13 =	vshll.u32 v13, $0x3;
	[tilespmem:v14+s17+$0x0] =	vst.idx.msk $0xffff, v16  }
0x32c: {  	p0 =	sne.s32 s7, $0x10;
	v13 =	vor.u32 v5, v13;
	v14 =	vld.idx.msk [tilespmem:v63+s31+$0x0], $0xffff  }
.Ltmp22:
0x32d: {  	_ = 	snop;
	(pc) =	sbr.rel @p0 .LBB2_39-.Ltmp22, $2  }
0x32e: {  	_ =	sdelay $0x2  }
0x32f: {  	[tilespmem:v13+s17+$0x0] =	vst.idx.msk $0xffff, v14  }
0x330: {  	s26 =	sadd.s32 $0x1, s26  }
0x331: {  	p0 =	sne.s32 s26, $0x8  }
.Ltmp23:
0x332: {  	_ = 	snop;
	(pc) =	sbr.rel @p0 .LBB2_30-.Ltmp23, $3  }
0x333: {  	_ =	sdelay $0x1  }
0x334: {  	s0 =	sadd.s32 s29, s16  }
0x335: {  	[hbm4b:s0+s9] =	stream.linear.scatter [tilespmem:s17], [sflag:$0x4], $0x4000, $0x38;
	[tilespmem:$0x10000] =	vst v63  }
0x336: {  	s0 =	simm.s32 $0x3  }
0x337: {  	_ =	swait.ge [sflag:s0], $0x4000  }
0x338: {  	[sflag:s0] =	ssyncset.done $0x0  }
0x339: {  	[sflag:s0] =	ssyncadd.s32 $0xFFFFC000  }
0x33a: {  	_ =	swait.ge [sflag:s14], $0x4000  }
0x33b: {  	[sflag:s14] =	ssyncset.done $0x0  }
0x33c: {  	s26 =	simm.s32 $0x0;
	s29 =	rddreg [dreg:$0xb];
	[sflag:s14] =	ssyncadd.s32 $0xFFFFC000  }
0x33d: {  	[tilespmem:s26], [sflag:$0x1] =	stream.linear.gather [hbm4b:s29+s26], $0x4000, $0x38;
	[tilespmem:$0x10000] =	vst v63  }
.LBB2_44:
0x33e: {  	s23 =	sshll.u32 s26, $0x5  }
0x33f: {  	s0 =	sor.u32 s23, s10  }
0x340: {  	s0 =	sshll.u32 s0, $0x7  }
0x341: {  	s29 =	sor.u32 $0x800, s0  }
0x342: {  	s0 =	sadd.s32 s5, s29  }
0x343: {  	[tilespmem:s31], [sflag:$0x2] =	stream.linear.gather [hbm4b:s0+s9], $0x4000, $0x38;
	[tilespmem:$0x10000] =	vst v63  }
0x344: {  	_ =	swait.ge [sflag:s6], $0x4000  }
0x345: {  	p0 =	seq.s32 s26, $0x0;
	[sflag:s6] =	ssyncset.done $0x0  }
0x346: {  	s0 =	simm.s32 @!p0 $0x3;
	[sflag:s6] =	ssyncadd.s32 $0xFFFFC000  }
0x347: {  	_ =	swait.ge @!p0 [sflag:s0], $0x4000  }
0x348: {  	[sflag:s0] =	ssyncset.done @!p0 $0x0  }
0x349: {  	s20 =	simm.s32 $0x0;
	[sflag:s0] =	ssyncadd.s32 @!p0 $0xFFFFC000  }
.LBB2_45:
0x34a: {  	s0 =	simm.s32 $0x0  }
0x34b: {  	s1 =	sshll.u32 s20, $0xA;
	v15 =	vor.u32 s0, v4  }
0x34c: {  	v14 =	vor.u32 s1, v0;
	v13 =	vand.u32 $0x78, v15  }
0x34d: {  	v16 =	vor.u32 v13, v14  }
0x34e: {  	s7 =	sshll.u32 s20, $0x7  }
0x34f: {  	v13 =	vmov s7  }
0x350: {  	v15 =	vadd.s32 v13, v15  }
0x351: {  	v18 =	vor.u32 s0, v6;
	v17 =	vshll.u32 v15, $0x3  }
0x352: {  	v19 =	vand.u32 $0x78, v18;
	v15 =	vor.u32 s1, v1;
	v17 =	vor.u32 v5, v17;
	v16 =	vld.idx.msk [tilespmem:v16+s9+$0x0], $0xffff  }
0x353: {  	v19 =	vor.u32 v19, v15;
	_ =	sdelay $0x2  }
0x354: {  	v18 =	vadd.s32 v13, v18  }
0x355: {  	[tilespmem:v17+s8+$0x0] =	vst.idx.msk $0xffff, v16;
	v17 =	vshll.u32 v18, $0x3;
	v18 =	vor.u32 s0, v7  }
0x356: {  	v16 =	vor.u32 s1, v2;
	v19 =	vld.idx.msk [tilespmem:v19+s9+$0x0], $0xffff;
	v17 =	vor.u32 v5, v17;
	v20 =	vand.u32 $0x78, v18  }
0x357: {  	v20 =	vor.u32 v20, v16;
	_ =	sdelay $0x2  }
0x358: {  	v18 =	vadd.s32 v13, v18  }
0x359: {  	v18 =	vshll.u32 v18, $0x3;
	[tilespmem:v17+s8+$0x0] =	vst.idx.msk $0xffff, v19;
	v19 =	vor.u32 s0, v8  }
0x35a: {  	v18 =	vor.u32 v5, v18;
	v17 =	vor.u32 s1, v3;
	v20 =	vld.idx.msk [tilespmem:v20+s9+$0x0], $0xffff;
	v21 =	vand.u32 $0x78, v19  }
0x35b: {  	v21 =	vor.u32 v21, v17;
	_ =	sdelay $0x2  }
0x35c: {  	v19 =	vadd.s32 v13, v19  }
0x35d: {  	[tilespmem:v18+s8+$0x0] =	vst.idx.msk $0xffff, v20;
	v18 =	vshll.u32 v19, $0x3;
	v19 =	vor.u32 s0, v9  }
0x35e: {  	v20 =	vld.idx.msk [tilespmem:v21+s9+$0x0], $0xffff;
	v18 =	vor.u32 v5, v18;
	v21 =	vand.u32 $0x78, v19  }
0x35f: {  	v21 =	vor.u32 v21, v14;
	_ =	sdelay $0x2  }
0x360: {  	v19 =	vadd.s32 v13, v19  }
0x361: {  	[tilespmem:v18+s8+$0x0] =	vst.idx.msk $0xffff, v20;
	v18 =	vshll.u32 v19, $0x3;
	v19 =	vor.u32 s0, v10  }
0x362: {  	v20 =	vld.idx.msk [tilespmem:v21+s9+$0x0], $0xffff;
	v18 =	vor.u32 v5, v18;
	v21 =	vand.u32 $0x78, v19  }
0x363: {  	v21 =	vor.u32 v21, v15;
	_ =	sdelay $0x2  }
0x364: {  	v19 =	vadd.s32 v13, v19  }
0x365: {  	[tilespmem:v18+s8+$0x0] =	vst.idx.msk $0xffff, v20;
	v18 =	vshll.u32 v19, $0x3;
	v19 =	vor.u32 s0, v11  }
0x366: {  	v20 =	vld.idx.msk [tilespmem:v21+s9+$0x0], $0xffff;
	v18 =	vor.u32 v5, v18;
	v21 =	vand.u32 $0x78, v19  }
0x367: {  	v21 =	vor.u32 v21, v16;
	_ =	sdelay $0x2  }
0x368: {  	v19 =	vadd.s32 v13, v19  }
0x369: {  	[tilespmem:v18+s8+$0x0] =	vst.idx.msk $0xffff, v20;
	v18 =	vshll.u32 v19, $0x3;
	v19 =	vor.u32 s0, v12  }
0x36a: {  	v20 =	vld.idx.msk [tilespmem:v21+s9+$0x0], $0xffff;
	v18 =	vor.u32 v5, v18;
	v21 =	vand.u32 $0x78, v19  }
0x36b: {  	v21 =	vor.u32 v21, v17;
	_ =	sdelay $0x3  }
0x36c: {  	s0 =	simm.s32 $0x10;
	[tilespmem:v18+s8+$0x0] =	vst.idx.msk $0xffff, v20;
	v20 =	vadd.s32 v13, v19  }
0x36d: {  	s1 =	simm.s32 $0x20;
	v18 =	vor.u32 s0, v4;
	v19 =	vld.idx.msk [tilespmem:v21+s9+$0x0], $0xffff;
	v20 =	vshll.u32 v20, $0x3  }
.LBB2_46:
0x36e: {  	p1 =	sne.s32 s1, $0x70;
	v21 =	vand.u32 $0x78, v18;
	v20 =	vor.u32 v5, v20  }
0x36f: {  	v21 =	vor.u32 v21, v14;
	_ =	sdelay $0x3  }
0x370: {  	v18 =	vadd.s32 v13, v18;
	[tilespmem:v20+s8+$0x0] =	vst.idx.msk $0xffff, v19  }
0x371: {  	v18 =	vshll.u32 v18, $0x3;
	v20 =	vor.u32 s0, v6;
	v19 =	vld.idx.msk [tilespmem:v21+s9+$0x0], $0xffff  }
0x372: {  	v18 =	vor.u32 v5, v18;
	v21 =	vand.u32 $0x78, v20  }
0x373: {  	v21 =	vor.u32 v21, v15;
	_ =	sdelay $0x3  }
0x374: {  	[tilespmem:v18+s8+$0x0] =	vst.idx.msk $0xffff, v19;
	v18 =	vadd.s32 v13, v20  }
0x375: {  	v20 =	vor.u32 s0, v7;
	v19 =	vld.idx.msk [tilespmem:v21+s9+$0x0], $0xffff;
	v18 =	vshll.u32 v18, $0x3  }
0x376: {  	v21 =	vand.u32 $0x78, v20;
	v18 =	vor.u32 v5, v18  }
0x377: {  	v21 =	vor.u32 v21, v16;
	_ =	sdelay $0x3  }
0x378: {  	[tilespmem:v18+s8+$0x0] =	vst.idx.msk $0xffff, v19;
	v18 =	vadd.s32 v13, v20  }
0x379: {  	v20 =	vor.u32 s0, v8;
	v19 =	vld.idx.msk [tilespmem:v21+s9+$0x0], $0xffff;
	v18 =	vshll.u32 v18, $0x3  }
0x37a: {  	v21 =	vand.u32 $0x78, v20;
	v18 =	vor.u32 v5, v18  }
0x37b: {  	v21 =	vor.u32 v21, v17;
	_ =	sdelay $0x3  }
0x37c: {  	[tilespmem:v18+s8+$0x0] =	vst.idx.msk $0xffff, v19;
	v18 =	vadd.s32 v13, v20  }
0x37d: {  	v20 =	vor.u32 s0, v9;
	v19 =	vld.idx.msk [tilespmem:v21+s9+$0x0], $0xffff;
	v18 =	vshll.u32 v18, $0x3  }
0x37e: {  	v21 =	vand.u32 $0x78, v20;
	v18 =	vor.u32 v5, v18  }
0x37f: {  	v21 =	vor.u32 v21, v14;
	_ =	sdelay $0x3  }
0x380: {  	[tilespmem:v18+s8+$0x0] =	vst.idx.msk $0xffff, v19;
	v18 =	vadd.s32 v13, v20  }
0x381: {  	v20 =	vor.u32 s0, v10;
	v19 =	vld.idx.msk [tilespmem:v21+s9+$0x0], $0xffff;
	v18 =	vshll.u32 v18, $0x3  }
0x382: {  	v21 =	vand.u32 $0x78, v20;
	v18 =	vor.u32 v5, v18  }
0x383: {  	v21 =	vor.u32 v21, v15;
	_ =	sdelay $0x3  }
0x384: {  	[tilespmem:v18+s8+$0x0] =	vst.idx.msk $0xffff, v19;
	v18 =	vadd.s32 v13, v20  }
0x385: {  	v20 =	vor.u32 s0, v11;
	v19 =	vld.idx.msk [tilespmem:v21+s9+$0x0], $0xffff;
	v18 =	vshll.u32 v18, $0x3  }
0x386: {  	v21 =	vand.u32 $0x78, v20;
	v18 =	vor.u32 v5, v18  }
0x387: {  	v21 =	vor.u32 v21, v16;
	_ =	sdelay $0x3  }
0x388: {  	[tilespmem:v18+s8+$0x0] =	vst.idx.msk $0xffff, v19;
	v18 =	vadd.s32 v13, v20  }
0x389: {  	v20 =	vor.u32 s0, v12;
	s0 =	smov.u32 s1;
	v19 =	vld.idx.msk [tilespmem:v21+s9+$0x0], $0xffff;
	v18 =	vshll.u32 v18, $0x3  }
0x38a: {  	v21 =	vand.u32 $0x78, v20;
	v18 =	vor.u32 v5, v18  }
0x38b: {  	v21 =	vor.u32 v21, v17  }
.Ltmp24:
0x38c: {  	(pc) =	sbr.rel @p1 .LBB2_46-.Ltmp24, $3  }
0x38d: {  	_ =	sdelay $0x1  }
0x38e: {  	v20 =	vadd.s32 v13, v20;
	[tilespmem:v18+s8+$0x0] =	vst.idx.msk $0xffff, v19  }
0x38f: {  	s1 =	sadd.s32 $0x10, s1;
	v20 =	vshll.u32 v20, $0x3;
	v18 =	vor.u32 s0, v4;
	v19 =	vld.idx.msk [tilespmem:v21+s9+$0x0], $0xffff  }
0x390: {  	v21 =	vand.u32 $0x78, v18;
	v20 =	vor.u32 v5, v20  }
0x391: {  	v21 =	vor.u32 v21, v14;
	_ =	sdelay $0x2  }
0x392: {  	v44 =	vadd.s32 v13, v18  }
0x393: {  	v45 =	vor.u32 s0, v6;
	v18 =	vshll.u32 v44, $0x3;
	[tilespmem:v20+s8+$0x0] =	vst.idx.msk $0xffff, v19  }
0x394: {  	v46 =	vand.u32 $0x78, v45;
	v18 =	vor.u32 v5, v18;
	v20 =	vld.idx.msk [tilespmem:v21+s9+$0x0], $0xffff  }
0x395: {  	v21 =	vor.u32 v46, v15;
	_ =	sdelay $0x2  }
0x396: {  	v19 =	vadd.s32 v13, v45  }
0x397: {  	v48 =	vor.u32 s0, v7;
	v47 =	vshll.u32 v19, $0x3;
	[tilespmem:v18+s8+$0x0] =	vst.idx.msk $0xffff, v20  }
0x398: {  	v49 =	vand.u32 $0x78, v48;
	v18 =	vor.u32 v5, v47;
	v20 =	vld.idx.msk [tilespmem:v21+s9+$0x0], $0xffff  }
0x399: {  	v21 =	vor.u32 v49, v16;
	_ =	sdelay $0x2  }
0x39a: {  	v19 =	vadd.s32 v13, v48  }
0x39b: {  	v51 =	vor.u32 s0, v8;
	v50 =	vshll.u32 v19, $0x3;
	[tilespmem:v18+s8+$0x0] =	vst.idx.msk $0xffff, v20  }
0x39c: {  	v52 =	vand.u32 $0x78, v51;
	v18 =	vor.u32 v5, v50;
	v20 =	vld.idx.msk [tilespmem:v21+s9+$0x0], $0xffff  }
0x39d: {  	v21 =	vor.u32 v52, v17;
	_ =	sdelay $0x2  }
0x39e: {  	v19 =	vadd.s32 v13, v51  }
0x39f: {  	v54 =	vor.u32 s0, v9;
	v53 =	vshll.u32 v19, $0x3;
	[tilespmem:v18+s8+$0x0] =	vst.idx.msk $0xffff, v20  }
0x3a0: {  	v55 =	vand.u32 $0x78, v54;
	v18 =	vor.u32 v5, v53;
	v20 =	vld.idx.msk [tilespmem:v21+s9+$0x0], $0xffff  }
0x3a1: {  	v14 =	vor.u32 v55, v14;
	_ =	sdelay $0x2  }
0x3a2: {  	v19 =	vadd.s32 v13, v54  }
0x3a3: {  	v57 =	vor.u32 s0, v10;
	v56 =	vshll.u32 v19, $0x3;
	[tilespmem:v18+s8+$0x0] =	vst.idx.msk $0xffff, v20  }
0x3a4: {  	v58 =	vand.u32 $0x78, v57;
	v18 =	vor.u32 v5, v56;
	v14 =	vld.idx.msk [tilespmem:v14+s9+$0x0], $0xffff  }
0x3a5: {  	v15 =	vor.u32 v58, v15;
	_ =	sdelay $0x2  }
0x3a6: {  	v19 =	vadd.s32 v13, v57  }
0x3a7: {  	v59 =	vor.u32 s0, v11;
	[tilespmem:v18+s8+$0x0] =	vst.idx.msk $0xffff, v14;
	v14 =	vshll.u32 v19, $0x3  }
0x3a8: {  	v60 =	vand.u32 $0x78, v59;
	v15 =	vld.idx.msk [tilespmem:v15+s9+$0x0], $0xffff;
	v14 =	vor.u32 v5, v14  }
0x3a9: {  	v61 =	vor.u32 v60, v16;
	_ =	sdelay $0x2  }
0x3aa: {  	v18 =	vadd.s32 v13, v59  }
0x3ab: {  	[tilespmem:v14+s8+$0x0] =	vst.idx.msk $0xffff, v15;
	v14 =	vshll.u32 v18, $0x3;
	v15 =	vor.u32 s0, v12  }
0x3ac: {  	v16 =	vld.idx.msk [tilespmem:v61+s9+$0x0], $0xffff;
	v14 =	vor.u32 v5, v14;
	v62 =	vand.u32 $0x78, v15  }
0x3ad: {  	v63 =	vor.u32 v62, v17;
	_ =	sdelay $0x2  }
0x3ae: {  	v13 =	vadd.s32 v13, v15  }
0x3af: {  	s20 =	sadd.s32 $0x1, s20;
	v13 =	vshll.u32 v13, $0x3;
	[tilespmem:v14+s8+$0x0] =	vst.idx.msk $0xffff, v16  }
0x3b0: {  	p1 =	sne.s32 s20, $0x10;
	v13 =	vor.u32 v5, v13;
	v14 =	vld.idx.msk [tilespmem:v63+s9+$0x0], $0xffff  }
.Ltmp25:
0x3b1: {  	_ = 	snop;
	(pc) =	sbr.rel @p1 .LBB2_45-.Ltmp25, $2  }
0x3b2: {  	_ =	sdelay $0x2  }
0x3b3: {  	[tilespmem:v13+s8+$0x0] =	vst.idx.msk $0xffff, v14  }
0x3b4: {  	p1 =	sne.s32 s26, $0x7  }
.Ltmp26:
0x3b5: {  	_ = 	snop;
	(pc) =	sbr.rel @p1 .LBB2_50-.Ltmp26, $4  }
0x3b6: {  	_ = 	snop  }
0x3b7: {  	s0 =	sshll.u32 s26, $0xC  }
0x3b8: {  	s0 =	sadd.s32 s0, s21  }
0x3b9: {  	[hbm4b:s0+s9] =	stream.linear.scatter [tilespmem:s8], [sflag:$0x3], $0x4000, $0x38;
	[tilespmem:$0x10000] =	vst v63  }
.Ltmp27:
0x3ba: {  	(pc) =	sbr.rel .LBB2_51-.Ltmp27, $4  }
0x3bb: {  	_ = 	snop  }
0x3bc: {  	_ =	swait.ge [sflag:s11], $0x4000  }
0x3bd: {  	[sflag:s11] =	ssyncset.done $0x0  }
0x3be: {  	[sflag:s11] =	ssyncadd.s32 $0xFFFFC000  }
.LBB2_50:
0x3bf: {  	s0 =	sadd.s32 s23, s30  }
0x3c0: {  	s0 =	sshll.u32 s0, $0x7  }
.Ltmp28:
0x3c1: {  	s0 =	sadd.s32 s5, s0;
	(pc) =	sbr.rel @p0 .LBB2_52-.Ltmp28, $4  }
0x3c2: {  	[tilespmem:s9], [sflag:$0x1] =	stream.linear.gather [hbm4b:s0+s9], $0x4000, $0x38;
	[tilespmem:$0x10000] =	vst v63  }
0x3c3: {  	_ =	swait.ge [sflag:s11], $0x4000  }
0x3c4: {  	[sflag:s11] =	ssyncset.done $0x0  }
0x3c5: {  	[sflag:s11] =	ssyncadd.s32 $0xFFFFC000  }
.LBB2_51:
0x3c6: {  	_ =	swait.ge [sflag:s14], $0x4000  }
0x3c7: {  	[sflag:s14] =	ssyncset.done $0x0  }
0x3c8: {  	[sflag:s14] =	ssyncadd.s32 $0xFFFFC000  }
.LBB2_52:
0x3c9: {  	s20 =	simm.s32 $0x0;
	s7 =	simm.s32 $0x0  }
.LBB2_53:
0x3ca: {  	s0 =	sshll.u32 s7, $0xA;
	v15 =	vor.u32 s20, v4  }
0x3cb: {  	v14 =	vor.u32 s0, v0;
	v13 =	vand.u32 $0x78, v15  }
0x3cc: {  	v16 =	vor.u32 v13, v14  }
0x3cd: {  	s1 =	sshll.u32 s7, $0x7  }
0x3ce: {  	v13 =	vmov s1  }
0x3cf: {  	v15 =	vadd.s32 v13, v15  }
0x3d0: {  	v18 =	vor.u32 s20, v6;
	v17 =	vshll.u32 v15, $0x3  }
0x3d1: {  	v19 =	vand.u32 $0x78, v18;
	v15 =	vor.u32 s0, v1;
	v17 =	vor.u32 v5, v17;
	v16 =	vld.idx.msk [tilespmem:v16+s31+$0x0], $0xffff  }
0x3d2: {  	v19 =	vor.u32 v19, v15;
	_ =	sdelay $0x2  }
0x3d3: {  	v18 =	vadd.s32 v13, v18  }
0x3d4: {  	[tilespmem:v17+s17+$0x0] =	vst.idx.msk $0xffff, v16;
	v17 =	vshll.u32 v18, $0x3;
	v18 =	vor.u32 s20, v7  }
0x3d5: {  	v16 =	vor.u32 s0, v2;
	v19 =	vld.idx.msk [tilespmem:v19+s31+$0x0], $0xffff;
	v17 =	vor.u32 v5, v17;
	v20 =	vand.u32 $0x78, v18  }
0x3d6: {  	v20 =	vor.u32 v20, v16;
	_ =	sdelay $0x2  }
0x3d7: {  	v18 =	vadd.s32 v13, v18  }
0x3d8: {  	v18 =	vshll.u32 v18, $0x3;
	[tilespmem:v17+s17+$0x0] =	vst.idx.msk $0xffff, v19;
	v19 =	vor.u32 s20, v8  }
0x3d9: {  	v18 =	vor.u32 v5, v18;
	v17 =	vor.u32 s0, v3;
	v20 =	vld.idx.msk [tilespmem:v20+s31+$0x0], $0xffff;
	v21 =	vand.u32 $0x78, v19  }
0x3da: {  	v21 =	vor.u32 v21, v17;
	_ =	sdelay $0x2  }
0x3db: {  	v19 =	vadd.s32 v13, v19  }
0x3dc: {  	[tilespmem:v18+s17+$0x0] =	vst.idx.msk $0xffff, v20;
	v18 =	vshll.u32 v19, $0x3;
	v19 =	vor.u32 s20, v9  }
0x3dd: {  	v20 =	vld.idx.msk [tilespmem:v21+s31+$0x0], $0xffff;
	v18 =	vor.u32 v5, v18;
	v21 =	vand.u32 $0x78, v19  }
0x3de: {  	v21 =	vor.u32 v21, v14;
	_ =	sdelay $0x2  }
0x3df: {  	v19 =	vadd.s32 v13, v19  }
0x3e0: {  	[tilespmem:v18+s17+$0x0] =	vst.idx.msk $0xffff, v20;
	v18 =	vshll.u32 v19, $0x3;
	v19 =	vor.u32 s20, v10  }
0x3e1: {  	v20 =	vld.idx.msk [tilespmem:v21+s31+$0x0], $0xffff;
	v18 =	vor.u32 v5, v18;
	v21 =	vand.u32 $0x78, v19  }
0x3e2: {  	v21 =	vor.u32 v21, v15;
	_ =	sdelay $0x2  }
0x3e3: {  	v19 =	vadd.s32 v13, v19  }
0x3e4: {  	[tilespmem:v18+s17+$0x0] =	vst.idx.msk $0xffff, v20;
	v18 =	vshll.u32 v19, $0x3;
	v19 =	vor.u32 s20, v11  }
0x3e5: {  	v20 =	vld.idx.msk [tilespmem:v21+s31+$0x0], $0xffff;
	v18 =	vor.u32 v5, v18;
	v21 =	vand.u32 $0x78, v19  }
0x3e6: {  	v21 =	vor.u32 v21, v16;
	_ =	sdelay $0x2  }
0x3e7: {  	v19 =	vadd.s32 v13, v19  }
0x3e8: {  	[tilespmem:v18+s17+$0x0] =	vst.idx.msk $0xffff, v20;
	v18 =	vshll.u32 v19, $0x3;
	v19 =	vor.u32 s20, v12  }
0x3e9: {  	v20 =	vld.idx.msk [tilespmem:v21+s31+$0x0], $0xffff;
	v18 =	vor.u32 v5, v18;
	v21 =	vand.u32 $0x78, v19  }
0x3ea: {  	v21 =	vor.u32 v21, v17;
	_ =	sdelay $0x3  }
0x3eb: {  	s0 =	simm.s32 $0x10;
	[tilespmem:v18+s17+$0x0] =	vst.idx.msk $0xffff, v20;
	v20 =	vadd.s32 v13, v19  }
0x3ec: {  	s1 =	simm.s32 $0x20;
	v18 =	vor.u32 s0, v4;
	v19 =	vld.idx.msk [tilespmem:v21+s31+$0x0], $0xffff;
	v20 =	vshll.u32 v20, $0x3  }
.LBB2_54:
0x3ed: {  	p0 =	sne.s32 s1, $0x70;
	v21 =	vand.u32 $0x78, v18;
	v20 =	vor.u32 v5, v20  }
0x3ee: {  	v21 =	vor.u32 v21, v14;
	_ =	sdelay $0x3  }
0x3ef: {  	v18 =	vadd.s32 v13, v18;
	[tilespmem:v20+s17+$0x0] =	vst.idx.msk $0xffff, v19  }
0x3f0: {  	v18 =	vshll.u32 v18, $0x3;
	v20 =	vor.u32 s0, v6;
	v19 =	vld.idx.msk [tilespmem:v21+s31+$0x0], $0xffff  }
0x3f1: {  	v18 =	vor.u32 v5, v18;
	v21 =	vand.u32 $0x78, v20  }
0x3f2: {  	v21 =	vor.u32 v21, v15;
	_ =	sdelay $0x3  }
0x3f3: {  	[tilespmem:v18+s17+$0x0] =	vst.idx.msk $0xffff, v19;
	v18 =	vadd.s32 v13, v20  }
0x3f4: {  	v20 =	vor.u32 s0, v7;
	v19 =	vld.idx.msk [tilespmem:v21+s31+$0x0], $0xffff;
	v18 =	vshll.u32 v18, $0x3  }
0x3f5: {  	v21 =	vand.u32 $0x78, v20;
	v18 =	vor.u32 v5, v18  }
0x3f6: {  	v21 =	vor.u32 v21, v16;
	_ =	sdelay $0x3  }
0x3f7: {  	[tilespmem:v18+s17+$0x0] =	vst.idx.msk $0xffff, v19;
	v18 =	vadd.s32 v13, v20  }
0x3f8: {  	v20 =	vor.u32 s0, v8;
	v19 =	vld.idx.msk [tilespmem:v21+s31+$0x0], $0xffff;
	v18 =	vshll.u32 v18, $0x3  }
0x3f9: {  	v21 =	vand.u32 $0x78, v20;
	v18 =	vor.u32 v5, v18  }
0x3fa: {  	v21 =	vor.u32 v21, v17;
	_ =	sdelay $0x3  }
0x3fb: {  	[tilespmem:v18+s17+$0x0] =	vst.idx.msk $0xffff, v19;
	v18 =	vadd.s32 v13, v20  }
0x3fc: {  	v20 =	vor.u32 s0, v9;
	v19 =	vld.idx.msk [tilespmem:v21+s31+$0x0], $0xffff;
	v18 =	vshll.u32 v18, $0x3  }
0x3fd: {  	v21 =	vand.u32 $0x78, v20;
	v18 =	vor.u32 v5, v18  }
0x3fe: {  	v21 =	vor.u32 v21, v14;
	_ =	sdelay $0x3  }
0x3ff: {  	[tilespmem:v18+s17+$0x0] =	vst.idx.msk $0xffff, v19;
	v18 =	vadd.s32 v13, v20  }
0x400: {  	v20 =	vor.u32 s0, v10;
	v19 =	vld.idx.msk [tilespmem:v21+s31+$0x0], $0xffff;
	v18 =	vshll.u32 v18, $0x3  }
0x401: {  	v21 =	vand.u32 $0x78, v20;
	v18 =	vor.u32 v5, v18  }
0x402: {  	v21 =	vor.u32 v21, v15;
	_ =	sdelay $0x3  }
0x403: {  	[tilespmem:v18+s17+$0x0] =	vst.idx.msk $0xffff, v19;
	v18 =	vadd.s32 v13, v20  }
0x404: {  	v20 =	vor.u32 s0, v11;
	v19 =	vld.idx.msk [tilespmem:v21+s31+$0x0], $0xffff;
	v18 =	vshll.u32 v18, $0x3  }
0x405: {  	v21 =	vand.u32 $0x78, v20;
	v18 =	vor.u32 v5, v18  }
0x406: {  	v21 =	vor.u32 v21, v16;
	_ =	sdelay $0x3  }
0x407: {  	[tilespmem:v18+s17+$0x0] =	vst.idx.msk $0xffff, v19;
	v18 =	vadd.s32 v13, v20  }
0x408: {  	v20 =	vor.u32 s0, v12;
	s0 =	smov.u32 s1;
	v19 =	vld.idx.msk [tilespmem:v21+s31+$0x0], $0xffff;
	v18 =	vshll.u32 v18, $0x3  }
0x409: {  	v21 =	vand.u32 $0x78, v20;
	v18 =	vor.u32 v5, v18  }
0x40a: {  	v21 =	vor.u32 v21, v17  }
.Ltmp29:
0x40b: {  	(pc) =	sbr.rel @p0 .LBB2_54-.Ltmp29, $3  }
0x40c: {  	_ =	sdelay $0x1  }
0x40d: {  	v20 =	vadd.s32 v13, v20;
	[tilespmem:v18+s17+$0x0] =	vst.idx.msk $0xffff, v19  }
0x40e: {  	s1 =	sadd.s32 $0x10, s1;
	v20 =	vshll.u32 v20, $0x3;
	v18 =	vor.u32 s0, v4;
	v19 =	vld.idx.msk [tilespmem:v21+s31+$0x0], $0xffff  }
0x40f: {  	v21 =	vand.u32 $0x78, v18;
	v20 =	vor.u32 v5, v20  }
0x410: {  	v21 =	vor.u32 v21, v14;
	_ =	sdelay $0x2  }
0x411: {  	v44 =	vadd.s32 v13, v18  }
0x412: {  	v45 =	vor.u32 s0, v6;
	v18 =	vshll.u32 v44, $0x3;
	[tilespmem:v20+s17+$0x0] =	vst.idx.msk $0xffff, v19  }
0x413: {  	v46 =	vand.u32 $0x78, v45;
	v18 =	vor.u32 v5, v18;
	v20 =	vld.idx.msk [tilespmem:v21+s31+$0x0], $0xffff  }
0x414: {  	v21 =	vor.u32 v46, v15;
	_ =	sdelay $0x2  }
0x415: {  	v19 =	vadd.s32 v13, v45  }
0x416: {  	v48 =	vor.u32 s0, v7;
	v47 =	vshll.u32 v19, $0x3;
	[tilespmem:v18+s17+$0x0] =	vst.idx.msk $0xffff, v20  }
0x417: {  	v49 =	vand.u32 $0x78, v48;
	v18 =	vor.u32 v5, v47;
	v20 =	vld.idx.msk [tilespmem:v21+s31+$0x0], $0xffff  }
0x418: {  	v21 =	vor.u32 v49, v16;
	_ =	sdelay $0x2  }
0x419: {  	v19 =	vadd.s32 v13, v48  }
0x41a: {  	v51 =	vor.u32 s0, v8;
	v50 =	vshll.u32 v19, $0x3;
	[tilespmem:v18+s17+$0x0] =	vst.idx.msk $0xffff, v20  }
0x41b: {  	v52 =	vand.u32 $0x78, v51;
	v18 =	vor.u32 v5, v50;
	v20 =	vld.idx.msk [tilespmem:v21+s31+$0x0], $0xffff  }
0x41c: {  	v21 =	vor.u32 v52, v17;
	_ =	sdelay $0x2  }
0x41d: {  	v19 =	vadd.s32 v13, v51  }
0x41e: {  	v54 =	vor.u32 s0, v9;
	v53 =	vshll.u32 v19, $0x3;
	[tilespmem:v18+s17+$0x0] =	vst.idx.msk $0xffff, v20  }
0x41f: {  	v55 =	vand.u32 $0x78, v54;
	v18 =	vor.u32 v5, v53;
	v20 =	vld.idx.msk [tilespmem:v21+s31+$0x0], $0xffff  }
0x420: {  	v14 =	vor.u32 v55, v14;
	_ =	sdelay $0x2  }
0x421: {  	v19 =	vadd.s32 v13, v54  }
0x422: {  	v57 =	vor.u32 s0, v10;
	v56 =	vshll.u32 v19, $0x3;
	[tilespmem:v18+s17+$0x0] =	vst.idx.msk $0xffff, v20  }
0x423: {  	v58 =	vand.u32 $0x78, v57;
	v18 =	vor.u32 v5, v56;
	v14 =	vld.idx.msk [tilespmem:v14+s31+$0x0], $0xffff  }
0x424: {  	v15 =	vor.u32 v58, v15;
	_ =	sdelay $0x2  }
0x425: {  	v19 =	vadd.s32 v13, v57  }
0x426: {  	v59 =	vor.u32 s0, v11;
	[tilespmem:v18+s17+$0x0] =	vst.idx.msk $0xffff, v14;
	v14 =	vshll.u32 v19, $0x3  }
0x427: {  	v60 =	vand.u32 $0x78, v59;
	v15 =	vld.idx.msk [tilespmem:v15+s31+$0x0], $0xffff;
	v14 =	vor.u32 v5, v14  }
0x428: {  	v61 =	vor.u32 v60, v16;
	_ =	sdelay $0x2  }
0x429: {  	v18 =	vadd.s32 v13, v59  }
0x42a: {  	[tilespmem:v14+s17+$0x0] =	vst.idx.msk $0xffff, v15;
	v14 =	vshll.u32 v18, $0x3;
	v15 =	vor.u32 s0, v12  }
0x42b: {  	v16 =	vld.idx.msk [tilespmem:v61+s31+$0x0], $0xffff;
	v14 =	vor.u32 v5, v14;
	v62 =	vand.u32 $0x78, v15  }
0x42c: {  	v63 =	vor.u32 v62, v17;
	_ =	sdelay $0x2  }
0x42d: {  	v13 =	vadd.s32 v13, v15  }
0x42e: {  	s7 =	sadd.s32 $0x1, s7;
	v13 =	vshll.u32 v13, $0x3;
	[tilespmem:v14+s17+$0x0] =	vst.idx.msk $0xffff, v16  }
0x42f: {  	p0 =	sne.s32 s7, $0x10;
	v13 =	vor.u32 v5, v13;
	v14 =	vld.idx.msk [tilespmem:v63+s31+$0x0], $0xffff  }
.Ltmp30:
0x430: {  	_ = 	snop;
	(pc) =	sbr.rel @p0 .LBB2_53-.Ltmp30, $2  }
0x431: {  	_ =	sdelay $0x2  }
0x432: {  	[tilespmem:v13+s17+$0x0] =	vst.idx.msk $0xffff, v14  }
0x433: {  	s26 =	sadd.s32 $0x1, s26  }
0x434: {  	p0 =	sne.s32 s26, $0x8  }
.Ltmp31:
0x435: {  	_ = 	snop;
	(pc) =	sbr.rel @p0 .LBB2_44-.Ltmp31, $3  }
0x436: {  	_ =	sdelay $0x1  }
0x437: {  	s0 =	sadd.s32 s29, s19  }
0x438: {  	[hbm4b:s0+s9] =	stream.linear.scatter [tilespmem:s17], [sflag:$0x4], $0x4000, $0x38;
	[tilespmem:$0x10000] =	vst v63  }
0x439: {  	s0 =	simm.s32 $0x3  }
0x43a: {  	_ =	swait.ge [sflag:s0], $0x4000  }
0x43b: {  	[sflag:s0] =	ssyncset.done $0x0  }
0x43c: {  	[sflag:s0] =	ssyncadd.s32 $0xFFFFC000  }
0x43d: {  	_ =	swait.ge [sflag:s14], $0x4000  }
0x43e: {  	[sflag:s14] =	ssyncset.done $0x0  }
0x43f: {  	s26 =	simm.s32 $0x0;
	s29 =	rddreg [dreg:$0xc];
	[sflag:s14] =	ssyncadd.s32 $0xFFFFC000  }
0x440: {  	[tilespmem:s26], [sflag:$0x1] =	stream.linear.gather [hbm4b:s29+s26], $0x4000, $0x38;
	[tilespmem:$0x10000] =	vst v63  }
.LBB2_58:
0x441: {  	s23 =	sshll.u32 s26, $0x5  }
0x442: {  	s0 =	sor.u32 s23, s10  }
0x443: {  	s0 =	sshll.u32 s0, $0x7  }
0x444: {  	s29 =	sor.u32 $0x800, s0  }
0x445: {  	s0 =	sadd.s32 s2, s29  }
0x446: {  	[tilespmem:s31], [sflag:$0x2] =	stream.linear.gather [hbm4b:s0+s9], $0x4000, $0x38;
	[tilespmem:$0x10000] =	vst v63  }
0x447: {  	_ =	swait.ge [sflag:s6], $0x4000  }
0x448: {  	p0 =	seq.s32 s26, $0x0;
	[sflag:s6] =	ssyncset.done $0x0  }
0x449: {  	s0 =	simm.s32 @!p0 $0x3;
	[sflag:s6] =	ssyncadd.s32 $0xFFFFC000  }
0x44a: {  	_ =	swait.ge @!p0 [sflag:s0], $0x4000  }
0x44b: {  	[sflag:s0] =	ssyncset.done @!p0 $0x0  }
0x44c: {  	s20 =	simm.s32 $0x0;
	[sflag:s0] =	ssyncadd.s32 @!p0 $0xFFFFC000  }
.LBB2_59:
0x44d: {  	s0 =	simm.s32 $0x0  }
0x44e: {  	s1 =	sshll.u32 s20, $0xA;
	v15 =	vor.u32 s0, v4  }
0x44f: {  	v14 =	vor.u32 s1, v0;
	v13 =	vand.u32 $0x78, v15  }
0x450: {  	v16 =	vor.u32 v13, v14  }
0x451: {  	s7 =	sshll.u32 s20, $0x7  }
0x452: {  	v13 =	vmov s7  }
0x453: {  	v15 =	vadd.s32 v13, v15  }
0x454: {  	v18 =	vor.u32 s0, v6;
	v17 =	vshll.u32 v15, $0x3  }
0x455: {  	v19 =	vand.u32 $0x78, v18;
	v15 =	vor.u32 s1, v1;
	v17 =	vor.u32 v5, v17;
	v16 =	vld.idx.msk [tilespmem:v16+s9+$0x0], $0xffff  }
0x456: {  	v19 =	vor.u32 v19, v15;
	_ =	sdelay $0x2  }
0x457: {  	v18 =	vadd.s32 v13, v18  }
0x458: {  	[tilespmem:v17+s8+$0x0] =	vst.idx.msk $0xffff, v16;
	v17 =	vshll.u32 v18, $0x3;
	v18 =	vor.u32 s0, v7  }
0x459: {  	v16 =	vor.u32 s1, v2;
	v19 =	vld.idx.msk [tilespmem:v19+s9+$0x0], $0xffff;
	v17 =	vor.u32 v5, v17;
	v20 =	vand.u32 $0x78, v18  }
0x45a: {  	v20 =	vor.u32 v20, v16;
	_ =	sdelay $0x2  }
0x45b: {  	v18 =	vadd.s32 v13, v18  }
0x45c: {  	v18 =	vshll.u32 v18, $0x3;
	[tilespmem:v17+s8+$0x0] =	vst.idx.msk $0xffff, v19;
	v19 =	vor.u32 s0, v8  }
0x45d: {  	v18 =	vor.u32 v5, v18;
	v17 =	vor.u32 s1, v3;
	v20 =	vld.idx.msk [tilespmem:v20+s9+$0x0], $0xffff;
	v21 =	vand.u32 $0x78, v19  }
0x45e: {  	v21 =	vor.u32 v21, v17;
	_ =	sdelay $0x2  }
0x45f: {  	v19 =	vadd.s32 v13, v19  }
0x460: {  	[tilespmem:v18+s8+$0x0] =	vst.idx.msk $0xffff, v20;
	v18 =	vshll.u32 v19, $0x3;
	v19 =	vor.u32 s0, v9  }
0x461: {  	v20 =	vld.idx.msk [tilespmem:v21+s9+$0x0], $0xffff;
	v18 =	vor.u32 v5, v18;
	v21 =	vand.u32 $0x78, v19  }
0x462: {  	v21 =	vor.u32 v21, v14;
	_ =	sdelay $0x2  }
0x463: {  	v19 =	vadd.s32 v13, v19  }
0x464: {  	[tilespmem:v18+s8+$0x0] =	vst.idx.msk $0xffff, v20;
	v18 =	vshll.u32 v19, $0x3;
	v19 =	vor.u32 s0, v10  }
0x465: {  	v20 =	vld.idx.msk [tilespmem:v21+s9+$0x0], $0xffff;
	v18 =	vor.u32 v5, v18;
	v21 =	vand.u32 $0x78, v19  }
0x466: {  	v21 =	vor.u32 v21, v15;
	_ =	sdelay $0x2  }
0x467: {  	v19 =	vadd.s32 v13, v19  }
0x468: {  	[tilespmem:v18+s8+$0x0] =	vst.idx.msk $0xffff, v20;
	v18 =	vshll.u32 v19, $0x3;
	v19 =	vor.u32 s0, v11  }
0x469: {  	v20 =	vld.idx.msk [tilespmem:v21+s9+$0x0], $0xffff;
	v18 =	vor.u32 v5, v18;
	v21 =	vand.u32 $0x78, v19  }
0x46a: {  	v21 =	vor.u32 v21, v16;
	_ =	sdelay $0x2  }
0x46b: {  	v19 =	vadd.s32 v13, v19  }
0x46c: {  	[tilespmem:v18+s8+$0x0] =	vst.idx.msk $0xffff, v20;
	v18 =	vshll.u32 v19, $0x3;
	v19 =	vor.u32 s0, v12  }
0x46d: {  	v20 =	vld.idx.msk [tilespmem:v21+s9+$0x0], $0xffff;
	v18 =	vor.u32 v5, v18;
	v21 =	vand.u32 $0x78, v19  }
0x46e: {  	v21 =	vor.u32 v21, v17;
	_ =	sdelay $0x3  }
0x46f: {  	s0 =	simm.s32 $0x10;
	[tilespmem:v18+s8+$0x0] =	vst.idx.msk $0xffff, v20;
	v20 =	vadd.s32 v13, v19  }
0x470: {  	s1 =	simm.s32 $0x20;
	v18 =	vor.u32 s0, v4;
	v19 =	vld.idx.msk [tilespmem:v21+s9+$0x0], $0xffff;
	v20 =	vshll.u32 v20, $0x3  }
.LBB2_60:
0x471: {  	p1 =	sne.s32 s1, $0x70;
	v21 =	vand.u32 $0x78, v18;
	v20 =	vor.u32 v5, v20  }
0x472: {  	v21 =	vor.u32 v21, v14;
	_ =	sdelay $0x3  }
0x473: {  	v18 =	vadd.s32 v13, v18;
	[tilespmem:v20+s8+$0x0] =	vst.idx.msk $0xffff, v19  }
0x474: {  	v18 =	vshll.u32 v18, $0x3;
	v20 =	vor.u32 s0, v6;
	v19 =	vld.idx.msk [tilespmem:v21+s9+$0x0], $0xffff  }
0x475: {  	v18 =	vor.u32 v5, v18;
	v21 =	vand.u32 $0x78, v20  }
0x476: {  	v21 =	vor.u32 v21, v15;
	_ =	sdelay $0x3  }
0x477: {  	[tilespmem:v18+s8+$0x0] =	vst.idx.msk $0xffff, v19;
	v18 =	vadd.s32 v13, v20  }
0x478: {  	v20 =	vor.u32 s0, v7;
	v19 =	vld.idx.msk [tilespmem:v21+s9+$0x0], $0xffff;
	v18 =	vshll.u32 v18, $0x3  }
0x479: {  	v21 =	vand.u32 $0x78, v20;
	v18 =	vor.u32 v5, v18  }
0x47a: {  	v21 =	vor.u32 v21, v16;
	_ =	sdelay $0x3  }
0x47b: {  	[tilespmem:v18+s8+$0x0] =	vst.idx.msk $0xffff, v19;
	v18 =	vadd.s32 v13, v20  }
0x47c: {  	v20 =	vor.u32 s0, v8;
	v19 =	vld.idx.msk [tilespmem:v21+s9+$0x0], $0xffff;
	v18 =	vshll.u32 v18, $0x3  }
0x47d: {  	v21 =	vand.u32 $0x78, v20;
	v18 =	vor.u32 v5, v18  }
0x47e: {  	v21 =	vor.u32 v21, v17;
	_ =	sdelay $0x3  }
0x47f: {  	[tilespmem:v18+s8+$0x0] =	vst.idx.msk $0xffff, v19;
	v18 =	vadd.s32 v13, v20  }
0x480: {  	v20 =	vor.u32 s0, v9;
	v19 =	vld.idx.msk [tilespmem:v21+s9+$0x0], $0xffff;
	v18 =	vshll.u32 v18, $0x3  }
0x481: {  	v21 =	vand.u32 $0x78, v20;
	v18 =	vor.u32 v5, v18  }
0x482: {  	v21 =	vor.u32 v21, v14;
	_ =	sdelay $0x3  }
0x483: {  	[tilespmem:v18+s8+$0x0] =	vst.idx.msk $0xffff, v19;
	v18 =	vadd.s32 v13, v20  }
0x484: {  	v20 =	vor.u32 s0, v10;
	v19 =	vld.idx.msk [tilespmem:v21+s9+$0x0], $0xffff;
	v18 =	vshll.u32 v18, $0x3  }
0x485: {  	v21 =	vand.u32 $0x78, v20;
	v18 =	vor.u32 v5, v18  }
0x486: {  	v21 =	vor.u32 v21, v15;
	_ =	sdelay $0x3  }
0x487: {  	[tilespmem:v18+s8+$0x0] =	vst.idx.msk $0xffff, v19;
	v18 =	vadd.s32 v13, v20  }
0x488: {  	v20 =	vor.u32 s0, v11;
	v19 =	vld.idx.msk [tilespmem:v21+s9+$0x0], $0xffff;
	v18 =	vshll.u32 v18, $0x3  }
0x489: {  	v21 =	vand.u32 $0x78, v20;
	v18 =	vor.u32 v5, v18  }
0x48a: {  	v21 =	vor.u32 v21, v16;
	_ =	sdelay $0x3  }
0x48b: {  	[tilespmem:v18+s8+$0x0] =	vst.idx.msk $0xffff, v19;
	v18 =	vadd.s32 v13, v20  }
0x48c: {  	v20 =	vor.u32 s0, v12;
	s0 =	smov.u32 s1;
	v19 =	vld.idx.msk [tilespmem:v21+s9+$0x0], $0xffff;
	v18 =	vshll.u32 v18, $0x3  }
0x48d: {  	v21 =	vand.u32 $0x78, v20;
	v18 =	vor.u32 v5, v18  }
0x48e: {  	v21 =	vor.u32 v21, v17  }
.Ltmp32:
0x48f: {  	(pc) =	sbr.rel @p1 .LBB2_60-.Ltmp32, $3  }
0x490: {  	_ =	sdelay $0x1  }
0x491: {  	v20 =	vadd.s32 v13, v20;
	[tilespmem:v18+s8+$0x0] =	vst.idx.msk $0xffff, v19  }
0x492: {  	s1 =	sadd.s32 $0x10, s1;
	v20 =	vshll.u32 v20, $0x3;
	v18 =	vor.u32 s0, v4;
	v19 =	vld.idx.msk [tilespmem:v21+s9+$0x0], $0xffff  }
0x493: {  	v21 =	vand.u32 $0x78, v18;
	v20 =	vor.u32 v5, v20  }
0x494: {  	v21 =	vor.u32 v21, v14;
	_ =	sdelay $0x2  }
0x495: {  	v44 =	vadd.s32 v13, v18  }
0x496: {  	v45 =	vor.u32 s0, v6;
	v18 =	vshll.u32 v44, $0x3;
	[tilespmem:v20+s8+$0x0] =	vst.idx.msk $0xffff, v19  }
0x497: {  	v46 =	vand.u32 $0x78, v45;
	v18 =	vor.u32 v5, v18;
	v20 =	vld.idx.msk [tilespmem:v21+s9+$0x0], $0xffff  }
0x498: {  	v21 =	vor.u32 v46, v15;
	_ =	sdelay $0x2  }
0x499: {  	v19 =	vadd.s32 v13, v45  }
0x49a: {  	v48 =	vor.u32 s0, v7;
	v47 =	vshll.u32 v19, $0x3;
	[tilespmem:v18+s8+$0x0] =	vst.idx.msk $0xffff, v20  }
0x49b: {  	v49 =	vand.u32 $0x78, v48;
	v18 =	vor.u32 v5, v47;
	v20 =	vld.idx.msk [tilespmem:v21+s9+$0x0], $0xffff  }
0x49c: {  	v21 =	vor.u32 v49, v16;
	_ =	sdelay $0x2  }
0x49d: {  	v19 =	vadd.s32 v13, v48  }
0x49e: {  	v51 =	vor.u32 s0, v8;
	v50 =	vshll.u32 v19, $0x3;
	[tilespmem:v18+s8+$0x0] =	vst.idx.msk $0xffff, v20  }
0x49f: {  	v52 =	vand.u32 $0x78, v51;
	v18 =	vor.u32 v5, v50;
	v20 =	vld.idx.msk [tilespmem:v21+s9+$0x0], $0xffff  }
0x4a0: {  	v21 =	vor.u32 v52, v17;
	_ =	sdelay $0x2  }
0x4a1: {  	v19 =	vadd.s32 v13, v51  }
0x4a2: {  	v54 =	vor.u32 s0, v9;
	v53 =	vshll.u32 v19, $0x3;
	[tilespmem:v18+s8+$0x0] =	vst.idx.msk $0xffff, v20  }
0x4a3: {  	v55 =	vand.u32 $0x78, v54;
	v18 =	vor.u32 v5, v53;
	v20 =	vld.idx.msk [tilespmem:v21+s9+$0x0], $0xffff  }
0x4a4: {  	v14 =	vor.u32 v55, v14;
	_ =	sdelay $0x2  }
0x4a5: {  	v19 =	vadd.s32 v13, v54  }
0x4a6: {  	v57 =	vor.u32 s0, v10;
	v56 =	vshll.u32 v19, $0x3;
	[tilespmem:v18+s8+$0x0] =	vst.idx.msk $0xffff, v20  }
0x4a7: {  	v58 =	vand.u32 $0x78, v57;
	v18 =	vor.u32 v5, v56;
	v14 =	vld.idx.msk [tilespmem:v14+s9+$0x0], $0xffff  }
0x4a8: {  	v15 =	vor.u32 v58, v15;
	_ =	sdelay $0x2  }
0x4a9: {  	v19 =	vadd.s32 v13, v57  }
0x4aa: {  	v59 =	vor.u32 s0, v11;
	[tilespmem:v18+s8+$0x0] =	vst.idx.msk $0xffff, v14;
	v14 =	vshll.u32 v19, $0x3  }
0x4ab: {  	v60 =	vand.u32 $0x78, v59;
	v15 =	vld.idx.msk [tilespmem:v15+s9+$0x0], $0xffff;
	v14 =	vor.u32 v5, v14  }
0x4ac: {  	v61 =	vor.u32 v60, v16;
	_ =	sdelay $0x2  }
0x4ad: {  	v18 =	vadd.s32 v13, v59  }
0x4ae: {  	[tilespmem:v14+s8+$0x0] =	vst.idx.msk $0xffff, v15;
	v14 =	vshll.u32 v18, $0x3;
	v15 =	vor.u32 s0, v12  }
0x4af: {  	v16 =	vld.idx.msk [tilespmem:v61+s9+$0x0], $0xffff;
	v14 =	vor.u32 v5, v14;
	v62 =	vand.u32 $0x78, v15  }
0x4b0: {  	v63 =	vor.u32 v62, v17;
	_ =	sdelay $0x2  }
0x4b1: {  	v13 =	vadd.s32 v13, v15  }
0x4b2: {  	s20 =	sadd.s32 $0x1, s20;
	v13 =	vshll.u32 v13, $0x3;
	[tilespmem:v14+s8+$0x0] =	vst.idx.msk $0xffff, v16  }
0x4b3: {  	p1 =	sne.s32 s20, $0x10;
	v13 =	vor.u32 v5, v13;
	v14 =	vld.idx.msk [tilespmem:v63+s9+$0x0], $0xffff  }
.Ltmp33:
0x4b4: {  	_ = 	snop;
	(pc) =	sbr.rel @p1 .LBB2_59-.Ltmp33, $2  }
0x4b5: {  	_ =	sdelay $0x2  }
0x4b6: {  	[tilespmem:v13+s8+$0x0] =	vst.idx.msk $0xffff, v14  }
0x4b7: {  	p1 =	sne.s32 s26, $0x7  }
.Ltmp34:
0x4b8: {  	_ = 	snop;
	(pc) =	sbr.rel @p1 .LBB2_64-.Ltmp34, $4  }
0x4b9: {  	_ = 	snop  }
0x4ba: {  	s0 =	sshll.u32 s26, $0xC  }
0x4bb: {  	s0 =	sadd.s32 s0, s24  }
0x4bc: {  	[hbm4b:s0+s9] =	stream.linear.scatter [tilespmem:s8], [sflag:$0x3], $0x4000, $0x38;
	[tilespmem:$0x10000] =	vst v63  }
.Ltmp35:
0x4bd: {  	(pc) =	sbr.rel .LBB2_65-.Ltmp35, $4  }
0x4be: {  	_ = 	snop  }
0x4bf: {  	_ =	swait.ge [sflag:s11], $0x4000  }
0x4c0: {  	[sflag:s11] =	ssyncset.done $0x0  }
0x4c1: {  	[sflag:s11] =	ssyncadd.s32 $0xFFFFC000  }
.LBB2_64:
0x4c2: {  	s0 =	sadd.s32 s23, s30  }
0x4c3: {  	s0 =	sshll.u32 s0, $0x7  }
.Ltmp36:
0x4c4: {  	s0 =	sadd.s32 s2, s0;
	(pc) =	sbr.rel @p0 .LBB2_66-.Ltmp36, $4  }
0x4c5: {  	[tilespmem:s9], [sflag:$0x1] =	stream.linear.gather [hbm4b:s0+s9], $0x4000, $0x38;
	[tilespmem:$0x10000] =	vst v63  }
0x4c6: {  	_ =	swait.ge [sflag:s11], $0x4000  }
0x4c7: {  	[sflag:s11] =	ssyncset.done $0x0  }
0x4c8: {  	[sflag:s11] =	ssyncadd.s32 $0xFFFFC000  }
.LBB2_65:
0x4c9: {  	_ =	swait.ge [sflag:s14], $0x4000  }
0x4ca: {  	[sflag:s14] =	ssyncset.done $0x0  }
0x4cb: {  	[sflag:s14] =	ssyncadd.s32 $0xFFFFC000  }
.LBB2_66:
0x4cc: {  	s20 =	simm.s32 $0x0;
	s7 =	simm.s32 $0x0  }
.LBB2_67:
0x4cd: {  	s0 =	sshll.u32 s7, $0xA;
	v15 =	vor.u32 s20, v4  }
0x4ce: {  	v14 =	vor.u32 s0, v0;
	v13 =	vand.u32 $0x78, v15  }
0x4cf: {  	v16 =	vor.u32 v13, v14  }
0x4d0: {  	s1 =	sshll.u32 s7, $0x7  }
0x4d1: {  	v13 =	vmov s1  }
0x4d2: {  	v15 =	vadd.s32 v13, v15  }
0x4d3: {  	v18 =	vor.u32 s20, v6;
	v17 =	vshll.u32 v15, $0x3  }
0x4d4: {  	v19 =	vand.u32 $0x78, v18;
	v15 =	vor.u32 s0, v1;
	v17 =	vor.u32 v5, v17;
	v16 =	vld.idx.msk [tilespmem:v16+s31+$0x0], $0xffff  }
0x4d5: {  	v19 =	vor.u32 v19, v15;
	_ =	sdelay $0x2  }
0x4d6: {  	v18 =	vadd.s32 v13, v18  }
0x4d7: {  	[tilespmem:v17+s17+$0x0] =	vst.idx.msk $0xffff, v16;
	v17 =	vshll.u32 v18, $0x3;
	v18 =	vor.u32 s20, v7  }
0x4d8: {  	v16 =	vor.u32 s0, v2;
	v19 =	vld.idx.msk [tilespmem:v19+s31+$0x0], $0xffff;
	v17 =	vor.u32 v5, v17;
	v20 =	vand.u32 $0x78, v18  }
0x4d9: {  	v20 =	vor.u32 v20, v16;
	_ =	sdelay $0x2  }
0x4da: {  	v18 =	vadd.s32 v13, v18  }
0x4db: {  	v18 =	vshll.u32 v18, $0x3;
	[tilespmem:v17+s17+$0x0] =	vst.idx.msk $0xffff, v19;
	v19 =	vor.u32 s20, v8  }
0x4dc: {  	v18 =	vor.u32 v5, v18;
	v17 =	vor.u32 s0, v3;
	v20 =	vld.idx.msk [tilespmem:v20+s31+$0x0], $0xffff;
	v21 =	vand.u32 $0x78, v19  }
0x4dd: {  	v21 =	vor.u32 v21, v17;
	_ =	sdelay $0x2  }
0x4de: {  	v19 =	vadd.s32 v13, v19  }
0x4df: {  	[tilespmem:v18+s17+$0x0] =	vst.idx.msk $0xffff, v20;
	v18 =	vshll.u32 v19, $0x3;
	v19 =	vor.u32 s20, v9  }
0x4e0: {  	v20 =	vld.idx.msk [tilespmem:v21+s31+$0x0], $0xffff;
	v18 =	vor.u32 v5, v18;
	v21 =	vand.u32 $0x78, v19  }
0x4e1: {  	v21 =	vor.u32 v21, v14;
	_ =	sdelay $0x2  }
0x4e2: {  	v19 =	vadd.s32 v13, v19  }
0x4e3: {  	[tilespmem:v18+s17+$0x0] =	vst.idx.msk $0xffff, v20;
	v18 =	vshll.u32 v19, $0x3;
	v19 =	vor.u32 s20, v10  }
0x4e4: {  	v20 =	vld.idx.msk [tilespmem:v21+s31+$0x0], $0xffff;
	v18 =	vor.u32 v5, v18;
	v21 =	vand.u32 $0x78, v19  }
0x4e5: {  	v21 =	vor.u32 v21, v15;
	_ =	sdelay $0x2  }
0x4e6: {  	v19 =	vadd.s32 v13, v19  }
0x4e7: {  	[tilespmem:v18+s17+$0x0] =	vst.idx.msk $0xffff, v20;
	v18 =	vshll.u32 v19, $0x3;
	v19 =	vor.u32 s20, v11  }
0x4e8: {  	v20 =	vld.idx.msk [tilespmem:v21+s31+$0x0], $0xffff;
	v18 =	vor.u32 v5, v18;
	v21 =	vand.u32 $0x78, v19  }
0x4e9: {  	v21 =	vor.u32 v21, v16;
	_ =	sdelay $0x2  }
0x4ea: {  	v19 =	vadd.s32 v13, v19  }
0x4eb: {  	[tilespmem:v18+s17+$0x0] =	vst.idx.msk $0xffff, v20;
	v18 =	vshll.u32 v19, $0x3;
	v19 =	vor.u32 s20, v12  }
0x4ec: {  	v20 =	vld.idx.msk [tilespmem:v21+s31+$0x0], $0xffff;
	v18 =	vor.u32 v5, v18;
	v21 =	vand.u32 $0x78, v19  }
0x4ed: {  	v21 =	vor.u32 v21, v17;
	_ =	sdelay $0x3  }
0x4ee: {  	s0 =	simm.s32 $0x10;
	[tilespmem:v18+s17+$0x0] =	vst.idx.msk $0xffff, v20;
	v20 =	vadd.s32 v13, v19  }
0x4ef: {  	s1 =	simm.s32 $0x20;
	v18 =	vor.u32 s0, v4;
	v19 =	vld.idx.msk [tilespmem:v21+s31+$0x0], $0xffff;
	v20 =	vshll.u32 v20, $0x3  }
.LBB2_68:
0x4f0: {  	p0 =	sne.s32 s1, $0x70;
	v21 =	vand.u32 $0x78, v18;
	v20 =	vor.u32 v5, v20  }
0x4f1: {  	v21 =	vor.u32 v21, v14;
	_ =	sdelay $0x3  }
0x4f2: {  	v18 =	vadd.s32 v13, v18;
	[tilespmem:v20+s17+$0x0] =	vst.idx.msk $0xffff, v19  }
0x4f3: {  	v18 =	vshll.u32 v18, $0x3;
	v20 =	vor.u32 s0, v6;
	v19 =	vld.idx.msk [tilespmem:v21+s31+$0x0], $0xffff  }
0x4f4: {  	v18 =	vor.u32 v5, v18;
	v21 =	vand.u32 $0x78, v20  }
0x4f5: {  	v21 =	vor.u32 v21, v15;
	_ =	sdelay $0x3  }
0x4f6: {  	[tilespmem:v18+s17+$0x0] =	vst.idx.msk $0xffff, v19;
	v18 =	vadd.s32 v13, v20  }
0x4f7: {  	v20 =	vor.u32 s0, v7;
	v19 =	vld.idx.msk [tilespmem:v21+s31+$0x0], $0xffff;
	v18 =	vshll.u32 v18, $0x3  }
0x4f8: {  	v21 =	vand.u32 $0x78, v20;
	v18 =	vor.u32 v5, v18  }
0x4f9: {  	v21 =	vor.u32 v21, v16;
	_ =	sdelay $0x3  }
0x4fa: {  	[tilespmem:v18+s17+$0x0] =	vst.idx.msk $0xffff, v19;
	v18 =	vadd.s32 v13, v20  }
0x4fb: {  	v20 =	vor.u32 s0, v8;
	v19 =	vld.idx.msk [tilespmem:v21+s31+$0x0], $0xffff;
	v18 =	vshll.u32 v18, $0x3  }
0x4fc: {  	v21 =	vand.u32 $0x78, v20;
	v18 =	vor.u32 v5, v18  }
0x4fd: {  	v21 =	vor.u32 v21, v17;
	_ =	sdelay $0x3  }
0x4fe: {  	[tilespmem:v18+s17+$0x0] =	vst.idx.msk $0xffff, v19;
	v18 =	vadd.s32 v13, v20  }
0x4ff: {  	v20 =	vor.u32 s0, v9;
	v19 =	vld.idx.msk [tilespmem:v21+s31+$0x0], $0xffff;
	v18 =	vshll.u32 v18, $0x3  }
0x500: {  	v21 =	vand.u32 $0x78, v20;
	v18 =	vor.u32 v5, v18  }
0x501: {  	v21 =	vor.u32 v21, v14;
	_ =	sdelay $0x3  }
0x502: {  	[tilespmem:v18+s17+$0x0] =	vst.idx.msk $0xffff, v19;
	v18 =	vadd.s32 v13, v20  }
0x503: {  	v20 =	vor.u32 s0, v10;
	v19 =	vld.idx.msk [tilespmem:v21+s31+$0x0], $0xffff;
	v18 =	vshll.u32 v18, $0x3  }
0x504: {  	v21 =	vand.u32 $0x78, v20;
	v18 =	vor.u32 v5, v18  }
0x505: {  	v21 =	vor.u32 v21, v15;
	_ =	sdelay $0x3  }
0x506: {  	[tilespmem:v18+s17+$0x0] =	vst.idx.msk $0xffff, v19;
	v18 =	vadd.s32 v13, v20  }
0x507: {  	v20 =	vor.u32 s0, v11;
	v19 =	vld.idx.msk [tilespmem:v21+s31+$0x0], $0xffff;
	v18 =	vshll.u32 v18, $0x3  }
0x508: {  	v21 =	vand.u32 $0x78, v20;
	v18 =	vor.u32 v5, v18  }
0x509: {  	v21 =	vor.u32 v21, v16;
	_ =	sdelay $0x3  }
0x50a: {  	[tilespmem:v18+s17+$0x0] =	vst.idx.msk $0xffff, v19;
	v18 =	vadd.s32 v13, v20  }
0x50b: {  	v20 =	vor.u32 s0, v12;
	s0 =	smov.u32 s1;
	v19 =	vld.idx.msk [tilespmem:v21+s31+$0x0], $0xffff;
	v18 =	vshll.u32 v18, $0x3  }
0x50c: {  	v21 =	vand.u32 $0x78, v20;
	v18 =	vor.u32 v5, v18  }
0x50d: {  	v21 =	vor.u32 v21, v17  }
.Ltmp37:
0x50e: {  	(pc) =	sbr.rel @p0 .LBB2_68-.Ltmp37, $3  }
0x50f: {  	_ =	sdelay $0x1  }
0x510: {  	v20 =	vadd.s32 v13, v20;
	[tilespmem:v18+s17+$0x0] =	vst.idx.msk $0xffff, v19  }
0x511: {  	s1 =	sadd.s32 $0x10, s1;
	v20 =	vshll.u32 v20, $0x3;
	v18 =	vor.u32 s0, v4;
	v19 =	vld.idx.msk [tilespmem:v21+s31+$0x0], $0xffff  }
0x512: {  	v21 =	vand.u32 $0x78, v18;
	v20 =	vor.u32 v5, v20  }
0x513: {  	v21 =	vor.u32 v21, v14;
	_ =	sdelay $0x2  }
0x514: {  	v44 =	vadd.s32 v13, v18  }
0x515: {  	v45 =	vor.u32 s0, v6;
	v18 =	vshll.u32 v44, $0x3;
	[tilespmem:v20+s17+$0x0] =	vst.idx.msk $0xffff, v19  }
0x516: {  	v46 =	vand.u32 $0x78, v45;
	v18 =	vor.u32 v5, v18;
	v20 =	vld.idx.msk [tilespmem:v21+s31+$0x0], $0xffff  }
0x517: {  	v21 =	vor.u32 v46, v15;
	_ =	sdelay $0x2  }
0x518: {  	v19 =	vadd.s32 v13, v45  }
0x519: {  	v48 =	vor.u32 s0, v7;
	v47 =	vshll.u32 v19, $0x3;
	[tilespmem:v18+s17+$0x0] =	vst.idx.msk $0xffff, v20  }
0x51a: {  	v49 =	vand.u32 $0x78, v48;
	v18 =	vor.u32 v5, v47;
	v20 =	vld.idx.msk [tilespmem:v21+s31+$0x0], $0xffff  }
0x51b: {  	v21 =	vor.u32 v49, v16;
	_ =	sdelay $0x2  }
0x51c: {  	v19 =	vadd.s32 v13, v48  }
0x51d: {  	v51 =	vor.u32 s0, v8;
	v50 =	vshll.u32 v19, $0x3;
	[tilespmem:v18+s17+$0x0] =	vst.idx.msk $0xffff, v20  }
0x51e: {  	v52 =	vand.u32 $0x78, v51;
	v18 =	vor.u32 v5, v50;
	v20 =	vld.idx.msk [tilespmem:v21+s31+$0x0], $0xffff  }
0x51f: {  	v21 =	vor.u32 v52, v17;
	_ =	sdelay $0x2  }
0x520: {  	v19 =	vadd.s32 v13, v51  }
0x521: {  	v54 =	vor.u32 s0, v9;
	v53 =	vshll.u32 v19, $0x3;
	[tilespmem:v18+s17+$0x0] =	vst.idx.msk $0xffff, v20  }
0x522: {  	v55 =	vand.u32 $0x78, v54;
	v18 =	vor.u32 v5, v53;
	v20 =	vld.idx.msk [tilespmem:v21+s31+$0x0], $0xffff  }
0x523: {  	v14 =	vor.u32 v55, v14;
	_ =	sdelay $0x2  }
0x524: {  	v19 =	vadd.s32 v13, v54  }
0x525: {  	v57 =	vor.u32 s0, v10;
	v56 =	vshll.u32 v19, $0x3;
	[tilespmem:v18+s17+$0x0] =	vst.idx.msk $0xffff, v20  }
0x526: {  	v58 =	vand.u32 $0x78, v57;
	v18 =	vor.u32 v5, v56;
	v14 =	vld.idx.msk [tilespmem:v14+s31+$0x0], $0xffff  }
0x527: {  	v15 =	vor.u32 v58, v15;
	_ =	sdelay $0x2  }
0x528: {  	v19 =	vadd.s32 v13, v57  }
0x529: {  	v59 =	vor.u32 s0, v11;
	[tilespmem:v18+s17+$0x0] =	vst.idx.msk $0xffff, v14;
	v14 =	vshll.u32 v19, $0x3  }
0x52a: {  	v60 =	vand.u32 $0x78, v59;
	v15 =	vld.idx.msk [tilespmem:v15+s31+$0x0], $0xffff;
	v14 =	vor.u32 v5, v14  }
0x52b: {  	v61 =	vor.u32 v60, v16;
	_ =	sdelay $0x2  }
0x52c: {  	v18 =	vadd.s32 v13, v59  }
0x52d: {  	[tilespmem:v14+s17+$0x0] =	vst.idx.msk $0xffff, v15;
	v14 =	vshll.u32 v18, $0x3;
	v15 =	vor.u32 s0, v12  }
0x52e: {  	v16 =	vld.idx.msk [tilespmem:v61+s31+$0x0], $0xffff;
	v14 =	vor.u32 v5, v14;
	v62 =	vand.u32 $0x78, v15  }
0x52f: {  	v63 =	vor.u32 v62, v17;
	_ =	sdelay $0x2  }
0x530: {  	v13 =	vadd.s32 v13, v15  }
0x531: {  	s7 =	sadd.s32 $0x1, s7;
	v13 =	vshll.u32 v13, $0x3;
	[tilespmem:v14+s17+$0x0] =	vst.idx.msk $0xffff, v16  }
0x532: {  	p0 =	sne.s32 s7, $0x10;
	v13 =	vor.u32 v5, v13;
	v14 =	vld.idx.msk [tilespmem:v63+s31+$0x0], $0xffff  }
.Ltmp38:
0x533: {  	_ = 	snop;
	(pc) =	sbr.rel @p0 .LBB2_67-.Ltmp38, $2  }
0x534: {  	_ =	sdelay $0x2  }
0x535: {  	[tilespmem:v13+s17+$0x0] =	vst.idx.msk $0xffff, v14  }
0x536: {  	s26 =	sadd.s32 $0x1, s26  }
0x537: {  	p0 =	sne.s32 s26, $0x8  }
.Ltmp39:
0x538: {  	_ = 	snop;
	(pc) =	sbr.rel @p0 .LBB2_58-.Ltmp39, $3  }
0x539: {  	_ =	sdelay $0x1  }
0x53a: {  	s0 =	sadd.s32 s29, s22  }
0x53b: {  	[hbm4b:s0+s9] =	stream.linear.scatter [tilespmem:s17], [sflag:$0x4], $0x4000, $0x38;
	[tilespmem:$0x10000] =	vst v63  }
0x53c: {  	s0 =	simm.s32 $0x3  }
0x53d: {  	_ =	swait.ge [sflag:s0], $0x4000  }
0x53e: {  	[sflag:s0] =	ssyncset.done $0x0  }
0x53f: {  	[sflag:s0] =	ssyncadd.s32 $0xFFFFC000  }
0x540: {  	_ =	swait.ge [sflag:s14], $0x4000  }
0x541: {  	[sflag:s14] =	ssyncset.done $0x0  }
0x542: {  	s26 =	simm.s32 $0x0;
	s29 =	rddreg [dreg:$0xd];
	[sflag:s14] =	ssyncadd.s32 $0xFFFFC000  }
0x543: {  	[tilespmem:s26], [sflag:$0x1] =	stream.linear.gather [hbm4b:s29+s26], $0x4000, $0x38;
	[tilespmem:$0x10000] =	vst v63  }
.LBB2_72:
0x544: {  	s23 =	sshll.u32 s26, $0x5  }
0x545: {  	s0 =	sor.u32 s23, s10  }
0x546: {  	s0 =	sshll.u32 s0, $0x7  }
0x547: {  	s29 =	sor.u32 $0x800, s0  }
0x548: {  	s0 =	sadd.s32 s3, s29  }
0x549: {  	[tilespmem:s31], [sflag:$0x2] =	stream.linear.gather [hbm4b:s0+s9], $0x4000, $0x38;
	[tilespmem:$0x10000] =	vst v63  }
0x54a: {  	_ =	swait.ge [sflag:s6], $0x4000  }
0x54b: {  	p0 =	seq.s32 s26, $0x0;
	[sflag:s6] =	ssyncset.done $0x0  }
0x54c: {  	s0 =	simm.s32 @!p0 $0x3;
	[sflag:s6] =	ssyncadd.s32 $0xFFFFC000  }
0x54d: {  	_ =	swait.ge @!p0 [sflag:s0], $0x4000  }
0x54e: {  	[sflag:s0] =	ssyncset.done @!p0 $0x0  }
0x54f: {  	s20 =	simm.s32 $0x0;
	[sflag:s0] =	ssyncadd.s32 @!p0 $0xFFFFC000  }
.LBB2_73:
0x550: {  	s0 =	simm.s32 $0x0  }
0x551: {  	s1 =	sshll.u32 s20, $0xA;
	v15 =	vor.u32 s0, v4  }
0x552: {  	v14 =	vor.u32 s1, v0;
	v13 =	vand.u32 $0x78, v15  }
0x553: {  	v16 =	vor.u32 v13, v14  }
0x554: {  	s7 =	sshll.u32 s20, $0x7  }
0x555: {  	v13 =	vmov s7  }
0x556: {  	v15 =	vadd.s32 v13, v15  }
0x557: {  	v18 =	vor.u32 s0, v6;
	v17 =	vshll.u32 v15, $0x3  }
0x558: {  	v19 =	vand.u32 $0x78, v18;
	v15 =	vor.u32 s1, v1;
	v17 =	vor.u32 v5, v17;
	v16 =	vld.idx.msk [tilespmem:v16+s9+$0x0], $0xffff  }
0x559: {  	v19 =	vor.u32 v19, v15;
	_ =	sdelay $0x2  }
0x55a: {  	v18 =	vadd.s32 v13, v18  }
0x55b: {  	[tilespmem:v17+s8+$0x0] =	vst.idx.msk $0xffff, v16;
	v17 =	vshll.u32 v18, $0x3;
	v18 =	vor.u32 s0, v7  }
0x55c: {  	v16 =	vor.u32 s1, v2;
	v19 =	vld.idx.msk [tilespmem:v19+s9+$0x0], $0xffff;
	v17 =	vor.u32 v5, v17;
	v20 =	vand.u32 $0x78, v18  }
0x55d: {  	v20 =	vor.u32 v20, v16;
	_ =	sdelay $0x2  }
0x55e: {  	v18 =	vadd.s32 v13, v18  }
0x55f: {  	v18 =	vshll.u32 v18, $0x3;
	[tilespmem:v17+s8+$0x0] =	vst.idx.msk $0xffff, v19;
	v19 =	vor.u32 s0, v8  }
0x560: {  	v18 =	vor.u32 v5, v18;
	v17 =	vor.u32 s1, v3;
	v20 =	vld.idx.msk [tilespmem:v20+s9+$0x0], $0xffff;
	v21 =	vand.u32 $0x78, v19  }
0x561: {  	v21 =	vor.u32 v21, v17;
	_ =	sdelay $0x2  }
0x562: {  	v19 =	vadd.s32 v13, v19  }
0x563: {  	[tilespmem:v18+s8+$0x0] =	vst.idx.msk $0xffff, v20;
	v18 =	vshll.u32 v19, $0x3;
	v19 =	vor.u32 s0, v9  }
0x564: {  	v20 =	vld.idx.msk [tilespmem:v21+s9+$0x0], $0xffff;
	v18 =	vor.u32 v5, v18;
	v21 =	vand.u32 $0x78, v19  }
0x565: {  	v21 =	vor.u32 v21, v14;
	_ =	sdelay $0x2  }
0x566: {  	v19 =	vadd.s32 v13, v19  }
0x567: {  	[tilespmem:v18+s8+$0x0] =	vst.idx.msk $0xffff, v20;
	v18 =	vshll.u32 v19, $0x3;
	v19 =	vor.u32 s0, v10  }
0x568: {  	v20 =	vld.idx.msk [tilespmem:v21+s9+$0x0], $0xffff;
	v18 =	vor.u32 v5, v18;
	v21 =	vand.u32 $0x78, v19  }
0x569: {  	v21 =	vor.u32 v21, v15;
	_ =	sdelay $0x2  }
0x56a: {  	v19 =	vadd.s32 v13, v19  }
0x56b: {  	[tilespmem:v18+s8+$0x0] =	vst.idx.msk $0xffff, v20;
	v18 =	vshll.u32 v19, $0x3;
	v19 =	vor.u32 s0, v11  }
0x56c: {  	v20 =	vld.idx.msk [tilespmem:v21+s9+$0x0], $0xffff;
	v18 =	vor.u32 v5, v18;
	v21 =	vand.u32 $0x78, v19  }
0x56d: {  	v21 =	vor.u32 v21, v16;
	_ =	sdelay $0x2  }
0x56e: {  	v19 =	vadd.s32 v13, v19  }
0x56f: {  	[tilespmem:v18+s8+$0x0] =	vst.idx.msk $0xffff, v20;
	v18 =	vshll.u32 v19, $0x3;
	v19 =	vor.u32 s0, v12  }
0x570: {  	v20 =	vld.idx.msk [tilespmem:v21+s9+$0x0], $0xffff;
	v18 =	vor.u32 v5, v18;
	v21 =	vand.u32 $0x78, v19  }
0x571: {  	v21 =	vor.u32 v21, v17;
	_ =	sdelay $0x3  }
0x572: {  	s0 =	simm.s32 $0x10;
	[tilespmem:v18+s8+$0x0] =	vst.idx.msk $0xffff, v20;
	v20 =	vadd.s32 v13, v19  }
0x573: {  	s1 =	simm.s32 $0x20;
	v18 =	vor.u32 s0, v4;
	v19 =	vld.idx.msk [tilespmem:v21+s9+$0x0], $0xffff;
	v20 =	vshll.u32 v20, $0x3  }
.LBB2_74:
0x574: {  	p1 =	sne.s32 s1, $0x70;
	v21 =	vand.u32 $0x78, v18;
	v20 =	vor.u32 v5, v20  }
0x575: {  	v21 =	vor.u32 v21, v14;
	_ =	sdelay $0x3  }
0x576: {  	v18 =	vadd.s32 v13, v18;
	[tilespmem:v20+s8+$0x0] =	vst.idx.msk $0xffff, v19  }
0x577: {  	v18 =	vshll.u32 v18, $0x3;
	v20 =	vor.u32 s0, v6;
	v19 =	vld.idx.msk [tilespmem:v21+s9+$0x0], $0xffff  }
0x578: {  	v18 =	vor.u32 v5, v18;
	v21 =	vand.u32 $0x78, v20  }
0x579: {  	v21 =	vor.u32 v21, v15;
	_ =	sdelay $0x3  }
0x57a: {  	[tilespmem:v18+s8+$0x0] =	vst.idx.msk $0xffff, v19;
	v18 =	vadd.s32 v13, v20  }
0x57b: {  	v20 =	vor.u32 s0, v7;
	v19 =	vld.idx.msk [tilespmem:v21+s9+$0x0], $0xffff;
	v18 =	vshll.u32 v18, $0x3  }
0x57c: {  	v21 =	vand.u32 $0x78, v20;
	v18 =	vor.u32 v5, v18  }
0x57d: {  	v21 =	vor.u32 v21, v16;
	_ =	sdelay $0x3  }
0x57e: {  	[tilespmem:v18+s8+$0x0] =	vst.idx.msk $0xffff, v19;
	v18 =	vadd.s32 v13, v20  }
0x57f: {  	v20 =	vor.u32 s0, v8;
	v19 =	vld.idx.msk [tilespmem:v21+s9+$0x0], $0xffff;
	v18 =	vshll.u32 v18, $0x3  }
0x580: {  	v21 =	vand.u32 $0x78, v20;
	v18 =	vor.u32 v5, v18  }
0x581: {  	v21 =	vor.u32 v21, v17;
	_ =	sdelay $0x3  }
0x582: {  	[tilespmem:v18+s8+$0x0] =	vst.idx.msk $0xffff, v19;
	v18 =	vadd.s32 v13, v20  }
0x583: {  	v20 =	vor.u32 s0, v9;
	v19 =	vld.idx.msk [tilespmem:v21+s9+$0x0], $0xffff;
	v18 =	vshll.u32 v18, $0x3  }
0x584: {  	v21 =	vand.u32 $0x78, v20;
	v18 =	vor.u32 v5, v18  }
0x585: {  	v21 =	vor.u32 v21, v14;
	_ =	sdelay $0x3  }
0x586: {  	[tilespmem:v18+s8+$0x0] =	vst.idx.msk $0xffff, v19;
	v18 =	vadd.s32 v13, v20  }
0x587: {  	v20 =	vor.u32 s0, v10;
	v19 =	vld.idx.msk [tilespmem:v21+s9+$0x0], $0xffff;
	v18 =	vshll.u32 v18, $0x3  }
0x588: {  	v21 =	vand.u32 $0x78, v20;
	v18 =	vor.u32 v5, v18  }
0x589: {  	v21 =	vor.u32 v21, v15;
	_ =	sdelay $0x3  }
0x58a: {  	[tilespmem:v18+s8+$0x0] =	vst.idx.msk $0xffff, v19;
	v18 =	vadd.s32 v13, v20  }
0x58b: {  	v20 =	vor.u32 s0, v11;
	v19 =	vld.idx.msk [tilespmem:v21+s9+$0x0], $0xffff;
	v18 =	vshll.u32 v18, $0x3  }
0x58c: {  	v21 =	vand.u32 $0x78, v20;
	v18 =	vor.u32 v5, v18  }
0x58d: {  	v21 =	vor.u32 v21, v16;
	_ =	sdelay $0x3  }
0x58e: {  	[tilespmem:v18+s8+$0x0] =	vst.idx.msk $0xffff, v19;
	v18 =	vadd.s32 v13, v20  }
0x58f: {  	v20 =	vor.u32 s0, v12;
	s0 =	smov.u32 s1;
	v19 =	vld.idx.msk [tilespmem:v21+s9+$0x0], $0xffff;
	v18 =	vshll.u32 v18, $0x3  }
0x590: {  	v21 =	vand.u32 $0x78, v20;
	v18 =	vor.u32 v5, v18  }
0x591: {  	v21 =	vor.u32 v21, v17  }
.Ltmp40:
0x592: {  	(pc) =	sbr.rel @p1 .LBB2_74-.Ltmp40, $3  }
0x593: {  	_ =	sdelay $0x1  }
0x594: {  	v20 =	vadd.s32 v13, v20;
	[tilespmem:v18+s8+$0x0] =	vst.idx.msk $0xffff, v19  }
0x595: {  	s1 =	sadd.s32 $0x10, s1;
	v20 =	vshll.u32 v20, $0x3;
	v18 =	vor.u32 s0, v4;
	v19 =	vld.idx.msk [tilespmem:v21+s9+$0x0], $0xffff  }
0x596: {  	v21 =	vand.u32 $0x78, v18;
	v20 =	vor.u32 v5, v20  }
0x597: {  	v21 =	vor.u32 v21, v14;
	_ =	sdelay $0x2  }
0x598: {  	v44 =	vadd.s32 v13, v18  }
0x599: {  	v45 =	vor.u32 s0, v6;
	v18 =	vshll.u32 v44, $0x3;
	[tilespmem:v20+s8+$0x0] =	vst.idx.msk $0xffff, v19  }
0x59a: {  	v46 =	vand.u32 $0x78, v45;
	v18 =	vor.u32 v5, v18;
	v20 =	vld.idx.msk [tilespmem:v21+s9+$0x0], $0xffff  }
0x59b: {  	v21 =	vor.u32 v46, v15;
	_ =	sdelay $0x2  }
0x59c: {  	v19 =	vadd.s32 v13, v45  }
0x59d: {  	v48 =	vor.u32 s0, v7;
	v47 =	vshll.u32 v19, $0x3;
	[tilespmem:v18+s8+$0x0] =	vst.idx.msk $0xffff, v20  }
0x59e: {  	v49 =	vand.u32 $0x78, v48;
	v18 =	vor.u32 v5, v47;
	v20 =	vld.idx.msk [tilespmem:v21+s9+$0x0], $0xffff  }
0x59f: {  	v21 =	vor.u32 v49, v16;
	_ =	sdelay $0x2  }
0x5a0: {  	v19 =	vadd.s32 v13, v48  }
0x5a1: {  	v51 =	vor.u32 s0, v8;
	v50 =	vshll.u32 v19, $0x3;
	[tilespmem:v18+s8+$0x0] =	vst.idx.msk $0xffff, v20  }
0x5a2: {  	v52 =	vand.u32 $0x78, v51;
	v18 =	vor.u32 v5, v50;
	v20 =	vld.idx.msk [tilespmem:v21+s9+$0x0], $0xffff  }
0x5a3: {  	v21 =	vor.u32 v52, v17;
	_ =	sdelay $0x2  }
0x5a4: {  	v19 =	vadd.s32 v13, v51  }
0x5a5: {  	v54 =	vor.u32 s0, v9;
	v53 =	vshll.u32 v19, $0x3;
	[tilespmem:v18+s8+$0x0] =	vst.idx.msk $0xffff, v20  }
0x5a6: {  	v55 =	vand.u32 $0x78, v54;
	v18 =	vor.u32 v5, v53;
	v20 =	vld.idx.msk [tilespmem:v21+s9+$0x0], $0xffff  }
0x5a7: {  	v14 =	vor.u32 v55, v14;
	_ =	sdelay $0x2  }
0x5a8: {  	v19 =	vadd.s32 v13, v54  }
0x5a9: {  	v57 =	vor.u32 s0, v10;
	v56 =	vshll.u32 v19, $0x3;
	[tilespmem:v18+s8+$0x0] =	vst.idx.msk $0xffff, v20  }
0x5aa: {  	v58 =	vand.u32 $0x78, v57;
	v18 =	vor.u32 v5, v56;
	v14 =	vld.idx.msk [tilespmem:v14+s9+$0x0], $0xffff  }
0x5ab: {  	v15 =	vor.u32 v58, v15;
	_ =	sdelay $0x2  }
0x5ac: {  	v19 =	vadd.s32 v13, v57  }
0x5ad: {  	v59 =	vor.u32 s0, v11;
	[tilespmem:v18+s8+$0x0] =	vst.idx.msk $0xffff, v14;
	v14 =	vshll.u32 v19, $0x3  }
0x5ae: {  	v60 =	vand.u32 $0x78, v59;
	v15 =	vld.idx.msk [tilespmem:v15+s9+$0x0], $0xffff;
	v14 =	vor.u32 v5, v14  }
0x5af: {  	v61 =	vor.u32 v60, v16;
	_ =	sdelay $0x2  }
0x5b0: {  	v18 =	vadd.s32 v13, v59  }
0x5b1: {  	[tilespmem:v14+s8+$0x0] =	vst.idx.msk $0xffff, v15;
	v14 =	vshll.u32 v18, $0x3;
	v15 =	vor.u32 s0, v12  }
0x5b2: {  	v16 =	vld.idx.msk [tilespmem:v61+s9+$0x0], $0xffff;
	v14 =	vor.u32 v5, v14;
	v62 =	vand.u32 $0x78, v15  }
0x5b3: {  	v63 =	vor.u32 v62, v17;
	_ =	sdelay $0x2  }
0x5b4: {  	v13 =	vadd.s32 v13, v15  }
0x5b5: {  	s20 =	sadd.s32 $0x1, s20;
	v13 =	vshll.u32 v13, $0x3;
	[tilespmem:v14+s8+$0x0] =	vst.idx.msk $0xffff, v16  }
0x5b6: {  	p1 =	sne.s32 s20, $0x10;
	v13 =	vor.u32 v5, v13;
	v14 =	vld.idx.msk [tilespmem:v63+s9+$0x0], $0xffff  }
.Ltmp41:
0x5b7: {  	_ = 	snop;
	(pc) =	sbr.rel @p1 .LBB2_73-.Ltmp41, $2  }
0x5b8: {  	_ =	sdelay $0x2  }
0x5b9: {  	[tilespmem:v13+s8+$0x0] =	vst.idx.msk $0xffff, v14  }
0x5ba: {  	p1 =	sne.s32 s26, $0x7  }
.Ltmp42:
0x5bb: {  	_ = 	snop;
	(pc) =	sbr.rel @p1 .LBB2_78-.Ltmp42, $4  }
0x5bc: {  	_ = 	snop  }
0x5bd: {  	s0 =	sshll.u32 s26, $0xC  }
0x5be: {  	s0 =	sadd.s32 s0, s28  }
0x5bf: {  	[hbm4b:s0+s9] =	stream.linear.scatter [tilespmem:s8], [sflag:$0x3], $0x4000, $0x38;
	[tilespmem:$0x10000] =	vst v63  }
.Ltmp43:
0x5c0: {  	(pc) =	sbr.rel .LBB2_79-.Ltmp43, $4  }
0x5c1: {  	_ = 	snop  }
0x5c2: {  	_ =	swait.ge [sflag:s11], $0x4000  }
0x5c3: {  	[sflag:s11] =	ssyncset.done $0x0  }
0x5c4: {  	[sflag:s11] =	ssyncadd.s32 $0xFFFFC000  }
.LBB2_78:
0x5c5: {  	s0 =	sadd.s32 s23, s30  }
0x5c6: {  	s0 =	sshll.u32 s0, $0x7  }
.Ltmp44:
0x5c7: {  	s0 =	sadd.s32 s3, s0;
	(pc) =	sbr.rel @p0 .LBB2_80-.Ltmp44, $4  }
0x5c8: {  	[tilespmem:s9], [sflag:$0x1] =	stream.linear.gather [hbm4b:s0+s9], $0x4000, $0x38;
	[tilespmem:$0x10000] =	vst v63  }
0x5c9: {  	_ =	swait.ge [sflag:s11], $0x4000  }
0x5ca: {  	[sflag:s11] =	ssyncset.done $0x0  }
0x5cb: {  	[sflag:s11] =	ssyncadd.s32 $0xFFFFC000  }
.LBB2_79:
0x5cc: {  	_ =	swait.ge [sflag:s14], $0x4000  }
0x5cd: {  	[sflag:s14] =	ssyncset.done $0x0  }
0x5ce: {  	[sflag:s14] =	ssyncadd.s32 $0xFFFFC000  }
.LBB2_80:
0x5cf: {  	s20 =	simm.s32 $0x0;
	s7 =	simm.s32 $0x0  }
.LBB2_81:
0x5d0: {  	s0 =	sshll.u32 s7, $0xA;
	v15 =	vor.u32 s20, v4  }
0x5d1: {  	v14 =	vor.u32 s0, v0;
	v13 =	vand.u32 $0x78, v15  }
0x5d2: {  	v16 =	vor.u32 v13, v14  }
0x5d3: {  	s1 =	sshll.u32 s7, $0x7  }
0x5d4: {  	v13 =	vmov s1  }
0x5d5: {  	v15 =	vadd.s32 v13, v15  }
0x5d6: {  	v18 =	vor.u32 s20, v6;
	v17 =	vshll.u32 v15, $0x3  }
0x5d7: {  	v19 =	vand.u32 $0x78, v18;
	v15 =	vor.u32 s0, v1;
	v17 =	vor.u32 v5, v17;
	v16 =	vld.idx.msk [tilespmem:v16+s31+$0x0], $0xffff  }
0x5d8: {  	v19 =	vor.u32 v19, v15;
	_ =	sdelay $0x2  }
0x5d9: {  	v18 =	vadd.s32 v13, v18  }
0x5da: {  	[tilespmem:v17+s17+$0x0] =	vst.idx.msk $0xffff, v16;
	v17 =	vshll.u32 v18, $0x3;
	v18 =	vor.u32 s20, v7  }
0x5db: {  	v16 =	vor.u32 s0, v2;
	v19 =	vld.idx.msk [tilespmem:v19+s31+$0x0], $0xffff;
	v17 =	vor.u32 v5, v17;
	v20 =	vand.u32 $0x78, v18  }
0x5dc: {  	v20 =	vor.u32 v20, v16;
	_ =	sdelay $0x2  }
0x5dd: {  	v18 =	vadd.s32 v13, v18  }
0x5de: {  	v18 =	vshll.u32 v18, $0x3;
	[tilespmem:v17+s17+$0x0] =	vst.idx.msk $0xffff, v19;
	v19 =	vor.u32 s20, v8  }
0x5df: {  	v18 =	vor.u32 v5, v18;
	v17 =	vor.u32 s0, v3;
	v20 =	vld.idx.msk [tilespmem:v20+s31+$0x0], $0xffff;
	v21 =	vand.u32 $0x78, v19  }
0x5e0: {  	v21 =	vor.u32 v21, v17;
	_ =	sdelay $0x2  }
0x5e1: {  	v19 =	vadd.s32 v13, v19  }
0x5e2: {  	[tilespmem:v18+s17+$0x0] =	vst.idx.msk $0xffff, v20;
	v18 =	vshll.u32 v19, $0x3;
	v19 =	vor.u32 s20, v9  }
0x5e3: {  	v20 =	vld.idx.msk [tilespmem:v21+s31+$0x0], $0xffff;
	v18 =	vor.u32 v5, v18;
	v21 =	vand.u32 $0x78, v19  }
0x5e4: {  	v21 =	vor.u32 v21, v14;
	_ =	sdelay $0x2  }
0x5e5: {  	v19 =	vadd.s32 v13, v19  }
0x5e6: {  	[tilespmem:v18+s17+$0x0] =	vst.idx.msk $0xffff, v20;
	v18 =	vshll.u32 v19, $0x3;
	v19 =	vor.u32 s20, v10  }
0x5e7: {  	v20 =	vld.idx.msk [tilespmem:v21+s31+$0x0], $0xffff;
	v18 =	vor.u32 v5, v18;
	v21 =	vand.u32 $0x78, v19  }
0x5e8: {  	v21 =	vor.u32 v21, v15;
	_ =	sdelay $0x2  }
0x5e9: {  	v19 =	vadd.s32 v13, v19  }
0x5ea: {  	[tilespmem:v18+s17+$0x0] =	vst.idx.msk $0xffff, v20;
	v18 =	vshll.u32 v19, $0x3;
	v19 =	vor.u32 s20, v11  }
0x5eb: {  	v20 =	vld.idx.msk [tilespmem:v21+s31+$0x0], $0xffff;
	v18 =	vor.u32 v5, v18;
	v21 =	vand.u32 $0x78, v19  }
0x5ec: {  	v21 =	vor.u32 v21, v16;
	_ =	sdelay $0x2  }
0x5ed: {  	v19 =	vadd.s32 v13, v19  }
0x5ee: {  	[tilespmem:v18+s17+$0x0] =	vst.idx.msk $0xffff, v20;
	v18 =	vshll.u32 v19, $0x3;
	v19 =	vor.u32 s20, v12  }
0x5ef: {  	v20 =	vld.idx.msk [tilespmem:v21+s31+$0x0], $0xffff;
	v18 =	vor.u32 v5, v18;
	v21 =	vand.u32 $0x78, v19  }
0x5f0: {  	v21 =	vor.u32 v21, v17;
	_ =	sdelay $0x3  }
0x5f1: {  	s0 =	simm.s32 $0x10;
	[tilespmem:v18+s17+$0x0] =	vst.idx.msk $0xffff, v20;
	v20 =	vadd.s32 v13, v19  }
0x5f2: {  	s1 =	simm.s32 $0x20;
	v18 =	vor.u32 s0, v4;
	v19 =	vld.idx.msk [tilespmem:v21+s31+$0x0], $0xffff;
	v20 =	vshll.u32 v20, $0x3  }
.LBB2_82:
0x5f3: {  	p0 =	sne.s32 s1, $0x70;
	v21 =	vand.u32 $0x78, v18;
	v20 =	vor.u32 v5, v20  }
0x5f4: {  	v21 =	vor.u32 v21, v14;
	_ =	sdelay $0x3  }
0x5f5: {  	v18 =	vadd.s32 v13, v18;
	[tilespmem:v20+s17+$0x0] =	vst.idx.msk $0xffff, v19  }
0x5f6: {  	v18 =	vshll.u32 v18, $0x3;
	v20 =	vor.u32 s0, v6;
	v19 =	vld.idx.msk [tilespmem:v21+s31+$0x0], $0xffff  }
0x5f7: {  	v18 =	vor.u32 v5, v18;
	v21 =	vand.u32 $0x78, v20  }
0x5f8: {  	v21 =	vor.u32 v21, v15;
	_ =	sdelay $0x3  }
0x5f9: {  	[tilespmem:v18+s17+$0x0] =	vst.idx.msk $0xffff, v19;
	v18 =	vadd.s32 v13, v20  }
0x5fa: {  	v20 =	vor.u32 s0, v7;
	v19 =	vld.idx.msk [tilespmem:v21+s31+$0x0], $0xffff;
	v18 =	vshll.u32 v18, $0x3  }
0x5fb: {  	v21 =	vand.u32 $0x78, v20;
	v18 =	vor.u32 v5, v18  }
0x5fc: {  	v21 =	vor.u32 v21, v16;
	_ =	sdelay $0x3  }
0x5fd: {  	[tilespmem:v18+s17+$0x0] =	vst.idx.msk $0xffff, v19;
	v18 =	vadd.s32 v13, v20  }
0x5fe: {  	v20 =	vor.u32 s0, v8;
	v19 =	vld.idx.msk [tilespmem:v21+s31+$0x0], $0xffff;
	v18 =	vshll.u32 v18, $0x3  }
0x5ff: {  	v21 =	vand.u32 $0x78, v20;
	v18 =	vor.u32 v5, v18  }
0x600: {  	v21 =	vor.u32 v21, v17;
	_ =	sdelay $0x3  }
0x601: {  	[tilespmem:v18+s17+$0x0] =	vst.idx.msk $0xffff, v19;
	v18 =	vadd.s32 v13, v20  }
0x602: {  	v20 =	vor.u32 s0, v9;
	v19 =	vld.idx.msk [tilespmem:v21+s31+$0x0], $0xffff;
	v18 =	vshll.u32 v18, $0x3  }
0x603: {  	v21 =	vand.u32 $0x78, v20;
	v18 =	vor.u32 v5, v18  }
0x604: {  	v21 =	vor.u32 v21, v14;
	_ =	sdelay $0x3  }
0x605: {  	[tilespmem:v18+s17+$0x0] =	vst.idx.msk $0xffff, v19;
	v18 =	vadd.s32 v13, v20  }
0x606: {  	v20 =	vor.u32 s0, v10;
	v19 =	vld.idx.msk [tilespmem:v21+s31+$0x0], $0xffff;
	v18 =	vshll.u32 v18, $0x3  }
0x607: {  	v21 =	vand.u32 $0x78, v20;
	v18 =	vor.u32 v5, v18  }
0x608: {  	v21 =	vor.u32 v21, v15;
	_ =	sdelay $0x3  }
0x609: {  	[tilespmem:v18+s17+$0x0] =	vst.idx.msk $0xffff, v19;
	v18 =	vadd.s32 v13, v20  }
0x60a: {  	v20 =	vor.u32 s0, v11;
	v19 =	vld.idx.msk [tilespmem:v21+s31+$0x0], $0xffff;
	v18 =	vshll.u32 v18, $0x3  }
0x60b: {  	v21 =	vand.u32 $0x78, v20;
	v18 =	vor.u32 v5, v18  }
0x60c: {  	v21 =	vor.u32 v21, v16;
	_ =	sdelay $0x3  }
0x60d: {  	[tilespmem:v18+s17+$0x0] =	vst.idx.msk $0xffff, v19;
	v18 =	vadd.s32 v13, v20  }
0x60e: {  	v20 =	vor.u32 s0, v12;
	s0 =	smov.u32 s1;
	v19 =	vld.idx.msk [tilespmem:v21+s31+$0x0], $0xffff;
	v18 =	vshll.u32 v18, $0x3  }
0x60f: {  	v21 =	vand.u32 $0x78, v20;
	v18 =	vor.u32 v5, v18  }
0x610: {  	v21 =	vor.u32 v21, v17  }
.Ltmp45:
0x611: {  	(pc) =	sbr.rel @p0 .LBB2_82-.Ltmp45, $3  }
0x612: {  	_ =	sdelay $0x1  }
0x613: {  	v20 =	vadd.s32 v13, v20;
	[tilespmem:v18+s17+$0x0] =	vst.idx.msk $0xffff, v19  }
0x614: {  	s1 =	sadd.s32 $0x10, s1;
	v20 =	vshll.u32 v20, $0x3;
	v18 =	vor.u32 s0, v4;
	v19 =	vld.idx.msk [tilespmem:v21+s31+$0x0], $0xffff  }
0x615: {  	v21 =	vand.u32 $0x78, v18;
	v20 =	vor.u32 v5, v20  }
0x616: {  	v21 =	vor.u32 v21, v14;
	_ =	sdelay $0x2  }
0x617: {  	v44 =	vadd.s32 v13, v18  }
0x618: {  	v45 =	vor.u32 s0, v6;
	v18 =	vshll.u32 v44, $0x3;
	[tilespmem:v20+s17+$0x0] =	vst.idx.msk $0xffff, v19  }
0x619: {  	v46 =	vand.u32 $0x78, v45;
	v18 =	vor.u32 v5, v18;
	v20 =	vld.idx.msk [tilespmem:v21+s31+$0x0], $0xffff  }
0x61a: {  	v21 =	vor.u32 v46, v15;
	_ =	sdelay $0x2  }
0x61b: {  	v19 =	vadd.s32 v13, v45  }
0x61c: {  	v48 =	vor.u32 s0, v7;
	v47 =	vshll.u32 v19, $0x3;
	[tilespmem:v18+s17+$0x0] =	vst.idx.msk $0xffff, v20  }
0x61d: {  	v49 =	vand.u32 $0x78, v48;
	v18 =	vor.u32 v5, v47;
	v20 =	vld.idx.msk [tilespmem:v21+s31+$0x0], $0xffff  }
0x61e: {  	v21 =	vor.u32 v49, v16;
	_ =	sdelay $0x2  }
0x61f: {  	v19 =	vadd.s32 v13, v48  }
0x620: {  	v51 =	vor.u32 s0, v8;
	v50 =	vshll.u32 v19, $0x3;
	[tilespmem:v18+s17+$0x0] =	vst.idx.msk $0xffff, v20  }
0x621: {  	v52 =	vand.u32 $0x78, v51;
	v18 =	vor.u32 v5, v50;
	v20 =	vld.idx.msk [tilespmem:v21+s31+$0x0], $0xffff  }
0x622: {  	v21 =	vor.u32 v52, v17;
	_ =	sdelay $0x2  }
0x623: {  	v19 =	vadd.s32 v13, v51  }
0x624: {  	v54 =	vor.u32 s0, v9;
	v53 =	vshll.u32 v19, $0x3;
	[tilespmem:v18+s17+$0x0] =	vst.idx.msk $0xffff, v20  }
0x625: {  	v55 =	vand.u32 $0x78, v54;
	v18 =	vor.u32 v5, v53;
	v20 =	vld.idx.msk [tilespmem:v21+s31+$0x0], $0xffff  }
0x626: {  	v14 =	vor.u32 v55, v14;
	_ =	sdelay $0x2  }
0x627: {  	v19 =	vadd.s32 v13, v54  }
0x628: {  	v57 =	vor.u32 s0, v10;
	v56 =	vshll.u32 v19, $0x3;
	[tilespmem:v18+s17+$0x0] =	vst.idx.msk $0xffff, v20  }
0x629: {  	v58 =	vand.u32 $0x78, v57;
	v18 =	vor.u32 v5, v56;
	v14 =	vld.idx.msk [tilespmem:v14+s31+$0x0], $0xffff  }
0x62a: {  	v15 =	vor.u32 v58, v15;
	_ =	sdelay $0x2  }
0x62b: {  	v19 =	vadd.s32 v13, v57  }
0x62c: {  	v59 =	vor.u32 s0, v11;
	[tilespmem:v18+s17+$0x0] =	vst.idx.msk $0xffff, v14;
	v14 =	vshll.u32 v19, $0x3  }
0x62d: {  	v60 =	vand.u32 $0x78, v59;
	v15 =	vld.idx.msk [tilespmem:v15+s31+$0x0], $0xffff;
	v14 =	vor.u32 v5, v14  }
0x62e: {  	v61 =	vor.u32 v60, v16;
	_ =	sdelay $0x2  }
0x62f: {  	v18 =	vadd.s32 v13, v59  }
0x630: {  	[tilespmem:v14+s17+$0x0] =	vst.idx.msk $0xffff, v15;
	v14 =	vshll.u32 v18, $0x3;
	v15 =	vor.u32 s0, v12  }
0x631: {  	v16 =	vld.idx.msk [tilespmem:v61+s31+$0x0], $0xffff;
	v14 =	vor.u32 v5, v14;
	v62 =	vand.u32 $0x78, v15  }
0x632: {  	v63 =	vor.u32 v62, v17;
	_ =	sdelay $0x2  }
0x633: {  	v13 =	vadd.s32 v13, v15  }
0x634: {  	s7 =	sadd.s32 $0x1, s7;
	v13 =	vshll.u32 v13, $0x3;
	[tilespmem:v14+s17+$0x0] =	vst.idx.msk $0xffff, v16  }
0x635: {  	p0 =	sne.s32 s7, $0x10;
	v13 =	vor.u32 v5, v13;
	v14 =	vld.idx.msk [tilespmem:v63+s31+$0x0], $0xffff  }
.Ltmp46:
0x636: {  	_ = 	snop;
	(pc) =	sbr.rel @p0 .LBB2_81-.Ltmp46, $2  }
0x637: {  	_ =	sdelay $0x2  }
0x638: {  	[tilespmem:v13+s17+$0x0] =	vst.idx.msk $0xffff, v14  }
0x639: {  	s26 =	sadd.s32 $0x1, s26  }
0x63a: {  	p0 =	sne.s32 s26, $0x8  }
.Ltmp47:
0x63b: {  	_ = 	snop;
	(pc) =	sbr.rel @p0 .LBB2_72-.Ltmp47, $3  }
0x63c: {  	_ =	sdelay $0x1  }
0x63d: {  	s0 =	sadd.s32 s29, s25  }
0x63e: {  	[hbm4b:s0+s9] =	stream.linear.scatter [tilespmem:s17], [sflag:$0x4], $0x4000, $0x38;
	[tilespmem:$0x10000] =	vst v63  }
0x63f: {  	s0 =	simm.s32 $0x3  }
0x640: {  	_ =	swait.ge [sflag:s0], $0x4000  }
0x641: {  	[sflag:s0] =	ssyncset.done $0x0  }
0x642: {  	[sflag:s0] =	ssyncadd.s32 $0xFFFFC000  }
0x643: {  	_ =	swait.ge [sflag:s14], $0x4000  }
0x644: {  	s1 =	rddreg [dreg:$0xf]  }
0x645: {  	s29 =	rddreg [dreg:$0xe];
	s1 =	sadd.s32 $0x1, s1  }
0x646: {  	p0 =	sne.s32 s1, s29  }
.Ltmp48:
0x647: {  	_ = 	snop;
	(pc) =	sbr.rel @p0 .LBB2_1-.Ltmp48, $3  }
0x648: {  	_ =	sdelay $0x1  }
0x649: {  	[sflag:s14] =	ssyncset.done $0x0  }
0x64a: {  	[sflag:s14] =	ssyncadd.s32 $0xFFFFC000  }
0x64b: {  	_ =	sfence.sel $0x180000  }
0x64c: {  	[bflag:$0x0] =	sbarrier.arrive $0xFFFF  }
0x64d: {  	_ =	strace $0x90000047  }
0x64e: {  	s0 =	stileid.u32;
	[bflag:$0x2] =	sbarrier.arrive $0xFFFF  }
0x64f: {  	p0 =	sne.s32 s0, $0x0;
	s0 =	rddreg [dreg:$0x7]  }
0x650: {  	s0 =	sadd.s32 @!p0 $0x100000, s0  }
0x651: {  	[sflag:s0] =	ssyncadd.tile.s32 @!p0 $0x1;
	_ =	shalt  }
.Lfunc_end2:
_tile_overlayer_lowered:
.L_overlay_start_2:
0x652: {  	(tag) =	ssettag $0x2  }
0x653: {  	s0 =	rddreg [dreg:$0x0];
	s2 =	stileid.u32  }
0x654: {  	s1 =	rddreg [dreg:$0x1];
	p0 =	sne.s32 s2, $0x0  }
0x655: {  	s3 =	rddreg [dreg:$0x2];
	[bflag:$0x3] =	sbarrier.arrive $0xFFFF;
	s2 =	simm.s32 @!p0 $0x1C05  }
0x656: {  	[timem:s3], [sflag:s2] =	dma.local @!p0 [hbm:s0], s1  }
0x657: {  	s0 =	simm.s32 @!p0 $0x5  }
0x658: {  	_ =	swait.ge @!p0 [sflag:s0], s1  }
0x659: {  	s1 =	ssub.s32 @!p0 $0x0, s1;
	[sflag:s0] =	ssyncset.done @!p0 $0x0  }
0x65a: {  	[sflag:s0] =	ssyncadd.s32 @!p0 s1  }
0x65b: {  	[bflag:$0x3] =	sbarrier.arrive $0xFFFF  }
0x65c: {  	_ =	shalt  }

// kernel: sparse-core-data-format-call.cloned.1.call-start
scs
called_computation_lowered:
.L_overlay_start_0:
0x0: {  	s2 =	sld [smem:$0x3FD9]  }
0x1: {  	s3 =	sld [smem:$0x3FFE];
	_ =	sdelay $0x1  }
0x2: {  	s1 =	srdreg.scid  }
0x3: {  	s0 =	sand.u32 $0x1, s1  }
0x4: {  	s18 =	sshll.u32 s0, $0xA;
	s2 =	sadd.s32 s3, s2  }
0x5: {  	s2 =	sadd.s32 s2, s18  }
0x6: {  	[smem:$0x3FC2] =	sst s2  }
0x7: {  	_ = 	snop  }
0x8: {  	s2 =	sld [smem:$0x3FD0];
	(tm) =	ssettm $0x1  }
0x9: {  	s19 =	sld [smem:$0x3FFB];
	_ =	sdelay $0x3  }
0xa: {  	_ =	strace s19  }
0xb: {  	s3 =	sld [smem:$0x3FFC];
	_ =	sdelay $0x3  }
0xc: {  	_ =	strace s3  }
0xd: {  	s3 =	sld [smem:$0x3FFD];
	_ =	sdelay $0x3  }
0xe: {  	_ =	strace s3  }
0xf: {  	_ =	strace $0x8FFFFFFF  }
0x10: {  	s20 =	sld [smem:$0x3FDB];
	_ =	sdelay $0x1  }
0x11: {  	s4 =	simm.s32 $_scs_section_size  }
0x12: {  	s5 =	simm.s32 $_size__tile_overlayer_lowered;
	s6 =	simm.s32 $_tile_overlayer_lowered  }
0x13: {  	s23 =	simm.s32 $0x1BFF;
	s22 =	sshll.u32 s6, $0x1;
	s3 =	sadd.s32 s4, s20  }
0x14: {  	s7 =	simm.s32 $0x0;
	s21 =	sshll.u32 s5, $0x1;
	s5 =	sadd.s32 s22, s3  }
0x15: {  	[timem:s7], [sflag:s23] =	dma.local [hbm:s5], s21  }
0x16: {  	_ =	swait.ge [sflag:s23], s21  }
0x17: {  	s4 =	ssub.s32 $0x0, s21;
	[sflag:s23] =	ssyncset.done $0x0  }
0x18: {  	[sflag:s23] =	ssyncadd.s32 s4;
	_ =	sdelay $0x1  }
0x19: {  	s24 =	simm.s32 $0x1B8B  }
0x1a: {  	_ =	swait.ge [sflag:s24], $0x1  }
0x1b: {  	[sflag:s24] =	ssyncset.done $0x0  }
0x1c: {  	s26 =	simm.s32 $0x1B8E;
	s25 =	sld [smem:$0x3FFE];
	[sflag:s24] =	ssyncadd.s32 $0xFFFFFFFF  }
0x1d: {  	s27 =	simm.s32 $execute0_lowered;
	[smem:$0x3FD2] =	sst s26  }
0x1e: {  	s5 =	sshll.u32 s27, $0x1;
	_ =	strace $0x80000049;
	[dreg:$0x1] =	wrdreg $0xFFFFFFFF  }
0x1f: {  	s28 =	simm.s32 $_size_execute0_lowered;
	s3 =	sadd.s32 s3, s5;
	[dreg:$0x0] =	wrdreg $0x0  }
0x20: {  	s5 =	sshll.u32 s28, $0x1;
	[dreg:$0x2] =	wrdreg s3  }
0x21: {  	[dreg:$0x3] =	wrdreg s5  }
0x22: {  	[dreg:$0x4] =	wrdreg $0xC0  }
0x23: {  	_ =	task [dreg:s7], $0x5FFFF  }
0x24: {  	[dreg:$0x1] =	wrdreg $0xFFFFFFFF  }
0x25: {  	[dreg:$0x0] =	wrdreg $0x60  }
0x26: {  	[dreg:$0x2] =	wrdreg s25  }
0x27: {  	[dreg:$0x3] =	wrdreg s2  }
0x28: {  	[dreg:$0x4] =	wrdreg $0x9  }
0x29: {  	_ =	task.clear_ibuf [dreg:s7], $0x5FFFF;
	_ =	strace $0x90000049  }
0x2a: {  	s29 =	simm.s32 $0x9;
	_ =	strace $0x8000004B  }
0x2b: {  	_ =	swait.ge [sflag:s29], $0x1  }
0x2c: {  	[sflag:s29] =	ssyncadd.s32 $0xFFFFFFFF  }
0x2d: {  	_ =	strace $0x9000004B  }
0x2e: {  	_ =	sfence  }
0x2f: {  	s30 =	sld [smem:$0x0];
	_ =	sdelay $0x2  }
0x30: {  	s31 =	sshll.u32 s1, $0xD;
	s1 =	sshrl.u32 s1, $0x2  }
0x31: {  	s3 =	sand.u32 $0x4000, s31;
	s1 =	sadd.s32 s1, s30  }
0x32: {  	s0 =	sor.u32 s3, s0;
	s1 =	sshll.u32 s1, $0x11  }
0x33: {  	s0 =	sor.u32 s1, s0  }
0x34: {  	s0 =	sadd.s32 $0x8F2B, s0  }
0x35: {  	[sflag:s0] =	ssyncadd.remote.s32 $0x1  }
0x36: {  	_ =	sfence.sel $0xFFFF  }
0x37: {  	[dreg:$0x0] =	wrdreg $0xFFFFFFFF;
	(pc) =	sbr.abs _section_cstart, $3  }
0x38: {  	[dreg:$0x1] =	wrdreg $0xFFFFFFFF  }
0x39: {  	_ =	task.clear_ibuf [dreg:s7], $0x2FFFF;
	_ =	strace $0x9FFFFFFF  }
0x3a: {  	(tm) =	ssettm $0x7FFFFFFF  }
0x3b: {  	_ =	shalt  }
tec
execute0_lowered:
.L_overlay_start_1:
0x0: {  	(tag) =	ssettag $0x1  }
0x1: {  	s0 =	srdreg.scid  }
0x2: {  	s1 =	sshll.u32 s0, $0x4  }
0x3: {  	s6 =	rddreg [dreg:$0x0];
	s0 =	stileid.u32;
	s1 =	sand.u32 $0x10, s1  }
0x4: {  	s3 =	rddreg [dreg:$0x1];
	s1 =	sor.u32 s0, s1  }
0x5: {  	s7 =	simm.s32 $0x1;
	s8 =	simm.s32 $0x2;
	s2 =	sshll.u32 s1, $0x7  }
0x6: {  	s10 =	simm.s32 $0x0;
	s9 =	simm.s32 $0x0;
	s5 =	ssub.s32 $0x600000, s2  }
.Ltmp0:
0x7: {  	s6 =	sadd.s32 $0x800, s6;
	s4 =	sand.u32 $0xF80, s5;
	(pc) =	sbr.rel .LBB1_1-.Ltmp0, $4  }
0x8: {  	s1 =	rddreg [dreg:$0x2];
	_ =	strace $0x8000004A;
	p0 =	sne.s32 s4, $0x0  }
0x9: {  	s5 =	sshrl.u32 s5, $0xC;
	s4 =	simm.s32 $0x1;
	s7 =	simm.s32 @!p0 $0x0  }
0xa: {  	[sflag:s4] =	ssyncpa.u1 $0x0;
	p0 =	por $0x0, $0x0;
	s5 =	sadd.s32 s7, s5  }
0xb: {  	[sflag:s8] =	ssyncpa.u1 $0x0;
	s8 =	smov.u32 s2;
	s7 =	sadd.s32 $0x1, s5  }
.LBB1_4:
0xc: {  	[tilespmem:s20+$0xFFFFFFFA ss:$0x81] =	vst.msk $0xff, v4  }
0xd: {  	v4 =	vld.msk [tilespmem:s21+$0xFFFFFFF0], $0xff;
	_ =	sdelay $0x3  }
0xe: {  	[tilespmem:s18+$0xFFFFFFFB ss:$0x81] =	vst.msk $0xff, v3  }
0xf: {  	v3 =	vld.msk [tilespmem:s19+$0xFFFFFFF8], $0xff;
	[tilespmem:s20+$0xFFFFFFFB ss:$0x81] =	vst.msk $0xff, v4  }
0x10: {  	v4 =	vld.msk [tilespmem:s21+$0xFFFFFFF8], $0xff;
	_ =	sdelay $0x3  }
0x11: {  	v5 =	vld.msk [tilespmem:s17+$0x0], $0xff;
	[tilespmem:s18+$0xFFFFFFFC ss:$0x81] =	vst.msk $0xff, v3  }
0x12: {  	v3 =	vld.msk [tilespmem:s19+$0x0], $0xff;
	[tilespmem:s20+$0xFFFFFFFC ss:$0x81] =	vst.msk $0xff, v4  }
0x13: {  	v4 =	vld.msk [tilespmem:s21+$0x0], $0xff;
	_ =	sdelay $0x2  }
0x14: {  	[tilespmem:s16+$0xFFFFFFFD ss:$0x81] =	vst.msk $0xff, v5  }
0x15: {  	v5 =	vld.msk [tilespmem:s17+$0x8], $0xff;
	[tilespmem:s18+$0xFFFFFFFD ss:$0x81] =	vst.msk $0xff, v3  }
0x16: {  	v3 =	vld.msk [tilespmem:s19+$0x8], $0xff;
	[tilespmem:s20+$0xFFFFFFFD ss:$0x81] =	vst.msk $0xff, v4  }
0x17: {  	v4 =	vld.msk [tilespmem:s21+$0x8], $0xff;
	_ =	sdelay $0x1  }
0x18: {  	[tilespmem:s13+$0xFFFFFFFE ss:$0x81] =	vst.msk $0xff, v2  }
0x19: {  	v2 =	vld.msk [tilespmem:s15+$0x10], $0xff;
	[tilespmem:s16+$0xFFFFFFFE ss:$0x81] =	vst.msk $0xff, v5  }
0x1a: {  	v5 =	vld.msk [tilespmem:s17+$0x10], $0xff;
	[tilespmem:s18+$0xFFFFFFFE ss:$0x81] =	vst.msk $0xff, v3  }
0x1b: {  	v3 =	vld.msk [tilespmem:s19+$0x10], $0xff;
	[tilespmem:s20+$0xFFFFFFFE ss:$0x81] =	vst.msk $0xff, v4  }
0x1c: {  	v4 =	vld.msk [tilespmem:s21+$0x10], $0xff  }
0x1d: {  	s23 =	sshll.u32 s10, $0x3;
	[tilespmem:s12+$0xFFFFFFFF ss:$0x81] =	vst.msk $0xff, v1  }
0x1e: {  	s26 =	sand.u32 $0x7F, s10;
	s24 =	sand.u32 $0xFFFFFC00, s23;
	v1 =	vld.msk [tilespmem:s14+$0x18], $0xff;
	[tilespmem:s13+$0xFFFFFFFF ss:$0x81] =	vst.msk $0xff, v2  }
0x1f: {  	s28 =	smulhi.u32 $0xAAAAAAAB, s23;
	s10 =	sor.u32 s26, s24;
	v2 =	vld.msk [tilespmem:s15+$0x18], $0xff;
	[tilespmem:s16+$0xFFFFFFFF ss:$0x81] =	vst.msk $0xff, v5  }
0x20: {  	s27 =	smulhi.u32 $0xAAAAAAAB, s10;
	v61 =	vld.msk [tilespmem:s17+$0x18], $0xff;
	[tilespmem:s18+$0xFFFFFFFF ss:$0x81] =	vst.msk $0xff, v3  }
0x21: {  	v62 =	vld.msk [tilespmem:s19+$0x18], $0xff;
	[tilespmem:s20+$0xFFFFFFFF ss:$0x81] =	vst.msk $0xff, v4  }
0x22: {  	[tilespmem:s11+$0x0 ss:$0x81] =	vst.msk $0xff, v0;
	s30 =	sshrl.u32 s28, $0x16;
	s29 =	sshrl.u32 s27, $0x16;
	v63 =	vld.msk [tilespmem:s21+$0x18], $0xff  }
0x23: {  	s31 =	sand.u32 $0x7, s30;
	[tilespmem:s12+$0x0 ss:$0x81] =	vst.msk $0xff, v1;
	s11 =	smul.u32 $0x600000, s29  }
0x24: {  	s12 =	smul.u32 $0xC0000, s31;
	[tilespmem:s13+$0x0 ss:$0x81] =	vst.msk $0xff, v2  }
0x25: {  	s10 =	ssub.s32 s10, s11;
	[tilespmem:s16+$0x0 ss:$0x81] =	vst.msk $0xff, v61  }
0x26: {  	s12 =	sadd.s32 s3, s12;
	s11 =	sshrl.u32 s10, $0x3;
	[tilespmem:s18+$0x0 ss:$0x81] =	vst.msk $0xff, v62  }
0x27: {  	s10 =	sand.u32 $0x7, s10;
	s11 =	sadd.s32 s11, s12;
	[tilespmem:s20+$0x0 ss:$0x81] =	vst.msk $0xff, v63  }
0x28: {  	[hbm4b:s11+s10] =	stream.linear.scatter [tilespmem:s22], [sflag:$0x2], $0x400, $0x20;
	[tilespmem:$0x1010] =	vst v63  }
.LBB1_5:
0x29: {  	s12 =	sadd.s32 $0x1000, s8  }
0x2a: {  	p2 =	sgt.s32 s12, $0x5FFFFF  }
0x2b: {  	s12 =	smov.u32 @p2 s2;
	p2 =	sne.s32 s9, s7  }
.Ltmp1:
0x2c: {  	p1 =	slt.u32 s9, $0x2;
	(pc) =	sbr.rel @!p2 .LBB1_6-.Ltmp1, $4  }
0x2d: {  	s11 =	simm.s32 @!p1 $0x2  }
0x2e: {  	s13 =	sadd.s32 $0x1, s9;
	_ =	swait.ge @!p1 [sflag:s11], $0x400  }
0x2f: {  	s10 =	smov.u32 s8;
	p0 =	por !p0, !p0;
	[sflag:s11] =	ssyncset.done @!p1 $0x0  }
0x30: {  	s9 =	smov.u32 s13;
	s8 =	smov.u32 s12;
	[sflag:s11] =	ssyncadd.s32 @!p1 $0xFFFFFC00  }
.LBB1_1:
0x31: {  	p1 =	sge.u32 s9, s5  }
0x32: {  	s11 =	sand.u32 @!p1 $0x1FFFFFF, s8  }
0x33: {  	s12 =	smulhi.u32 @!p1 $0xAAAAAB, s11;
	_ =	sdelay $0x1  }
0x34: {  	s12 =	sshrl.u32 @!p1 s12, $0xE  }
0x35: {  	s12 =	smul.u32 @!p1 $0x600000, s12;
	_ =	sdelay $0x1  }
0x36: {  	s31 =	sadd.s32 $0xFFFFFFFF, s9;
	s13 =	sxor.u32 @!p1 $0xFFFFFFFF, s9;
	s11 =	ssub.s32 @!p1 s11, s12  }
0x37: {  	s14 =	simm.s32 @!p1 $0x80;
	s13 =	sshll.u32 @!p1 s13, $0xA;
	s11 =	sshll.u32 @!p1 s11, $0x4  }
0x38: {  	s12 =	sand.u32 @!p1 $0x400, s13;
	s13 =	simm.s32 @!p1 $0x8;
	s11 =	sadd.s32 @!p1 s6, s11  }
0x39: {  	[tilespmem:s12], [sflag:$0x1] =	stream.strided.gather @!p1 [hbm4b:s11+s13], $0x400, s14, s13, $0x38;
	[tilespmem:$0x1010] =	vst v63  }
0x3a: {  	p1 =	sge.u32 s31, s5  }
.Ltmp2:
0x3b: {  	_ = 	snop;
	(pc) =	sbr.rel @p1 .LBB1_5-.Ltmp2, $1  }
0x3c: {  	_ =	sdelay $0x3  }
0x3d: {  	s11 =	simm.s32 $0x1  }
0x3e: {  	_ =	swait.ge [sflag:s4], $0x400;
	s11 =	simm.s32 @!p0 $0x0  }
0x3f: {  	[sflag:s4] =	ssyncset.done $0x0;
	s12 =	sshll.u32 s11, $0xA  }
0x40: {  	[sflag:s4] =	ssyncadd.s32 $0xFFFFFC00;
	s20 =	sor.u32 $0x20, s12  }
0x41: {  	v0 =	vld.msk [tilespmem:s20+$0xFFFFFFE0], $0xff  }
0x42: {  	s11 =	smul.u32 $0x1020, s11;
	_ =	sdelay $0x1  }
0x43: {  	s11 =	sshrl.u32 s11, $0x2  }
0x44: {  	s11 =	sor.u32 $0x807, s11  }
0x45: {  	[tilespmem:s11+$0xFFFFFFF9 ss:$0x81] =	vst.msk $0xff, v0  }
0x46: {  	v0 =	vld.msk [tilespmem:s20+$0xFFFFFFE8], $0xff  }
0x47: {  	s14 =	sadd.s32 $0x40, s20  }
0x48: {  	v1 =	vld.msk [tilespmem:s14+$0xFFFFFFE0], $0xff;
	_ =	sdelay $0x2  }
0x49: {  	[tilespmem:s11+$0xFFFFFFFA ss:$0x81] =	vst.msk $0xff, v0  }
0x4a: {  	s12 =	sadd.s32 $0x8, s11;
	v0 =	vld.msk [tilespmem:s20+$0xFFFFFFF0], $0xff  }
0x4b: {  	[tilespmem:s12+$0xFFFFFFF9 ss:$0x81] =	vst.msk $0xff, v1  }
0x4c: {  	v1 =	vld.msk [tilespmem:s14+$0xFFFFFFE8], $0xff  }
0x4d: {  	s15 =	sadd.s32 $0x40, s14  }
0x4e: {  	v2 =	vld.msk [tilespmem:s15+$0xFFFFFFE0], $0xff  }
0x4f: {  	[tilespmem:s11+$0xFFFFFFFB ss:$0x81] =	vst.msk $0xff, v0  }
0x50: {  	v0 =	vld.msk [tilespmem:s20+$0xFFFFFFF8], $0xff  }
0x51: {  	[tilespmem:s12+$0xFFFFFFFA ss:$0x81] =	vst.msk $0xff, v1  }
0x52: {  	s13 =	sadd.s32 $0x8, s12;
	v1 =	vld.msk [tilespmem:s14+$0xFFFFFFF0], $0xff  }
0x53: {  	[tilespmem:s13+$0xFFFFFFF9 ss:$0x81] =	vst.msk $0xff, v2  }
0x54: {  	s17 =	sadd.s32 $0x40, s15;
	v2 =	vld.msk [tilespmem:s15+$0xFFFFFFE8], $0xff  }
0x55: {  	[tilespmem:s11+$0xFFFFFFFC ss:$0x81] =	vst.msk $0xff, v0;
	v0 =	vld.msk [tilespmem:s17+$0xFFFFFFE0], $0xff  }
0x56: {  	v3 =	vld.msk [tilespmem:s20+$0x0], $0xff  }
0x57: {  	[tilespmem:s12+$0xFFFFFFFB ss:$0x81] =	vst.msk $0xff, v1  }
0x58: {  	v1 =	vld.msk [tilespmem:s14+$0xFFFFFFF8], $0xff  }
0x59: {  	s16 =	sadd.s32 $0x8, s13;
	[tilespmem:s13+$0xFFFFFFFA ss:$0x81] =	vst.msk $0xff, v2  }
0x5a: {  	v2 =	vld.msk [tilespmem:s15+$0xFFFFFFF0], $0xff;
	[tilespmem:s16+$0xFFFFFFF9 ss:$0x81] =	vst.msk $0xff, v0  }
0x5b: {  	v0 =	vld.msk [tilespmem:s17+$0xFFFFFFE8], $0xff;
	[tilespmem:s11+$0xFFFFFFFD ss:$0x81] =	vst.msk $0xff, v3  }
0x5c: {  	s19 =	sadd.s32 $0x40, s17;
	v3 =	vld.msk [tilespmem:s20+$0x8], $0xff  }
0x5d: {  	[tilespmem:s12+$0xFFFFFFFC ss:$0x81] =	vst.msk $0xff, v1;
	v1 =	vld.msk [tilespmem:s19+$0xFFFFFFE0], $0xff  }
0x5e: {  	v4 =	vld.msk [tilespmem:s14+$0x0], $0xff  }
0x5f: {  	[tilespmem:s13+$0xFFFFFFFB ss:$0x81] =	vst.msk $0xff, v2  }
0x60: {  	v2 =	vld.msk [tilespmem:s15+$0xFFFFFFF8], $0xff;
	[tilespmem:s16+$0xFFFFFFFA ss:$0x81] =	vst.msk $0xff, v0  }
0x61: {  	s18 =	sadd.s32 $0x8, s16;
	v0 =	vld.msk [tilespmem:s17+$0xFFFFFFF0], $0xff;
	[tilespmem:s11+$0xFFFFFFFE ss:$0x81] =	vst.msk $0xff, v3  }
0x62: {  	[tilespmem:s18+$0xFFFFFFF9 ss:$0x81] =	vst.msk $0xff, v1;
	v1 =	vld.msk [tilespmem:s20+$0x10], $0xff  }
0x63: {  	[tilespmem:s12+$0xFFFFFFFD ss:$0x81] =	vst.msk $0xff, v4;
	v3 =	vld.msk [tilespmem:s19+$0xFFFFFFE8], $0xff  }
0x64: {  	s21 =	sadd.s32 $0x40, s19;
	v4 =	vld.msk [tilespmem:s14+$0x8], $0xff  }
0x65: {  	[tilespmem:s13+$0xFFFFFFFC ss:$0x81] =	vst.msk $0xff, v2;
	v2 =	vld.msk [tilespmem:s21+$0xFFFFFFE0], $0xff  }
0x66: {  	v5 =	vld.msk [tilespmem:s15+$0x0], $0xff;
	[tilespmem:s16+$0xFFFFFFFB ss:$0x81] =	vst.msk $0xff, v0  }
0x67: {  	v6 =	vld.msk [tilespmem:s17+$0xFFFFFFF8], $0xff;
	[tilespmem:s11+$0xFFFFFFFF ss:$0x81] =	vst.msk $0xff, v1  }
0x68: {  	s22 =	sand.u32 $0x1, s9;
	[tilespmem:s18+$0xFFFFFFFA ss:$0x81] =	vst.msk $0xff, v3;
	v0 =	vld.msk [tilespmem:s20+$0x18], $0xff  }
0x69: {  	s22 =	smul.u32 $0x1020, s22;
	[tilespmem:s12+$0xFFFFFFFE ss:$0x81] =	vst.msk $0xff, v4;
	v3 =	vld.msk [tilespmem:s19+$0xFFFFFFF0], $0xff;
	s20 =	sadd.s32 $0x8, s18  }
0x6a: {  	v1 =	vld.msk [tilespmem:s14+$0x10], $0xff;
	[tilespmem:s20+$0xFFFFFFF9 ss:$0x81] =	vst.msk $0xff, v2  }
0x6b: {  	s22 =	sshrl.u32 s22, $0x2;
	[tilespmem:s13+$0xFFFFFFFD ss:$0x81] =	vst.msk $0xff, v5;
	v4 =	vld.msk [tilespmem:s21+$0xFFFFFFE8], $0xff  }
0x6c: {  	s23 =	simm.s32 $0x28;
	s22 =	sor.u32 $0x800, s22;
	s24 =	sadd.s32 $0x40, s21;
	v2 =	vld.msk [tilespmem:s15+$0x8], $0xff;
	[tilespmem:s16+$0xFFFFFFFC ss:$0x81] =	vst.msk $0xff, v6  }
.LBB1_3:
0x6d: {  	v5 =	vld.msk [tilespmem:s24+$0xFFFFFFE0], $0xff;
	[tilespmem:s11+$0x0 ss:$0x81] =	vst.msk $0xff, v0;
	s11 =	smov.u32 s12;
	s12 =	smov.u32 s13;
	s13 =	smov.u32 s16  }
0x6e: {  	s23 =	sadd.s32 $0x8, s23;
	s16 =	smov.u32 s18;
	[tilespmem:s18+$0xFFFFFFFB ss:$0x81] =	vst.msk $0xff, v3;
	v6 =	vld.msk [tilespmem:s17+$0x0], $0xff;
	s18 =	smov.u32 s20  }
0x6f: {  	p1 =	slt.u32 s23, $0x78;
	v7 =	vld.msk [tilespmem:s19+$0xFFFFFFF8], $0xff;
	[tilespmem:s11+$0xFFFFFFFF ss:$0x81] =	vst.msk $0xff, v1  }
.Ltmp3:
0x70: {  	[tilespmem:s20+$0xFFFFFFFA ss:$0x81] =	vst.msk $0xff, v4;
	v0 =	vld.msk [tilespmem:s14+$0x18], $0xff;
	s14 =	smov.u32 s15;
	s15 =	smov.u32 s17;
	(pc) =	sbr.rel @p1 .LBB1_3-.Ltmp3, $4  }
0x71: {  	s20 =	sadd.s32 $0x8, s20;
	s17 =	smov.u32 s19;
	s19 =	smov.u32 s21;
	v3 =	vld.msk [tilespmem:s21+$0xFFFFFFF0], $0xff;
	[tilespmem:s12+$0xFFFFFFFE ss:$0x81] =	vst.msk $0xff, v2  }
0x72: {  	s21 =	smov.u32 s24;
	[tilespmem:s20+$0xFFFFFFF9 ss:$0x81] =	vst.msk $0xff, v5;
	v1 =	vld.msk [tilespmem:s14+$0x10], $0xff  }
0x73: {  	v4 =	vld.msk [tilespmem:s24+$0xFFFFFFE8], $0xff;
	[tilespmem:s13+$0xFFFFFFFD ss:$0x81] =	vst.msk $0xff, v6  }
0x74: {  	s24 =	sadd.s32 $0x40, s24;
	[tilespmem:s16+$0xFFFFFFFC ss:$0x81] =	vst.msk $0xff, v7;
	v2 =	vld.msk [tilespmem:s15+$0x8], $0xff  }
.Ltmp4:
0x75: {  	_ = 	snop;
	(pc) =	sbr.rel .LBB1_4-.Ltmp4, $1  }
0x76: {  	_ =	sdelay $0x3  }
.LBB1_6:
0x77: {  	_ =	sfence.sel $0x180000  }
0x78: {  	s2 =	simm.s32 $0x1;
	[bflag:$0x0] =	sbarrier.arrive $0xFFFF  }
0x79: {  	s31 =	simm.s32 $0x2;
	[sflag:s2] =	ssyncpa.u1 $0x1  }
0x7a: {  	[sflag:s31] =	ssyncpa.u1 $0x1  }
0x7b: {  	p0 =	sne.s32 s0, $0x0;
	_ =	strace $0x9000004A  }
0x7c: {  	s0 =	sadd.s32 @!p0 $0x100000, s1;
	[bflag:$0x2] =	sbarrier.arrive $0xFFFF  }
0x7d: {  	[sflag:s0] =	ssyncadd.tile.s32 @!p0 $0x1;
	_ =	shalt  }
.Lfunc_end1:
_tile_overlayer_lowered:
.L_overlay_start_2:
0x7e: {  	(tag) =	ssettag $0x2  }
0x7f: {  	s0 =	rddreg [dreg:$0x0];
	s2 =	stileid.u32  }
0x80: {  	s1 =	rddreg [dreg:$0x1];
	p0 =	sne.s32 s2, $0x0  }
0x81: {  	s3 =	rddreg [dreg:$0x2];
	[bflag:$0x3] =	sbarrier.arrive $0xFFFF;
	s2 =	simm.s32 @!p0 $0x1C01  }
0x82: {  	[timem:s3], [sflag:s2] =	dma.local @!p0 [hbm:s0], s1  }
0x83: {  	s0 =	simm.s32 @!p0 $0x1  }
0x84: {  	_ =	swait.ge @!p0 [sflag:s0], s1  }
0x85: {  	s1 =	ssub.s32 @!p0 $0x0, s1;
	[sflag:s0] =	ssyncset.done @!p0 $0x0  }
0x86: {  	[sflag:s0] =	ssyncadd.s32 @!p0 s1  }
0x87: {  	[bflag:$0x3] =	sbarrier.arrive $0xFFFF  }
0x88: {  	_ =	shalt  }

</sc_bundles>
